<compile_context>
chip_gen: v7x
topology: tpu7x:2x2x1
jax: 0.10.2.dev20260603
libtpu: 0.0.44.dev20260713+nightly
codegen_flags: <defaults>
</compile_context>

<pallas_src>
import jax
import jax.numpy as jnp
from jax import lax
from jax.experimental import pallas as pl
from jax.experimental.pallas import tpu as pltpu, tpu_sc as plsc

NC = 2
NS = 16
LANES = 16

N = 50000
E = 800000
HID = 64
HHALF = 32
K = 10
ZSLOT = K + 1

NPAD = 50176
ROWS_PT = NPAD // NS
RCH = 64
NRCH = ROWS_PT // RCH
CH = 128
RB = 4
SUB = 4
NBLK = 98
TOT = NBLK * SUB
EPAD = NS * NBLK * SUB * CH


def _sc_body(h0_ref, edata_ref, norm_ref, coef_ref, alph_ref,
             rst_ref, hbuf_ref,
             acc_s, estg, nstg, rows_v,
             acc_v, hp_v, hpp_v, hn_v, zero_v, coef_v, alph_v,
             gsem, ssem, bsem, esem, wsem, zsem):
    c = lax.axis_index("c")
    s = lax.axis_index("s")
    row0 = s * ROWS_PT

    z = jnp.zeros((LANES,), jnp.float32)

    def zbody(r, carry):
        zero_v[r, 0:LANES] = z
        zero_v[r, LANES:2 * LANES] = z
        return carry
    lax.fori_loop(0, RCH, zbody, 0)

    pltpu.sync_copy(alph_ref.at[c], alph_v)

    pltpu.async_copy(h0_ref.at[c, pl.ds(row0, RCH)],
                     rows_v.at[0, pl.ds(0, RCH)], esem.at[0])

    def pbody(k, carry):
        r0 = row0 + k * RCH
        pk = lax.rem(k, 2)
        pltpu.make_async_copy(h0_ref.at[c, pl.ds(r0, RCH)],
                              rows_v.at[pk, pl.ds(0, RCH)],
                              esem.at[pk]).wait()

        @pl.when(k >= 1)
        def _():
            pltpu.make_async_copy(
                rows_v.at[1 - pk, pl.ds(0, RCH)],
                hbuf_ref.at[0, c, pl.ds(r0, RCH)], wsem).wait()
            pltpu.make_async_copy(
                zero_v, hbuf_ref.at[ZSLOT, c, pl.ds(r0, RCH)], wsem).wait()

        @pl.when(k + 1 < NRCH)
        def _():
            pltpu.async_copy(h0_ref.at[c, pl.ds(r0 + RCH, RCH)],
                             rows_v.at[1 - pk, pl.ds(0, RCH)],
                             esem.at[1 - pk])
        pltpu.async_copy(rows_v.at[pk, pl.ds(0, RCH)],
                         hbuf_ref.at[0, c, pl.ds(r0, RCH)], wsem)
        pltpu.async_copy(zero_v, hbuf_ref.at[ZSLOT, c, pl.ds(r0, RCH)], wsem)
        pltpu.async_copy(zero_v, acc_s.at[pl.ds(r0, RCH)], zsem)
        return carry
    lax.fori_loop(0, NRCH, pbody, 0)
    pltpu.make_async_copy(
        zero_v, hbuf_ref.at[0, c, pl.ds(row0, RCH)], wsem).wait()
    pltpu.make_async_copy(
        zero_v, hbuf_ref.at[0, c, pl.ds(row0, RCH)], wsem).wait()

    def zdrain0(k, carry):
        pltpu.make_async_copy(
            zero_v, acc_s.at[pl.ds(row0, RCH)], zsem).wait()
        return carry
    lax.fori_loop(0, NRCH, zdrain0, 0)
    plsc.subcore_barrier()

    def ibody(i, carry):
        pprev = i - 1
        ppp = jnp.where(i == 1, ZSLOT, i - 2)
        pltpu.sync_copy(coef_ref.at[c, i], coef_v)

        pltpu.sync_copy(edata_ref.at[s, 0], estg.at[0])
        pltpu.sync_copy(norm_ref.at[s, 0], nstg.at[0])
        for w in range(3):
            pltpu.async_copy(
                hbuf_ref.at[pprev, c].at[estg.at[0, 0, w]], rows_v.at[w],
                gsem.at[w])

        def qbody(q, qb):
            @pl.when(q + 1 < NBLK)
            def _():
                pltpu.async_copy(edata_ref.at[s, q + 1], estg.at[1 - qb],
                                 bsem)
                pltpu.async_copy(norm_ref.at[s, q + 1], nstg.at[1 - qb],
                                 bsem)

            for jj in range(SUB):
                pp = jj
                pu = (jj + 3) % 4
                if jj == 1:
                    @pl.when(q + 1 < NBLK)
                    def _():
                        pltpu.make_async_copy(
                            edata_ref.at[s, 0], estg.at[1 - qb], bsem).wait()
                        pltpu.make_async_copy(
                            norm_ref.at[s, 0], nstg.at[1 - qb], bsem).wait()

                if jj == 0:
                    @pl.when(q >= 1)
                    def _():
                        pltpu.make_async_copy(
                            rows_v.at[pu], acc_s.at[estg.at[qb, 1, jj]],
                            ssem.at[pu]).wait()
                else:
                    pltpu.make_async_copy(
                        rows_v.at[pu], acc_s.at[estg.at[qb, 1, jj]],
                        ssem.at[pu]).wait()

                if jj == 0:
                    pltpu.async_copy(
                        hbuf_ref.at[pprev, c].at[estg.at[qb, 0, 3]],
                        rows_v.at[pu], gsem.at[pu])
                else:
                    @pl.when(q + 1 < NBLK)
                    def _():
                        pltpu.async_copy(
                            hbuf_ref.at[pprev, c].at[estg.at[1 - qb, 0,
                                                             jj - 1]],
                            rows_v.at[pu], gsem.at[pu])

                pltpu.make_async_copy(
                    hbuf_ref.at[pprev, c].at[estg.at[qb, 0, jj]],
                    rows_v.at[pp], gsem.at[pp]).wait()

                def ebody(g, carry4):
                    nv = nstg[qb, jj, pl.ds(g * LANES, LANES)]
                    for l in range(LANES):
                        e = g * LANES + l
                        scv = jnp.broadcast_to(nv[l:l + 1], (LANES,))
                        rows_v[pp, e, 0:LANES] = rows_v[pp, e, 0:LANES] * scv
                        rows_v[pp, e, LANES:2 * LANES] = (
                            rows_v[pp, e, LANES:2 * LANES] * scv)
                    return carry4
                lax.fori_loop(0, CH // LANES, ebody, 0)
                pltpu.async_copy(rows_v.at[pp],
                                 acc_s.at[estg.at[qb, 1, jj]],
                                 ssem.at[pp], add=True)
            return 1 - qb
        lax.fori_loop(0, NBLK, qbody, 0)
        pltpu.make_async_copy(
            rows_v.at[3], acc_s.at[estg.at[0, 1, 0]], ssem.at[3]).wait()
        plsc.subcore_barrier()

        yi_a = coef_v[0, 0:LANES]
        yi_b = coef_v[0, LANES:2 * LANES]
        sbp_a = coef_v[1, 0:LANES]
        sbp_b = coef_v[1, LANES:2 * LANES]
        isb_a = coef_v[2, 0:LANES]
        isb_b = coef_v[2, LANES:2 * LANES]

        def kbody(k, carry2):
            r0 = row0 + k * RCH
            d1 = pltpu.async_copy(acc_s.at[pl.ds(r0, RCH)], acc_v, esem.at[0])
            d2 = pltpu.async_copy(hbuf_ref.at[pprev, c, pl.ds(r0, RCH)],
                                  hp_v, esem.at[1])
            d3 = pltpu.async_copy(hbuf_ref.at[ppp, c, pl.ds(r0, RCH)],
                                  hpp_v, esem.at[2])
            d1.wait()
            d2.wait()
            d3.wait()

            def rbody(r, carry3):
                hn0 = (acc_v[r, 0:LANES] - yi_a * hp_v[r, 0:LANES]
                       - sbp_a * hpp_v[r, 0:LANES]) * isb_a
                hn1 = (acc_v[r, LANES:2 * LANES]
                       - yi_b * hp_v[r, LANES:2 * LANES]
                       - sbp_b * hpp_v[r, LANES:2 * LANES]) * isb_b
                hn_v[r, 0:LANES] = hn0
                hn_v[r, LANES:2 * LANES] = hn1
                return carry3
            lax.fori_loop(0, RCH, rbody, 0)
            @pl.when(k >= 1)
            def _():
                pltpu.make_async_copy(
                    hn_v, hbuf_ref.at[i, c, pl.ds(r0, RCH)], wsem).wait()
            pltpu.async_copy(hn_v, hbuf_ref.at[i, c, pl.ds(r0, RCH)], wsem)
            pltpu.async_copy(zero_v, acc_s.at[pl.ds(r0, RCH)], zsem)
            return carry2
        lax.fori_loop(0, NRCH, kbody, 0)
        pltpu.make_async_copy(
            hn_v, hbuf_ref.at[i, c, pl.ds(row0, RCH)], wsem).wait()

        def zdrain(k, carry2):
            pltpu.make_async_copy(
                zero_v, acc_s.at[pl.ds(row0, RCH)], zsem).wait()
            return carry2
        lax.fori_loop(0, NRCH, zdrain, 0)
        plsc.subcore_barrier()
        return carry
    lax.fori_loop(1, K + 1, ibody, 0)

    def fbody(k, carry):
        r0 = row0 + k * RCH

        def abody(r, carry2):
            hn_v[r, 0:LANES] = z
            hn_v[r, LANES:2 * LANES] = z
            return carry2
        lax.fori_loop(0, RCH, abody, 0)

        pltpu.async_copy(hbuf_ref.at[0, c, pl.ds(r0, RCH)],
                         rows_v.at[0, pl.ds(0, RCH)], esem.at[0])

        def sbody(i, carry2):
            pi = lax.rem(i, 2)
            pltpu.make_async_copy(
                hbuf_ref.at[i, c, pl.ds(r0, RCH)],
                rows_v.at[pi, pl.ds(0, RCH)], esem.at[pi]).wait()

            @pl.when(i < K)
            def _():
                pltpu.async_copy(hbuf_ref.at[i + 1, c, pl.ds(r0, RCH)],
                                 rows_v.at[1 - pi, pl.ds(0, RCH)],
                                 esem.at[1 - pi])
            al_a = alph_v[i, 0:LANES]
            al_b = alph_v[i, LANES:2 * LANES]

            def rbody(r, carry3):
                hn_v[r, 0:LANES] = (hn_v[r, 0:LANES]
                                    + al_a * rows_v[pi, r, 0:LANES])
                hn_v[r, LANES:2 * LANES] = (
                    hn_v[r, LANES:2 * LANES]
                    + al_b * rows_v[pi, r, LANES:2 * LANES])
                return carry3
            lax.fori_loop(0, RCH, rbody, 0)
            return carry2
        lax.fori_loop(0, K + 1, sbody, 0)
        pltpu.sync_copy(hn_v, rst_ref.at[c, pl.ds(r0, RCH)])
        return carry
    lax.fori_loop(0, NRCH, fbody, 0)


def _make_sc_kernel():
    mesh = plsc.VectorSubcoreMesh(
        core_axis_name="c", subcore_axis_name="s", num_cores=NC, num_subcores=NS
    )
    return pl.kernel(
        _sc_body,
        out_type=(
            jax.ShapeDtypeStruct((NC, NPAD, HHALF), jnp.float32),
            jax.ShapeDtypeStruct((K + 2, NC, NPAD, HHALF), jnp.float32),
        ),
        mesh=mesh,
        scratch_types=(
            pltpu.VMEM_SHARED((NPAD, HHALF), jnp.float32),
            pltpu.VMEM((2, 2, SUB, CH), jnp.int32),
            pltpu.VMEM((2, SUB, CH), jnp.float32),
            pltpu.VMEM((RB, CH, HHALF), jnp.float32),
            pltpu.VMEM((RCH, HHALF), jnp.float32),
            pltpu.VMEM((RCH, HHALF), jnp.float32),
            pltpu.VMEM((RCH, HHALF), jnp.float32),
            pltpu.VMEM((RCH, HHALF), jnp.float32),
            pltpu.VMEM((RCH, HHALF), jnp.float32),
            pltpu.VMEM((4, HHALF), jnp.float32),
            pltpu.VMEM((K + 1, HHALF), jnp.float32),
            pltpu.SemaphoreType.DMA((RB,)),
            pltpu.SemaphoreType.DMA((RB,)),
            pltpu.SemaphoreType.DMA,
            pltpu.SemaphoreType.DMA((3,)),
            pltpu.SemaphoreType.DMA,
            pltpu.SemaphoreType.DMA,
        ),
        compiler_params=pltpu.CompilerParams(use_tc_tiling_on_sc=False),
        name="favard_sc_loop",
    )


def _mm1_body(x_ref, w_ref, b_ref, i_ref, o_ref):
    h = jnp.dot(x_ref[...], w_ref[...], preferred_element_type=jnp.float32)
    h = jnp.maximum(h + b_ref[...], 0.0) * i_ref[...]
    o_ref[0] = h[:, :HHALF]
    o_ref[1] = h[:, HHALF:]


def _mm2_body(r_ref, w_ref, b_ref, o_ref):
    w = w_ref[...]
    acc = jnp.dot(r_ref[0], w[:HHALF], preferred_element_type=jnp.float32)
    acc = acc + jnp.dot(r_ref[1], w[HHALF:], preferred_element_type=jnp.float32)
    o_ref[...] = acc + b_ref[...]


def kernel(features, edge_index, norm_A, W1, b1, W2, b2,
           alpha_params, yitas, sqrt_betas):
    in_feats = features.shape[1]
    ncls = W2.shape[1]

    feats_p = jnp.pad(features, ((0, NPAD - N), (0, 0)))
    pad = EPAD - E
    fill = (jnp.arange(pad, dtype=jnp.int32) * 97) % N
    src_p = jnp.concatenate([edge_index[0], fill]).reshape(NS, NBLK, SUB, CH)
    dst_p = jnp.concatenate([edge_index[1], fill]).reshape(NS, NBLK, SUB, CH)
    norm_p = jnp.concatenate(
        [norm_A, jnp.zeros((pad,), jnp.float32)]).reshape(NS, NBLK, SUB, CH)
    edata = jnp.stack([src_p, dst_p], axis=2)

    sb = jnp.clip(sqrt_betas, 0.1)
    isb = 1.0 / sb
    zero_row = jnp.zeros((HID,), jnp.float32)
    row0 = jnp.stack([zero_row, zero_row, zero_row, zero_row])
    rows_i = jnp.stack(
        [yitas.T[:K], sb.T[:K], isb.T[1:K + 1], alpha_params.T[1:K + 1]],
        axis=1)
    coefs64 = jnp.concatenate([row0[None], rows_i])
    coefs = jnp.stack([coefs64[..., :HHALF], coefs64[..., HHALF:]], axis=0)
    alphsT = alpha_params.T
    alphs = jnp.stack([alphsT[:, :HHALF], alphsT[:, HHALF:]], axis=0)

    BM = 512
    h0 = pl.pallas_call(
        _mm1_body,
        grid=(NPAD // BM,),
        in_specs=[
            pl.BlockSpec((BM, in_feats), lambda r: (r, 0)),
            pl.BlockSpec((in_feats, HID), lambda r: (0, 0)),
            pl.BlockSpec((1, HID), lambda r: (0, 0)),
            pl.BlockSpec((1, HID), lambda r: (0, 0)),
        ],
        out_specs=pl.BlockSpec((2, BM, HHALF), lambda r: (0, r, 0)),
        out_shape=jax.ShapeDtypeStruct((2, NPAD, HHALF), jnp.float32),
    )(feats_p, W1, b1.reshape(1, HID), isb[:, 0].reshape(1, HID))

    rst, _ = _make_sc_kernel()(h0, edata, norm_p, coefs, alphs)

    nblk = (N + BM - 1) // BM
    out = pl.pallas_call(
        _mm2_body,
        grid=(nblk,),
        in_specs=[
            pl.BlockSpec((2, BM, HHALF), lambda r: (0, r, 0)),
            pl.BlockSpec((HID, ncls), lambda r: (0, 0)),
            pl.BlockSpec((1, ncls), lambda r: (0, 0)),
        ],
        out_specs=pl.BlockSpec((BM, ncls), lambda r: (r, 0)),
        out_shape=jax.ShapeDtypeStruct((N, ncls), jnp.float32),
    )(rst, W2, b2.reshape(1, ncls))
    return out

# --- scband reference (transcript-rebuilt; emitter-appended) ---
"""Pipeline reference for scband-favard-normal-nn-11209864643037 (READ-ONLY COPY).

The authoritative reference and input builder live on the scoring server;
editing this copy changes nothing except your own understanding.
"""

import jax, jax.numpy as jnp
import numpy as np

N = 50000
E = 800000
IN_FEATS = 128
HID = 64
NCLS = 40
K = 10

def setup_inputs(seed: int = 0) -> dict:
    key = jax.random.key(seed)
    ks = jax.random.split(key, 8)
    features = jax.random.normal(ks[0], (N, IN_FEATS), dtype=jnp.float32)
    edge_index = jax.random.randint(ks[1], (2, E), 0, N, dtype=jnp.int32)
    norm_A = jax.random.uniform(ks[2], (E,), dtype=jnp.float32)
    W1 = jax.random.normal(ks[3], (IN_FEATS, HID), dtype=jnp.float32) / np.sqrt(IN_FEATS)
    b1 = jnp.zeros((HID,), dtype=jnp.float32)
    W2 = jax.random.normal(ks[4], (HID, NCLS), dtype=jnp.float32) / np.sqrt(HID)
    b2 = jnp.zeros((NCLS,), dtype=jnp.float32)
    alpha_params = jnp.zeros((HID, K + 1), dtype=jnp.float32).at[:, 0].set(1.0)
    yitas = jnp.zeros((HID, K + 1), dtype=jnp.float32)
    sqrt_betas = jnp.ones((HID, K + 1), dtype=jnp.float32)
    return {"features": features, "edge_index": edge_index, "norm_A": norm_A,
            "W1": W1, "b1": b1, "W2": W2, "b2": b2,
            "alpha_params": alpha_params, "yitas": yitas, "sqrt_betas": sqrt_betas}

def _spmm(edge_index, norm, x):
    # FavardNormalConv.propagate: out[dst] += norm[e] * x[src]
    src = edge_index[0]
    dst = edge_index[1]
    msgs = norm[:, None] * jnp.take(x, src, axis=0)
    return jnp.zeros_like(x).at[dst].add(msgs)

def reference(features, edge_index, norm_A, W1, b1, W2, b2, alpha_params, yitas, sqrt_betas):
    # dropout layers are identity in eval mode
    x = jax.nn.relu(features @ W1 + b1)
    sb = jnp.clip(sqrt_betas, 0.1)  # th.clamp(sqrt_betas, 0.1) -> min=0.1
    h0 = x / sb[:, 0]
    rst = alpha_params[:, 0] * h0
    last_h = h0
    second_last_h = jnp.zeros_like(h0)
    for i in range(1, K + 1):
        # FavardNormalConv three-term recurrence
        h = _spmm(edge_index, norm_A, last_h)
        h = h - yitas[:, i - 1] * last_h
        h = h - sb[:, i - 1] * second_last_h
        h = h / sb[:, i]
        rst = rst + alpha_params[:, i] * h
        second_last_h = last_h
        last_h = h
    return rst @ W2 + b2

if __name__ == "__main__":
    import jax
    _d = setup_inputs()
    print(jax.jit(kernel)(*tuple(_d.values())))

</pallas_src>

<mosaic_0001>
#map = affine_map<(d0, d1) -> (0, 0, 0)>
#map1 = affine_map<(d0, d1) -> (0, 0, 0, 0, 0)>
#map2 = affine_map<(d0, d1) -> (0, 0, 0, 0)>
module attributes {stable_mosaic.version = 14 : i64} {
  func.func @favard_sc_loop(%arg0: i32, %arg1: i32, %arg2: memref<2x50176x32xf32, #tpu.memory_space<hbm>>, %arg3: memref<16x98x2x4x128xi32, #tpu.memory_space<hbm>>, %arg4: memref<16x98x4x128xf32, #tpu.memory_space<hbm>>, %arg5: memref<2x11x4x32xf32, #tpu.memory_space<hbm>>, %arg6: memref<2x11x32xf32, #tpu.memory_space<hbm>>, %arg7: memref<2x50176x32xf32, #tpu.memory_space<hbm>>, %arg8: memref<12x2x50176x32xf32, #tpu.memory_space<hbm>>, %arg9: memref<50176x32xf32, #tpu.memory_space<vmem_shared>>, %arg10: memref<2x2x4x128xi32, #tpu.memory_space<vmem>>, %arg11: memref<2x4x128xf32, #tpu.memory_space<vmem>>, %arg12: memref<4x128x32xf32, #tpu.memory_space<vmem>>, %arg13: memref<64x32xf32, #tpu.memory_space<vmem>>, %arg14: memref<64x32xf32, #tpu.memory_space<vmem>>, %arg15: memref<64x32xf32, #tpu.memory_space<vmem>>, %arg16: memref<64x32xf32, #tpu.memory_space<vmem>>, %arg17: memref<64x32xf32, #tpu.memory_space<vmem>>, %arg18: memref<4x32xf32, #tpu.memory_space<vmem>>, %arg19: memref<11x32xf32, #tpu.memory_space<vmem>>, %arg20: memref<4x!tpu.dma_semaphore, #tpu.memory_space<semaphore_mem>>, %arg21: memref<4x!tpu.dma_semaphore, #tpu.memory_space<semaphore_mem>>, %arg22: memref<!tpu.dma_semaphore, #tpu.memory_space<semaphore_mem>>, %arg23: memref<3x!tpu.dma_semaphore, #tpu.memory_space<semaphore_mem>>, %arg24: memref<!tpu.dma_semaphore, #tpu.memory_space<semaphore_mem>>, %arg25: memref<!tpu.dma_semaphore, #tpu.memory_space<semaphore_mem>>) attributes {dimension_semantics = [#tpu.dimension_semantics<core_parallel>, #tpu.dimension_semantics<subcore_parallel>], iteration_bounds = array<i64: 2, 16>, scalar_prefetch = 0 : i64, scratch_operands = 17 : i64, tpu.core_type = #tpu.core_type<sc_vector_subcore>, window_params = [{transform_indices = #map}, {transform_indices = #map1}, {transform_indices = #map2}, {transform_indices = #map2}, {transform_indices = #map}, {transform_indices = #map}, {transform_indices = #map2}]} {
    %mul3A = arith.constant 3136 : i32
    %mul3A_0 = arith.muli %arg1, %mul3A : i32
    %broadcast_in_dim3A = arith.constant 0.000000e+00 : f32
    %broadcast_in_dim3A_1 = vector.broadcast %broadcast_in_dim3A : f32 to vector<16xf32>
    %scan3A = arith.constant 0 : i32
    %scan3A_2 = arith.constant 0 : i32
    %scan3A_3 = arith.constant 64 : i32
    %scan3A_4 = arith.addi %scan3A_2, %scan3A_3 : i32
    %scan3A_5 = arith.constant 1 : i32
    scf.for %scan3A_61 = %scan3A_2 to %scan3A_4 step %scan3A_5  : i32 {
      %swap3A = arith.index_cast %scan3A_61 : i32 to index
      %swap3A_62 = arith.constant 0 : index
      %swap3A_63 = tpu.vector_load %arg17[%swap3A, %swap3A_62] {strides = array<i32>} : memref<64x32xf32, #tpu.memory_space<vmem>>, vector<1x16xf32>,
      %swap3A_64 = vector.shape_cast %swap3A_63 : vector<1x16xf32> to vector<16xf32>
      %swap3A_65 = vector.shape_cast %broadcast_in_dim3A_1 : vector<16xf32> to vector<1x16xf32>
      tpu.vector_store %arg17[%swap3A, %swap3A_62], %swap3A_65 {strides = array<i32>} : memref<64x32xf32, #tpu.memory_space<vmem>>, vector<1x16xf32>,
      %swap3A_66 = arith.index_cast %scan3A_61 : i32 to index
      %swap3A_67 = arith.constant 16 : index
      %swap3A_68 = tpu.vector_load %arg17[%swap3A_66, %swap3A_67] {strides = array<i32>} : memref<64x32xf32, #tpu.memory_space<vmem>>, vector<1x16xf32>,
      %swap3A_69 = vector.shape_cast %swap3A_68 : vector<1x16xf32> to vector<16xf32>
      %swap3A_70 = vector.shape_cast %broadcast_in_dim3A_1 : vector<16xf32> to vector<1x16xf32>
      tpu.vector_store %arg17[%swap3A_66, %swap3A_67], %swap3A_70 {strides = array<i32>} : memref<64x32xf32, #tpu.memory_space<vmem>>, vector<1x16xf32>,
    }
    %scan3A_6 = arith.constant 64 : i32
    "tpu.region"() ({
      %run_scoped3A = tpu.sem_alloc : memref<!tpu.dma_semaphore, #tpu.memory_space<semaphore_mem>>
      %dma_start3A_61 = arith.constant 0 : i32
      %dma_start3A_62 = arith.constant 0 : i32
      %dma_start3A_63 = tpu.memref_slice %arg6[%arg0, %dma_start3A_61, %dma_start3A_62] : memref<2x11x32xf32, #tpu.memory_space<hbm>> -> memref<1x11x32xf32, #tpu.memory_space<hbm>>
      %dma_start3A_64 = tpu.memref_squeeze %dma_start3A_63 : memref<1x11x32xf32, #tpu.memory_space<hbm>> -> memref<11x32xf32, #tpu.memory_space<hbm>>
      %dma_start3A_65 = arith.constant 0 : i32
      %dma_start3A_66 = arith.constant 0 : i32
      %dma_start3A_67 = tpu.memref_slice %arg6[%arg0, %dma_start3A_65, %dma_start3A_66] : memref<2x11x32xf32, #tpu.memory_space<hbm>> -> memref<1x11x32xf32, #tpu.memory_space<hbm>>
      %dma_start3A_68 = tpu.memref_squeeze %dma_start3A_67 : memref<1x11x32xf32, #tpu.memory_space<hbm>> -> memref<11x32xf32, #tpu.memory_space<hbm>>
      tpu.enqueue_dma source(%dma_start3A_68 : memref<11x32xf32, #tpu.memory_space<hbm>>) target(%arg19 : memref<11x32xf32, #tpu.memory_space<vmem>>) target_semaphore(%run_scoped3A : memref<!tpu.dma_semaphore, #tpu.memory_space<semaphore_mem>>)
      %dma_wait3A_69 = arith.constant 0 : i32
      %dma_wait3A_70 = arith.constant 0 : i32
      %dma_wait3A_71 = tpu.memref_slice %arg6[%arg0, %dma_wait3A_69, %dma_wait3A_70] : memref<2x11x32xf32, #tpu.memory_space<hbm>> -> memref<1x11x32xf32, #tpu.memory_space<hbm>>
      %dma_wait3A_72 = tpu.memref_squeeze %dma_wait3A_71 : memref<1x11x32xf32, #tpu.memory_space<hbm>> -> memref<11x32xf32, #tpu.memory_space<hbm>>
      %dma_wait3A_73 = arith.constant 0 : i32
      %dma_wait3A_74 = arith.constant 0 : i32
      %dma_wait3A_75 = tpu.memref_slice %arg6[%arg0, %dma_wait3A_73, %dma_wait3A_74] : memref<2x11x32xf32, #tpu.memory_space<hbm>> -> memref<1x11x32xf32, #tpu.memory_space<hbm>>
      %dma_wait3A_76 = tpu.memref_squeeze %dma_wait3A_75 : memref<1x11x32xf32, #tpu.memory_space<hbm>> -> memref<11x32xf32, #tpu.memory_space<hbm>>
      tpu.wait_dma2 semaphore(%run_scoped3A : memref<!tpu.dma_semaphore, #tpu.memory_space<semaphore_mem>>) src(%dma_wait3A_76 : memref<11x32xf32, #tpu.memory_space<hbm>>) dst(%arg19 : memref<11x32xf32, #tpu.memory_space<vmem>>)
      tpu.yield
    }) : () -> ()
    %dma_start3A = arith.constant 0 : i32
    %dma_start3A_7 = arith.constant 0 : i32
    %dma_start3A_8 = arith.constant 0 : i32
    %dma_start3A_9 = arith.constant 0 : i32
    %dma_start3A_10 = tpu.memref_slice %arg12[%dma_start3A, %dma_start3A_8, %dma_start3A_9] : memref<4x128x32xf32, #tpu.memory_space<vmem>> -> memref<1x64x32xf32, #tpu.memory_space<vmem>>
    %dma_start3A_11 = tpu.memref_squeeze %dma_start3A_10 : memref<1x64x32xf32, #tpu.memory_space<vmem>> -> memref<64x32xf32, #tpu.memory_space<vmem>>
    %dma_start3A_12 = arith.constant 0 : i32
    %dma_start3A_13 = tpu.memref_slice %arg2[%arg0, %mul3A_0, %dma_start3A_12] : memref<2x50176x32xf32, #tpu.memory_space<hbm>> -> memref<1x64x32xf32, #tpu.memory_space<hbm>>
    %dma_start3A_14 = tpu.memref_squeeze %dma_start3A_13 : memref<1x64x32xf32, #tpu.memory_space<hbm>> -> memref<64x32xf32, #tpu.memory_space<hbm>>
    %dma_start3A_15 = tpu.memref_slice %arg23[%dma_start3A_7] : memref<3x!tpu.dma_semaphore, #tpu.memory_space<semaphore_mem>> -> memref<1x!tpu.dma_semaphore, #tpu.memory_space<semaphore_mem>>
    %dma_start3A_16 = tpu.memref_squeeze %dma_start3A_15 : memref<1x!tpu.dma_semaphore, #tpu.memory_space<semaphore_mem>> -> memref<!tpu.dma_semaphore, #tpu.memory_space<semaphore_mem>>
    %dma_start3A_17 = arith.constant 0 : i32
    %dma_start3A_18 = arith.constant 0 : i32
    %dma_start3A_19 = tpu.memref_slice %arg12[%dma_start3A, %dma_start3A_17, %dma_start3A_18] : memref<4x128x32xf32, #tpu.memory_space<vmem>> -> memref<1x64x32xf32, #tpu.memory_space<vmem>>
    %dma_start3A_20 = tpu.memref_squeeze %dma_start3A_19 : memref<1x64x32xf32, #tpu.memory_space<vmem>> -> memref<64x32xf32, #tpu.memory_space<vmem>>
    %dma_start3A_21 = arith.constant 0 : i32
    %dma_start3A_22 = tpu.memref_slice %arg2[%arg0, %mul3A_0, %dma_start3A_21] : memref<2x50176x32xf32, #tpu.memory_space<hbm>> -> memref<1x64x32xf32, #tpu.memory_space<hbm>>
    %dma_start3A_23 = tpu.memref_squeeze %dma_start3A_22 : memref<1x64x32xf32, #tpu.memory_space<hbm>> -> memref<64x32xf32, #tpu.memory_space<hbm>>
    tpu.enqueue_dma source(%dma_start3A_23 : memref<64x32xf32, #tpu.memory_space<hbm>>) target(%dma_start3A_20 : memref<64x32xf32, #tpu.memory_space<vmem>>) target_semaphore(%dma_start3A_16 : memref<!tpu.dma_semaphore, #tpu.memory_space<semaphore_mem>>)
    %scan3A_24 = arith.constant 0 : i32
    %scan3A_25 = arith.constant 0 : i32
    %scan3A_26 = arith.constant 49 : i32
    %scan3A_27 = arith.addi %scan3A_25, %scan3A_26 : i32
    %scan3A_28 = arith.constant 1 : i32
    scf.for %scan3A_61 = %scan3A_25 to %scan3A_27 step %scan3A_28  : i32 {
      %mul3A_62 = arith.constant 64 : i32
      %mul3A_63 = arith.muli %scan3A_61, %mul3A_62 : i32
      %add3A = arith.addi %mul3A_0, %mul3A_63 : i32
      %rem3A = arith.constant 2 : i32
      %rem3A_64 = arith.remsi %scan3A_61, %rem3A : i32
      %dma_wait3A_65 = arith.constant 0 : i32
      %dma_wait3A_66 = arith.constant 0 : i32
      %dma_wait3A_67 = tpu.memref_slice %arg12[%rem3A_64, %dma_wait3A_65, %dma_wait3A_66] : memref<4x128x32xf32, #tpu.memory_space<vmem>> -> memref<1x64x32xf32, #tpu.memory_space<vmem>>
      %dma_wait3A_68 = tpu.memref_squeeze %dma_wait3A_67 : memref<1x64x32xf32, #tpu.memory_space<vmem>> -> memref<64x32xf32, #tpu.memory_space<vmem>>
      %dma_wait3A_69 = arith.constant 0 : i32
      %dma_wait3A_70 = tpu.memref_slice %arg2[%arg0, %add3A, %dma_wait3A_69] : memref<2x50176x32xf32, #tpu.memory_space<hbm>> -> memref<1x64x32xf32, #tpu.memory_space<hbm>>
      %dma_wait3A_71 = tpu.memref_squeeze %dma_wait3A_70 : memref<1x64x32xf32, #tpu.memory_space<hbm>> -> memref<64x32xf32, #tpu.memory_space<hbm>>
      %dma_wait3A_72 = tpu.memref_slice %arg23[%rem3A_64] : memref<3x!tpu.dma_semaphore, #tpu.memory_space<semaphore_mem>> -> memref<1x!tpu.dma_semaphore, #tpu.memory_space<semaphore_mem>>
      %dma_wait3A_73 = tpu.memref_squeeze %dma_wait3A_72 : memref<1x!tpu.dma_semaphore, #tpu.memory_space<semaphore_mem>> -> memref<!tpu.dma_semaphore, #tpu.memory_space<semaphore_mem>>
      %dma_wait3A_74 = arith.constant 0 : i32
      %dma_wait3A_75 = arith.constant 0 : i32
      %dma_wait3A_76 = tpu.memref_slice %arg12[%rem3A_64, %dma_wait3A_74, %dma_wait3A_75] : memref<4x128x32xf32, #tpu.memory_space<vmem>> -> memref<1x64x32xf32, #tpu.memory_space<vmem>>
      %dma_wait3A_77 = tpu.memref_squeeze %dma_wait3A_76 : memref<1x64x32xf32, #tpu.memory_space<vmem>> -> memref<64x32xf32, #tpu.memory_space<vmem>>
      %dma_wait3A_78 = arith.constant 0 : i32
      %dma_wait3A_79 = tpu.memref_slice %arg2[%arg0, %add3A, %dma_wait3A_78] : memref<2x50176x32xf32, #tpu.memory_space<hbm>> -> memref<1x64x32xf32, #tpu.memory_space<hbm>>
      %dma_wait3A_80 = tpu.memref_squeeze %dma_wait3A_79 : memref<1x64x32xf32, #tpu.memory_space<hbm>> -> memref<64x32xf32, #tpu.memory_space<hbm>>
      tpu.wait_dma2 semaphore(%dma_wait3A_73 : memref<!tpu.dma_semaphore, #tpu.memory_space<semaphore_mem>>) src(%dma_wait3A_80 : memref<64x32xf32, #tpu.memory_space<hbm>>) dst(%dma_wait3A_77 : memref<64x32xf32, #tpu.memory_space<vmem>>)
      %ge3A = arith.constant 1 : i32
      %ge3A_81 = arith.cmpi sge, %scan3A_61, %ge3A : i32
      %convert_element_type3A = arith.extui %ge3A_81 : i1 to i32
      %cond3A = arith.constant 0 : i32
      %cond3A_82 = arith.cmpi ne, %convert_element_type3A, %cond3A : i32
      scf.if %cond3A_82 {
        %sub3A = arith.constant 1 : i32
        %sub3A_115 = arith.subi %sub3A, %rem3A_64 : i32
        %dma_wait3A_116 = arith.constant 0 : i32
        %dma_wait3A_117 = arith.constant 0 : i32
        %dma_wait3A_118 = arith.constant 0 : i32
        %dma_wait3A_119 = tpu.memref_slice %arg12[%sub3A_115, %dma_wait3A_117, %dma_wait3A_118] : memref<4x128x32xf32, #tpu.memory_space<vmem>> -> memref<1x64x32xf32, #tpu.memory_space<vmem>>
        %dma_wait3A_120 = tpu.memref_squeeze %dma_wait3A_119 : memref<1x64x32xf32, #tpu.memory_space<vmem>> -> memref<64x32xf32, #tpu.memory_space<vmem>>
        %dma_wait3A_121 = arith.constant 0 : i32
        %dma_wait3A_122 = tpu.memref_slice %arg8[%dma_wait3A_116, %arg0, %add3A, %dma_wait3A_121] : memref<12x2x50176x32xf32, #tpu.memory_space<hbm>> -> memref<1x1x64x32xf32, #tpu.memory_space<hbm>>
        %dma_wait3A_123 = tpu.memref_squeeze %dma_wait3A_122 : memref<1x1x64x32xf32, #tpu.memory_space<hbm>> -> memref<64x32xf32, #tpu.memory_space<hbm>>
        %dma_wait3A_124 = arith.constant 0 : i32
        %dma_wait3A_125 = tpu.memref_slice %arg8[%dma_wait3A_116, %arg0, %add3A, %dma_wait3A_124] : memref<12x2x50176x32xf32, #tpu.memory_space<hbm>> -> memref<1x1x64x32xf32, #tpu.memory_space<hbm>>
        %dma_wait3A_126 = tpu.memref_squeeze %dma_wait3A_125 : memref<1x1x64x32xf32, #tpu.memory_space<hbm>> -> memref<64x32xf32, #tpu.memory_space<hbm>>
        %dma_wait3A_127 = arith.constant 0 : i32
        %dma_wait3A_128 = arith.constant 0 : i32
        %dma_wait3A_129 = tpu.memref_slice %arg12[%sub3A_115, %dma_wait3A_127, %dma_wait3A_128] : memref<4x128x32xf32, #tpu.memory_space<vmem>> -> memref<1x64x32xf32, #tpu.memory_space<vmem>>
        %dma_wait3A_130 = tpu.memref_squeeze %dma_wait3A_129 : memref<1x64x32xf32, #tpu.memory_space<vmem>> -> memref<64x32xf32, #tpu.memory_space<vmem>>
        tpu.wait_dma2 semaphore(%arg24 : memref<!tpu.dma_semaphore, #tpu.memory_space<semaphore_mem>>) src(%dma_wait3A_130 : memref<64x32xf32, #tpu.memory_space<vmem>>) dst(%dma_wait3A_126 : memref<64x32xf32, #tpu.memory_space<hbm>>)
        %dma_wait3A_131 = arith.constant 11 : i32
        %dma_wait3A_132 = arith.constant 0 : i32
        %dma_wait3A_133 = tpu.memref_slice %arg8[%dma_wait3A_131, %arg0, %add3A, %dma_wait3A_132] : memref<12x2x50176x32xf32, #tpu.memory_space<hbm>> -> memref<1x1x64x32xf32, #tpu.memory_space<hbm>>
        %dma_wait3A_134 = tpu.memref_squeeze %dma_wait3A_133 : memref<1x1x64x32xf32, #tpu.memory_space<hbm>> -> memref<64x32xf32, #tpu.memory_space<hbm>>
        %dma_wait3A_135 = arith.constant 0 : i32
        %dma_wait3A_136 = tpu.memref_slice %arg8[%dma_wait3A_131, %arg0, %add3A, %dma_wait3A_135] : memref<12x2x50176x32xf32, #tpu.memory_space<hbm>> -> memref<1x1x64x32xf32, #tpu.memory_space<hbm>>
        %dma_wait3A_137 = tpu.memref_squeeze %dma_wait3A_136 : memref<1x1x64x32xf32, #tpu.memory_space<hbm>> -> memref<64x32xf32, #tpu.memory_space<hbm>>
        tpu.wait_dma2 semaphore(%arg24 : memref<!tpu.dma_semaphore, #tpu.memory_space<semaphore_mem>>) src(%arg17 : memref<64x32xf32, #tpu.memory_space<vmem>>) dst(%dma_wait3A_137 : memref<64x32xf32, #tpu.memory_space<hbm>>)
      } else {
      }
      %add3A_83 = arith.constant 1 : i32
      %add3A_84 = arith.addi %scan3A_61, %add3A_83 : i32
      %lt3A = arith.constant 49 : i32
      %lt3A_85 = arith.cmpi slt, %add3A_84, %lt3A : i32
      %convert_element_type3A_86 = arith.extui %lt3A_85 : i1 to i32
      %cond3A_87 = arith.constant 0 : i32
      %cond3A_88 = arith.cmpi ne, %convert_element_type3A_86, %cond3A_87 : i32
      scf.if %cond3A_88 {
        %add3A_115 = arith.constant 64 : i32
        %add3A_116 = arith.addi %add3A, %add3A_115 : i32
        %sub3A = arith.constant 1 : i32
        %sub3A_117 = arith.subi %sub3A, %rem3A_64 : i32
        %sub3A_118 = arith.constant 1 : i32
        %sub3A_119 = arith.subi %sub3A_118, %rem3A_64 : i32
        %dma_start3A_120 = arith.constant 0 : i32
        %dma_start3A_121 = arith.constant 0 : i32
        %dma_start3A_122 = tpu.memref_slice %arg12[%sub3A_117, %dma_start3A_120, %dma_start3A_121] : memref<4x128x32xf32, #tpu.memory_space<vmem>> -> memref<1x64x32xf32, #tpu.memory_space<vmem>>
        %dma_start3A_123 = tpu.memref_squeeze %dma_start3A_122 : memref<1x64x32xf32, #tpu.memory_space<vmem>> -> memref<64x32xf32, #tpu.memory_space<vmem>>
        %dma_start3A_124 = arith.constant 0 : i32
        %dma_start3A_125 = tpu.memref_slice %arg2[%arg0, %add3A_116, %dma_start3A_124] : memref<2x50176x32xf32, #tpu.memory_space<hbm>> -> memref<1x64x32xf32, #tpu.memory_space<hbm>>
        %dma_start3A_126 = tpu.memref_squeeze %dma_start3A_125 : memref<1x64x32xf32, #tpu.memory_space<hbm>> -> memref<64x32xf32, #tpu.memory_space<hbm>>
        %dma_start3A_127 = tpu.memref_slice %arg23[%sub3A_119] : memref<3x!tpu.dma_semaphore, #tpu.memory_space<semaphore_mem>> -> memref<1x!tpu.dma_semaphore, #tpu.memory_space<semaphore_mem>>
        %dma_start3A_128 = tpu.memref_squeeze %dma_start3A_127 : memref<1x!tpu.dma_semaphore, #tpu.memory_space<semaphore_mem>> -> memref<!tpu.dma_semaphore, #tpu.memory_space<semaphore_mem>>
        %dma_start3A_129 = arith.constant 0 : i32
        %dma_start3A_130 = arith.constant 0 : i32
        %dma_start3A_131 = tpu.memref_slice %arg12[%sub3A_117, %dma_start3A_129, %dma_start3A_130] : memref<4x128x32xf32, #tpu.memory_space<vmem>> -> memref<1x64x32xf32, #tpu.memory_space<vmem>>
        %dma_start3A_132 = tpu.memref_squeeze %dma_start3A_131 : memref<1x64x32xf32, #tpu.memory_space<vmem>> -> memref<64x32xf32, #tpu.memory_space<vmem>>
        %dma_start3A_133 = arith.constant 0 : i32
        %dma_start3A_134 = tpu.memref_slice %arg2[%arg0, %add3A_116, %dma_start3A_133] : memref<2x50176x32xf32, #tpu.memory_space<hbm>> -> memref<1x64x32xf32, #tpu.memory_space<hbm>>
        %dma_start3A_135 = tpu.memref_squeeze %dma_start3A_134 : memref<1x64x32xf32, #tpu.memory_space<hbm>> -> memref<64x32xf32, #tpu.memory_space<hbm>>
        tpu.enqueue_dma source(%dma_start3A_135 : memref<64x32xf32, #tpu.memory_space<hbm>>) target(%dma_start3A_132 : memref<64x32xf32, #tpu.memory_space<vmem>>) target_semaphore(%dma_start3A_128 : memref<!tpu.dma_semaphore, #tpu.memory_space<semaphore_mem>>)
      } else {
      }
      %dma_start3A_89 = arith.constant 0 : i32
      %dma_start3A_90 = arith.constant 0 : i32
      %dma_start3A_91 = arith.constant 0 : i32
      %dma_start3A_92 = tpu.memref_slice %arg12[%rem3A_64, %dma_start3A_90, %dma_start3A_91] : memref<4x128x32xf32, #tpu.memory_space<vmem>> -> memref<1x64x32xf32, #tpu.memory_space<vmem>>
      %dma_start3A_93 = tpu.memref_squeeze %dma_start3A_92 : memref<1x64x32xf32, #tpu.memory_space<vmem>> -> memref<64x32xf32, #tpu.memory_space<vmem>>
      %dma_start3A_94 = arith.constant 0 : i32
      %dma_start3A_95 = tpu.memref_slice %arg8[%dma_start3A_89, %arg0, %add3A, %dma_start3A_94] : memref<12x2x50176x32xf32, #tpu.memory_space<hbm>> -> memref<1x1x64x32xf32, #tpu.memory_space<hbm>>
      %dma_start3A_96 = tpu.memref_squeeze %dma_start3A_95 : memref<1x1x64x32xf32, #tpu.memory_space<hbm>> -> memref<64x32xf32, #tpu.memory_space<hbm>>
      %dma_start3A_97 = arith.constant 0 : i32
      %dma_start3A_98 = tpu.memref_slice %arg8[%dma_start3A_89, %arg0, %add3A, %dma_start3A_97] : memref<12x2x50176x32xf32, #tpu.memory_space<hbm>> -> memref<1x1x64x32xf32, #tpu.memory_space<hbm>>
      %dma_start3A_99 = tpu.memref_squeeze %dma_start3A_98 : memref<1x1x64x32xf32, #tpu.memory_space<hbm>> -> memref<64x32xf32, #tpu.memory_space<hbm>>
      %dma_start3A_100 = arith.constant 0 : i32
      %dma_start3A_101 = arith.constant 0 : i32
      %dma_start3A_102 = tpu.memref_slice %arg12[%rem3A_64, %dma_start3A_100, %dma_start3A_101] : memref<4x128x32xf32, #tpu.memory_space<vmem>> -> memref<1x64x32xf32, #tpu.memory_space<vmem>>
      %dma_start3A_103 = tpu.memref_squeeze %dma_start3A_102 : memref<1x64x32xf32, #tpu.memory_space<vmem>> -> memref<64x32xf32, #tpu.memory_space<vmem>>
      tpu.enqueue_dma source(%dma_start3A_103 : memref<64x32xf32, #tpu.memory_space<vmem>>) target(%dma_start3A_99 : memref<64x32xf32, #tpu.memory_space<hbm>>) target_semaphore(%arg24 : memref<!tpu.dma_semaphore, #tpu.memory_space<semaphore_mem>>)
      %dma_start3A_104 = arith.constant 11 : i32
      %dma_start3A_105 = arith.constant 0 : i32
      %dma_start3A_106 = tpu.memref_slice %arg8[%dma_start3A_104, %arg0, %add3A, %dma_start3A_105] : memref<12x2x50176x32xf32, #tpu.memory_space<hbm>> -> memref<1x1x64x32xf32, #tpu.memory_space<hbm>>
      %dma_start3A_107 = tpu.memref_squeeze %dma_start3A_106 : memref<1x1x64x32xf32, #tpu.memory_space<hbm>> -> memref<64x32xf32, #tpu.memory_space<hbm>>
      %dma_start3A_108 = arith.constant 0 : i32
      %dma_start3A_109 = tpu.memref_slice %arg8[%dma_start3A_104, %arg0, %add3A, %dma_start3A_108] : memref<12x2x50176x32xf32, #tpu.memory_space<hbm>> -> memref<1x1x64x32xf32, #tpu.memory_space<hbm>>
      %dma_start3A_110 = tpu.memref_squeeze %dma_start3A_109 : memref<1x1x64x32xf32, #tpu.memory_space<hbm>> -> memref<64x32xf32, #tpu.memory_space<hbm>>
      tpu.enqueue_dma source(%arg17 : memref<64x32xf32, #tpu.memory_space<vmem>>) target(%dma_start3A_110 : memref<64x32xf32, #tpu.memory_space<hbm>>) target_semaphore(%arg24 : memref<!tpu.dma_semaphore, #tpu.memory_space<semaphore_mem>>)
      %dma_start3A_111 = arith.constant 0 : i32
      %dma_start3A_112 = tpu.memref_slice %arg9[%add3A, %dma_start3A_111] : memref<50176x32xf32, #tpu.memory_space<vmem_shared>> -> memref<64x32xf32, #tpu.memory_space<vmem_shared>>
      %dma_start3A_113 = arith.constant 0 : i32
      %dma_start3A_114 = tpu.memref_slice %arg9[%add3A, %dma_start3A_113] : memref<50176x32xf32, #tpu.memory_space<vmem_shared>> -> memref<64x32xf32, #tpu.memory_space<vmem_shared>>
      tpu.enqueue_dma source(%arg17 : memref<64x32xf32, #tpu.memory_space<vmem>>) target(%dma_start3A_114 : memref<64x32xf32, #tpu.memory_space<vmem_shared>>) target_semaphore(%arg25 : memref<!tpu.dma_semaphore, #tpu.memory_space<semaphore_mem>>)
    }
    %scan3A_29 = arith.constant 49 : i32
    %dma_wait3A = arith.constant 0 : i32
    %dma_wait3A_30 = arith.constant 0 : i32
    %dma_wait3A_31 = tpu.memref_slice %arg8[%dma_wait3A, %arg0, %mul3A_0, %dma_wait3A_30] : memref<12x2x50176x32xf32, #tpu.memory_space<hbm>> -> memref<1x1x64x32xf32, #tpu.memory_space<hbm>>
    %dma_wait3A_32 = tpu.memref_squeeze %dma_wait3A_31 : memref<1x1x64x32xf32, #tpu.memory_space<hbm>> -> memref<64x32xf32, #tpu.memory_space<hbm>>
    %dma_wait3A_33 = arith.constant 0 : i32
    %dma_wait3A_34 = tpu.memref_slice %arg8[%dma_wait3A, %arg0, %mul3A_0, %dma_wait3A_33] : memref<12x2x50176x32xf32, #tpu.memory_space<hbm>> -> memref<1x1x64x32xf32, #tpu.memory_space<hbm>>
    %dma_wait3A_35 = tpu.memref_squeeze %dma_wait3A_34 : memref<1x1x64x32xf32, #tpu.memory_space<hbm>> -> memref<64x32xf32, #tpu.memory_space<hbm>>
    tpu.wait_dma2 semaphore(%arg24 : memref<!tpu.dma_semaphore, #tpu.memory_space<semaphore_mem>>) src(%arg17 : memref<64x32xf32, #tpu.memory_space<vmem>>) dst(%dma_wait3A_35 : memref<64x32xf32, #tpu.memory_space<hbm>>)
    %dma_wait3A_36 = arith.constant 0 : i32
    %dma_wait3A_37 = arith.constant 0 : i32
    %dma_wait3A_38 = tpu.memref_slice %arg8[%dma_wait3A_36, %arg0, %mul3A_0, %dma_wait3A_37] : memref<12x2x50176x32xf32, #tpu.memory_space<hbm>> -> memref<1x1x64x32xf32, #tpu.memory_space<hbm>>
    %dma_wait3A_39 = tpu.memref_squeeze %dma_wait3A_38 : memref<1x1x64x32xf32, #tpu.memory_space<hbm>> -> memref<64x32xf32, #tpu.memory_space<hbm>>
    %dma_wait3A_40 = arith.constant 0 : i32
    %dma_wait3A_41 = tpu.memref_slice %arg8[%dma_wait3A_36, %arg0, %mul3A_0, %dma_wait3A_40] : memref<12x2x50176x32xf32, #tpu.memory_space<hbm>> -> memref<1x1x64x32xf32, #tpu.memory_space<hbm>>
    %dma_wait3A_42 = tpu.memref_squeeze %dma_wait3A_41 : memref<1x1x64x32xf32, #tpu.memory_space<hbm>> -> memref<64x32xf32, #tpu.memory_space<hbm>>
    tpu.wait_dma2 semaphore(%arg24 : memref<!tpu.dma_semaphore, #tpu.memory_space<semaphore_mem>>) src(%arg17 : memref<64x32xf32, #tpu.memory_space<vmem>>) dst(%dma_wait3A_42 : memref<64x32xf32, #tpu.memory_space<hbm>>)
    %scan3A_43 = arith.constant 0 : i32
    %scan3A_44 = arith.constant 0 : i32
    %scan3A_45 = arith.constant 49 : i32
    %scan3A_46 = arith.addi %scan3A_44, %scan3A_45 : i32
    %scan3A_47 = arith.constant 1 : i32
    scf.for %scan3A_61 = %scan3A_44 to %scan3A_46 step %scan3A_47  : i32 {
      %dma_wait3A_62 = arith.constant 0 : i32
      %dma_wait3A_63 = tpu.memref_slice %arg9[%mul3A_0, %dma_wait3A_62] : memref<50176x32xf32, #tpu.memory_space<vmem_shared>> -> memref<64x32xf32, #tpu.memory_space<vmem_shared>>
      %dma_wait3A_64 = arith.constant 0 : i32
      %dma_wait3A_65 = tpu.memref_slice %arg9[%mul3A_0, %dma_wait3A_64] : memref<50176x32xf32, #tpu.memory_space<vmem_shared>> -> memref<64x32xf32, #tpu.memory_space<vmem_shared>>
      tpu.wait_dma2 semaphore(%arg25 : memref<!tpu.dma_semaphore, #tpu.memory_space<semaphore_mem>>) src(%arg17 : memref<64x32xf32, #tpu.memory_space<vmem>>) dst(%dma_wait3A_65 : memref<64x32xf32, #tpu.memory_space<vmem_shared>>)
    }
    %scan3A_48 = arith.constant 49 : i32
    %barrier3A = arith.constant 0 : index
    tpu.barrier barrier_id(%barrier3A)
    %scan3A_49 = arith.constant 0 : i32
    %scan3A_50 = arith.constant 1 : i32
    %scan3A_51 = arith.constant 10 : i32
    %scan3A_52 = arith.addi %scan3A_50, %scan3A_51 : i32
    %scan3A_53 = arith.constant 1 : i32
    scf.for %scan3A_61 = %scan3A_50 to %scan3A_52 step %scan3A_53  : i32 {
      %sub3A = arith.constant 1 : i32
      %sub3A_62 = arith.subi %scan3A_61, %sub3A : i32
      %eq3A = arith.constant 1 : i32
      %eq3A_63 = arith.cmpi eq, %scan3A_61, %eq3A : i32
      %sub3A_64 = arith.constant 2 : i32
      %sub3A_65 = arith.subi %scan3A_61, %sub3A_64 : i32
      %jit3A = arith.constant 11 : i32
      %select_n3A = arith.select %eq3A_63, %jit3A, %sub3A_65 : i32
      "tpu.region"() ({
        %run_scoped3A_205 = tpu.sem_alloc : memref<!tpu.dma_semaphore, #tpu.memory_space<semaphore_mem>>
        %dma_start3A_206 = arith.constant 0 : i32
        %dma_start3A_207 = arith.constant 0 : i32
        %dma_start3A_208 = tpu.memref_slice %arg5[%arg0, %scan3A_61, %dma_start3A_206, %dma_start3A_207] : memref<2x11x4x32xf32, #tpu.memory_space<hbm>> -> memref<1x1x4x32xf32, #tpu.memory_space<hbm>>
        %dma_start3A_209 = tpu.memref_squeeze %dma_start3A_208 : memref<1x1x4x32xf32, #tpu.memory_space<hbm>> -> memref<4x32xf32, #tpu.memory_space<hbm>>
        %dma_start3A_210 = arith.constant 0 : i32
        %dma_start3A_211 = arith.constant 0 : i32
        %dma_start3A_212 = tpu.memref_slice %arg5[%arg0, %scan3A_61, %dma_start3A_210, %dma_start3A_211] : memref<2x11x4x32xf32, #tpu.memory_space<hbm>> -> memref<1x1x4x32xf32, #tpu.memory_space<hbm>>
        %dma_start3A_213 = tpu.memref_squeeze %dma_start3A_212 : memref<1x1x4x32xf32, #tpu.memory_space<hbm>> -> memref<4x32xf32, #tpu.memory_space<hbm>>
        tpu.enqueue_dma source(%dma_start3A_213 : memref<4x32xf32, #tpu.memory_space<hbm>>) target(%arg18 : memref<4x32xf32, #tpu.memory_space<vmem>>) target_semaphore(%run_scoped3A_205 : memref<!tpu.dma_semaphore, #tpu.memory_space<semaphore_mem>>)
        %dma_wait3A_214 = arith.constant 0 : i32
        %dma_wait3A_215 = arith.constant 0 : i32
        %dma_wait3A_216 = tpu.memref_slice %arg5[%arg0, %scan3A_61, %dma_wait3A_214, %dma_wait3A_215] : memref<2x11x4x32xf32, #tpu.memory_space<hbm>> -> memref<1x1x4x32xf32, #tpu.memory_space<hbm>>
        %dma_wait3A_217 = tpu.memref_squeeze %dma_wait3A_216 : memref<1x1x4x32xf32, #tpu.memory_space<hbm>> -> memref<4x32xf32, #tpu.memory_space<hbm>>
        %dma_wait3A_218 = arith.constant 0 : i32
        %dma_wait3A_219 = arith.constant 0 : i32
        %dma_wait3A_220 = tpu.memref_slice %arg5[%arg0, %scan3A_61, %dma_wait3A_218, %dma_wait3A_219] : memref<2x11x4x32xf32, #tpu.memory_space<hbm>> -> memref<1x1x4x32xf32, #tpu.memory_space<hbm>>
        %dma_wait3A_221 = tpu.memref_squeeze %dma_wait3A_220 : memref<1x1x4x32xf32, #tpu.memory_space<hbm>> -> memref<4x32xf32, #tpu.memory_space<hbm>>
        tpu.wait_dma2 semaphore(%run_scoped3A_205 : memref<!tpu.dma_semaphore, #tpu.memory_space<semaphore_mem>>) src(%dma_wait3A_221 : memref<4x32xf32, #tpu.memory_space<hbm>>) dst(%arg18 : memref<4x32xf32, #tpu.memory_space<vmem>>)
        tpu.yield
      }) : () -> ()
      %run_scoped3A = arith.constant 0 : i32
      %run_scoped3A_66 = arith.constant 0 : i32
      "tpu.region"() ({
        %run_scoped3A_205 = tpu.sem_alloc : memref<!tpu.dma_semaphore, #tpu.memory_space<semaphore_mem>>
        %dma_start3A_206 = arith.constant 0 : i32
        %dma_start3A_207 = arith.constant 0 : i32
        %dma_start3A_208 = arith.constant 0 : i32
        %dma_start3A_209 = tpu.memref_slice %arg10[%run_scoped3A_66, %dma_start3A_206, %dma_start3A_207, %dma_start3A_208] : memref<2x2x4x128xi32, #tpu.memory_space<vmem>> -> memref<1x2x4x128xi32, #tpu.memory_space<vmem>>
        %dma_start3A_210 = tpu.memref_squeeze %dma_start3A_209 : memref<1x2x4x128xi32, #tpu.memory_space<vmem>> -> memref<2x4x128xi32, #tpu.memory_space<vmem>>
        %dma_start3A_211 = arith.constant 0 : i32
        %dma_start3A_212 = arith.constant 0 : i32
        %dma_start3A_213 = arith.constant 0 : i32
        %dma_start3A_214 = tpu.memref_slice %arg3[%arg1, %run_scoped3A, %dma_start3A_211, %dma_start3A_212, %dma_start3A_213] : memref<16x98x2x4x128xi32, #tpu.memory_space<hbm>> -> memref<1x1x2x4x128xi32, #tpu.memory_space<hbm>>
        %dma_start3A_215 = tpu.memref_squeeze %dma_start3A_214 : memref<1x1x2x4x128xi32, #tpu.memory_space<hbm>> -> memref<2x4x128xi32, #tpu.memory_space<hbm>>
        %dma_start3A_216 = arith.constant 0 : i32
        %dma_start3A_217 = arith.constant 0 : i32
        %dma_start3A_218 = arith.constant 0 : i32
        %dma_start3A_219 = tpu.memref_slice %arg10[%run_scoped3A_66, %dma_start3A_216, %dma_start3A_217, %dma_start3A_218] : memref<2x2x4x128xi32, #tpu.memory_space<vmem>> -> memref<1x2x4x128xi32, #tpu.memory_space<vmem>>
        %dma_start3A_220 = tpu.memref_squeeze %dma_start3A_219 : memref<1x2x4x128xi32, #tpu.memory_space<vmem>> -> memref<2x4x128xi32, #tpu.memory_space<vmem>>
        %dma_start3A_221 = arith.constant 0 : i32
        %dma_start3A_222 = arith.constant 0 : i32
        %dma_start3A_223 = arith.constant 0 : i32
        %dma_start3A_224 = tpu.memref_slice %arg3[%arg1, %run_scoped3A, %dma_start3A_221, %dma_start3A_222, %dma_start3A_223] : memref<16x98x2x4x128xi32, #tpu.memory_space<hbm>> -> memref<1x1x2x4x128xi32, #tpu.memory_space<hbm>>
        %dma_start3A_225 = tpu.memref_squeeze %dma_start3A_224 : memref<1x1x2x4x128xi32, #tpu.memory_space<hbm>> -> memref<2x4x128xi32, #tpu.memory_space<hbm>>
        tpu.enqueue_dma source(%dma_start3A_225 : memref<2x4x128xi32, #tpu.memory_space<hbm>>) target(%dma_start3A_220 : memref<2x4x128xi32, #tpu.memory_space<vmem>>) target_semaphore(%run_scoped3A_205 : memref<!tpu.dma_semaphore, #tpu.memory_space<semaphore_mem>>)
        %dma_wait3A_226 = arith.constant 0 : i32
        %dma_wait3A_227 = arith.constant 0 : i32
        %dma_wait3A_228 = arith.constant 0 : i32
        %dma_wait3A_229 = tpu.memref_slice %arg10[%run_scoped3A_66, %dma_wait3A_226, %dma_wait3A_227, %dma_wait3A_228] : memref<2x2x4x128xi32, #tpu.memory_space<vmem>> -> memref<1x2x4x128xi32, #tpu.memory_space<vmem>>
        %dma_wait3A_230 = tpu.memref_squeeze %dma_wait3A_229 : memref<1x2x4x128xi32, #tpu.memory_space<vmem>> -> memref<2x4x128xi32, #tpu.memory_space<vmem>>
        %dma_wait3A_231 = arith.constant 0 : i32
        %dma_wait3A_232 = arith.constant 0 : i32
        %dma_wait3A_233 = arith.constant 0 : i32
        %dma_wait3A_234 = tpu.memref_slice %arg3[%arg1, %run_scoped3A, %dma_wait3A_231, %dma_wait3A_232, %dma_wait3A_233] : memref<16x98x2x4x128xi32, #tpu.memory_space<hbm>> -> memref<1x1x2x4x128xi32, #tpu.memory_space<hbm>>
        %dma_wait3A_235 = tpu.memref_squeeze %dma_wait3A_234 : memref<1x1x2x4x128xi32, #tpu.memory_space<hbm>> -> memref<2x4x128xi32, #tpu.memory_space<hbm>>
        %dma_wait3A_236 = arith.constant 0 : i32
        %dma_wait3A_237 = arith.constant 0 : i32
        %dma_wait3A_238 = arith.constant 0 : i32
        %dma_wait3A_239 = tpu.memref_slice %arg10[%run_scoped3A_66, %dma_wait3A_236, %dma_wait3A_237, %dma_wait3A_238] : memref<2x2x4x128xi32, #tpu.memory_space<vmem>> -> memref<1x2x4x128xi32, #tpu.memory_space<vmem>>
        %dma_wait3A_240 = tpu.memref_squeeze %dma_wait3A_239 : memref<1x2x4x128xi32, #tpu.memory_space<vmem>> -> memref<2x4x128xi32, #tpu.memory_space<vmem>>
        %dma_wait3A_241 = arith.constant 0 : i32
        %dma_wait3A_242 = arith.constant 0 : i32
        %dma_wait3A_243 = arith.constant 0 : i32
        %dma_wait3A_244 = tpu.memref_slice %arg3[%arg1, %run_scoped3A, %dma_wait3A_241, %dma_wait3A_242, %dma_wait3A_243] : memref<16x98x2x4x128xi32, #tpu.memory_space<hbm>> -> memref<1x1x2x4x128xi32, #tpu.memory_space<hbm>>
        %dma_wait3A_245 = tpu.memref_squeeze %dma_wait3A_244 : memref<1x1x2x4x128xi32, #tpu.memory_space<hbm>> -> memref<2x4x128xi32, #tpu.memory_space<hbm>>
        tpu.wait_dma2 semaphore(%run_scoped3A_205 : memref<!tpu.dma_semaphore, #tpu.memory_space<semaphore_mem>>) src(%dma_wait3A_245 : memref<2x4x128xi32, #tpu.memory_space<hbm>>) dst(%dma_wait3A_240 : memref<2x4x128xi32, #tpu.memory_space<vmem>>)
        tpu.yield
      }) : () -> ()
      %run_scoped3A_67 = arith.constant 0 : i32
      %run_scoped3A_68 = arith.constant 0 : i32
      "tpu.region"() ({
        %run_scoped3A_205 = tpu.sem_alloc : memref<!tpu.dma_semaphore, #tpu.memory_space<semaphore_mem>>
        %dma_start3A_206 = arith.constant 0 : i32
        %dma_start3A_207 = arith.constant 0 : i32
        %dma_start3A_208 = tpu.memref_slice %arg11[%run_scoped3A_68, %dma_start3A_206, %dma_start3A_207] : memref<2x4x128xf32, #tpu.memory_space<vmem>> -> memref<1x4x128xf32, #tpu.memory_space<vmem>>
        %dma_start3A_209 = tpu.memref_squeeze %dma_start3A_208 : memref<1x4x128xf32, #tpu.memory_space<vmem>> -> memref<4x128xf32, #tpu.memory_space<vmem>>
        %dma_start3A_210 = arith.constant 0 : i32
        %dma_start3A_211 = arith.constant 0 : i32
        %dma_start3A_212 = tpu.memref_slice %arg4[%arg1, %run_scoped3A_67, %dma_start3A_210, %dma_start3A_211] : memref<16x98x4x128xf32, #tpu.memory_space<hbm>> -> memref<1x1x4x128xf32, #tpu.memory_space<hbm>>
        %dma_start3A_213 = tpu.memref_squeeze %dma_start3A_212 : memref<1x1x4x128xf32, #tpu.memory_space<hbm>> -> memref<4x128xf32, #tpu.memory_space<hbm>>
        %dma_start3A_214 = arith.constant 0 : i32
        %dma_start3A_215 = arith.constant 0 : i32
        %dma_start3A_216 = tpu.memref_slice %arg11[%run_scoped3A_68, %dma_start3A_214, %dma_start3A_215] : memref<2x4x128xf32, #tpu.memory_space<vmem>> -> memref<1x4x128xf32, #tpu.memory_space<vmem>>
        %dma_start3A_217 = tpu.memref_squeeze %dma_start3A_216 : memref<1x4x128xf32, #tpu.memory_space<vmem>> -> memref<4x128xf32, #tpu.memory_space<vmem>>
        %dma_start3A_218 = arith.constant 0 : i32
        %dma_start3A_219 = arith.constant 0 : i32
        %dma_start3A_220 = tpu.memref_slice %arg4[%arg1, %run_scoped3A_67, %dma_start3A_218, %dma_start3A_219] : memref<16x98x4x128xf32, #tpu.memory_space<hbm>> -> memref<1x1x4x128xf32, #tpu.memory_space<hbm>>
        %dma_start3A_221 = tpu.memref_squeeze %dma_start3A_220 : memref<1x1x4x128xf32, #tpu.memory_space<hbm>> -> memref<4x128xf32, #tpu.memory_space<hbm>>
        tpu.enqueue_dma source(%dma_start3A_221 : memref<4x128xf32, #tpu.memory_space<hbm>>) target(%dma_start3A_217 : memref<4x128xf32, #tpu.memory_space<vmem>>) target_semaphore(%run_scoped3A_205 : memref<!tpu.dma_semaphore, #tpu.memory_space<semaphore_mem>>)
        %dma_wait3A_222 = arith.constant 0 : i32
        %dma_wait3A_223 = arith.constant 0 : i32
        %dma_wait3A_224 = tpu.memref_slice %arg11[%run_scoped3A_68, %dma_wait3A_222, %dma_wait3A_223] : memref<2x4x128xf32, #tpu.memory_space<vmem>> -> memref<1x4x128xf32, #tpu.memory_space<vmem>>
        %dma_wait3A_225 = tpu.memref_squeeze %dma_wait3A_224 : memref<1x4x128xf32, #tpu.memory_space<vmem>> -> memref<4x128xf32, #tpu.memory_space<vmem>>
        %dma_wait3A_226 = arith.constant 0 : i32
        %dma_wait3A_227 = arith.constant 0 : i32
        %dma_wait3A_228 = tpu.memref_slice %arg4[%arg1, %run_scoped3A_67, %dma_wait3A_226, %dma_wait3A_227] : memref<16x98x4x128xf32, #tpu.memory_space<hbm>> -> memref<1x1x4x128xf32, #tpu.memory_space<hbm>>
        %dma_wait3A_229 = tpu.memref_squeeze %dma_wait3A_228 : memref<1x1x4x128xf32, #tpu.memory_space<hbm>> -> memref<4x128xf32, #tpu.memory_space<hbm>>
        %dma_wait3A_230 = arith.constant 0 : i32
        %dma_wait3A_231 = arith.constant 0 : i32
        %dma_wait3A_232 = tpu.memref_slice %arg11[%run_scoped3A_68, %dma_wait3A_230, %dma_wait3A_231] : memref<2x4x128xf32, #tpu.memory_space<vmem>> -> memref<1x4x128xf32, #tpu.memory_space<vmem>>
        %dma_wait3A_233 = tpu.memref_squeeze %dma_wait3A_232 : memref<1x4x128xf32, #tpu.memory_space<vmem>> -> memref<4x128xf32, #tpu.memory_space<vmem>>
        %dma_wait3A_234 = arith.constant 0 : i32
        %dma_wait3A_235 = arith.constant 0 : i32
        %dma_wait3A_236 = tpu.memref_slice %arg4[%arg1, %run_scoped3A_67, %dma_wait3A_234, %dma_wait3A_235] : memref<16x98x4x128xf32, #tpu.memory_space<hbm>> -> memref<1x1x4x128xf32, #tpu.memory_space<hbm>>
        %dma_wait3A_237 = tpu.memref_squeeze %dma_wait3A_236 : memref<1x1x4x128xf32, #tpu.memory_space<hbm>> -> memref<4x128xf32, #tpu.memory_space<hbm>>
        tpu.wait_dma2 semaphore(%run_scoped3A_205 : memref<!tpu.dma_semaphore, #tpu.memory_space<semaphore_mem>>) src(%dma_wait3A_237 : memref<4x128xf32, #tpu.memory_space<hbm>>) dst(%dma_wait3A_233 : memref<4x128xf32, #tpu.memory_space<vmem>>)
        tpu.yield
      }) : () -> ()
      %dma_start3A_69 = arith.constant 0 : i32
      %dma_start3A_70 = arith.constant 0 : i32
      %dma_start3A_71 = arith.constant 0 : i32
      %dma_start3A_72 = arith.constant 0 : i32
      %dma_start3A_73 = arith.constant 0 : i32
      %dma_start3A_74 = arith.constant 0 : i32
      %dma_start3A_75 = arith.constant 0 : i32
      %dma_start3A_76 = tpu.memref_slice %arg12[%dma_start3A_72, %dma_start3A_74, %dma_start3A_75] : memref<4x128x32xf32, #tpu.memory_space<vmem>> -> memref<1x128x32xf32, #tpu.memory_space<vmem>>
      %dma_start3A_77 = tpu.memref_squeeze %dma_start3A_76 : memref<1x128x32xf32, #tpu.memory_space<vmem>> -> memref<128x32xf32, #tpu.memory_space<vmem>>
      %dma_start3A_78 = arith.constant 0 : i32
      %dma_start3A_79 = tpu.memref_slice %arg10[%dma_start3A_69, %dma_start3A_70, %dma_start3A_71, %dma_start3A_78] : memref<2x2x4x128xi32, #tpu.memory_space<vmem>> -> memref<1x1x1x128xi32, #tpu.memory_space<vmem>>
      %dma_start3A_80 = tpu.memref_squeeze %dma_start3A_79 : memref<1x1x1x128xi32, #tpu.memory_space<vmem>> -> memref<128xi32, #tpu.memory_space<vmem>>
      %dma_start3A_81 = arith.constant 0 : i32
      %dma_start3A_82 = arith.constant 0 : i32
      %dma_start3A_83 = tpu.memref_slice %arg8[%sub3A_62, %arg0, %dma_start3A_81, %dma_start3A_82] : memref<12x2x50176x32xf32, #tpu.memory_space<hbm>> -> memref<1x1x50176x32xf32, #tpu.memory_space<hbm>>
      %dma_start3A_84 = tpu.memref_squeeze %dma_start3A_83 : memref<1x1x50176x32xf32, #tpu.memory_space<hbm>> -> memref<50176x32xf32, #tpu.memory_space<hbm>>
      %dma_start3A_85 = arith.constant 0 : i32
      %dma_start3A_86 = arith.constant 0 : i32
      %dma_start3A_87 = tpu.memref_slice %dma_start3A_84[%dma_start3A_85, %dma_start3A_86] : memref<50176x32xf32, #tpu.memory_space<hbm>> -> memref<50176x32xf32, #tpu.memory_space<hbm>>
      %dma_start3A_88 = tpu.memref_slice %arg20[%dma_start3A_73] : memref<4x!tpu.dma_semaphore, #tpu.memory_space<semaphore_mem>> -> memref<1x!tpu.dma_semaphore, #tpu.memory_space<semaphore_mem>>
      %dma_start3A_89 = tpu.memref_squeeze %dma_start3A_88 : memref<1x!tpu.dma_semaphore, #tpu.memory_space<semaphore_mem>> -> memref<!tpu.dma_semaphore, #tpu.memory_space<semaphore_mem>>
      tpu.enqueue_indirect_dma source(%dma_start3A_87 : memref<50176x32xf32, #tpu.memory_space<hbm>>) target(%dma_start3A_77 : memref<128x32xf32, #tpu.memory_space<vmem>>) offsets(%dma_start3A_80 : memref<128xi32, #tpu.memory_space<vmem>>) semaphore(%dma_start3A_89 : memref<!tpu.dma_semaphore, #tpu.memory_space<semaphore_mem>>)
      %dma_start3A_90 = arith.constant 0 : i32
      %dma_start3A_91 = arith.constant 0 : i32
      %dma_start3A_92 = arith.constant 1 : i32
      %dma_start3A_93 = arith.constant 1 : i32
      %dma_start3A_94 = arith.constant 1 : i32
      %dma_start3A_95 = arith.constant 0 : i32
      %dma_start3A_96 = arith.constant 0 : i32
      %dma_start3A_97 = tpu.memref_slice %arg12[%dma_start3A_93, %dma_start3A_95, %dma_start3A_96] : memref<4x128x32xf32, #tpu.memory_space<vmem>> -> memref<1x128x32xf32, #tpu.memory_space<vmem>>
      %dma_start3A_98 = tpu.memref_squeeze %dma_start3A_97 : memref<1x128x32xf32, #tpu.memory_space<vmem>> -> memref<128x32xf32, #tpu.memory_space<vmem>>
      %dma_start3A_99 = arith.constant 0 : i32
      %dma_start3A_100 = tpu.memref_slice %arg10[%dma_start3A_90, %dma_start3A_91, %dma_start3A_92, %dma_start3A_99] : memref<2x2x4x128xi32, #tpu.memory_space<vmem>> -> memref<1x1x1x128xi32, #tpu.memory_space<vmem>>
      %dma_start3A_101 = tpu.memref_squeeze %dma_start3A_100 : memref<1x1x1x128xi32, #tpu.memory_space<vmem>> -> memref<128xi32, #tpu.memory_space<vmem>>
      %dma_start3A_102 = arith.constant 0 : i32
      %dma_start3A_103 = arith.constant 0 : i32
      %dma_start3A_104 = tpu.memref_slice %arg8[%sub3A_62, %arg0, %dma_start3A_102, %dma_start3A_103] : memref<12x2x50176x32xf32, #tpu.memory_space<hbm>> -> memref<1x1x50176x32xf32, #tpu.memory_space<hbm>>
      %dma_start3A_105 = tpu.memref_squeeze %dma_start3A_104 : memref<1x1x50176x32xf32, #tpu.memory_space<hbm>> -> memref<50176x32xf32, #tpu.memory_space<hbm>>
      %dma_start3A_106 = arith.constant 0 : i32
      %dma_start3A_107 = arith.constant 0 : i32
      %dma_start3A_108 = tpu.memref_slice %dma_start3A_105[%dma_start3A_106, %dma_start3A_107] : memref<50176x32xf32, #tpu.memory_space<hbm>> -> memref<50176x32xf32, #tpu.memory_space<hbm>>
      %dma_start3A_109 = tpu.memref_slice %arg20[%dma_start3A_94] : memref<4x!tpu.dma_semaphore, #tpu.memory_space<semaphore_mem>> -> memref<1x!tpu.dma_semaphore, #tpu.memory_space<semaphore_mem>>
      %dma_start3A_110 = tpu.memref_squeeze %dma_start3A_109 : memref<1x!tpu.dma_semaphore, #tpu.memory_space<semaphore_mem>> -> memref<!tpu.dma_semaphore, #tpu.memory_space<semaphore_mem>>
      tpu.enqueue_indirect_dma source(%dma_start3A_108 : memref<50176x32xf32, #tpu.memory_space<hbm>>) target(%dma_start3A_98 : memref<128x32xf32, #tpu.memory_space<vmem>>) offsets(%dma_start3A_101 : memref<128xi32, #tpu.memory_space<vmem>>) semaphore(%dma_start3A_110 : memref<!tpu.dma_semaphore, #tpu.memory_space<semaphore_mem>>)
      %dma_start3A_111 = arith.constant 0 : i32
      %dma_start3A_112 = arith.constant 0 : i32
      %dma_start3A_113 = arith.constant 2 : i32
      %dma_start3A_114 = arith.constant 2 : i32
      %dma_start3A_115 = arith.constant 2 : i32
      %dma_start3A_116 = arith.constant 0 : i32
      %dma_start3A_117 = arith.constant 0 : i32
      %dma_start3A_118 = tpu.memref_slice %arg12[%dma_start3A_114, %dma_start3A_116, %dma_start3A_117] : memref<4x128x32xf32, #tpu.memory_space<vmem>> -> memref<1x128x32xf32, #tpu.memory_space<vmem>>
      %dma_start3A_119 = tpu.memref_squeeze %dma_start3A_118 : memref<1x128x32xf32, #tpu.memory_space<vmem>> -> memref<128x32xf32, #tpu.memory_space<vmem>>
      %dma_start3A_120 = arith.constant 0 : i32
      %dma_start3A_121 = tpu.memref_slice %arg10[%dma_start3A_111, %dma_start3A_112, %dma_start3A_113, %dma_start3A_120] : memref<2x2x4x128xi32, #tpu.memory_space<vmem>> -> memref<1x1x1x128xi32, #tpu.memory_space<vmem>>
      %dma_start3A_122 = tpu.memref_squeeze %dma_start3A_121 : memref<1x1x1x128xi32, #tpu.memory_space<vmem>> -> memref<128xi32, #tpu.memory_space<vmem>>
      %dma_start3A_123 = arith.constant 0 : i32
      %dma_start3A_124 = arith.constant 0 : i32
      %dma_start3A_125 = tpu.memref_slice %arg8[%sub3A_62, %arg0, %dma_start3A_123, %dma_start3A_124] : memref<12x2x50176x32xf32, #tpu.memory_space<hbm>> -> memref<1x1x50176x32xf32, #tpu.memory_space<hbm>>
      %dma_start3A_126 = tpu.memref_squeeze %dma_start3A_125 : memref<1x1x50176x32xf32, #tpu.memory_space<hbm>> -> memref<50176x32xf32, #tpu.memory_space<hbm>>
      %dma_start3A_127 = arith.constant 0 : i32
      %dma_start3A_128 = arith.constant 0 : i32
      %dma_start3A_129 = tpu.memref_slice %dma_start3A_126[%dma_start3A_127, %dma_start3A_128] : memref<50176x32xf32, #tpu.memory_space<hbm>> -> memref<50176x32xf32, #tpu.memory_space<hbm>>
      %dma_start3A_130 = tpu.memref_slice %arg20[%dma_start3A_115] : memref<4x!tpu.dma_semaphore, #tpu.memory_space<semaphore_mem>> -> memref<1x!tpu.dma_semaphore, #tpu.memory_space<semaphore_mem>>
      %dma_start3A_131 = tpu.memref_squeeze %dma_start3A_130 : memref<1x!tpu.dma_semaphore, #tpu.memory_space<semaphore_mem>> -> memref<!tpu.dma_semaphore, #tpu.memory_space<semaphore_mem>>
      tpu.enqueue_indirect_dma source(%dma_start3A_129 : memref<50176x32xf32, #tpu.memory_space<hbm>>) target(%dma_start3A_119 : memref<128x32xf32, #tpu.memory_space<vmem>>) offsets(%dma_start3A_122 : memref<128xi32, #tpu.memory_space<vmem>>) semaphore(%dma_start3A_131 : memref<!tpu.dma_semaphore, #tpu.memory_space<semaphore_mem>>)
      %scan3A_132 = arith.constant 0 : i32
      %scan3A_133 = arith.constant 0 : i32
      %scan3A_134 = arith.constant 98 : i32
      %scan3A_135 = arith.addi %scan3A_133, %scan3A_134 : i32
      %scan3A_136 = arith.constant 1 : i32
      %scan3A_137 = scf.for %scan3A_205 = %scan3A_133 to %scan3A_135 step %scan3A_136 iter_args(%scan3A_206 = %scan3A_132) -> (i32)  : i32 {
        %add3A = arith.constant 1 : i32
        %add3A_207 = arith.addi %scan3A_205, %add3A : i32
        %lt3A = arith.constant 98 : i32
        %lt3A_208 = arith.cmpi slt, %add3A_207, %lt3A : i32
        %convert_element_type3A = arith.extui %lt3A_208 : i1 to i32
        %cond3A = arith.constant 0 : i32
        %cond3A_209 = arith.cmpi ne, %convert_element_type3A, %cond3A : i32
        scf.if %cond3A_209 {
          %add3A_480 = arith.constant 1 : i32
          %add3A_481 = arith.addi %scan3A_205, %add3A_480 : i32
          %sub3A_482 = arith.constant 1 : i32
          %sub3A_483 = arith.subi %sub3A_482, %scan3A_206 : i32
          %dma_start3A_484 = arith.constant 0 : i32
          %dma_start3A_485 = arith.constant 0 : i32
          %dma_start3A_486 = arith.constant 0 : i32
          %dma_start3A_487 = tpu.memref_slice %arg10[%sub3A_483, %dma_start3A_484, %dma_start3A_485, %dma_start3A_486] : memref<2x2x4x128xi32, #tpu.memory_space<vmem>> -> memref<1x2x4x128xi32, #tpu.memory_space<vmem>>
          %dma_start3A_488 = tpu.memref_squeeze %dma_start3A_487 : memref<1x2x4x128xi32, #tpu.memory_space<vmem>> -> memref<2x4x128xi32, #tpu.memory_space<vmem>>
          %dma_start3A_489 = arith.constant 0 : i32
          %dma_start3A_490 = arith.constant 0 : i32
          %dma_start3A_491 = arith.constant 0 : i32
          %dma_start3A_492 = tpu.memref_slice %arg3[%arg1, %add3A_481, %dma_start3A_489, %dma_start3A_490, %dma_start3A_491] : memref<16x98x2x4x128xi32, #tpu.memory_space<hbm>> -> memref<1x1x2x4x128xi32, #tpu.memory_space<hbm>>
          %dma_start3A_493 = tpu.memref_squeeze %dma_start3A_492 : memref<1x1x2x4x128xi32, #tpu.memory_space<hbm>> -> memref<2x4x128xi32, #tpu.memory_space<hbm>>
          %dma_start3A_494 = arith.constant 0 : i32
          %dma_start3A_495 = arith.constant 0 : i32
          %dma_start3A_496 = arith.constant 0 : i32
          %dma_start3A_497 = tpu.memref_slice %arg10[%sub3A_483, %dma_start3A_494, %dma_start3A_495, %dma_start3A_496] : memref<2x2x4x128xi32, #tpu.memory_space<vmem>> -> memref<1x2x4x128xi32, #tpu.memory_space<vmem>>
          %dma_start3A_498 = tpu.memref_squeeze %dma_start3A_497 : memref<1x2x4x128xi32, #tpu.memory_space<vmem>> -> memref<2x4x128xi32, #tpu.memory_space<vmem>>
          %dma_start3A_499 = arith.constant 0 : i32
          %dma_start3A_500 = arith.constant 0 : i32
          %dma_start3A_501 = arith.constant 0 : i32
          %dma_start3A_502 = tpu.memref_slice %arg3[%arg1, %add3A_481, %dma_start3A_499, %dma_start3A_500, %dma_start3A_501] : memref<16x98x2x4x128xi32, #tpu.memory_space<hbm>> -> memref<1x1x2x4x128xi32, #tpu.memory_space<hbm>>
          %dma_start3A_503 = tpu.memref_squeeze %dma_start3A_502 : memref<1x1x2x4x128xi32, #tpu.memory_space<hbm>> -> memref<2x4x128xi32, #tpu.memory_space<hbm>>
          tpu.enqueue_dma source(%dma_start3A_503 : memref<2x4x128xi32, #tpu.memory_space<hbm>>) target(%dma_start3A_498 : memref<2x4x128xi32, #tpu.memory_space<vmem>>) target_semaphore(%arg22 : memref<!tpu.dma_semaphore, #tpu.memory_space<semaphore_mem>>)
          %add3A_504 = arith.constant 1 : i32
          %add3A_505 = arith.addi %scan3A_205, %add3A_504 : i32
          %sub3A_506 = arith.constant 1 : i32
          %sub3A_507 = arith.subi %sub3A_506, %scan3A_206 : i32
          %dma_start3A_508 = arith.constant 0 : i32
          %dma_start3A_509 = arith.constant 0 : i32
          %dma_start3A_510 = tpu.memref_slice %arg11[%sub3A_507, %dma_start3A_508, %dma_start3A_509] : memref<2x4x128xf32, #tpu.memory_space<vmem>> -> memref<1x4x128xf32, #tpu.memory_space<vmem>>
          %dma_start3A_511 = tpu.memref_squeeze %dma_start3A_510 : memref<1x4x128xf32, #tpu.memory_space<vmem>> -> memref<4x128xf32, #tpu.memory_space<vmem>>
          %dma_start3A_512 = arith.constant 0 : i32
          %dma_start3A_513 = arith.constant 0 : i32
          %dma_start3A_514 = tpu.memref_slice %arg4[%arg1, %add3A_505, %dma_start3A_512, %dma_start3A_513] : memref<16x98x4x128xf32, #tpu.memory_space<hbm>> -> memref<1x1x4x128xf32, #tpu.memory_space<hbm>>
          %dma_start3A_515 = tpu.memref_squeeze %dma_start3A_514 : memref<1x1x4x128xf32, #tpu.memory_space<hbm>> -> memref<4x128xf32, #tpu.memory_space<hbm>>
          %dma_start3A_516 = arith.constant 0 : i32
          %dma_start3A_517 = arith.constant 0 : i32
          %dma_start3A_518 = tpu.memref_slice %arg11[%sub3A_507, %dma_start3A_516, %dma_start3A_517] : memref<2x4x128xf32, #tpu.memory_space<vmem>> -> memref<1x4x128xf32, #tpu.memory_space<vmem>>
          %dma_start3A_519 = tpu.memref_squeeze %dma_start3A_518 : memref<1x4x128xf32, #tpu.memory_space<vmem>> -> memref<4x128xf32, #tpu.memory_space<vmem>>
          %dma_start3A_520 = arith.constant 0 : i32
          %dma_start3A_521 = arith.constant 0 : i32
          %dma_start3A_522 = tpu.memref_slice %arg4[%arg1, %add3A_505, %dma_start3A_520, %dma_start3A_521] : memref<16x98x4x128xf32, #tpu.memory_space<hbm>> -> memref<1x1x4x128xf32, #tpu.memory_space<hbm>>
          %dma_start3A_523 = tpu.memref_squeeze %dma_start3A_522 : memref<1x1x4x128xf32, #tpu.memory_space<hbm>> -> memref<4x128xf32, #tpu.memory_space<hbm>>
          tpu.enqueue_dma source(%dma_start3A_523 : memref<4x128xf32, #tpu.memory_space<hbm>>) target(%dma_start3A_519 : memref<4x128xf32, #tpu.memory_space<vmem>>) target_semaphore(%arg22 : memref<!tpu.dma_semaphore, #tpu.memory_space<semaphore_mem>>)
        } else {
        }
        %ge3A = arith.constant 1 : i32
        %ge3A_210 = arith.cmpi sge, %scan3A_205, %ge3A : i32
        %convert_element_type3A_211 = arith.extui %ge3A_210 : i1 to i32
        %cond3A_212 = arith.constant 0 : i32
        %cond3A_213 = arith.cmpi ne, %convert_element_type3A_211, %cond3A_212 : i32
        scf.if %cond3A_213 {
          %dma_wait3A_480 = arith.constant 3 : i32
          %dma_wait3A_481 = arith.constant 1 : i32
          %dma_wait3A_482 = arith.constant 0 : i32
          %dma_wait3A_483 = arith.constant 3 : i32
          %dma_wait3A_484 = arith.constant 0 : i32
          %dma_wait3A_485 = arith.constant 0 : i32
          %dma_wait3A_486 = tpu.memref_slice %arg12[%dma_wait3A_480, %dma_wait3A_484, %dma_wait3A_485] : memref<4x128x32xf32, #tpu.memory_space<vmem>> -> memref<1x128x32xf32, #tpu.memory_space<vmem>>
          %dma_wait3A_487 = tpu.memref_squeeze %dma_wait3A_486 : memref<1x128x32xf32, #tpu.memory_space<vmem>> -> memref<128x32xf32, #tpu.memory_space<vmem>>
          %dma_wait3A_488 = arith.constant 0 : i32
          %dma_wait3A_489 = tpu.memref_slice %arg10[%scan3A_206, %dma_wait3A_481, %dma_wait3A_482, %dma_wait3A_488] : memref<2x2x4x128xi32, #tpu.memory_space<vmem>> -> memref<1x1x1x128xi32, #tpu.memory_space<vmem>>
          %dma_wait3A_490 = tpu.memref_squeeze %dma_wait3A_489 : memref<1x1x1x128xi32, #tpu.memory_space<vmem>> -> memref<128xi32, #tpu.memory_space<vmem>>
          %dma_wait3A_491 = arith.constant 0 : i32
          %dma_wait3A_492 = arith.constant 0 : i32
          %dma_wait3A_493 = tpu.memref_slice %arg9[%dma_wait3A_491, %dma_wait3A_492] : memref<50176x32xf32, #tpu.memory_space<vmem_shared>> -> memref<50176x32xf32, #tpu.memory_space<vmem_shared>>
          %dma_wait3A_494 = tpu.memref_slice %arg21[%dma_wait3A_483] : memref<4x!tpu.dma_semaphore, #tpu.memory_space<semaphore_mem>> -> memref<1x!tpu.dma_semaphore, #tpu.memory_space<semaphore_mem>>
          %dma_wait3A_495 = tpu.memref_squeeze %dma_wait3A_494 : memref<1x!tpu.dma_semaphore, #tpu.memory_space<semaphore_mem>> -> memref<!tpu.dma_semaphore, #tpu.memory_space<semaphore_mem>>
          tpu.wait_indirect_dma semaphore(%dma_wait3A_495 : memref<!tpu.dma_semaphore, #tpu.memory_space<semaphore_mem>>) src(%dma_wait3A_487 : memref<128x32xf32, #tpu.memory_space<vmem>>) dst(%dma_wait3A_493 : memref<50176x32xf32, #tpu.memory_space<vmem_shared>>)
        } else {
        }
        %dma_start3A_214 = arith.constant 0 : i32
        %dma_start3A_215 = arith.constant 3 : i32
        %dma_start3A_216 = arith.constant 3 : i32
        %dma_start3A_217 = arith.constant 3 : i32
        %dma_start3A_218 = arith.constant 0 : i32
        %dma_start3A_219 = arith.constant 0 : i32
        %dma_start3A_220 = tpu.memref_slice %arg12[%dma_start3A_216, %dma_start3A_218, %dma_start3A_219] : memref<4x128x32xf32, #tpu.memory_space<vmem>> -> memref<1x128x32xf32, #tpu.memory_space<vmem>>
        %dma_start3A_221 = tpu.memref_squeeze %dma_start3A_220 : memref<1x128x32xf32, #tpu.memory_space<vmem>> -> memref<128x32xf32, #tpu.memory_space<vmem>>
        %dma_start3A_222 = arith.constant 0 : i32
        %dma_start3A_223 = tpu.memref_slice %arg10[%scan3A_206, %dma_start3A_214, %dma_start3A_215, %dma_start3A_222] : memref<2x2x4x128xi32, #tpu.memory_space<vmem>> -> memref<1x1x1x128xi32, #tpu.memory_space<vmem>>
        %dma_start3A_224 = tpu.memref_squeeze %dma_start3A_223 : memref<1x1x1x128xi32, #tpu.memory_space<vmem>> -> memref<128xi32, #tpu.memory_space<vmem>>
        %dma_start3A_225 = arith.constant 0 : i32
        %dma_start3A_226 = arith.constant 0 : i32
        %dma_start3A_227 = tpu.memref_slice %arg8[%sub3A_62, %arg0, %dma_start3A_225, %dma_start3A_226] : memref<12x2x50176x32xf32, #tpu.memory_space<hbm>> -> memref<1x1x50176x32xf32, #tpu.memory_space<hbm>>
        %dma_start3A_228 = tpu.memref_squeeze %dma_start3A_227 : memref<1x1x50176x32xf32, #tpu.memory_space<hbm>> -> memref<50176x32xf32, #tpu.memory_space<hbm>>
        %dma_start3A_229 = arith.constant 0 : i32
        %dma_start3A_230 = arith.constant 0 : i32
        %dma_start3A_231 = tpu.memref_slice %dma_start3A_228[%dma_start3A_229, %dma_start3A_230] : memref<50176x32xf32, #tpu.memory_space<hbm>> -> memref<50176x32xf32, #tpu.memory_space<hbm>>
        %dma_start3A_232 = tpu.memref_slice %arg20[%dma_start3A_217] : memref<4x!tpu.dma_semaphore, #tpu.memory_space<semaphore_mem>> -> memref<1x!tpu.dma_semaphore, #tpu.memory_space<semaphore_mem>>
        %dma_start3A_233 = tpu.memref_squeeze %dma_start3A_232 : memref<1x!tpu.dma_semaphore, #tpu.memory_space<semaphore_mem>> -> memref<!tpu.dma_semaphore, #tpu.memory_space<semaphore_mem>>
        tpu.enqueue_indirect_dma source(%dma_start3A_231 : memref<50176x32xf32, #tpu.memory_space<hbm>>) target(%dma_start3A_221 : memref<128x32xf32, #tpu.memory_space<vmem>>) offsets(%dma_start3A_224 : memref<128xi32, #tpu.memory_space<vmem>>) semaphore(%dma_start3A_233 : memref<!tpu.dma_semaphore, #tpu.memory_space<semaphore_mem>>)
        %dma_wait3A_234 = arith.constant 0 : i32
        %dma_wait3A_235 = arith.constant 0 : i32
        %dma_wait3A_236 = arith.constant 0 : i32
        %dma_wait3A_237 = arith.constant 0 : i32
        %dma_wait3A_238 = arith.constant 0 : i32
        %dma_wait3A_239 = arith.constant 0 : i32
        %dma_wait3A_240 = tpu.memref_slice %arg12[%dma_wait3A_236, %dma_wait3A_238, %dma_wait3A_239] : memref<4x128x32xf32, #tpu.memory_space<vmem>> -> memref<1x128x32xf32, #tpu.memory_space<vmem>>
        %dma_wait3A_241 = tpu.memref_squeeze %dma_wait3A_240 : memref<1x128x32xf32, #tpu.memory_space<vmem>> -> memref<128x32xf32, #tpu.memory_space<vmem>>
        %dma_wait3A_242 = arith.constant 0 : i32
        %dma_wait3A_243 = tpu.memref_slice %arg10[%scan3A_206, %dma_wait3A_234, %dma_wait3A_235, %dma_wait3A_242] : memref<2x2x4x128xi32, #tpu.memory_space<vmem>> -> memref<1x1x1x128xi32, #tpu.memory_space<vmem>>
        %dma_wait3A_244 = tpu.memref_squeeze %dma_wait3A_243 : memref<1x1x1x128xi32, #tpu.memory_space<vmem>> -> memref<128xi32, #tpu.memory_space<vmem>>
        %dma_wait3A_245 = arith.constant 0 : i32
        %dma_wait3A_246 = arith.constant 0 : i32
        %dma_wait3A_247 = tpu.memref_slice %arg8[%sub3A_62, %arg0, %dma_wait3A_245, %dma_wait3A_246] : memref<12x2x50176x32xf32, #tpu.memory_space<hbm>> -> memref<1x1x50176x32xf32, #tpu.memory_space<hbm>>
        %dma_wait3A_248 = tpu.memref_squeeze %dma_wait3A_247 : memref<1x1x50176x32xf32, #tpu.memory_space<hbm>> -> memref<50176x32xf32, #tpu.memory_space<hbm>>
        %dma_wait3A_249 = arith.constant 0 : i32
        %dma_wait3A_250 = arith.constant 0 : i32
        %dma_wait3A_251 = tpu.memref_slice %dma_wait3A_248[%dma_wait3A_249, %dma_wait3A_250] : memref<50176x32xf32, #tpu.memory_space<hbm>> -> memref<50176x32xf32, #tpu.memory_space<hbm>>
        %dma_wait3A_252 = tpu.memref_slice %arg20[%dma_wait3A_237] : memref<4x!tpu.dma_semaphore, #tpu.memory_space<semaphore_mem>> -> memref<1x!tpu.dma_semaphore, #tpu.memory_space<semaphore_mem>>
        %dma_wait3A_253 = tpu.memref_squeeze %dma_wait3A_252 : memref<1x!tpu.dma_semaphore, #tpu.memory_space<semaphore_mem>> -> memref<!tpu.dma_semaphore, #tpu.memory_space<semaphore_mem>>
        tpu.wait_indirect_dma semaphore(%dma_wait3A_253 : memref<!tpu.dma_semaphore, #tpu.memory_space<semaphore_mem>>) src(%dma_wait3A_251 : memref<50176x32xf32, #tpu.memory_space<hbm>>) dst(%dma_wait3A_241 : memref<128x32xf32, #tpu.memory_space<vmem>>)
        %scan3A_254 = arith.constant 0 : i32
        %scan3A_255 = arith.constant 0 : i32
        %scan3A_256 = arith.constant 8 : i32
        %scan3A_257 = arith.addi %scan3A_255, %scan3A_256 : i32
        %scan3A_258 = arith.constant 1 : i32
        scf.for %scan3A_480 = %scan3A_255 to %scan3A_257 step %scan3A_258  : i32 {
          %mul3A_481 = arith.constant 16 : i32
          %mul3A_482 = arith.muli %scan3A_480, %mul3A_481 : i32
          %get3A_483 = arith.constant 0 : i32
          %get3A_484 = arith.index_cast %scan3A_206 : i32 to index
          %get3A_485 = arith.index_cast %get3A_483 : i32 to index
          %get3A_486 = arith.index_cast %mul3A_482 : i32 to index
          %get3A_487 = tpu.vector_load %arg11[%get3A_484, %get3A_485, %get3A_486] {strides = array<i32>} : memref<2x4x128xf32, #tpu.memory_space<vmem>>, vector<1x1x16xf32>,
          %get3A_488 = vector.shape_cast %get3A_487 : vector<1x1x16xf32> to vector<16xf32>
          %mul3A_489 = arith.constant 16 : i32
          %mul3A_490 = arith.muli %scan3A_480, %mul3A_489 : i32
          %add3A_491 = arith.constant 0 : i32
          %add3A_492 = arith.addi %mul3A_490, %add3A_491 : i32
          %slice3A = vector.extract_strided_slice %get3A_488 {offsets = [0], sizes = [1], strides = [1]} : vector<16xf32> to vector<1xf32>
          %broadcast_in_dim3A_493 = vector.shape_cast %slice3A : vector<1xf32> to vector<1xf32>
          %broadcast_in_dim3A_494 = vector.broadcast %broadcast_in_dim3A_493 : vector<1xf32> to vector<16xf32>
          %get3A_495 = arith.constant 0 : i32
          %get3A_496 = arith.index_cast %get3A_495 : i32 to index
          %get3A_497 = arith.index_cast %add3A_492 : i32 to index
          %get3A_498 = arith.constant 0 : index
          %get3A_499 = tpu.vector_load %arg12[%get3A_496, %get3A_497, %get3A_498] {strides = array<i32>} : memref<4x128x32xf32, #tpu.memory_space<vmem>>, vector<1x1x16xf32>,
          %get3A_500 = vector.shape_cast %get3A_499 : vector<1x1x16xf32> to vector<16xf32>
          %mul3A_501 = arith.mulf %get3A_500, %broadcast_in_dim3A_494 : vector<16xf32>
          %swap3A = arith.constant 0 : i32
          %swap3A_502 = arith.index_cast %swap3A : i32 to index
          %swap3A_503 = arith.index_cast %add3A_492 : i32 to index
          %swap3A_504 = arith.constant 0 : index
          %swap3A_505 = tpu.vector_load %arg12[%swap3A_502, %swap3A_503, %swap3A_504] {strides = array<i32>} : memref<4x128x32xf32, #tpu.memory_space<vmem>>, vector<1x1x16xf32>,
          %swap3A_506 = vector.shape_cast %swap3A_505 : vector<1x1x16xf32> to vector<16xf32>
          %swap3A_507 = vector.shape_cast %mul3A_501 : vector<16xf32> to vector<1x1x16xf32>
          tpu.vector_store %arg12[%swap3A_502, %swap3A_503, %swap3A_504], %swap3A_507 {strides = array<i32>} : memref<4x128x32xf32, #tpu.memory_space<vmem>>, vector<1x1x16xf32>,
          %get3A_508 = arith.constant 0 : i32
          %get3A_509 = arith.index_cast %get3A_508 : i32 to index
          %get3A_510 = arith.index_cast %add3A_492 : i32 to index
          %get3A_511 = arith.constant 16 : index
          %get3A_512 = tpu.vector_load %arg12[%get3A_509, %get3A_510, %get3A_511] {strides = array<i32>} : memref<4x128x32xf32, #tpu.memory_space<vmem>>, vector<1x1x16xf32>,
          %get3A_513 = vector.shape_cast %get3A_512 : vector<1x1x16xf32> to vector<16xf32>
          %mul3A_514 = arith.mulf %get3A_513, %broadcast_in_dim3A_494 : vector<16xf32>
          %swap3A_515 = arith.constant 0 : i32
          %swap3A_516 = arith.index_cast %swap3A_515 : i32 to index
          %swap3A_517 = arith.index_cast %add3A_492 : i32 to index
          %swap3A_518 = arith.constant 16 : index
          %swap3A_519 = tpu.vector_load %arg12[%swap3A_516, %swap3A_517, %swap3A_518] {strides = array<i32>} : memref<4x128x32xf32, #tpu.memory_space<vmem>>, vector<1x1x16xf32>,
          %swap3A_520 = vector.shape_cast %swap3A_519 : vector<1x1x16xf32> to vector<16xf32>
          %swap3A_521 = vector.shape_cast %mul3A_514 : vector<16xf32> to vector<1x1x16xf32>
          tpu.vector_store %arg12[%swap3A_516, %swap3A_517, %swap3A_518], %swap3A_521 {strides = array<i32>} : memref<4x128x32xf32, #tpu.memory_space<vmem>>, vector<1x1x16xf32>,
          %mul3A_522 = arith.constant 16 : i32
          %mul3A_523 = arith.muli %scan3A_480, %mul3A_522 : i32
          %add3A_524 = arith.constant 1 : i32
          %add3A_525 = arith.addi %mul3A_523, %add3A_524 : i32
          %slice3A_526 = vector.extract_strided_slice %get3A_488 {offsets = [1], sizes = [1], strides = [1]} : vector<16xf32> to vector<1xf32>
          %broadcast_in_dim3A_527 = vector.shape_cast %slice3A_526 : vector<1xf32> to vector<1xf32>
          %broadcast_in_dim3A_528 = vector.broadcast %broadcast_in_dim3A_527 : vector<1xf32> to vector<16xf32>
          %get3A_529 = arith.constant 0 : i32
          %get3A_530 = arith.index_cast %get3A_529 : i32 to index
          %get3A_531 = arith.index_cast %add3A_525 : i32 to index
          %get3A_532 = arith.constant 0 : index
          %get3A_533 = tpu.vector_load %arg12[%get3A_530, %get3A_531, %get3A_532] {strides = array<i32>} : memref<4x128x32xf32, #tpu.memory_space<vmem>>, vector<1x1x16xf32>,
          %get3A_534 = vector.shape_cast %get3A_533 : vector<1x1x16xf32> to vector<16xf32>
          %mul3A_535 = arith.mulf %get3A_534, %broadcast_in_dim3A_528 : vector<16xf32>
          %swap3A_536 = arith.constant 0 : i32
          %swap3A_537 = arith.index_cast %swap3A_536 : i32 to index
          %swap3A_538 = arith.index_cast %add3A_525 : i32 to index
          %swap3A_539 = arith.constant 0 : index
          %swap3A_540 = tpu.vector_load %arg12[%swap3A_537, %swap3A_538, %swap3A_539] {strides = array<i32>} : memref<4x128x32xf32, #tpu.memory_space<vmem>>, vector<1x1x16xf32>,
          %swap3A_541 = vector.shape_cast %swap3A_540 : vector<1x1x16xf32> to vector<16xf32>
          %swap3A_542 = vector.shape_cast %mul3A_535 : vector<16xf32> to vector<1x1x16xf32>
          tpu.vector_store %arg12[%swap3A_537, %swap3A_538, %swap3A_539], %swap3A_542 {strides = array<i32>} : memref<4x128x32xf32, #tpu.memory_space<vmem>>, vector<1x1x16xf32>,
          %get3A_543 = arith.constant 0 : i32
          %get3A_544 = arith.index_cast %get3A_543 : i32 to index
          %get3A_545 = arith.index_cast %add3A_525 : i32 to index
          %get3A_546 = arith.constant 16 : index
          %get3A_547 = tpu.vector_load %arg12[%get3A_544, %get3A_545, %get3A_546] {strides = array<i32>} : memref<4x128x32xf32, #tpu.memory_space<vmem>>, vector<1x1x16xf32>,
          %get3A_548 = vector.shape_cast %get3A_547 : vector<1x1x16xf32> to vector<16xf32>
          %mul3A_549 = arith.mulf %get3A_548, %broadcast_in_dim3A_528 : vector<16xf32>
          %swap3A_550 = arith.constant 0 : i32
          %swap3A_551 = arith.index_cast %swap3A_550 : i32 to index
          %swap3A_552 = arith.index_cast %add3A_525 : i32 to index
          %swap3A_553 = arith.constant 16 : index
          %swap3A_554 = tpu.vector_load %arg12[%swap3A_551, %swap3A_552, %swap3A_553] {strides = array<i32>} : memref<4x128x32xf32, #tpu.memory_space<vmem>>, vector<1x1x16xf32>,
          %swap3A_555 = vector.shape_cast %swap3A_554 : vector<1x1x16xf32> to vector<16xf32>
          %swap3A_556 = vector.shape_cast %mul3A_549 : vector<16xf32> to vector<1x1x16xf32>
          tpu.vector_store %arg12[%swap3A_551, %swap3A_552, %swap3A_553], %swap3A_556 {strides = array<i32>} : memref<4x128x32xf32, #tpu.memory_space<vmem>>, vector<1x1x16xf32>,
          %mul3A_557 = arith.constant 16 : i32
          %mul3A_558 = arith.muli %scan3A_480, %mul3A_557 : i32
          %add3A_559 = arith.constant 2 : i32
          %add3A_560 = arith.addi %mul3A_558, %add3A_559 : i32
          %slice3A_561 = vector.extract_strided_slice %get3A_488 {offsets = [2], sizes = [1], strides = [1]} : vector<16xf32> to vector<1xf32>
          %broadcast_in_dim3A_562 = vector.shape_cast %slice3A_561 : vector<1xf32> to vector<1xf32>
          %broadcast_in_dim3A_563 = vector.broadcast %broadcast_in_dim3A_562 : vector<1xf32> to vector<16xf32>
          %get3A_564 = arith.constant 0 : i32
          %get3A_565 = arith.index_cast %get3A_564 : i32 to index
          %get3A_566 = arith.index_cast %add3A_560 : i32 to index
          %get3A_567 = arith.constant 0 : index
          %get3A_568 = tpu.vector_load %arg12[%get3A_565, %get3A_566, %get3A_567] {strides = array<i32>} : memref<4x128x32xf32, #tpu.memory_space<vmem>>, vector<1x1x16xf32>,
          %get3A_569 = vector.shape_cast %get3A_568 : vector<1x1x16xf32> to vector<16xf32>
          %mul3A_570 = arith.mulf %get3A_569, %broadcast_in_dim3A_563 : vector<16xf32>
          %swap3A_571 = arith.constant 0 : i32
          %swap3A_572 = arith.index_cast %swap3A_571 : i32 to index
          %swap3A_573 = arith.index_cast %add3A_560 : i32 to index
          %swap3A_574 = arith.constant 0 : index
          %swap3A_575 = tpu.vector_load %arg12[%swap3A_572, %swap3A_573, %swap3A_574] {strides = array<i32>} : memref<4x128x32xf32, #tpu.memory_space<vmem>>, vector<1x1x16xf32>,
          %swap3A_576 = vector.shape_cast %swap3A_575 : vector<1x1x16xf32> to vector<16xf32>
          %swap3A_577 = vector.shape_cast %mul3A_570 : vector<16xf32> to vector<1x1x16xf32>
          tpu.vector_store %arg12[%swap3A_572, %swap3A_573, %swap3A_574], %swap3A_577 {strides = array<i32>} : memref<4x128x32xf32, #tpu.memory_space<vmem>>, vector<1x1x16xf32>,
          %get3A_578 = arith.constant 0 : i32
          %get3A_579 = arith.index_cast %get3A_578 : i32 to index
          %get3A_580 = arith.index_cast %add3A_560 : i32 to index
          %get3A_581 = arith.constant 16 : index
          %get3A_582 = tpu.vector_load %arg12[%get3A_579, %get3A_580, %get3A_581] {strides = array<i32>} : memref<4x128x32xf32, #tpu.memory_space<vmem>>, vector<1x1x16xf32>,
          %get3A_583 = vector.shape_cast %get3A_582 : vector<1x1x16xf32> to vector<16xf32>
          %mul3A_584 = arith.mulf %get3A_583, %broadcast_in_dim3A_563 : vector<16xf32>
          %swap3A_585 = arith.constant 0 : i32
          %swap3A_586 = arith.index_cast %swap3A_585 : i32 to index
          %swap3A_587 = arith.index_cast %add3A_560 : i32 to index
          %swap3A_588 = arith.constant 16 : index
          %swap3A_589 = tpu.vector_load %arg12[%swap3A_586, %swap3A_587, %swap3A_588] {strides = array<i32>} : memref<4x128x32xf32, #tpu.memory_space<vmem>>, vector<1x1x16xf32>,
          %swap3A_590 = vector.shape_cast %swap3A_589 : vector<1x1x16xf32> to vector<16xf32>
          %swap3A_591 = vector.shape_cast %mul3A_584 : vector<16xf32> to vector<1x1x16xf32>
          tpu.vector_store %arg12[%swap3A_586, %swap3A_587, %swap3A_588], %swap3A_591 {strides = array<i32>} : memref<4x128x32xf32, #tpu.memory_space<vmem>>, vector<1x1x16xf32>,
          %mul3A_592 = arith.constant 16 : i32
          %mul3A_593 = arith.muli %scan3A_480, %mul3A_592 : i32
          %add3A_594 = arith.constant 3 : i32
          %add3A_595 = arith.addi %mul3A_593, %add3A_594 : i32
          %slice3A_596 = vector.extract_strided_slice %get3A_488 {offsets = [3], sizes = [1], strides = [1]} : vector<16xf32> to vector<1xf32>
          %broadcast_in_dim3A_597 = vector.shape_cast %slice3A_596 : vector<1xf32> to vector<1xf32>
          %broadcast_in_dim3A_598 = vector.broadcast %broadcast_in_dim3A_597 : vector<1xf32> to vector<16xf32>
          %get3A_599 = arith.constant 0 : i32
          %get3A_600 = arith.index_cast %get3A_599 : i32 to index
          %get3A_601 = arith.index_cast %add3A_595 : i32 to index
          %get3A_602 = arith.constant 0 : index
          %get3A_603 = tpu.vector_load %arg12[%get3A_600, %get3A_601, %get3A_602] {strides = array<i32>} : memref<4x128x32xf32, #tpu.memory_space<vmem>>, vector<1x1x16xf32>,
          %get3A_604 = vector.shape_cast %get3A_603 : vector<1x1x16xf32> to vector<16xf32>
          %mul3A_605 = arith.mulf %get3A_604, %broadcast_in_dim3A_598 : vector<16xf32>
          %swap3A_606 = arith.constant 0 : i32
          %swap3A_607 = arith.index_cast %swap3A_606 : i32 to index
          %swap3A_608 = arith.index_cast %add3A_595 : i32 to index
          %swap3A_609 = arith.constant 0 : index
          %swap3A_610 = tpu.vector_load %arg12[%swap3A_607, %swap3A_608, %swap3A_609] {strides = array<i32>} : memref<4x128x32xf32, #tpu.memory_space<vmem>>, vector<1x1x16xf32>,
          %swap3A_611 = vector.shape_cast %swap3A_610 : vector<1x1x16xf32> to vector<16xf32>
          %swap3A_612 = vector.shape_cast %mul3A_605 : vector<16xf32> to vector<1x1x16xf32>
          tpu.vector_store %arg12[%swap3A_607, %swap3A_608, %swap3A_609], %swap3A_612 {strides = array<i32>} : memref<4x128x32xf32, #tpu.memory_space<vmem>>, vector<1x1x16xf32>,
          %get3A_613 = arith.constant 0 : i32
          %get3A_614 = arith.index_cast %get3A_613 : i32 to index
          %get3A_615 = arith.index_cast %add3A_595 : i32 to index
          %get3A_616 = arith.constant 16 : index
          %get3A_617 = tpu.vector_load %arg12[%get3A_614, %get3A_615, %get3A_616] {strides = array<i32>} : memref<4x128x32xf32, #tpu.memory_space<vmem>>, vector<1x1x16xf32>,
          %get3A_618 = vector.shape_cast %get3A_617 : vector<1x1x16xf32> to vector<16xf32>
          %mul3A_619 = arith.mulf %get3A_618, %broadcast_in_dim3A_598 : vector<16xf32>
          %swap3A_620 = arith.constant 0 : i32
          %swap3A_621 = arith.index_cast %swap3A_620 : i32 to index
          %swap3A_622 = arith.index_cast %add3A_595 : i32 to index
          %swap3A_623 = arith.constant 16 : index
          %swap3A_624 = tpu.vector_load %arg12[%swap3A_621, %swap3A_622, %swap3A_623] {strides = array<i32>} : memref<4x128x32xf32, #tpu.memory_space<vmem>>, vector<1x1x16xf32>,
          %swap3A_625 = vector.shape_cast %swap3A_624 : vector<1x1x16xf32> to vector<16xf32>
          %swap3A_626 = vector.shape_cast %mul3A_619 : vector<16xf32> to vector<1x1x16xf32>
          tpu.vector_store %arg12[%swap3A_621, %swap3A_622, %swap3A_623], %swap3A_626 {strides = array<i32>} : memref<4x128x32xf32, #tpu.memory_space<vmem>>, vector<1x1x16xf32>,
          %mul3A_627 = arith.constant 16 : i32
          %mul3A_628 = arith.muli %scan3A_480, %mul3A_627 : i32
          %add3A_629 = arith.constant 4 : i32
          %add3A_630 = arith.addi %mul3A_628, %add3A_629 : i32
          %slice3A_631 = vector.extract_strided_slice %get3A_488 {offsets = [4], sizes = [1], strides = [1]} : vector<16xf32> to vector<1xf32>
          %broadcast_in_dim3A_632 = vector.shape_cast %slice3A_631 : vector<1xf32> to vector<1xf32>
          %broadcast_in_dim3A_633 = vector.broadcast %broadcast_in_dim3A_632 : vector<1xf32> to vector<16xf32>
          %get3A_634 = arith.constant 0 : i32
          %get3A_635 = arith.index_cast %get3A_634 : i32 to index
          %get3A_636 = arith.index_cast %add3A_630 : i32 to index
          %get3A_637 = arith.constant 0 : index
          %get3A_638 = tpu.vector_load %arg12[%get3A_635, %get3A_636, %get3A_637] {strides = array<i32>} : memref<4x128x32xf32, #tpu.memory_space<vmem>>, vector<1x1x16xf32>,
          %get3A_639 = vector.shape_cast %get3A_638 : vector<1x1x16xf32> to vector<16xf32>
          %mul3A_640 = arith.mulf %get3A_639, %broadcast_in_dim3A_633 : vector<16xf32>
          %swap3A_641 = arith.constant 0 : i32
          %swap3A_642 = arith.index_cast %swap3A_641 : i32 to index
          %swap3A_643 = arith.index_cast %add3A_630 : i32 to index
          %swap3A_644 = arith.constant 0 : index
          %swap3A_645 = tpu.vector_load %arg12[%swap3A_642, %swap3A_643, %swap3A_644] {strides = array<i32>} : memref<4x128x32xf32, #tpu.memory_space<vmem>>, vector<1x1x16xf32>,
          %swap3A_646 = vector.shape_cast %swap3A_645 : vector<1x1x16xf32> to vector<16xf32>
          %swap3A_647 = vector.shape_cast %mul3A_640 : vector<16xf32> to vector<1x1x16xf32>
          tpu.vector_store %arg12[%swap3A_642, %swap3A_643, %swap3A_644], %swap3A_647 {strides = array<i32>} : memref<4x128x32xf32, #tpu.memory_space<vmem>>, vector<1x1x16xf32>,
          %get3A_648 = arith.constant 0 : i32
          %get3A_649 = arith.index_cast %get3A_648 : i32 to index
          %get3A_650 = arith.index_cast %add3A_630 : i32 to index
          %get3A_651 = arith.constant 16 : index
          %get3A_652 = tpu.vector_load %arg12[%get3A_649, %get3A_650, %get3A_651] {strides = array<i32>} : memref<4x128x32xf32, #tpu.memory_space<vmem>>, vector<1x1x16xf32>,
          %get3A_653 = vector.shape_cast %get3A_652 : vector<1x1x16xf32> to vector<16xf32>
          %mul3A_654 = arith.mulf %get3A_653, %broadcast_in_dim3A_633 : vector<16xf32>
          %swap3A_655 = arith.constant 0 : i32
          %swap3A_656 = arith.index_cast %swap3A_655 : i32 to index
          %swap3A_657 = arith.index_cast %add3A_630 : i32 to index
          %swap3A_658 = arith.constant 16 : index
          %swap3A_659 = tpu.vector_load %arg12[%swap3A_656, %swap3A_657, %swap3A_658] {strides = array<i32>} : memref<4x128x32xf32, #tpu.memory_space<vmem>>, vector<1x1x16xf32>,
          %swap3A_660 = vector.shape_cast %swap3A_659 : vector<1x1x16xf32> to vector<16xf32>
          %swap3A_661 = vector.shape_cast %mul3A_654 : vector<16xf32> to vector<1x1x16xf32>
          tpu.vector_store %arg12[%swap3A_656, %swap3A_657, %swap3A_658], %swap3A_661 {strides = array<i32>} : memref<4x128x32xf32, #tpu.memory_space<vmem>>, vector<1x1x16xf32>,
          %mul3A_662 = arith.constant 16 : i32
          %mul3A_663 = arith.muli %scan3A_480, %mul3A_662 : i32
          %add3A_664 = arith.constant 5 : i32
          %add3A_665 = arith.addi %mul3A_663, %add3A_664 : i32
          %slice3A_666 = vector.extract_strided_slice %get3A_488 {offsets = [5], sizes = [1], strides = [1]} : vector<16xf32> to vector<1xf32>
          %broadcast_in_dim3A_667 = vector.shape_cast %slice3A_666 : vector<1xf32> to vector<1xf32>
          %broadcast_in_dim3A_668 = vector.broadcast %broadcast_in_dim3A_667 : vector<1xf32> to vector<16xf32>
          %get3A_669 = arith.constant 0 : i32
          %get3A_670 = arith.index_cast %get3A_669 : i32 to index
          %get3A_671 = arith.index_cast %add3A_665 : i32 to index
          %get3A_672 = arith.constant 0 : index
          %get3A_673 = tpu.vector_load %arg12[%get3A_670, %get3A_671, %get3A_672] {strides = array<i32>} : memref<4x128x32xf32, #tpu.memory_space<vmem>>, vector<1x1x16xf32>,
          %get3A_674 = vector.shape_cast %get3A_673 : vector<1x1x16xf32> to vector<16xf32>
          %mul3A_675 = arith.mulf %get3A_674, %broadcast_in_dim3A_668 : vector<16xf32>
          %swap3A_676 = arith.constant 0 : i32
          %swap3A_677 = arith.index_cast %swap3A_676 : i32 to index
          %swap3A_678 = arith.index_cast %add3A_665 : i32 to index
          %swap3A_679 = arith.constant 0 : index
          %swap3A_680 = tpu.vector_load %arg12[%swap3A_677, %swap3A_678, %swap3A_679] {strides = array<i32>} : memref<4x128x32xf32, #tpu.memory_space<vmem>>, vector<1x1x16xf32>,
          %swap3A_681 = vector.shape_cast %swap3A_680 : vector<1x1x16xf32> to vector<16xf32>
          %swap3A_682 = vector.shape_cast %mul3A_675 : vector<16xf32> to vector<1x1x16xf32>
          tpu.vector_store %arg12[%swap3A_677, %swap3A_678, %swap3A_679], %swap3A_682 {strides = array<i32>} : memref<4x128x32xf32, #tpu.memory_space<vmem>>, vector<1x1x16xf32>,
          %get3A_683 = arith.constant 0 : i32
          %get3A_684 = arith.index_cast %get3A_683 : i32 to index
          %get3A_685 = arith.index_cast %add3A_665 : i32 to index
          %get3A_686 = arith.constant 16 : index
          %get3A_687 = tpu.vector_load %arg12[%get3A_684, %get3A_685, %get3A_686] {strides = array<i32>} : memref<4x128x32xf32, #tpu.memory_space<vmem>>, vector<1x1x16xf32>,
          %get3A_688 = vector.shape_cast %get3A_687 : vector<1x1x16xf32> to vector<16xf32>
          %mul3A_689 = arith.mulf %get3A_688, %broadcast_in_dim3A_668 : vector<16xf32>
          %swap3A_690 = arith.constant 0 : i32
          %swap3A_691 = arith.index_cast %swap3A_690 : i32 to index
          %swap3A_692 = arith.index_cast %add3A_665 : i32 to index
          %swap3A_693 = arith.constant 16 : index
          %swap3A_694 = tpu.vector_load %arg12[%swap3A_691, %swap3A_692, %swap3A_693] {strides = array<i32>} : memref<4x128x32xf32, #tpu.memory_space<vmem>>, vector<1x1x16xf32>,
          %swap3A_695 = vector.shape_cast %swap3A_694 : vector<1x1x16xf32> to vector<16xf32>
          %swap3A_696 = vector.shape_cast %mul3A_689 : vector<16xf32> to vector<1x1x16xf32>
          tpu.vector_store %arg12[%swap3A_691, %swap3A_692, %swap3A_693], %swap3A_696 {strides = array<i32>} : memref<4x128x32xf32, #tpu.memory_space<vmem>>, vector<1x1x16xf32>,
          %mul3A_697 = arith.constant 16 : i32
          %mul3A_698 = arith.muli %scan3A_480, %mul3A_697 : i32
          %add3A_699 = arith.constant 6 : i32
          %add3A_700 = arith.addi %mul3A_698, %add3A_699 : i32
          %slice3A_701 = vector.extract_strided_slice %get3A_488 {offsets = [6], sizes = [1], strides = [1]} : vector<16xf32> to vector<1xf32>
          %broadcast_in_dim3A_702 = vector.shape_cast %slice3A_701 : vector<1xf32> to vector<1xf32>
          %broadcast_in_dim3A_703 = vector.broadcast %broadcast_in_dim3A_702 : vector<1xf32> to vector<16xf32>
          %get3A_704 = arith.constant 0 : i32
          %get3A_705 = arith.index_cast %get3A_704 : i32 to index
          %get3A_706 = arith.index_cast %add3A_700 : i32 to index
          %get3A_707 = arith.constant 0 : index
          %get3A_708 = tpu.vector_load %arg12[%get3A_705, %get3A_706, %get3A_707] {strides = array<i32>} : memref<4x128x32xf32, #tpu.memory_space<vmem>>, vector<1x1x16xf32>,
          %get3A_709 = vector.shape_cast %get3A_708 : vector<1x1x16xf32> to vector<16xf32>
          %mul3A_710 = arith.mulf %get3A_709, %broadcast_in_dim3A_703 : vector<16xf32>
          %swap3A_711 = arith.constant 0 : i32
          %swap3A_712 = arith.index_cast %swap3A_711 : i32 to index
          %swap3A_713 = arith.index_cast %add3A_700 : i32 to index
          %swap3A_714 = arith.constant 0 : index
          %swap3A_715 = tpu.vector_load %arg12[%swap3A_712, %swap3A_713, %swap3A_714] {strides = array<i32>} : memref<4x128x32xf32, #tpu.memory_space<vmem>>, vector<1x1x16xf32>,
          %swap3A_716 = vector.shape_cast %swap3A_715 : vector<1x1x16xf32> to vector<16xf32>
          %swap3A_717 = vector.shape_cast %mul3A_710 : vector<16xf32> to vector<1x1x16xf32>
          tpu.vector_store %arg12[%swap3A_712, %swap3A_713, %swap3A_714], %swap3A_717 {strides = array<i32>} : memref<4x128x32xf32, #tpu.memory_space<vmem>>, vector<1x1x16xf32>,
          %get3A_718 = arith.constant 0 : i32
          %get3A_719 = arith.index_cast %get3A_718 : i32 to index
          %get3A_720 = arith.index_cast %add3A_700 : i32 to index
          %get3A_721 = arith.constant 16 : index
          %get3A_722 = tpu.vector_load %arg12[%get3A_719, %get3A_720, %get3A_721] {strides = array<i32>} : memref<4x128x32xf32, #tpu.memory_space<vmem>>, vector<1x1x16xf32>,
          %get3A_723 = vector.shape_cast %get3A_722 : vector<1x1x16xf32> to vector<16xf32>
          %mul3A_724 = arith.mulf %get3A_723, %broadcast_in_dim3A_703 : vector<16xf32>
          %swap3A_725 = arith.constant 0 : i32
          %swap3A_726 = arith.index_cast %swap3A_725 : i32 to index
          %swap3A_727 = arith.index_cast %add3A_700 : i32 to index
          %swap3A_728 = arith.constant 16 : index
          %swap3A_729 = tpu.vector_load %arg12[%swap3A_726, %swap3A_727, %swap3A_728] {strides = array<i32>} : memref<4x128x32xf32, #tpu.memory_space<vmem>>, vector<1x1x16xf32>,
          %swap3A_730 = vector.shape_cast %swap3A_729 : vector<1x1x16xf32> to vector<16xf32>
          %swap3A_731 = vector.shape_cast %mul3A_724 : vector<16xf32> to vector<1x1x16xf32>
          tpu.vector_store %arg12[%swap3A_726, %swap3A_727, %swap3A_728], %swap3A_731 {strides = array<i32>} : memref<4x128x32xf32, #tpu.memory_space<vmem>>, vector<1x1x16xf32>,
          %mul3A_732 = arith.constant 16 : i32
          %mul3A_733 = arith.muli %scan3A_480, %mul3A_732 : i32
          %add3A_734 = arith.constant 7 : i32
          %add3A_735 = arith.addi %mul3A_733, %add3A_734 : i32
          %slice3A_736 = vector.extract_strided_slice %get3A_488 {offsets = [7], sizes = [1], strides = [1]} : vector<16xf32> to vector<1xf32>
          %broadcast_in_dim3A_737 = vector.shape_cast %slice3A_736 : vector<1xf32> to vector<1xf32>
          %broadcast_in_dim3A_738 = vector.broadcast %broadcast_in_dim3A_737 : vector<1xf32> to vector<16xf32>
          %get3A_739 = arith.constant 0 : i32
          %get3A_740 = arith.index_cast %get3A_739 : i32 to index
          %get3A_741 = arith.index_cast %add3A_735 : i32 to index
          %get3A_742 = arith.constant 0 : index
          %get3A_743 = tpu.vector_load %arg12[%get3A_740, %get3A_741, %get3A_742] {strides = array<i32>} : memref<4x128x32xf32, #tpu.memory_space<vmem>>, vector<1x1x16xf32>,
          %get3A_744 = vector.shape_cast %get3A_743 : vector<1x1x16xf32> to vector<16xf32>
          %mul3A_745 = arith.mulf %get3A_744, %broadcast_in_dim3A_738 : vector<16xf32>
          %swap3A_746 = arith.constant 0 : i32
          %swap3A_747 = arith.index_cast %swap3A_746 : i32 to index
          %swap3A_748 = arith.index_cast %add3A_735 : i32 to index
          %swap3A_749 = arith.constant 0 : index
          %swap3A_750 = tpu.vector_load %arg12[%swap3A_747, %swap3A_748, %swap3A_749] {strides = array<i32>} : memref<4x128x32xf32, #tpu.memory_space<vmem>>, vector<1x1x16xf32>,
          %swap3A_751 = vector.shape_cast %swap3A_750 : vector<1x1x16xf32> to vector<16xf32>
          %swap3A_752 = vector.shape_cast %mul3A_745 : vector<16xf32> to vector<1x1x16xf32>
          tpu.vector_store %arg12[%swap3A_747, %swap3A_748, %swap3A_749], %swap3A_752 {strides = array<i32>} : memref<4x128x32xf32, #tpu.memory_space<vmem>>, vector<1x1x16xf32>,
          %get3A_753 = arith.constant 0 : i32
          %get3A_754 = arith.index_cast %get3A_753 : i32 to index
          %get3A_755 = arith.index_cast %add3A_735 : i32 to index
          %get3A_756 = arith.constant 16 : index
          %get3A_757 = tpu.vector_load %arg12[%get3A_754, %get3A_755, %get3A_756] {strides = array<i32>} : memref<4x128x32xf32, #tpu.memory_space<vmem>>, vector<1x1x16xf32>,
          %get3A_758 = vector.shape_cast %get3A_757 : vector<1x1x16xf32> to vector<16xf32>
          %mul3A_759 = arith.mulf %get3A_758, %broadcast_in_dim3A_738 : vector<16xf32>
          %swap3A_760 = arith.constant 0 : i32
          %swap3A_761 = arith.index_cast %swap3A_760 : i32 to index
          %swap3A_762 = arith.index_cast %add3A_735 : i32 to index
          %swap3A_763 = arith.constant 16 : index
          %swap3A_764 = tpu.vector_load %arg12[%swap3A_761, %swap3A_762, %swap3A_763] {strides = array<i32>} : memref<4x128x32xf32, #tpu.memory_space<vmem>>, vector<1x1x16xf32>,
          %swap3A_765 = vector.shape_cast %swap3A_764 : vector<1x1x16xf32> to vector<16xf32>
          %swap3A_766 = vector.shape_cast %mul3A_759 : vector<16xf32> to vector<1x1x16xf32>
          tpu.vector_store %arg12[%swap3A_761, %swap3A_762, %swap3A_763], %swap3A_766 {strides = array<i32>} : memref<4x128x32xf32, #tpu.memory_space<vmem>>, vector<1x1x16xf32>,
          %mul3A_767 = arith.constant 16 : i32
          %mul3A_768 = arith.muli %scan3A_480, %mul3A_767 : i32
          %add3A_769 = arith.constant 8 : i32
          %add3A_770 = arith.addi %mul3A_768, %add3A_769 : i32
          %slice3A_771 = vector.extract_strided_slice %get3A_488 {offsets = [8], sizes = [1], strides = [1]} : vector<16xf32> to vector<1xf32>
          %broadcast_in_dim3A_772 = vector.shape_cast %slice3A_771 : vector<1xf32> to vector<1xf32>
          %broadcast_in_dim3A_773 = vector.broadcast %broadcast_in_dim3A_772 : vector<1xf32> to vector<16xf32>
          %get3A_774 = arith.constant 0 : i32
          %get3A_775 = arith.index_cast %get3A_774 : i32 to index
          %get3A_776 = arith.index_cast %add3A_770 : i32 to index
          %get3A_777 = arith.constant 0 : index
          %get3A_778 = tpu.vector_load %arg12[%get3A_775, %get3A_776, %get3A_777] {strides = array<i32>} : memref<4x128x32xf32, #tpu.memory_space<vmem>>, vector<1x1x16xf32>,
          %get3A_779 = vector.shape_cast %get3A_778 : vector<1x1x16xf32> to vector<16xf32>
          %mul3A_780 = arith.mulf %get3A_779, %broadcast_in_dim3A_773 : vector<16xf32>
          %swap3A_781 = arith.constant 0 : i32
          %swap3A_782 = arith.index_cast %swap3A_781 : i32 to index
          %swap3A_783 = arith.index_cast %add3A_770 : i32 to index
          %swap3A_784 = arith.constant 0 : index
          %swap3A_785 = tpu.vector_load %arg12[%swap3A_782, %swap3A_783, %swap3A_784] {strides = array<i32>} : memref<4x128x32xf32, #tpu.memory_space<vmem>>, vector<1x1x16xf32>,
          %swap3A_786 = vector.shape_cast %swap3A_785 : vector<1x1x16xf32> to vector<16xf32>
          %swap3A_787 = vector.shape_cast %mul3A_780 : vector<16xf32> to vector<1x1x16xf32>
          tpu.vector_store %arg12[%swap3A_782, %swap3A_783, %swap3A_784], %swap3A_787 {strides = array<i32>} : memref<4x128x32xf32, #tpu.memory_space<vmem>>, vector<1x1x16xf32>,
          %get3A_788 = arith.constant 0 : i32
          %get3A_789 = arith.index_cast %get3A_788 : i32 to index
          %get3A_790 = arith.index_cast %add3A_770 : i32 to index
          %get3A_791 = arith.constant 16 : index
          %get3A_792 = tpu.vector_load %arg12[%get3A_789, %get3A_790, %get3A_791] {strides = array<i32>} : memref<4x128x32xf32, #tpu.memory_space<vmem>>, vector<1x1x16xf32>,
          %get3A_793 = vector.shape_cast %get3A_792 : vector<1x1x16xf32> to vector<16xf32>
          %mul3A_794 = arith.mulf %get3A_793, %broadcast_in_dim3A_773 : vector<16xf32>
          %swap3A_795 = arith.constant 0 : i32
          %swap3A_796 = arith.index_cast %swap3A_795 : i32 to index
          %swap3A_797 = arith.index_cast %add3A_770 : i32 to index
          %swap3A_798 = arith.constant 16 : index
          %swap3A_799 = tpu.vector_load %arg12[%swap3A_796, %swap3A_797, %swap3A_798] {strides = array<i32>} : memref<4x128x32xf32, #tpu.memory_space<vmem>>, vector<1x1x16xf32>,
          %swap3A_800 = vector.shape_cast %swap3A_799 : vector<1x1x16xf32> to vector<16xf32>
          %swap3A_801 = vector.shape_cast %mul3A_794 : vector<16xf32> to vector<1x1x16xf32>
          tpu.vector_store %arg12[%swap3A_796, %swap3A_797, %swap3A_798], %swap3A_801 {strides = array<i32>} : memref<4x128x32xf32, #tpu.memory_space<vmem>>, vector<1x1x16xf32>,
          %mul3A_802 = arith.constant 16 : i32
          %mul3A_803 = arith.muli %scan3A_480, %mul3A_802 : i32
          %add3A_804 = arith.constant 9 : i32
          %add3A_805 = arith.addi %mul3A_803, %add3A_804 : i32
          %slice3A_806 = vector.extract_strided_slice %get3A_488 {offsets = [9], sizes = [1], strides = [1]} : vector<16xf32> to vector<1xf32>
          %broadcast_in_dim3A_807 = vector.shape_cast %slice3A_806 : vector<1xf32> to vector<1xf32>
          %broadcast_in_dim3A_808 = vector.broadcast %broadcast_in_dim3A_807 : vector<1xf32> to vector<16xf32>
          %get3A_809 = arith.constant 0 : i32
          %get3A_810 = arith.index_cast %get3A_809 : i32 to index
          %get3A_811 = arith.index_cast %add3A_805 : i32 to index
          %get3A_812 = arith.constant 0 : index
          %get3A_813 = tpu.vector_load %arg12[%get3A_810, %get3A_811, %get3A_812] {strides = array<i32>} : memref<4x128x32xf32, #tpu.memory_space<vmem>>, vector<1x1x16xf32>,
          %get3A_814 = vector.shape_cast %get3A_813 : vector<1x1x16xf32> to vector<16xf32>
          %mul3A_815 = arith.mulf %get3A_814, %broadcast_in_dim3A_808 : vector<16xf32>
          %swap3A_816 = arith.constant 0 : i32
          %swap3A_817 = arith.index_cast %swap3A_816 : i32 to index
          %swap3A_818 = arith.index_cast %add3A_805 : i32 to index
          %swap3A_819 = arith.constant 0 : index
          %swap3A_820 = tpu.vector_load %arg12[%swap3A_817, %swap3A_818, %swap3A_819] {strides = array<i32>} : memref<4x128x32xf32, #tpu.memory_space<vmem>>, vector<1x1x16xf32>,
          %swap3A_821 = vector.shape_cast %swap3A_820 : vector<1x1x16xf32> to vector<16xf32>
          %swap3A_822 = vector.shape_cast %mul3A_815 : vector<16xf32> to vector<1x1x16xf32>
          tpu.vector_store %arg12[%swap3A_817, %swap3A_818, %swap3A_819], %swap3A_822 {strides = array<i32>} : memref<4x128x32xf32, #tpu.memory_space<vmem>>, vector<1x1x16xf32>,
          %get3A_823 = arith.constant 0 : i32
          %get3A_824 = arith.index_cast %get3A_823 : i32 to index
          %get3A_825 = arith.index_cast %add3A_805 : i32 to index
          %get3A_826 = arith.constant 16 : index
          %get3A_827 = tpu.vector_load %arg12[%get3A_824, %get3A_825, %get3A_826] {strides = array<i32>} : memref<4x128x32xf32, #tpu.memory_space<vmem>>, vector<1x1x16xf32>,
          %get3A_828 = vector.shape_cast %get3A_827 : vector<1x1x16xf32> to vector<16xf32>
          %mul3A_829 = arith.mulf %get3A_828, %broadcast_in_dim3A_808 : vector<16xf32>
          %swap3A_830 = arith.constant 0 : i32
          %swap3A_831 = arith.index_cast %swap3A_830 : i32 to index
          %swap3A_832 = arith.index_cast %add3A_805 : i32 to index
          %swap3A_833 = arith.constant 16 : index
          %swap3A_834 = tpu.vector_load %arg12[%swap3A_831, %swap3A_832, %swap3A_833] {strides = array<i32>} : memref<4x128x32xf32, #tpu.memory_space<vmem>>, vector<1x1x16xf32>,
          %swap3A_835 = vector.shape_cast %swap3A_834 : vector<1x1x16xf32> to vector<16xf32>
          %swap3A_836 = vector.shape_cast %mul3A_829 : vector<16xf32> to vector<1x1x16xf32>
          tpu.vector_store %arg12[%swap3A_831, %swap3A_832, %swap3A_833], %swap3A_836 {strides = array<i32>} : memref<4x128x32xf32, #tpu.memory_space<vmem>>, vector<1x1x16xf32>,
          %mul3A_837 = arith.constant 16 : i32
          %mul3A_838 = arith.muli %scan3A_480, %mul3A_837 : i32
          %add3A_839 = arith.constant 10 : i32
          %add3A_840 = arith.addi %mul3A_838, %add3A_839 : i32
          %slice3A_841 = vector.extract_strided_slice %get3A_488 {offsets = [10], sizes = [1], strides = [1]} : vector<16xf32> to vector<1xf32>
          %broadcast_in_dim3A_842 = vector.shape_cast %slice3A_841 : vector<1xf32> to vector<1xf32>
          %broadcast_in_dim3A_843 = vector.broadcast %broadcast_in_dim3A_842 : vector<1xf32> to vector<16xf32>
          %get3A_844 = arith.constant 0 : i32
          %get3A_845 = arith.index_cast %get3A_844 : i32 to index
          %get3A_846 = arith.index_cast %add3A_840 : i32 to index
          %get3A_847 = arith.constant 0 : index
          %get3A_848 = tpu.vector_load %arg12[%get3A_845, %get3A_846, %get3A_847] {strides = array<i32>} : memref<4x128x32xf32, #tpu.memory_space<vmem>>, vector<1x1x16xf32>,
          %get3A_849 = vector.shape_cast %get3A_848 : vector<1x1x16xf32> to vector<16xf32>
          %mul3A_850 = arith.mulf %get3A_849, %broadcast_in_dim3A_843 : vector<16xf32>
          %swap3A_851 = arith.constant 0 : i32
          %swap3A_852 = arith.index_cast %swap3A_851 : i32 to index
          %swap3A_853 = arith.index_cast %add3A_840 : i32 to index
          %swap3A_854 = arith.constant 0 : index
          %swap3A_855 = tpu.vector_load %arg12[%swap3A_852, %swap3A_853, %swap3A_854] {strides = array<i32>} : memref<4x128x32xf32, #tpu.memory_space<vmem>>, vector<1x1x16xf32>,
          %swap3A_856 = vector.shape_cast %swap3A_855 : vector<1x1x16xf32> to vector<16xf32>
          %swap3A_857 = vector.shape_cast %mul3A_850 : vector<16xf32> to vector<1x1x16xf32>
          tpu.vector_store %arg12[%swap3A_852, %swap3A_853, %swap3A_854], %swap3A_857 {strides = array<i32>} : memref<4x128x32xf32, #tpu.memory_space<vmem>>, vector<1x1x16xf32>,
          %get3A_858 = arith.constant 0 : i32
          %get3A_859 = arith.index_cast %get3A_858 : i32 to index
          %get3A_860 = arith.index_cast %add3A_840 : i32 to index
          %get3A_861 = arith.constant 16 : index
          %get3A_862 = tpu.vector_load %arg12[%get3A_859, %get3A_860, %get3A_861] {strides = array<i32>} : memref<4x128x32xf32, #tpu.memory_space<vmem>>, vector<1x1x16xf32>,
          %get3A_863 = vector.shape_cast %get3A_862 : vector<1x1x16xf32> to vector<16xf32>
          %mul3A_864 = arith.mulf %get3A_863, %broadcast_in_dim3A_843 : vector<16xf32>
          %swap3A_865 = arith.constant 0 : i32
          %swap3A_866 = arith.index_cast %swap3A_865 : i32 to index
          %swap3A_867 = arith.index_cast %add3A_840 : i32 to index
          %swap3A_868 = arith.constant 16 : index
          %swap3A_869 = tpu.vector_load %arg12[%swap3A_866, %swap3A_867, %swap3A_868] {strides = array<i32>} : memref<4x128x32xf32, #tpu.memory_space<vmem>>, vector<1x1x16xf32>,
          %swap3A_870 = vector.shape_cast %swap3A_869 : vector<1x1x16xf32> to vector<16xf32>
          %swap3A_871 = vector.shape_cast %mul3A_864 : vector<16xf32> to vector<1x1x16xf32>
          tpu.vector_store %arg12[%swap3A_866, %swap3A_867, %swap3A_868], %swap3A_871 {strides = array<i32>} : memref<4x128x32xf32, #tpu.memory_space<vmem>>, vector<1x1x16xf32>,
          %mul3A_872 = arith.constant 16 : i32
          %mul3A_873 = arith.muli %scan3A_480, %mul3A_872 : i32
          %add3A_874 = arith.constant 11 : i32
          %add3A_875 = arith.addi %mul3A_873, %add3A_874 : i32
          %slice3A_876 = vector.extract_strided_slice %get3A_488 {offsets = [11], sizes = [1], strides = [1]} : vector<16xf32> to vector<1xf32>
          %broadcast_in_dim3A_877 = vector.shape_cast %slice3A_876 : vector<1xf32> to vector<1xf32>
          %broadcast_in_dim3A_878 = vector.broadcast %broadcast_in_dim3A_877 : vector<1xf32> to vector<16xf32>
          %get3A_879 = arith.constant 0 : i32
          %get3A_880 = arith.index_cast %get3A_879 : i32 to index
          %get3A_881 = arith.index_cast %add3A_875 : i32 to index
          %get3A_882 = arith.constant 0 : index
          %get3A_883 = tpu.vector_load %arg12[%get3A_880, %get3A_881, %get3A_882] {strides = array<i32>} : memref<4x128x32xf32, #tpu.memory_space<vmem>>, vector<1x1x16xf32>,
          %get3A_884 = vector.shape_cast %get3A_883 : vector<1x1x16xf32> to vector<16xf32>
          %mul3A_885 = arith.mulf %get3A_884, %broadcast_in_dim3A_878 : vector<16xf32>
          %swap3A_886 = arith.constant 0 : i32
          %swap3A_887 = arith.index_cast %swap3A_886 : i32 to index
          %swap3A_888 = arith.index_cast %add3A_875 : i32 to index
          %swap3A_889 = arith.constant 0 : index
          %swap3A_890 = tpu.vector_load %arg12[%swap3A_887, %swap3A_888, %swap3A_889] {strides = array<i32>} : memref<4x128x32xf32, #tpu.memory_space<vmem>>, vector<1x1x16xf32>,
          %swap3A_891 = vector.shape_cast %swap3A_890 : vector<1x1x16xf32> to vector<16xf32>
          %swap3A_892 = vector.shape_cast %mul3A_885 : vector<16xf32> to vector<1x1x16xf32>
          tpu.vector_store %arg12[%swap3A_887, %swap3A_888, %swap3A_889], %swap3A_892 {strides = array<i32>} : memref<4x128x32xf32, #tpu.memory_space<vmem>>, vector<1x1x16xf32>,
          %get3A_893 = arith.constant 0 : i32
          %get3A_894 = arith.index_cast %get3A_893 : i32 to index
          %get3A_895 = arith.index_cast %add3A_875 : i32 to index
          %get3A_896 = arith.constant 16 : index
          %get3A_897 = tpu.vector_load %arg12[%get3A_894, %get3A_895, %get3A_896] {strides = array<i32>} : memref<4x128x32xf32, #tpu.memory_space<vmem>>, vector<1x1x16xf32>,
          %get3A_898 = vector.shape_cast %get3A_897 : vector<1x1x16xf32> to vector<16xf32>
          %mul3A_899 = arith.mulf %get3A_898, %broadcast_in_dim3A_878 : vector<16xf32>
          %swap3A_900 = arith.constant 0 : i32
          %swap3A_901 = arith.index_cast %swap3A_900 : i32 to index
          %swap3A_902 = arith.index_cast %add3A_875 : i32 to index
          %swap3A_903 = arith.constant 16 : index
          %swap3A_904 = tpu.vector_load %arg12[%swap3A_901, %swap3A_902, %swap3A_903] {strides = array<i32>} : memref<4x128x32xf32, #tpu.memory_space<vmem>>, vector<1x1x16xf32>,
          %swap3A_905 = vector.shape_cast %swap3A_904 : vector<1x1x16xf32> to vector<16xf32>
          %swap3A_906 = vector.shape_cast %mul3A_899 : vector<16xf32> to vector<1x1x16xf32>
          tpu.vector_store %arg12[%swap3A_901, %swap3A_902, %swap3A_903], %swap3A_906 {strides = array<i32>} : memref<4x128x32xf32, #tpu.memory_space<vmem>>, vector<1x1x16xf32>,
          %mul3A_907 = arith.constant 16 : i32
          %mul3A_908 = arith.muli %scan3A_480, %mul3A_907 : i32
          %add3A_909 = arith.constant 12 : i32
          %add3A_910 = arith.addi %mul3A_908, %add3A_909 : i32
          %slice3A_911 = vector.extract_strided_slice %get3A_488 {offsets = [12], sizes = [1], strides = [1]} : vector<16xf32> to vector<1xf32>
          %broadcast_in_dim3A_912 = vector.shape_cast %slice3A_911 : vector<1xf32> to vector<1xf32>
          %broadcast_in_dim3A_913 = vector.broadcast %broadcast_in_dim3A_912 : vector<1xf32> to vector<16xf32>
          %get3A_914 = arith.constant 0 : i32
          %get3A_915 = arith.index_cast %get3A_914 : i32 to index
          %get3A_916 = arith.index_cast %add3A_910 : i32 to index
          %get3A_917 = arith.constant 0 : index
          %get3A_918 = tpu.vector_load %arg12[%get3A_915, %get3A_916, %get3A_917] {strides = array<i32>} : memref<4x128x32xf32, #tpu.memory_space<vmem>>, vector<1x1x16xf32>,
          %get3A_919 = vector.shape_cast %get3A_918 : vector<1x1x16xf32> to vector<16xf32>
          %mul3A_920 = arith.mulf %get3A_919, %broadcast_in_dim3A_913 : vector<16xf32>
          %swap3A_921 = arith.constant 0 : i32
          %swap3A_922 = arith.index_cast %swap3A_921 : i32 to index
          %swap3A_923 = arith.index_cast %add3A_910 : i32 to index
          %swap3A_924 = arith.constant 0 : index
          %swap3A_925 = tpu.vector_load %arg12[%swap3A_922, %swap3A_923, %swap3A_924] {strides = array<i32>} : memref<4x128x32xf32, #tpu.memory_space<vmem>>, vector<1x1x16xf32>,
          %swap3A_926 = vector.shape_cast %swap3A_925 : vector<1x1x16xf32> to vector<16xf32>
          %swap3A_927 = vector.shape_cast %mul3A_920 : vector<16xf32> to vector<1x1x16xf32>
          tpu.vector_store %arg12[%swap3A_922, %swap3A_923, %swap3A_924], %swap3A_927 {strides = array<i32>} : memref<4x128x32xf32, #tpu.memory_space<vmem>>, vector<1x1x16xf32>,
          %get3A_928 = arith.constant 0 : i32
          %get3A_929 = arith.index_cast %get3A_928 : i32 to index
          %get3A_930 = arith.index_cast %add3A_910 : i32 to index
          %get3A_931 = arith.constant 16 : index
          %get3A_932 = tpu.vector_load %arg12[%get3A_929, %get3A_930, %get3A_931] {strides = array<i32>} : memref<4x128x32xf32, #tpu.memory_space<vmem>>, vector<1x1x16xf32>,
          %get3A_933 = vector.shape_cast %get3A_932 : vector<1x1x16xf32> to vector<16xf32>
          %mul3A_934 = arith.mulf %get3A_933, %broadcast_in_dim3A_913 : vector<16xf32>
          %swap3A_935 = arith.constant 0 : i32
          %swap3A_936 = arith.index_cast %swap3A_935 : i32 to index
          %swap3A_937 = arith.index_cast %add3A_910 : i32 to index
          %swap3A_938 = arith.constant 16 : index
          %swap3A_939 = tpu.vector_load %arg12[%swap3A_936, %swap3A_937, %swap3A_938] {strides = array<i32>} : memref<4x128x32xf32, #tpu.memory_space<vmem>>, vector<1x1x16xf32>,
          %swap3A_940 = vector.shape_cast %swap3A_939 : vector<1x1x16xf32> to vector<16xf32>
          %swap3A_941 = vector.shape_cast %mul3A_934 : vector<16xf32> to vector<1x1x16xf32>
          tpu.vector_store %arg12[%swap3A_936, %swap3A_937, %swap3A_938], %swap3A_941 {strides = array<i32>} : memref<4x128x32xf32, #tpu.memory_space<vmem>>, vector<1x1x16xf32>,
          %mul3A_942 = arith.constant 16 : i32
          %mul3A_943 = arith.muli %scan3A_480, %mul3A_942 : i32
          %add3A_944 = arith.constant 13 : i32
          %add3A_945 = arith.addi %mul3A_943, %add3A_944 : i32
          %slice3A_946 = vector.extract_strided_slice %get3A_488 {offsets = [13], sizes = [1], strides = [1]} : vector<16xf32> to vector<1xf32>
          %broadcast_in_dim3A_947 = vector.shape_cast %slice3A_946 : vector<1xf32> to vector<1xf32>
          %broadcast_in_dim3A_948 = vector.broadcast %broadcast_in_dim3A_947 : vector<1xf32> to vector<16xf32>
          %get3A_949 = arith.constant 0 : i32
          %get3A_950 = arith.index_cast %get3A_949 : i32 to index
          %get3A_951 = arith.index_cast %add3A_945 : i32 to index
          %get3A_952 = arith.constant 0 : index
          %get3A_953 = tpu.vector_load %arg12[%get3A_950, %get3A_951, %get3A_952] {strides = array<i32>} : memref<4x128x32xf32, #tpu.memory_space<vmem>>, vector<1x1x16xf32>,
          %get3A_954 = vector.shape_cast %get3A_953 : vector<1x1x16xf32> to vector<16xf32>
          %mul3A_955 = arith.mulf %get3A_954, %broadcast_in_dim3A_948 : vector<16xf32>
          %swap3A_956 = arith.constant 0 : i32
          %swap3A_957 = arith.index_cast %swap3A_956 : i32 to index
          %swap3A_958 = arith.index_cast %add3A_945 : i32 to index
          %swap3A_959 = arith.constant 0 : index
          %swap3A_960 = tpu.vector_load %arg12[%swap3A_957, %swap3A_958, %swap3A_959] {strides = array<i32>} : memref<4x128x32xf32, #tpu.memory_space<vmem>>, vector<1x1x16xf32>,
          %swap3A_961 = vector.shape_cast %swap3A_960 : vector<1x1x16xf32> to vector<16xf32>
          %swap3A_962 = vector.shape_cast %mul3A_955 : vector<16xf32> to vector<1x1x16xf32>
          tpu.vector_store %arg12[%swap3A_957, %swap3A_958, %swap3A_959], %swap3A_962 {strides = array<i32>} : memref<4x128x32xf32, #tpu.memory_space<vmem>>, vector<1x1x16xf32>,
          %get3A_963 = arith.constant 0 : i32
          %get3A_964 = arith.index_cast %get3A_963 : i32 to index
          %get3A_965 = arith.index_cast %add3A_945 : i32 to index
          %get3A_966 = arith.constant 16 : index
          %get3A_967 = tpu.vector_load %arg12[%get3A_964, %get3A_965, %get3A_966] {strides = array<i32>} : memref<4x128x32xf32, #tpu.memory_space<vmem>>, vector<1x1x16xf32>,
          %get3A_968 = vector.shape_cast %get3A_967 : vector<1x1x16xf32> to vector<16xf32>
          %mul3A_969 = arith.mulf %get3A_968, %broadcast_in_dim3A_948 : vector<16xf32>
          %swap3A_970 = arith.constant 0 : i32
          %swap3A_971 = arith.index_cast %swap3A_970 : i32 to index
          %swap3A_972 = arith.index_cast %add3A_945 : i32 to index
          %swap3A_973 = arith.constant 16 : index
          %swap3A_974 = tpu.vector_load %arg12[%swap3A_971, %swap3A_972, %swap3A_973] {strides = array<i32>} : memref<4x128x32xf32, #tpu.memory_space<vmem>>, vector<1x1x16xf32>,
          %swap3A_975 = vector.shape_cast %swap3A_974 : vector<1x1x16xf32> to vector<16xf32>
          %swap3A_976 = vector.shape_cast %mul3A_969 : vector<16xf32> to vector<1x1x16xf32>
          tpu.vector_store %arg12[%swap3A_971, %swap3A_972, %swap3A_973], %swap3A_976 {strides = array<i32>} : memref<4x128x32xf32, #tpu.memory_space<vmem>>, vector<1x1x16xf32>,
          %mul3A_977 = arith.constant 16 : i32
          %mul3A_978 = arith.muli %scan3A_480, %mul3A_977 : i32
          %add3A_979 = arith.constant 14 : i32
          %add3A_980 = arith.addi %mul3A_978, %add3A_979 : i32
          %slice3A_981 = vector.extract_strided_slice %get3A_488 {offsets = [14], sizes = [1], strides = [1]} : vector<16xf32> to vector<1xf32>
          %broadcast_in_dim3A_982 = vector.shape_cast %slice3A_981 : vector<1xf32> to vector<1xf32>
          %broadcast_in_dim3A_983 = vector.broadcast %broadcast_in_dim3A_982 : vector<1xf32> to vector<16xf32>
          %get3A_984 = arith.constant 0 : i32
          %get3A_985 = arith.index_cast %get3A_984 : i32 to index
          %get3A_986 = arith.index_cast %add3A_980 : i32 to index
          %get3A_987 = arith.constant 0 : index
          %get3A_988 = tpu.vector_load %arg12[%get3A_985, %get3A_986, %get3A_987] {strides = array<i32>} : memref<4x128x32xf32, #tpu.memory_space<vmem>>, vector<1x1x16xf32>,
          %get3A_989 = vector.shape_cast %get3A_988 : vector<1x1x16xf32> to vector<16xf32>
          %mul3A_990 = arith.mulf %get3A_989, %broadcast_in_dim3A_983 : vector<16xf32>
          %swap3A_991 = arith.constant 0 : i32
          %swap3A_992 = arith.index_cast %swap3A_991 : i32 to index
          %swap3A_993 = arith.index_cast %add3A_980 : i32 to index
          %swap3A_994 = arith.constant 0 : index
          %swap3A_995 = tpu.vector_load %arg12[%swap3A_992, %swap3A_993, %swap3A_994] {strides = array<i32>} : memref<4x128x32xf32, #tpu.memory_space<vmem>>, vector<1x1x16xf32>,
          %swap3A_996 = vector.shape_cast %swap3A_995 : vector<1x1x16xf32> to vector<16xf32>
          %swap3A_997 = vector.shape_cast %mul3A_990 : vector<16xf32> to vector<1x1x16xf32>
          tpu.vector_store %arg12[%swap3A_992, %swap3A_993, %swap3A_994], %swap3A_997 {strides = array<i32>} : memref<4x128x32xf32, #tpu.memory_space<vmem>>, vector<1x1x16xf32>,
          %get3A_998 = arith.constant 0 : i32
          %get3A_999 = arith.index_cast %get3A_998 : i32 to index
          %get3A_1000 = arith.index_cast %add3A_980 : i32 to index
          %get3A_1001 = arith.constant 16 : index
          %get3A_1002 = tpu.vector_load %arg12[%get3A_999, %get3A_1000, %get3A_1001] {strides = array<i32>} : memref<4x128x32xf32, #tpu.memory_space<vmem>>, vector<1x1x16xf32>,
          %get3A_1003 = vector.shape_cast %get3A_1002 : vector<1x1x16xf32> to vector<16xf32>
          %mul3A_1004 = arith.mulf %get3A_1003, %broadcast_in_dim3A_983 : vector<16xf32>
          %swap3A_1005 = arith.constant 0 : i32
          %swap3A_1006 = arith.index_cast %swap3A_1005 : i32 to index
          %swap3A_1007 = arith.index_cast %add3A_980 : i32 to index
          %swap3A_1008 = arith.constant 16 : index
          %swap3A_1009 = tpu.vector_load %arg12[%swap3A_1006, %swap3A_1007, %swap3A_1008] {strides = array<i32>} : memref<4x128x32xf32, #tpu.memory_space<vmem>>, vector<1x1x16xf32>,
          %swap3A_1010 = vector.shape_cast %swap3A_1009 : vector<1x1x16xf32> to vector<16xf32>
          %swap3A_1011 = vector.shape_cast %mul3A_1004 : vector<16xf32> to vector<1x1x16xf32>
          tpu.vector_store %arg12[%swap3A_1006, %swap3A_1007, %swap3A_1008], %swap3A_1011 {strides = array<i32>} : memref<4x128x32xf32, #tpu.memory_space<vmem>>, vector<1x1x16xf32>,
          %mul3A_1012 = arith.constant 16 : i32
          %mul3A_1013 = arith.muli %scan3A_480, %mul3A_1012 : i32
          %add3A_1014 = arith.constant 15 : i32
          %add3A_1015 = arith.addi %mul3A_1013, %add3A_1014 : i32
          %slice3A_1016 = vector.extract_strided_slice %get3A_488 {offsets = [15], sizes = [1], strides = [1]} : vector<16xf32> to vector<1xf32>
          %broadcast_in_dim3A_1017 = vector.shape_cast %slice3A_1016 : vector<1xf32> to vector<1xf32>
          %broadcast_in_dim3A_1018 = vector.broadcast %broadcast_in_dim3A_1017 : vector<1xf32> to vector<16xf32>
          %get3A_1019 = arith.constant 0 : i32
          %get3A_1020 = arith.index_cast %get3A_1019 : i32 to index
          %get3A_1021 = arith.index_cast %add3A_1015 : i32 to index
          %get3A_1022 = arith.constant 0 : index
          %get3A_1023 = tpu.vector_load %arg12[%get3A_1020, %get3A_1021, %get3A_1022] {strides = array<i32>} : memref<4x128x32xf32, #tpu.memory_space<vmem>>, vector<1x1x16xf32>,
          %get3A_1024 = vector.shape_cast %get3A_1023 : vector<1x1x16xf32> to vector<16xf32>
          %mul3A_1025 = arith.mulf %get3A_1024, %broadcast_in_dim3A_1018 : vector<16xf32>
          %swap3A_1026 = arith.constant 0 : i32
          %swap3A_1027 = arith.index_cast %swap3A_1026 : i32 to index
          %swap3A_1028 = arith.index_cast %add3A_1015 : i32 to index
          %swap3A_1029 = arith.constant 0 : index
          %swap3A_1030 = tpu.vector_load %arg12[%swap3A_1027, %swap3A_1028, %swap3A_1029] {strides = array<i32>} : memref<4x128x32xf32, #tpu.memory_space<vmem>>, vector<1x1x16xf32>,
          %swap3A_1031 = vector.shape_cast %swap3A_1030 : vector<1x1x16xf32> to vector<16xf32>
          %swap3A_1032 = vector.shape_cast %mul3A_1025 : vector<16xf32> to vector<1x1x16xf32>
          tpu.vector_store %arg12[%swap3A_1027, %swap3A_1028, %swap3A_1029], %swap3A_1032 {strides = array<i32>} : memref<4x128x32xf32, #tpu.memory_space<vmem>>, vector<1x1x16xf32>,
          %get3A_1033 = arith.constant 0 : i32
          %get3A_1034 = arith.index_cast %get3A_1033 : i32 to index
          %get3A_1035 = arith.index_cast %add3A_1015 : i32 to index
          %get3A_1036 = arith.constant 16 : index
          %get3A_1037 = tpu.vector_load %arg12[%get3A_1034, %get3A_1035, %get3A_1036] {strides = array<i32>} : memref<4x128x32xf32, #tpu.memory_space<vmem>>, vector<1x1x16xf32>,
          %get3A_1038 = vector.shape_cast %get3A_1037 : vector<1x1x16xf32> to vector<16xf32>
          %mul3A_1039 = arith.mulf %get3A_1038, %broadcast_in_dim3A_1018 : vector<16xf32>
          %swap3A_1040 = arith.constant 0 : i32
          %swap3A_1041 = arith.index_cast %swap3A_1040 : i32 to index
          %swap3A_1042 = arith.index_cast %add3A_1015 : i32 to index
          %swap3A_1043 = arith.constant 16 : index
          %swap3A_1044 = tpu.vector_load %arg12[%swap3A_1041, %swap3A_1042, %swap3A_1043] {strides = array<i32>} : memref<4x128x32xf32, #tpu.memory_space<vmem>>, vector<1x1x16xf32>,
          %swap3A_1045 = vector.shape_cast %swap3A_1044 : vector<1x1x16xf32> to vector<16xf32>
          %swap3A_1046 = vector.shape_cast %mul3A_1039 : vector<16xf32> to vector<1x1x16xf32>
          tpu.vector_store %arg12[%swap3A_1041, %swap3A_1042, %swap3A_1043], %swap3A_1046 {strides = array<i32>} : memref<4x128x32xf32, #tpu.memory_space<vmem>>, vector<1x1x16xf32>,
        }
        %scan3A_259 = arith.constant 8 : i32
        %dma_start3A_260 = arith.constant 0 : i32
        %dma_start3A_261 = arith.constant 1 : i32
        %dma_start3A_262 = arith.constant 0 : i32
        %dma_start3A_263 = arith.constant 0 : i32
        %dma_start3A_264 = arith.constant 0 : i32
        %dma_start3A_265 = arith.constant 0 : i32
        %dma_start3A_266 = tpu.memref_slice %arg12[%dma_start3A_260, %dma_start3A_264, %dma_start3A_265] : memref<4x128x32xf32, #tpu.memory_space<vmem>> -> memref<1x128x32xf32, #tpu.memory_space<vmem>>
        %dma_start3A_267 = tpu.memref_squeeze %dma_start3A_266 : memref<1x128x32xf32, #tpu.memory_space<vmem>> -> memref<128x32xf32, #tpu.memory_space<vmem>>
        %dma_start3A_268 = arith.constant 0 : i32
        %dma_start3A_269 = tpu.memref_slice %arg10[%scan3A_206, %dma_start3A_261, %dma_start3A_262, %dma_start3A_268] : memref<2x2x4x128xi32, #tpu.memory_space<vmem>> -> memref<1x1x1x128xi32, #tpu.memory_space<vmem>>
        %dma_start3A_270 = tpu.memref_squeeze %dma_start3A_269 : memref<1x1x1x128xi32, #tpu.memory_space<vmem>> -> memref<128xi32, #tpu.memory_space<vmem>>
        %dma_start3A_271 = arith.constant 0 : i32
        %dma_start3A_272 = arith.constant 0 : i32
        %dma_start3A_273 = tpu.memref_slice %arg9[%dma_start3A_271, %dma_start3A_272] : memref<50176x32xf32, #tpu.memory_space<vmem_shared>> -> memref<50176x32xf32, #tpu.memory_space<vmem_shared>>
        %dma_start3A_274 = tpu.memref_slice %arg21[%dma_start3A_263] : memref<4x!tpu.dma_semaphore, #tpu.memory_space<semaphore_mem>> -> memref<1x!tpu.dma_semaphore, #tpu.memory_space<semaphore_mem>>
        %dma_start3A_275 = tpu.memref_squeeze %dma_start3A_274 : memref<1x!tpu.dma_semaphore, #tpu.memory_space<semaphore_mem>> -> memref<!tpu.dma_semaphore, #tpu.memory_space<semaphore_mem>>
        tpu.enqueue_indirect_dma source(%dma_start3A_267 : memref<128x32xf32, #tpu.memory_space<vmem>>) target(%dma_start3A_273 : memref<50176x32xf32, #tpu.memory_space<vmem_shared>>) offsets(%dma_start3A_270 : memref<128xi32, #tpu.memory_space<vmem>>) semaphore(%dma_start3A_275 : memref<!tpu.dma_semaphore, #tpu.memory_space<semaphore_mem>>) {add = true}
        %add3A_276 = arith.constant 1 : i32
        %add3A_277 = arith.addi %scan3A_205, %add3A_276 : i32
        %lt3A_278 = arith.constant 98 : i32
        %lt3A_279 = arith.cmpi slt, %add3A_277, %lt3A_278 : i32
        %convert_element_type3A_280 = arith.extui %lt3A_279 : i1 to i32
        %cond3A_281 = arith.constant 0 : i32
        %cond3A_282 = arith.cmpi ne, %convert_element_type3A_280, %cond3A_281 : i32
        scf.if %cond3A_282 {
          %sub3A_480 = arith.constant 1 : i32
          %sub3A_481 = arith.subi %sub3A_480, %scan3A_206 : i32
          %dma_wait3A_482 = arith.constant 0 : i32
          %dma_wait3A_483 = arith.constant 0 : i32
          %dma_wait3A_484 = arith.constant 0 : i32
          %dma_wait3A_485 = arith.constant 0 : i32
          %dma_wait3A_486 = tpu.memref_slice %arg10[%sub3A_481, %dma_wait3A_483, %dma_wait3A_484, %dma_wait3A_485] : memref<2x2x4x128xi32, #tpu.memory_space<vmem>> -> memref<1x2x4x128xi32, #tpu.memory_space<vmem>>
          %dma_wait3A_487 = tpu.memref_squeeze %dma_wait3A_486 : memref<1x2x4x128xi32, #tpu.memory_space<vmem>> -> memref<2x4x128xi32, #tpu.memory_space<vmem>>
          %dma_wait3A_488 = arith.constant 0 : i32
          %dma_wait3A_489 = arith.constant 0 : i32
          %dma_wait3A_490 = arith.constant 0 : i32
          %dma_wait3A_491 = tpu.memref_slice %arg3[%arg1, %dma_wait3A_482, %dma_wait3A_488, %dma_wait3A_489, %dma_wait3A_490] : memref<16x98x2x4x128xi32, #tpu.memory_space<hbm>> -> memref<1x1x2x4x128xi32, #tpu.memory_space<hbm>>
          %dma_wait3A_492 = tpu.memref_squeeze %dma_wait3A_491 : memref<1x1x2x4x128xi32, #tpu.memory_space<hbm>> -> memref<2x4x128xi32, #tpu.memory_space<hbm>>
          %dma_wait3A_493 = arith.constant 0 : i32
          %dma_wait3A_494 = arith.constant 0 : i32
          %dma_wait3A_495 = arith.constant 0 : i32
          %dma_wait3A_496 = tpu.memref_slice %arg10[%sub3A_481, %dma_wait3A_493, %dma_wait3A_494, %dma_wait3A_495] : memref<2x2x4x128xi32, #tpu.memory_space<vmem>> -> memref<1x2x4x128xi32, #tpu.memory_space<vmem>>
          %dma_wait3A_497 = tpu.memref_squeeze %dma_wait3A_496 : memref<1x2x4x128xi32, #tpu.memory_space<vmem>> -> memref<2x4x128xi32, #tpu.memory_space<vmem>>
          %dma_wait3A_498 = arith.constant 0 : i32
          %dma_wait3A_499 = arith.constant 0 : i32
          %dma_wait3A_500 = arith.constant 0 : i32
          %dma_wait3A_501 = tpu.memref_slice %arg3[%arg1, %dma_wait3A_482, %dma_wait3A_498, %dma_wait3A_499, %dma_wait3A_500] : memref<16x98x2x4x128xi32, #tpu.memory_space<hbm>> -> memref<1x1x2x4x128xi32, #tpu.memory_space<hbm>>
          %dma_wait3A_502 = tpu.memref_squeeze %dma_wait3A_501 : memref<1x1x2x4x128xi32, #tpu.memory_space<hbm>> -> memref<2x4x128xi32, #tpu.memory_space<hbm>>
          tpu.wait_dma2 semaphore(%arg22 : memref<!tpu.dma_semaphore, #tpu.memory_space<semaphore_mem>>) src(%dma_wait3A_502 : memref<2x4x128xi32, #tpu.memory_space<hbm>>) dst(%dma_wait3A_497 : memref<2x4x128xi32, #tpu.memory_space<vmem>>)
          %sub3A_503 = arith.constant 1 : i32
          %sub3A_504 = arith.subi %sub3A_503, %scan3A_206 : i32
          %dma_wait3A_505 = arith.constant 0 : i32
          %dma_wait3A_506 = arith.constant 0 : i32
          %dma_wait3A_507 = arith.constant 0 : i32
          %dma_wait3A_508 = tpu.memref_slice %arg11[%sub3A_504, %dma_wait3A_506, %dma_wait3A_507] : memref<2x4x128xf32, #tpu.memory_space<vmem>> -> memref<1x4x128xf32, #tpu.memory_space<vmem>>
          %dma_wait3A_509 = tpu.memref_squeeze %dma_wait3A_508 : memref<1x4x128xf32, #tpu.memory_space<vmem>> -> memref<4x128xf32, #tpu.memory_space<vmem>>
          %dma_wait3A_510 = arith.constant 0 : i32
          %dma_wait3A_511 = arith.constant 0 : i32
          %dma_wait3A_512 = tpu.memref_slice %arg4[%arg1, %dma_wait3A_505, %dma_wait3A_510, %dma_wait3A_511] : memref<16x98x4x128xf32, #tpu.memory_space<hbm>> -> memref<1x1x4x128xf32, #tpu.memory_space<hbm>>
          %dma_wait3A_513 = tpu.memref_squeeze %dma_wait3A_512 : memref<1x1x4x128xf32, #tpu.memory_space<hbm>> -> memref<4x128xf32, #tpu.memory_space<hbm>>
          %dma_wait3A_514 = arith.constant 0 : i32
          %dma_wait3A_515 = arith.constant 0 : i32
          %dma_wait3A_516 = tpu.memref_slice %arg11[%sub3A_504, %dma_wait3A_514, %dma_wait3A_515] : memref<2x4x128xf32, #tpu.memory_space<vmem>> -> memref<1x4x128xf32, #tpu.memory_space<vmem>>
          %dma_wait3A_517 = tpu.memref_squeeze %dma_wait3A_516 : memref<1x4x128xf32, #tpu.memory_space<vmem>> -> memref<4x128xf32, #tpu.memory_space<vmem>>
          %dma_wait3A_518 = arith.constant 0 : i32
          %dma_wait3A_519 = arith.constant 0 : i32
          %dma_wait3A_520 = tpu.memref_slice %arg4[%arg1, %dma_wait3A_505, %dma_wait3A_518, %dma_wait3A_519] : memref<16x98x4x128xf32, #tpu.memory_space<hbm>> -> memref<1x1x4x128xf32, #tpu.memory_space<hbm>>
          %dma_wait3A_521 = tpu.memref_squeeze %dma_wait3A_520 : memref<1x1x4x128xf32, #tpu.memory_space<hbm>> -> memref<4x128xf32, #tpu.memory_space<hbm>>
          tpu.wait_dma2 semaphore(%arg22 : memref<!tpu.dma_semaphore, #tpu.memory_space<semaphore_mem>>) src(%dma_wait3A_521 : memref<4x128xf32, #tpu.memory_space<hbm>>) dst(%dma_wait3A_517 : memref<4x128xf32, #tpu.memory_space<vmem>>)
        } else {
        }
        %dma_wait3A_283 = arith.constant 0 : i32
        %dma_wait3A_284 = arith.constant 1 : i32
        %dma_wait3A_285 = arith.constant 1 : i32
        %dma_wait3A_286 = arith.constant 0 : i32
        %dma_wait3A_287 = arith.constant 0 : i32
        %dma_wait3A_288 = arith.constant 0 : i32
        %dma_wait3A_289 = tpu.memref_slice %arg12[%dma_wait3A_283, %dma_wait3A_287, %dma_wait3A_288] : memref<4x128x32xf32, #tpu.memory_space<vmem>> -> memref<1x128x32xf32, #tpu.memory_space<vmem>>
        %dma_wait3A_290 = tpu.memref_squeeze %dma_wait3A_289 : memref<1x128x32xf32, #tpu.memory_space<vmem>> -> memref<128x32xf32, #tpu.memory_space<vmem>>
        %dma_wait3A_291 = arith.constant 0 : i32
        %dma_wait3A_292 = tpu.memref_slice %arg10[%scan3A_206, %dma_wait3A_284, %dma_wait3A_285, %dma_wait3A_291] : memref<2x2x4x128xi32, #tpu.memory_space<vmem>> -> memref<1x1x1x128xi32, #tpu.memory_space<vmem>>
        %dma_wait3A_293 = tpu.memref_squeeze %dma_wait3A_292 : memref<1x1x1x128xi32, #tpu.memory_space<vmem>> -> memref<128xi32, #tpu.memory_space<vmem>>
        %dma_wait3A_294 = arith.constant 0 : i32
        %dma_wait3A_295 = arith.constant 0 : i32
        %dma_wait3A_296 = tpu.memref_slice %arg9[%dma_wait3A_294, %dma_wait3A_295] : memref<50176x32xf32, #tpu.memory_space<vmem_shared>> -> memref<50176x32xf32, #tpu.memory_space<vmem_shared>>
        %dma_wait3A_297 = tpu.memref_slice %arg21[%dma_wait3A_286] : memref<4x!tpu.dma_semaphore, #tpu.memory_space<semaphore_mem>> -> memref<1x!tpu.dma_semaphore, #tpu.memory_space<semaphore_mem>>
        %dma_wait3A_298 = tpu.memref_squeeze %dma_wait3A_297 : memref<1x!tpu.dma_semaphore, #tpu.memory_space<semaphore_mem>> -> memref<!tpu.dma_semaphore, #tpu.memory_space<semaphore_mem>>
        tpu.wait_indirect_dma semaphore(%dma_wait3A_298 : memref<!tpu.dma_semaphore, #tpu.memory_space<semaphore_mem>>) src(%dma_wait3A_290 : memref<128x32xf32, #tpu.memory_space<vmem>>) dst(%dma_wait3A_296 : memref<50176x32xf32, #tpu.memory_space<vmem_shared>>)
        %add3A_299 = arith.constant 1 : i32
        %add3A_300 = arith.addi %scan3A_205, %add3A_299 : i32
        %lt3A_301 = arith.constant 98 : i32
        %lt3A_302 = arith.cmpi slt, %add3A_300, %lt3A_301 : i32
        %convert_element_type3A_303 = arith.extui %lt3A_302 : i1 to i32
        %cond3A_304 = arith.constant 0 : i32
        %cond3A_305 = arith.cmpi ne, %convert_element_type3A_303, %cond3A_304 : i32
        scf.if %cond3A_305 {
          %sub3A_480 = arith.constant 1 : i32
          %sub3A_481 = arith.subi %sub3A_480, %scan3A_206 : i32
          %dma_start3A_482 = arith.constant 0 : i32
          %dma_start3A_483 = arith.constant 0 : i32
          %dma_start3A_484 = arith.constant 0 : i32
          %dma_start3A_485 = arith.constant 0 : i32
          %dma_start3A_486 = arith.constant 0 : i32
          %dma_start3A_487 = arith.constant 0 : i32
          %dma_start3A_488 = tpu.memref_slice %arg12[%dma_start3A_484, %dma_start3A_486, %dma_start3A_487] : memref<4x128x32xf32, #tpu.memory_space<vmem>> -> memref<1x128x32xf32, #tpu.memory_space<vmem>>
          %dma_start3A_489 = tpu.memref_squeeze %dma_start3A_488 : memref<1x128x32xf32, #tpu.memory_space<vmem>> -> memref<128x32xf32, #tpu.memory_space<vmem>>
          %dma_start3A_490 = arith.constant 0 : i32
          %dma_start3A_491 = tpu.memref_slice %arg10[%sub3A_481, %dma_start3A_482, %dma_start3A_483, %dma_start3A_490] : memref<2x2x4x128xi32, #tpu.memory_space<vmem>> -> memref<1x1x1x128xi32, #tpu.memory_space<vmem>>
          %dma_start3A_492 = tpu.memref_squeeze %dma_start3A_491 : memref<1x1x1x128xi32, #tpu.memory_space<vmem>> -> memref<128xi32, #tpu.memory_space<vmem>>
          %dma_start3A_493 = arith.constant 0 : i32
          %dma_start3A_494 = arith.constant 0 : i32
          %dma_start3A_495 = tpu.memref_slice %arg8[%sub3A_62, %arg0, %dma_start3A_493, %dma_start3A_494] : memref<12x2x50176x32xf32, #tpu.memory_space<hbm>> -> memref<1x1x50176x32xf32, #tpu.memory_space<hbm>>
          %dma_start3A_496 = tpu.memref_squeeze %dma_start3A_495 : memref<1x1x50176x32xf32, #tpu.memory_space<hbm>> -> memref<50176x32xf32, #tpu.memory_space<hbm>>
          %dma_start3A_497 = arith.constant 0 : i32
          %dma_start3A_498 = arith.constant 0 : i32
          %dma_start3A_499 = tpu.memref_slice %dma_start3A_496[%dma_start3A_497, %dma_start3A_498] : memref<50176x32xf32, #tpu.memory_space<hbm>> -> memref<50176x32xf32, #tpu.memory_space<hbm>>
          %dma_start3A_500 = tpu.memref_slice %arg20[%dma_start3A_485] : memref<4x!tpu.dma_semaphore, #tpu.memory_space<semaphore_mem>> -> memref<1x!tpu.dma_semaphore, #tpu.memory_space<semaphore_mem>>
          %dma_start3A_501 = tpu.memref_squeeze %dma_start3A_500 : memref<1x!tpu.dma_semaphore, #tpu.memory_space<semaphore_mem>> -> memref<!tpu.dma_semaphore, #tpu.memory_space<semaphore_mem>>
          tpu.enqueue_indirect_dma source(%dma_start3A_499 : memref<50176x32xf32, #tpu.memory_space<hbm>>) target(%dma_start3A_489 : memref<128x32xf32, #tpu.memory_space<vmem>>) offsets(%dma_start3A_492 : memref<128xi32, #tpu.memory_space<vmem>>) semaphore(%dma_start3A_501 : memref<!tpu.dma_semaphore, #tpu.memory_space<semaphore_mem>>)
        } else {
        }
        %dma_wait3A_306 = arith.constant 0 : i32
        %dma_wait3A_307 = arith.constant 1 : i32
        %dma_wait3A_308 = arith.constant 1 : i32
        %dma_wait3A_309 = arith.constant 1 : i32
        %dma_wait3A_310 = arith.constant 0 : i32
        %dma_wait3A_311 = arith.constant 0 : i32
        %dma_wait3A_312 = tpu.memref_slice %arg12[%dma_wait3A_308, %dma_wait3A_310, %dma_wait3A_311] : memref<4x128x32xf32, #tpu.memory_space<vmem>> -> memref<1x128x32xf32, #tpu.memory_space<vmem>>
        %dma_wait3A_313 = tpu.memref_squeeze %dma_wait3A_312 : memref<1x128x32xf32, #tpu.memory_space<vmem>> -> memref<128x32xf32, #tpu.memory_space<vmem>>
        %dma_wait3A_314 = arith.constant 0 : i32
        %dma_wait3A_315 = tpu.memref_slice %arg10[%scan3A_206, %dma_wait3A_306, %dma_wait3A_307, %dma_wait3A_314] : memref<2x2x4x128xi32, #tpu.memory_space<vmem>> -> memref<1x1x1x128xi32, #tpu.memory_space<vmem>>
        %dma_wait3A_316 = tpu.memref_squeeze %dma_wait3A_315 : memref<1x1x1x128xi32, #tpu.memory_space<vmem>> -> memref<128xi32, #tpu.memory_space<vmem>>
        %dma_wait3A_317 = arith.constant 0 : i32
        %dma_wait3A_318 = arith.constant 0 : i32
        %dma_wait3A_319 = tpu.memref_slice %arg8[%sub3A_62, %arg0, %dma_wait3A_317, %dma_wait3A_318] : memref<12x2x50176x32xf32, #tpu.memory_space<hbm>> -> memref<1x1x50176x32xf32, #tpu.memory_space<hbm>>
        %dma_wait3A_320 = tpu.memref_squeeze %dma_wait3A_319 : memref<1x1x50176x32xf32, #tpu.memory_space<hbm>> -> memref<50176x32xf32, #tpu.memory_space<hbm>>
        %dma_wait3A_321 = arith.constant 0 : i32
        %dma_wait3A_322 = arith.constant 0 : i32
        %dma_wait3A_323 = tpu.memref_slice %dma_wait3A_320[%dma_wait3A_321, %dma_wait3A_322] : memref<50176x32xf32, #tpu.memory_space<hbm>> -> memref<50176x32xf32, #tpu.memory_space<hbm>>
        %dma_wait3A_324 = tpu.memref_slice %arg20[%dma_wait3A_309] : memref<4x!tpu.dma_semaphore, #tpu.memory_space<semaphore_mem>> -> memref<1x!tpu.dma_semaphore, #tpu.memory_space<semaphore_mem>>
        %dma_wait3A_325 = tpu.memref_squeeze %dma_wait3A_324 : memref<1x!tpu.dma_semaphore, #tpu.memory_space<semaphore_mem>> -> memref<!tpu.dma_semaphore, #tpu.memory_space<semaphore_mem>>
        tpu.wait_indirect_dma semaphore(%dma_wait3A_325 : memref<!tpu.dma_semaphore, #tpu.memory_space<semaphore_mem>>) src(%dma_wait3A_323 : memref<50176x32xf32, #tpu.memory_space<hbm>>) dst(%dma_wait3A_313 : memref<128x32xf32, #tpu.memory_space<vmem>>)
        %scan3A_326 = arith.constant 0 : i32
        %scan3A_327 = arith.constant 0 : i32
        %scan3A_328 = arith.constant 8 : i32
        %scan3A_329 = arith.addi %scan3A_327, %scan3A_328 : i32
        %scan3A_330 = arith.constant 1 : i32
        scf.for %scan3A_480 = %scan3A_327 to %scan3A_329 step %scan3A_330  : i32 {
          %mul3A_481 = arith.constant 16 : i32
          %mul3A_482 = arith.muli %scan3A_480, %mul3A_481 : i32
          %get3A_483 = arith.constant 1 : i32
          %get3A_484 = arith.index_cast %scan3A_206 : i32 to index
          %get3A_485 = arith.index_cast %get3A_483 : i32 to index
          %get3A_486 = arith.index_cast %mul3A_482 : i32 to index
          %get3A_487 = tpu.vector_load %arg11[%get3A_484, %get3A_485, %get3A_486] {strides = array<i32>} : memref<2x4x128xf32, #tpu.memory_space<vmem>>, vector<1x1x16xf32>,
          %get3A_488 = vector.shape_cast %get3A_487 : vector<1x1x16xf32> to vector<16xf32>
          %mul3A_489 = arith.constant 16 : i32
          %mul3A_490 = arith.muli %scan3A_480, %mul3A_489 : i32
          %add3A_491 = arith.constant 0 : i32
          %add3A_492 = arith.addi %mul3A_490, %add3A_491 : i32
          %slice3A = vector.extract_strided_slice %get3A_488 {offsets = [0], sizes = [1], strides = [1]} : vector<16xf32> to vector<1xf32>
          %broadcast_in_dim3A_493 = vector.shape_cast %slice3A : vector<1xf32> to vector<1xf32>
          %broadcast_in_dim3A_494 = vector.broadcast %broadcast_in_dim3A_493 : vector<1xf32> to vector<16xf32>
          %get3A_495 = arith.constant 1 : i32
          %get3A_496 = arith.index_cast %get3A_495 : i32 to index
          %get3A_497 = arith.index_cast %add3A_492 : i32 to index
          %get3A_498 = arith.constant 0 : index
          %get3A_499 = tpu.vector_load %arg12[%get3A_496, %get3A_497, %get3A_498] {strides = array<i32>} : memref<4x128x32xf32, #tpu.memory_space<vmem>>, vector<1x1x16xf32>,
          %get3A_500 = vector.shape_cast %get3A_499 : vector<1x1x16xf32> to vector<16xf32>
          %mul3A_501 = arith.mulf %get3A_500, %broadcast_in_dim3A_494 : vector<16xf32>
          %swap3A = arith.constant 1 : i32
          %swap3A_502 = arith.index_cast %swap3A : i32 to index
          %swap3A_503 = arith.index_cast %add3A_492 : i32 to index
          %swap3A_504 = arith.constant 0 : index
          %swap3A_505 = tpu.vector_load %arg12[%swap3A_502, %swap3A_503, %swap3A_504] {strides = array<i32>} : memref<4x128x32xf32, #tpu.memory_space<vmem>>, vector<1x1x16xf32>,
          %swap3A_506 = vector.shape_cast %swap3A_505 : vector<1x1x16xf32> to vector<16xf32>
          %swap3A_507 = vector.shape_cast %mul3A_501 : vector<16xf32> to vector<1x1x16xf32>
          tpu.vector_store %arg12[%swap3A_502, %swap3A_503, %swap3A_504], %swap3A_507 {strides = array<i32>} : memref<4x128x32xf32, #tpu.memory_space<vmem>>, vector<1x1x16xf32>,
          %get3A_508 = arith.constant 1 : i32
          %get3A_509 = arith.index_cast %get3A_508 : i32 to index
          %get3A_510 = arith.index_cast %add3A_492 : i32 to index
          %get3A_511 = arith.constant 16 : index
          %get3A_512 = tpu.vector_load %arg12[%get3A_509, %get3A_510, %get3A_511] {strides = array<i32>} : memref<4x128x32xf32, #tpu.memory_space<vmem>>, vector<1x1x16xf32>,
          %get3A_513 = vector.shape_cast %get3A_512 : vector<1x1x16xf32> to vector<16xf32>
          %mul3A_514 = arith.mulf %get3A_513, %broadcast_in_dim3A_494 : vector<16xf32>
          %swap3A_515 = arith.constant 1 : i32
          %swap3A_516 = arith.index_cast %swap3A_515 : i32 to index
          %swap3A_517 = arith.index_cast %add3A_492 : i32 to index
          %swap3A_518 = arith.constant 16 : index
          %swap3A_519 = tpu.vector_load %arg12[%swap3A_516, %swap3A_517, %swap3A_518] {strides = array<i32>} : memref<4x128x32xf32, #tpu.memory_space<vmem>>, vector<1x1x16xf32>,
          %swap3A_520 = vector.shape_cast %swap3A_519 : vector<1x1x16xf32> to vector<16xf32>
          %swap3A_521 = vector.shape_cast %mul3A_514 : vector<16xf32> to vector<1x1x16xf32>
          tpu.vector_store %arg12[%swap3A_516, %swap3A_517, %swap3A_518], %swap3A_521 {strides = array<i32>} : memref<4x128x32xf32, #tpu.memory_space<vmem>>, vector<1x1x16xf32>,
          %mul3A_522 = arith.constant 16 : i32
          %mul3A_523 = arith.muli %scan3A_480, %mul3A_522 : i32
          %add3A_524 = arith.constant 1 : i32
          %add3A_525 = arith.addi %mul3A_523, %add3A_524 : i32
          %slice3A_526 = vector.extract_strided_slice %get3A_488 {offsets = [1], sizes = [1], strides = [1]} : vector<16xf32> to vector<1xf32>
          %broadcast_in_dim3A_527 = vector.shape_cast %slice3A_526 : vector<1xf32> to vector<1xf32>
          %broadcast_in_dim3A_528 = vector.broadcast %broadcast_in_dim3A_527 : vector<1xf32> to vector<16xf32>
          %get3A_529 = arith.constant 1 : i32
          %get3A_530 = arith.index_cast %get3A_529 : i32 to index
          %get3A_531 = arith.index_cast %add3A_525 : i32 to index
          %get3A_532 = arith.constant 0 : index
          %get3A_533 = tpu.vector_load %arg12[%get3A_530, %get3A_531, %get3A_532] {strides = array<i32>} : memref<4x128x32xf32, #tpu.memory_space<vmem>>, vector<1x1x16xf32>,
          %get3A_534 = vector.shape_cast %get3A_533 : vector<1x1x16xf32> to vector<16xf32>
          %mul3A_535 = arith.mulf %get3A_534, %broadcast_in_dim3A_528 : vector<16xf32>
          %swap3A_536 = arith.constant 1 : i32
          %swap3A_537 = arith.index_cast %swap3A_536 : i32 to index
          %swap3A_538 = arith.index_cast %add3A_525 : i32 to index
          %swap3A_539 = arith.constant 0 : index
          %swap3A_540 = tpu.vector_load %arg12[%swap3A_537, %swap3A_538, %swap3A_539] {strides = array<i32>} : memref<4x128x32xf32, #tpu.memory_space<vmem>>, vector<1x1x16xf32>,
          %swap3A_541 = vector.shape_cast %swap3A_540 : vector<1x1x16xf32> to vector<16xf32>
          %swap3A_542 = vector.shape_cast %mul3A_535 : vector<16xf32> to vector<1x1x16xf32>
          tpu.vector_store %arg12[%swap3A_537, %swap3A_538, %swap3A_539], %swap3A_542 {strides = array<i32>} : memref<4x128x32xf32, #tpu.memory_space<vmem>>, vector<1x1x16xf32>,
          %get3A_543 = arith.constant 1 : i32
          %get3A_544 = arith.index_cast %get3A_543 : i32 to index
          %get3A_545 = arith.index_cast %add3A_525 : i32 to index
          %get3A_546 = arith.constant 16 : index
          %get3A_547 = tpu.vector_load %arg12[%get3A_544, %get3A_545, %get3A_546] {strides = array<i32>} : memref<4x128x32xf32, #tpu.memory_space<vmem>>, vector<1x1x16xf32>,
          %get3A_548 = vector.shape_cast %get3A_547 : vector<1x1x16xf32> to vector<16xf32>
          %mul3A_549 = arith.mulf %get3A_548, %broadcast_in_dim3A_528 : vector<16xf32>
          %swap3A_550 = arith.constant 1 : i32
          %swap3A_551 = arith.index_cast %swap3A_550 : i32 to index
          %swap3A_552 = arith.index_cast %add3A_525 : i32 to index
          %swap3A_553 = arith.constant 16 : index
          %swap3A_554 = tpu.vector_load %arg12[%swap3A_551, %swap3A_552, %swap3A_553] {strides = array<i32>} : memref<4x128x32xf32, #tpu.memory_space<vmem>>, vector<1x1x16xf32>,
          %swap3A_555 = vector.shape_cast %swap3A_554 : vector<1x1x16xf32> to vector<16xf32>
          %swap3A_556 = vector.shape_cast %mul3A_549 : vector<16xf32> to vector<1x1x16xf32>
          tpu.vector_store %arg12[%swap3A_551, %swap3A_552, %swap3A_553], %swap3A_556 {strides = array<i32>} : memref<4x128x32xf32, #tpu.memory_space<vmem>>, vector<1x1x16xf32>,
          %mul3A_557 = arith.constant 16 : i32
          %mul3A_558 = arith.muli %scan3A_480, %mul3A_557 : i32
          %add3A_559 = arith.constant 2 : i32
          %add3A_560 = arith.addi %mul3A_558, %add3A_559 : i32
          %slice3A_561 = vector.extract_strided_slice %get3A_488 {offsets = [2], sizes = [1], strides = [1]} : vector<16xf32> to vector<1xf32>
          %broadcast_in_dim3A_562 = vector.shape_cast %slice3A_561 : vector<1xf32> to vector<1xf32>
          %broadcast_in_dim3A_563 = vector.broadcast %broadcast_in_dim3A_562 : vector<1xf32> to vector<16xf32>
          %get3A_564 = arith.constant 1 : i32
          %get3A_565 = arith.index_cast %get3A_564 : i32 to index
          %get3A_566 = arith.index_cast %add3A_560 : i32 to index
          %get3A_567 = arith.constant 0 : index
          %get3A_568 = tpu.vector_load %arg12[%get3A_565, %get3A_566, %get3A_567] {strides = array<i32>} : memref<4x128x32xf32, #tpu.memory_space<vmem>>, vector<1x1x16xf32>,
          %get3A_569 = vector.shape_cast %get3A_568 : vector<1x1x16xf32> to vector<16xf32>
          %mul3A_570 = arith.mulf %get3A_569, %broadcast_in_dim3A_563 : vector<16xf32>
          %swap3A_571 = arith.constant 1 : i32
          %swap3A_572 = arith.index_cast %swap3A_571 : i32 to index
          %swap3A_573 = arith.index_cast %add3A_560 : i32 to index
          %swap3A_574 = arith.constant 0 : index
          %swap3A_575 = tpu.vector_load %arg12[%swap3A_572, %swap3A_573, %swap3A_574] {strides = array<i32>} : memref<4x128x32xf32, #tpu.memory_space<vmem>>, vector<1x1x16xf32>,
          %swap3A_576 = vector.shape_cast %swap3A_575 : vector<1x1x16xf32> to vector<16xf32>
          %swap3A_577 = vector.shape_cast %mul3A_570 : vector<16xf32> to vector<1x1x16xf32>
          tpu.vector_store %arg12[%swap3A_572, %swap3A_573, %swap3A_574], %swap3A_577 {strides = array<i32>} : memref<4x128x32xf32, #tpu.memory_space<vmem>>, vector<1x1x16xf32>,
          %get3A_578 = arith.constant 1 : i32
          %get3A_579 = arith.index_cast %get3A_578 : i32 to index
          %get3A_580 = arith.index_cast %add3A_560 : i32 to index
          %get3A_581 = arith.constant 16 : index
          %get3A_582 = tpu.vector_load %arg12[%get3A_579, %get3A_580, %get3A_581] {strides = array<i32>} : memref<4x128x32xf32, #tpu.memory_space<vmem>>, vector<1x1x16xf32>,
          %get3A_583 = vector.shape_cast %get3A_582 : vector<1x1x16xf32> to vector<16xf32>
          %mul3A_584 = arith.mulf %get3A_583, %broadcast_in_dim3A_563 : vector<16xf32>
          %swap3A_585 = arith.constant 1 : i32
          %swap3A_586 = arith.index_cast %swap3A_585 : i32 to index
          %swap3A_587 = arith.index_cast %add3A_560 : i32 to index
          %swap3A_588 = arith.constant 16 : index
          %swap3A_589 = tpu.vector_load %arg12[%swap3A_586, %swap3A_587, %swap3A_588] {strides = array<i32>} : memref<4x128x32xf32, #tpu.memory_space<vmem>>, vector<1x1x16xf32>,
          %swap3A_590 = vector.shape_cast %swap3A_589 : vector<1x1x16xf32> to vector<16xf32>
          %swap3A_591 = vector.shape_cast %mul3A_584 : vector<16xf32> to vector<1x1x16xf32>
          tpu.vector_store %arg12[%swap3A_586, %swap3A_587, %swap3A_588], %swap3A_591 {strides = array<i32>} : memref<4x128x32xf32, #tpu.memory_space<vmem>>, vector<1x1x16xf32>,
          %mul3A_592 = arith.constant 16 : i32
          %mul3A_593 = arith.muli %scan3A_480, %mul3A_592 : i32
          %add3A_594 = arith.constant 3 : i32
          %add3A_595 = arith.addi %mul3A_593, %add3A_594 : i32
          %slice3A_596 = vector.extract_strided_slice %get3A_488 {offsets = [3], sizes = [1], strides = [1]} : vector<16xf32> to vector<1xf32>
          %broadcast_in_dim3A_597 = vector.shape_cast %slice3A_596 : vector<1xf32> to vector<1xf32>
          %broadcast_in_dim3A_598 = vector.broadcast %broadcast_in_dim3A_597 : vector<1xf32> to vector<16xf32>
          %get3A_599 = arith.constant 1 : i32
          %get3A_600 = arith.index_cast %get3A_599 : i32 to index
          %get3A_601 = arith.index_cast %add3A_595 : i32 to index
          %get3A_602 = arith.constant 0 : index
          %get3A_603 = tpu.vector_load %arg12[%get3A_600, %get3A_601, %get3A_602] {strides = array<i32>} : memref<4x128x32xf32, #tpu.memory_space<vmem>>, vector<1x1x16xf32>,
          %get3A_604 = vector.shape_cast %get3A_603 : vector<1x1x16xf32> to vector<16xf32>
          %mul3A_605 = arith.mulf %get3A_604, %broadcast_in_dim3A_598 : vector<16xf32>
          %swap3A_606 = arith.constant 1 : i32
          %swap3A_607 = arith.index_cast %swap3A_606 : i32 to index
          %swap3A_608 = arith.index_cast %add3A_595 : i32 to index
          %swap3A_609 = arith.constant 0 : index
          %swap3A_610 = tpu.vector_load %arg12[%swap3A_607, %swap3A_608, %swap3A_609] {strides = array<i32>} : memref<4x128x32xf32, #tpu.memory_space<vmem>>, vector<1x1x16xf32>,
          %swap3A_611 = vector.shape_cast %swap3A_610 : vector<1x1x16xf32> to vector<16xf32>
          %swap3A_612 = vector.shape_cast %mul3A_605 : vector<16xf32> to vector<1x1x16xf32>
          tpu.vector_store %arg12[%swap3A_607, %swap3A_608, %swap3A_609], %swap3A_612 {strides = array<i32>} : memref<4x128x32xf32, #tpu.memory_space<vmem>>, vector<1x1x16xf32>,
          %get3A_613 = arith.constant 1 : i32
          %get3A_614 = arith.index_cast %get3A_613 : i32 to index
          %get3A_615 = arith.index_cast %add3A_595 : i32 to index
          %get3A_616 = arith.constant 16 : index
          %get3A_617 = tpu.vector_load %arg12[%get3A_614, %get3A_615, %get3A_616] {strides = array<i32>} : memref<4x128x32xf32, #tpu.memory_space<vmem>>, vector<1x1x16xf32>,
          %get3A_618 = vector.shape_cast %get3A_617 : vector<1x1x16xf32> to vector<16xf32>
          %mul3A_619 = arith.mulf %get3A_618, %broadcast_in_dim3A_598 : vector<16xf32>
          %swap3A_620 = arith.constant 1 : i32
          %swap3A_621 = arith.index_cast %swap3A_620 : i32 to index
          %swap3A_622 = arith.index_cast %add3A_595 : i32 to index
          %swap3A_623 = arith.constant 16 : index
          %swap3A_624 = tpu.vector_load %arg12[%swap3A_621, %swap3A_622, %swap3A_623] {strides = array<i32>} : memref<4x128x32xf32, #tpu.memory_space<vmem>>, vector<1x1x16xf32>,
          %swap3A_625 = vector.shape_cast %swap3A_624 : vector<1x1x16xf32> to vector<16xf32>
          %swap3A_626 = vector.shape_cast %mul3A_619 : vector<16xf32> to vector<1x1x16xf32>
          tpu.vector_store %arg12[%swap3A_621, %swap3A_622, %swap3A_623], %swap3A_626 {strides = array<i32>} : memref<4x128x32xf32, #tpu.memory_space<vmem>>, vector<1x1x16xf32>,
          %mul3A_627 = arith.constant 16 : i32
          %mul3A_628 = arith.muli %scan3A_480, %mul3A_627 : i32
          %add3A_629 = arith.constant 4 : i32
          %add3A_630 = arith.addi %mul3A_628, %add3A_629 : i32
          %slice3A_631 = vector.extract_strided_slice %get3A_488 {offsets = [4], sizes = [1], strides = [1]} : vector<16xf32> to vector<1xf32>
          %broadcast_in_dim3A_632 = vector.shape_cast %slice3A_631 : vector<1xf32> to vector<1xf32>
          %broadcast_in_dim3A_633 = vector.broadcast %broadcast_in_dim3A_632 : vector<1xf32> to vector<16xf32>
          %get3A_634 = arith.constant 1 : i32
          %get3A_635 = arith.index_cast %get3A_634 : i32 to index
          %get3A_636 = arith.index_cast %add3A_630 : i32 to index
          %get3A_637 = arith.constant 0 : index
          %get3A_638 = tpu.vector_load %arg12[%get3A_635, %get3A_636, %get3A_637] {strides = array<i32>} : memref<4x128x32xf32, #tpu.memory_space<vmem>>, vector<1x1x16xf32>,
          %get3A_639 = vector.shape_cast %get3A_638 : vector<1x1x16xf32> to vector<16xf32>
          %mul3A_640 = arith.mulf %get3A_639, %broadcast_in_dim3A_633 : vector<16xf32>
          %swap3A_641 = arith.constant 1 : i32
          %swap3A_642 = arith.index_cast %swap3A_641 : i32 to index
          %swap3A_643 = arith.index_cast %add3A_630 : i32 to index
          %swap3A_644 = arith.constant 0 : index
          %swap3A_645 = tpu.vector_load %arg12[%swap3A_642, %swap3A_643, %swap3A_644] {strides = array<i32>} : memref<4x128x32xf32, #tpu.memory_space<vmem>>, vector<1x1x16xf32>,
          %swap3A_646 = vector.shape_cast %swap3A_645 : vector<1x1x16xf32> to vector<16xf32>
          %swap3A_647 = vector.shape_cast %mul3A_640 : vector<16xf32> to vector<1x1x16xf32>
          tpu.vector_store %arg12[%swap3A_642, %swap3A_643, %swap3A_644], %swap3A_647 {strides = array<i32>} : memref<4x128x32xf32, #tpu.memory_space<vmem>>, vector<1x1x16xf32>,
          %get3A_648 = arith.constant 1 : i32
          %get3A_649 = arith.index_cast %get3A_648 : i32 to index
          %get3A_650 = arith.index_cast %add3A_630 : i32 to index
          %get3A_651 = arith.constant 16 : index
          %get3A_652 = tpu.vector_load %arg12[%get3A_649, %get3A_650, %get3A_651] {strides = array<i32>} : memref<4x128x32xf32, #tpu.memory_space<vmem>>, vector<1x1x16xf32>,
          %get3A_653 = vector.shape_cast %get3A_652 : vector<1x1x16xf32> to vector<16xf32>
          %mul3A_654 = arith.mulf %get3A_653, %broadcast_in_dim3A_633 : vector<16xf32>
          %swap3A_655 = arith.constant 1 : i32
          %swap3A_656 = arith.index_cast %swap3A_655 : i32 to index
          %swap3A_657 = arith.index_cast %add3A_630 : i32 to index
          %swap3A_658 = arith.constant 16 : index
          %swap3A_659 = tpu.vector_load %arg12[%swap3A_656, %swap3A_657, %swap3A_658] {strides = array<i32>} : memref<4x128x32xf32, #tpu.memory_space<vmem>>, vector<1x1x16xf32>,
          %swap3A_660 = vector.shape_cast %swap3A_659 : vector<1x1x16xf32> to vector<16xf32>
          %swap3A_661 = vector.shape_cast %mul3A_654 : vector<16xf32> to vector<1x1x16xf32>
          tpu.vector_store %arg12[%swap3A_656, %swap3A_657, %swap3A_658], %swap3A_661 {strides = array<i32>} : memref<4x128x32xf32, #tpu.memory_space<vmem>>, vector<1x1x16xf32>,
          %mul3A_662 = arith.constant 16 : i32
          %mul3A_663 = arith.muli %scan3A_480, %mul3A_662 : i32
          %add3A_664 = arith.constant 5 : i32
          %add3A_665 = arith.addi %mul3A_663, %add3A_664 : i32
          %slice3A_666 = vector.extract_strided_slice %get3A_488 {offsets = [5], sizes = [1], strides = [1]} : vector<16xf32> to vector<1xf32>
          %broadcast_in_dim3A_667 = vector.shape_cast %slice3A_666 : vector<1xf32> to vector<1xf32>
          %broadcast_in_dim3A_668 = vector.broadcast %broadcast_in_dim3A_667 : vector<1xf32> to vector<16xf32>
          %get3A_669 = arith.constant 1 : i32
          %get3A_670 = arith.index_cast %get3A_669 : i32 to index
          %get3A_671 = arith.index_cast %add3A_665 : i32 to index
          %get3A_672 = arith.constant 0 : index
          %get3A_673 = tpu.vector_load %arg12[%get3A_670, %get3A_671, %get3A_672] {strides = array<i32>} : memref<4x128x32xf32, #tpu.memory_space<vmem>>, vector<1x1x16xf32>,
          %get3A_674 = vector.shape_cast %get3A_673 : vector<1x1x16xf32> to vector<16xf32>
          %mul3A_675 = arith.mulf %get3A_674, %broadcast_in_dim3A_668 : vector<16xf32>
          %swap3A_676 = arith.constant 1 : i32
          %swap3A_677 = arith.index_cast %swap3A_676 : i32 to index
          %swap3A_678 = arith.index_cast %add3A_665 : i32 to index
          %swap3A_679 = arith.constant 0 : index
          %swap3A_680 = tpu.vector_load %arg12[%swap3A_677, %swap3A_678, %swap3A_679] {strides = array<i32>} : memref<4x128x32xf32, #tpu.memory_space<vmem>>, vector<1x1x16xf32>,
          %swap3A_681 = vector.shape_cast %swap3A_680 : vector<1x1x16xf32> to vector<16xf32>
          %swap3A_682 = vector.shape_cast %mul3A_675 : vector<16xf32> to vector<1x1x16xf32>
          tpu.vector_store %arg12[%swap3A_677, %swap3A_678, %swap3A_679], %swap3A_682 {strides = array<i32>} : memref<4x128x32xf32, #tpu.memory_space<vmem>>, vector<1x1x16xf32>,
          %get3A_683 = arith.constant 1 : i32
          %get3A_684 = arith.index_cast %get3A_683 : i32 to index
          %get3A_685 = arith.index_cast %add3A_665 : i32 to index
          %get3A_686 = arith.constant 16 : index
          %get3A_687 = tpu.vector_load %arg12[%get3A_684, %get3A_685, %get3A_686] {strides = array<i32>} : memref<4x128x32xf32, #tpu.memory_space<vmem>>, vector<1x1x16xf32>,
          %get3A_688 = vector.shape_cast %get3A_687 : vector<1x1x16xf32> to vector<16xf32>
          %mul3A_689 = arith.mulf %get3A_688, %broadcast_in_dim3A_668 : vector<16xf32>
          %swap3A_690 = arith.constant 1 : i32
          %swap3A_691 = arith.index_cast %swap3A_690 : i32 to index
          %swap3A_692 = arith.index_cast %add3A_665 : i32 to index
          %swap3A_693 = arith.constant 16 : index
          %swap3A_694 = tpu.vector_load %arg12[%swap3A_691, %swap3A_692, %swap3A_693] {strides = array<i32>} : memref<4x128x32xf32, #tpu.memory_space<vmem>>, vector<1x1x16xf32>,
          %swap3A_695 = vector.shape_cast %swap3A_694 : vector<1x1x16xf32> to vector<16xf32>
          %swap3A_696 = vector.shape_cast %mul3A_689 : vector<16xf32> to vector<1x1x16xf32>
          tpu.vector_store %arg12[%swap3A_691, %swap3A_692, %swap3A_693], %swap3A_696 {strides = array<i32>} : memref<4x128x32xf32, #tpu.memory_space<vmem>>, vector<1x1x16xf32>,
          %mul3A_697 = arith.constant 16 : i32
          %mul3A_698 = arith.muli %scan3A_480, %mul3A_697 : i32
          %add3A_699 = arith.constant 6 : i32
          %add3A_700 = arith.addi %mul3A_698, %add3A_699 : i32
          %slice3A_701 = vector.extract_strided_slice %get3A_488 {offsets = [6], sizes = [1], strides = [1]} : vector<16xf32> to vector<1xf32>
          %broadcast_in_dim3A_702 = vector.shape_cast %slice3A_701 : vector<1xf32> to vector<1xf32>
          %broadcast_in_dim3A_703 = vector.broadcast %broadcast_in_dim3A_702 : vector<1xf32> to vector<16xf32>
          %get3A_704 = arith.constant 1 : i32
          %get3A_705 = arith.index_cast %get3A_704 : i32 to index
          %get3A_706 = arith.index_cast %add3A_700 : i32 to index
          %get3A_707 = arith.constant 0 : index
          %get3A_708 = tpu.vector_load %arg12[%get3A_705, %get3A_706, %get3A_707] {strides = array<i32>} : memref<4x128x32xf32, #tpu.memory_space<vmem>>, vector<1x1x16xf32>,
          %get3A_709 = vector.shape_cast %get3A_708 : vector<1x1x16xf32> to vector<16xf32>
          %mul3A_710 = arith.mulf %get3A_709, %broadcast_in_dim3A_703 : vector<16xf32>
          %swap3A_711 = arith.constant 1 : i32
          %swap3A_712 = arith.index_cast %swap3A_711 : i32 to index
          %swap3A_713 = arith.index_cast %add3A_700 : i32 to index
          %swap3A_714 = arith.constant 0 : index
          %swap3A_715 = tpu.vector_load %arg12[%swap3A_712, %swap3A_713, %swap3A_714] {strides = array<i32>} : memref<4x128x32xf32, #tpu.memory_space<vmem>>, vector<1x1x16xf32>,
          %swap3A_716 = vector.shape_cast %swap3A_715 : vector<1x1x16xf32> to vector<16xf32>
          %swap3A_717 = vector.shape_cast %mul3A_710 : vector<16xf32> to vector<1x1x16xf32>
          tpu.vector_store %arg12[%swap3A_712, %swap3A_713, %swap3A_714], %swap3A_717 {strides = array<i32>} : memref<4x128x32xf32, #tpu.memory_space<vmem>>, vector<1x1x16xf32>,
          %get3A_718 = arith.constant 1 : i32
          %get3A_719 = arith.index_cast %get3A_718 : i32 to index
          %get3A_720 = arith.index_cast %add3A_700 : i32 to index
          %get3A_721 = arith.constant 16 : index
          %get3A_722 = tpu.vector_load %arg12[%get3A_719, %get3A_720, %get3A_721] {strides = array<i32>} : memref<4x128x32xf32, #tpu.memory_space<vmem>>, vector<1x1x16xf32>,
          %get3A_723 = vector.shape_cast %get3A_722 : vector<1x1x16xf32> to vector<16xf32>
          %mul3A_724 = arith.mulf %get3A_723, %broadcast_in_dim3A_703 : vector<16xf32>
          %swap3A_725 = arith.constant 1 : i32
          %swap3A_726 = arith.index_cast %swap3A_725 : i32 to index
          %swap3A_727 = arith.index_cast %add3A_700 : i32 to index
          %swap3A_728 = arith.constant 16 : index
          %swap3A_729 = tpu.vector_load %arg12[%swap3A_726, %swap3A_727, %swap3A_728] {strides = array<i32>} : memref<4x128x32xf32, #tpu.memory_space<vmem>>, vector<1x1x16xf32>,
          %swap3A_730 = vector.shape_cast %swap3A_729 : vector<1x1x16xf32> to vector<16xf32>
          %swap3A_731 = vector.shape_cast %mul3A_724 : vector<16xf32> to vector<1x1x16xf32>
          tpu.vector_store %arg12[%swap3A_726, %swap3A_727, %swap3A_728], %swap3A_731 {strides = array<i32>} : memref<4x128x32xf32, #tpu.memory_space<vmem>>, vector<1x1x16xf32>,
          %mul3A_732 = arith.constant 16 : i32
          %mul3A_733 = arith.muli %scan3A_480, %mul3A_732 : i32
          %add3A_734 = arith.constant 7 : i32
          %add3A_735 = arith.addi %mul3A_733, %add3A_734 : i32
          %slice3A_736 = vector.extract_strided_slice %get3A_488 {offsets = [7], sizes = [1], strides = [1]} : vector<16xf32> to vector<1xf32>
          %broadcast_in_dim3A_737 = vector.shape_cast %slice3A_736 : vector<1xf32> to vector<1xf32>
          %broadcast_in_dim3A_738 = vector.broadcast %broadcast_in_dim3A_737 : vector<1xf32> to vector<16xf32>
          %get3A_739 = arith.constant 1 : i32
          %get3A_740 = arith.index_cast %get3A_739 : i32 to index
          %get3A_741 = arith.index_cast %add3A_735 : i32 to index
          %get3A_742 = arith.constant 0 : index
          %get3A_743 = tpu.vector_load %arg12[%get3A_740, %get3A_741, %get3A_742] {strides = array<i32>} : memref<4x128x32xf32, #tpu.memory_space<vmem>>, vector<1x1x16xf32>,
          %get3A_744 = vector.shape_cast %get3A_743 : vector<1x1x16xf32> to vector<16xf32>
          %mul3A_745 = arith.mulf %get3A_744, %broadcast_in_dim3A_738 : vector<16xf32>
          %swap3A_746 = arith.constant 1 : i32
          %swap3A_747 = arith.index_cast %swap3A_746 : i32 to index
          %swap3A_748 = arith.index_cast %add3A_735 : i32 to index
          %swap3A_749 = arith.constant 0 : index
          %swap3A_750 = tpu.vector_load %arg12[%swap3A_747, %swap3A_748, %swap3A_749] {strides = array<i32>} : memref<4x128x32xf32, #tpu.memory_space<vmem>>, vector<1x1x16xf32>,
          %swap3A_751 = vector.shape_cast %swap3A_750 : vector<1x1x16xf32> to vector<16xf32>
          %swap3A_752 = vector.shape_cast %mul3A_745 : vector<16xf32> to vector<1x1x16xf32>
          tpu.vector_store %arg12[%swap3A_747, %swap3A_748, %swap3A_749], %swap3A_752 {strides = array<i32>} : memref<4x128x32xf32, #tpu.memory_space<vmem>>, vector<1x1x16xf32>,
          %get3A_753 = arith.constant 1 : i32
          %get3A_754 = arith.index_cast %get3A_753 : i32 to index
          %get3A_755 = arith.index_cast %add3A_735 : i32 to index
          %get3A_756 = arith.constant 16 : index
          %get3A_757 = tpu.vector_load %arg12[%get3A_754, %get3A_755, %get3A_756] {strides = array<i32>} : memref<4x128x32xf32, #tpu.memory_space<vmem>>, vector<1x1x16xf32>,
          %get3A_758 = vector.shape_cast %get3A_757 : vector<1x1x16xf32> to vector<16xf32>
          %mul3A_759 = arith.mulf %get3A_758, %broadcast_in_dim3A_738 : vector<16xf32>
          %swap3A_760 = arith.constant 1 : i32
          %swap3A_761 = arith.index_cast %swap3A_760 : i32 to index
          %swap3A_762 = arith.index_cast %add3A_735 : i32 to index
          %swap3A_763 = arith.constant 16 : index
          %swap3A_764 = tpu.vector_load %arg12[%swap3A_761, %swap3A_762, %swap3A_763] {strides = array<i32>} : memref<4x128x32xf32, #tpu.memory_space<vmem>>, vector<1x1x16xf32>,
          %swap3A_765 = vector.shape_cast %swap3A_764 : vector<1x1x16xf32> to vector<16xf32>
          %swap3A_766 = vector.shape_cast %mul3A_759 : vector<16xf32> to vector<1x1x16xf32>
          tpu.vector_store %arg12[%swap3A_761, %swap3A_762, %swap3A_763], %swap3A_766 {strides = array<i32>} : memref<4x128x32xf32, #tpu.memory_space<vmem>>, vector<1x1x16xf32>,
          %mul3A_767 = arith.constant 16 : i32
          %mul3A_768 = arith.muli %scan3A_480, %mul3A_767 : i32
          %add3A_769 = arith.constant 8 : i32
          %add3A_770 = arith.addi %mul3A_768, %add3A_769 : i32
          %slice3A_771 = vector.extract_strided_slice %get3A_488 {offsets = [8], sizes = [1], strides = [1]} : vector<16xf32> to vector<1xf32>
          %broadcast_in_dim3A_772 = vector.shape_cast %slice3A_771 : vector<1xf32> to vector<1xf32>
          %broadcast_in_dim3A_773 = vector.broadcast %broadcast_in_dim3A_772 : vector<1xf32> to vector<16xf32>
          %get3A_774 = arith.constant 1 : i32
          %get3A_775 = arith.index_cast %get3A_774 : i32 to index
          %get3A_776 = arith.index_cast %add3A_770 : i32 to index
          %get3A_777 = arith.constant 0 : index
          %get3A_778 = tpu.vector_load %arg12[%get3A_775, %get3A_776, %get3A_777] {strides = array<i32>} : memref<4x128x32xf32, #tpu.memory_space<vmem>>, vector<1x1x16xf32>,
          %get3A_779 = vector.shape_cast %get3A_778 : vector<1x1x16xf32> to vector<16xf32>
          %mul3A_780 = arith.mulf %get3A_779, %broadcast_in_dim3A_773 : vector<16xf32>
          %swap3A_781 = arith.constant 1 : i32
          %swap3A_782 = arith.index_cast %swap3A_781 : i32 to index
          %swap3A_783 = arith.index_cast %add3A_770 : i32 to index
          %swap3A_784 = arith.constant 0 : index
          %swap3A_785 = tpu.vector_load %arg12[%swap3A_782, %swap3A_783, %swap3A_784] {strides = array<i32>} : memref<4x128x32xf32, #tpu.memory_space<vmem>>, vector<1x1x16xf32>,
          %swap3A_786 = vector.shape_cast %swap3A_785 : vector<1x1x16xf32> to vector<16xf32>
          %swap3A_787 = vector.shape_cast %mul3A_780 : vector<16xf32> to vector<1x1x16xf32>
          tpu.vector_store %arg12[%swap3A_782, %swap3A_783, %swap3A_784], %swap3A_787 {strides = array<i32>} : memref<4x128x32xf32, #tpu.memory_space<vmem>>, vector<1x1x16xf32>,
          %get3A_788 = arith.constant 1 : i32
          %get3A_789 = arith.index_cast %get3A_788 : i32 to index
          %get3A_790 = arith.index_cast %add3A_770 : i32 to index
          %get3A_791 = arith.constant 16 : index
          %get3A_792 = tpu.vector_load %arg12[%get3A_789, %get3A_790, %get3A_791] {strides = array<i32>} : memref<4x128x32xf32, #tpu.memory_space<vmem>>, vector<1x1x16xf32>,
          %get3A_793 = vector.shape_cast %get3A_792 : vector<1x1x16xf32> to vector<16xf32>
          %mul3A_794 = arith.mulf %get3A_793, %broadcast_in_dim3A_773 : vector<16xf32>
          %swap3A_795 = arith.constant 1 : i32
          %swap3A_796 = arith.index_cast %swap3A_795 : i32 to index
          %swap3A_797 = arith.index_cast %add3A_770 : i32 to index
          %swap3A_798 = arith.constant 16 : index
          %swap3A_799 = tpu.vector_load %arg12[%swap3A_796, %swap3A_797, %swap3A_798] {strides = array<i32>} : memref<4x128x32xf32, #tpu.memory_space<vmem>>, vector<1x1x16xf32>,
          %swap3A_800 = vector.shape_cast %swap3A_799 : vector<1x1x16xf32> to vector<16xf32>
          %swap3A_801 = vector.shape_cast %mul3A_794 : vector<16xf32> to vector<1x1x16xf32>
          tpu.vector_store %arg12[%swap3A_796, %swap3A_797, %swap3A_798], %swap3A_801 {strides = array<i32>} : memref<4x128x32xf32, #tpu.memory_space<vmem>>, vector<1x1x16xf32>,
          %mul3A_802 = arith.constant 16 : i32
          %mul3A_803 = arith.muli %scan3A_480, %mul3A_802 : i32
          %add3A_804 = arith.constant 9 : i32
          %add3A_805 = arith.addi %mul3A_803, %add3A_804 : i32
          %slice3A_806 = vector.extract_strided_slice %get3A_488 {offsets = [9], sizes = [1], strides = [1]} : vector<16xf32> to vector<1xf32>
          %broadcast_in_dim3A_807 = vector.shape_cast %slice3A_806 : vector<1xf32> to vector<1xf32>
          %broadcast_in_dim3A_808 = vector.broadcast %broadcast_in_dim3A_807 : vector<1xf32> to vector<16xf32>
          %get3A_809 = arith.constant 1 : i32
          %get3A_810 = arith.index_cast %get3A_809 : i32 to index
          %get3A_811 = arith.index_cast %add3A_805 : i32 to index
          %get3A_812 = arith.constant 0 : index
          %get3A_813 = tpu.vector_load %arg12[%get3A_810, %get3A_811, %get3A_812] {strides = array<i32>} : memref<4x128x32xf32, #tpu.memory_space<vmem>>, vector<1x1x16xf32>,
          %get3A_814 = vector.shape_cast %get3A_813 : vector<1x1x16xf32> to vector<16xf32>
          %mul3A_815 = arith.mulf %get3A_814, %broadcast_in_dim3A_808 : vector<16xf32>
          %swap3A_816 = arith.constant 1 : i32
          %swap3A_817 = arith.index_cast %swap3A_816 : i32 to index
          %swap3A_818 = arith.index_cast %add3A_805 : i32 to index
          %swap3A_819 = arith.constant 0 : index
          %swap3A_820 = tpu.vector_load %arg12[%swap3A_817, %swap3A_818, %swap3A_819] {strides = array<i32>} : memref<4x128x32xf32, #tpu.memory_space<vmem>>, vector<1x1x16xf32>,
          %swap3A_821 = vector.shape_cast %swap3A_820 : vector<1x1x16xf32> to vector<16xf32>
          %swap3A_822 = vector.shape_cast %mul3A_815 : vector<16xf32> to vector<1x1x16xf32>
          tpu.vector_store %arg12[%swap3A_817, %swap3A_818, %swap3A_819], %swap3A_822 {strides = array<i32>} : memref<4x128x32xf32, #tpu.memory_space<vmem>>, vector<1x1x16xf32>,
          %get3A_823 = arith.constant 1 : i32
          %get3A_824 = arith.index_cast %get3A_823 : i32 to index
          %get3A_825 = arith.index_cast %add3A_805 : i32 to index
          %get3A_826 = arith.constant 16 : index
          %get3A_827 = tpu.vector_load %arg12[%get3A_824, %get3A_825, %get3A_826] {strides = array<i32>} : memref<4x128x32xf32, #tpu.memory_space<vmem>>, vector<1x1x16xf32>,
          %get3A_828 = vector.shape_cast %get3A_827 : vector<1x1x16xf32> to vector<16xf32>
          %mul3A_829 = arith.mulf %get3A_828, %broadcast_in_dim3A_808 : vector<16xf32>
          %swap3A_830 = arith.constant 1 : i32
          %swap3A_831 = arith.index_cast %swap3A_830 : i32 to index
          %swap3A_832 = arith.index_cast %add3A_805 : i32 to index
          %swap3A_833 = arith.constant 16 : index
          %swap3A_834 = tpu.vector_load %arg12[%swap3A_831, %swap3A_832, %swap3A_833] {strides = array<i32>} : memref<4x128x32xf32, #tpu.memory_space<vmem>>, vector<1x1x16xf32>,
          %swap3A_835 = vector.shape_cast %swap3A_834 : vector<1x1x16xf32> to vector<16xf32>
          %swap3A_836 = vector.shape_cast %mul3A_829 : vector<16xf32> to vector<1x1x16xf32>
          tpu.vector_store %arg12[%swap3A_831, %swap3A_832, %swap3A_833], %swap3A_836 {strides = array<i32>} : memref<4x128x32xf32, #tpu.memory_space<vmem>>, vector<1x1x16xf32>,
          %mul3A_837 = arith.constant 16 : i32
          %mul3A_838 = arith.muli %scan3A_480, %mul3A_837 : i32
          %add3A_839 = arith.constant 10 : i32
          %add3A_840 = arith.addi %mul3A_838, %add3A_839 : i32
          %slice3A_841 = vector.extract_strided_slice %get3A_488 {offsets = [10], sizes = [1], strides = [1]} : vector<16xf32> to vector<1xf32>
          %broadcast_in_dim3A_842 = vector.shape_cast %slice3A_841 : vector<1xf32> to vector<1xf32>
          %broadcast_in_dim3A_843 = vector.broadcast %broadcast_in_dim3A_842 : vector<1xf32> to vector<16xf32>
          %get3A_844 = arith.constant 1 : i32
          %get3A_845 = arith.index_cast %get3A_844 : i32 to index
          %get3A_846 = arith.index_cast %add3A_840 : i32 to index
          %get3A_847 = arith.constant 0 : index
          %get3A_848 = tpu.vector_load %arg12[%get3A_845, %get3A_846, %get3A_847] {strides = array<i32>} : memref<4x128x32xf32, #tpu.memory_space<vmem>>, vector<1x1x16xf32>,
          %get3A_849 = vector.shape_cast %get3A_848 : vector<1x1x16xf32> to vector<16xf32>
          %mul3A_850 = arith.mulf %get3A_849, %broadcast_in_dim3A_843 : vector<16xf32>
          %swap3A_851 = arith.constant 1 : i32
          %swap3A_852 = arith.index_cast %swap3A_851 : i32 to index
          %swap3A_853 = arith.index_cast %add3A_840 : i32 to index
          %swap3A_854 = arith.constant 0 : index
          %swap3A_855 = tpu.vector_load %arg12[%swap3A_852, %swap3A_853, %swap3A_854] {strides = array<i32>} : memref<4x128x32xf32, #tpu.memory_space<vmem>>, vector<1x1x16xf32>,
          %swap3A_856 = vector.shape_cast %swap3A_855 : vector<1x1x16xf32> to vector<16xf32>
          %swap3A_857 = vector.shape_cast %mul3A_850 : vector<16xf32> to vector<1x1x16xf32>
          tpu.vector_store %arg12[%swap3A_852, %swap3A_853, %swap3A_854], %swap3A_857 {strides = array<i32>} : memref<4x128x32xf32, #tpu.memory_space<vmem>>, vector<1x1x16xf32>,
          %get3A_858 = arith.constant 1 : i32
          %get3A_859 = arith.index_cast %get3A_858 : i32 to index
          %get3A_860 = arith.index_cast %add3A_840 : i32 to index
          %get3A_861 = arith.constant 16 : index
          %get3A_862 = tpu.vector_load %arg12[%get3A_859, %get3A_860, %get3A_861] {strides = array<i32>} : memref<4x128x32xf32, #tpu.memory_space<vmem>>, vector<1x1x16xf32>,
          %get3A_863 = vector.shape_cast %get3A_862 : vector<1x1x16xf32> to vector<16xf32>
          %mul3A_864 = arith.mulf %get3A_863, %broadcast_in_dim3A_843 : vector<16xf32>
          %swap3A_865 = arith.constant 1 : i32
          %swap3A_866 = arith.index_cast %swap3A_865 : i32 to index
          %swap3A_867 = arith.index_cast %add3A_840 : i32 to index
          %swap3A_868 = arith.constant 16 : index
          %swap3A_869 = tpu.vector_load %arg12[%swap3A_866, %swap3A_867, %swap3A_868] {strides = array<i32>} : memref<4x128x32xf32, #tpu.memory_space<vmem>>, vector<1x1x16xf32>,
          %swap3A_870 = vector.shape_cast %swap3A_869 : vector<1x1x16xf32> to vector<16xf32>
          %swap3A_871 = vector.shape_cast %mul3A_864 : vector<16xf32> to vector<1x1x16xf32>
          tpu.vector_store %arg12[%swap3A_866, %swap3A_867, %swap3A_868], %swap3A_871 {strides = array<i32>} : memref<4x128x32xf32, #tpu.memory_space<vmem>>, vector<1x1x16xf32>,
          %mul3A_872 = arith.constant 16 : i32
          %mul3A_873 = arith.muli %scan3A_480, %mul3A_872 : i32
          %add3A_874 = arith.constant 11 : i32
          %add3A_875 = arith.addi %mul3A_873, %add3A_874 : i32
          %slice3A_876 = vector.extract_strided_slice %get3A_488 {offsets = [11], sizes = [1], strides = [1]} : vector<16xf32> to vector<1xf32>
          %broadcast_in_dim3A_877 = vector.shape_cast %slice3A_876 : vector<1xf32> to vector<1xf32>
          %broadcast_in_dim3A_878 = vector.broadcast %broadcast_in_dim3A_877 : vector<1xf32> to vector<16xf32>
          %get3A_879 = arith.constant 1 : i32
          %get3A_880 = arith.index_cast %get3A_879 : i32 to index
          %get3A_881 = arith.index_cast %add3A_875 : i32 to index
          %get3A_882 = arith.constant 0 : index
          %get3A_883 = tpu.vector_load %arg12[%get3A_880, %get3A_881, %get3A_882] {strides = array<i32>} : memref<4x128x32xf32, #tpu.memory_space<vmem>>, vector<1x1x16xf32>,
          %get3A_884 = vector.shape_cast %get3A_883 : vector<1x1x16xf32> to vector<16xf32>
          %mul3A_885 = arith.mulf %get3A_884, %broadcast_in_dim3A_878 : vector<16xf32>
          %swap3A_886 = arith.constant 1 : i32
          %swap3A_887 = arith.index_cast %swap3A_886 : i32 to index
          %swap3A_888 = arith.index_cast %add3A_875 : i32 to index
          %swap3A_889 = arith.constant 0 : index
          %swap3A_890 = tpu.vector_load %arg12[%swap3A_887, %swap3A_888, %swap3A_889] {strides = array<i32>} : memref<4x128x32xf32, #tpu.memory_space<vmem>>, vector<1x1x16xf32>,
          %swap3A_891 = vector.shape_cast %swap3A_890 : vector<1x1x16xf32> to vector<16xf32>
          %swap3A_892 = vector.shape_cast %mul3A_885 : vector<16xf32> to vector<1x1x16xf32>
          tpu.vector_store %arg12[%swap3A_887, %swap3A_888, %swap3A_889], %swap3A_892 {strides = array<i32>} : memref<4x128x32xf32, #tpu.memory_space<vmem>>, vector<1x1x16xf32>,
          %get3A_893 = arith.constant 1 : i32
          %get3A_894 = arith.index_cast %get3A_893 : i32 to index
          %get3A_895 = arith.index_cast %add3A_875 : i32 to index
          %get3A_896 = arith.constant 16 : index
          %get3A_897 = tpu.vector_load %arg12[%get3A_894, %get3A_895, %get3A_896] {strides = array<i32>} : memref<4x128x32xf32, #tpu.memory_space<vmem>>, vector<1x1x16xf32>,
          %get3A_898 = vector.shape_cast %get3A_897 : vector<1x1x16xf32> to vector<16xf32>
          %mul3A_899 = arith.mulf %get3A_898, %broadcast_in_dim3A_878 : vector<16xf32>
          %swap3A_900 = arith.constant 1 : i32
          %swap3A_901 = arith.index_cast %swap3A_900 : i32 to index
          %swap3A_902 = arith.index_cast %add3A_875 : i32 to index
          %swap3A_903 = arith.constant 16 : index
          %swap3A_904 = tpu.vector_load %arg12[%swap3A_901, %swap3A_902, %swap3A_903] {strides = array<i32>} : memref<4x128x32xf32, #tpu.memory_space<vmem>>, vector<1x1x16xf32>,
          %swap3A_905 = vector.shape_cast %swap3A_904 : vector<1x1x16xf32> to vector<16xf32>
          %swap3A_906 = vector.shape_cast %mul3A_899 : vector<16xf32> to vector<1x1x16xf32>
          tpu.vector_store %arg12[%swap3A_901, %swap3A_902, %swap3A_903], %swap3A_906 {strides = array<i32>} : memref<4x128x32xf32, #tpu.memory_space<vmem>>, vector<1x1x16xf32>,
          %mul3A_907 = arith.constant 16 : i32
          %mul3A_908 = arith.muli %scan3A_480, %mul3A_907 : i32
          %add3A_909 = arith.constant 12 : i32
          %add3A_910 = arith.addi %mul3A_908, %add3A_909 : i32
          %slice3A_911 = vector.extract_strided_slice %get3A_488 {offsets = [12], sizes = [1], strides = [1]} : vector<16xf32> to vector<1xf32>
          %broadcast_in_dim3A_912 = vector.shape_cast %slice3A_911 : vector<1xf32> to vector<1xf32>
          %broadcast_in_dim3A_913 = vector.broadcast %broadcast_in_dim3A_912 : vector<1xf32> to vector<16xf32>
          %get3A_914 = arith.constant 1 : i32
          %get3A_915 = arith.index_cast %get3A_914 : i32 to index
          %get3A_916 = arith.index_cast %add3A_910 : i32 to index
          %get3A_917 = arith.constant 0 : index
          %get3A_918 = tpu.vector_load %arg12[%get3A_915, %get3A_916, %get3A_917] {strides = array<i32>} : memref<4x128x32xf32, #tpu.memory_space<vmem>>, vector<1x1x16xf32>,
          %get3A_919 = vector.shape_cast %get3A_918 : vector<1x1x16xf32> to vector<16xf32>
          %mul3A_920 = arith.mulf %get3A_919, %broadcast_in_dim3A_913 : vector<16xf32>
          %swap3A_921 = arith.constant 1 : i32
          %swap3A_922 = arith.index_cast %swap3A_921 : i32 to index
          %swap3A_923 = arith.index_cast %add3A_910 : i32 to index
          %swap3A_924 = arith.constant 0 : index
          %swap3A_925 = tpu.vector_load %arg12[%swap3A_922, %swap3A_923, %swap3A_924] {strides = array<i32>} : memref<4x128x32xf32, #tpu.memory_space<vmem>>, vector<1x1x16xf32>,
          %swap3A_926 = vector.shape_cast %swap3A_925 : vector<1x1x16xf32> to vector<16xf32>
          %swap3A_927 = vector.shape_cast %mul3A_920 : vector<16xf32> to vector<1x1x16xf32>
          tpu.vector_store %arg12[%swap3A_922, %swap3A_923, %swap3A_924], %swap3A_927 {strides = array<i32>} : memref<4x128x32xf32, #tpu.memory_space<vmem>>, vector<1x1x16xf32>,
          %get3A_928 = arith.constant 1 : i32
          %get3A_929 = arith.index_cast %get3A_928 : i32 to index
          %get3A_930 = arith.index_cast %add3A_910 : i32 to index
          %get3A_931 = arith.constant 16 : index
          %get3A_932 = tpu.vector_load %arg12[%get3A_929, %get3A_930, %get3A_931] {strides = array<i32>} : memref<4x128x32xf32, #tpu.memory_space<vmem>>, vector<1x1x16xf32>,
          %get3A_933 = vector.shape_cast %get3A_932 : vector<1x1x16xf32> to vector<16xf32>
          %mul3A_934 = arith.mulf %get3A_933, %broadcast_in_dim3A_913 : vector<16xf32>
          %swap3A_935 = arith.constant 1 : i32
          %swap3A_936 = arith.index_cast %swap3A_935 : i32 to index
          %swap3A_937 = arith.index_cast %add3A_910 : i32 to index
          %swap3A_938 = arith.constant 16 : index
          %swap3A_939 = tpu.vector_load %arg12[%swap3A_936, %swap3A_937, %swap3A_938] {strides = array<i32>} : memref<4x128x32xf32, #tpu.memory_space<vmem>>, vector<1x1x16xf32>,
          %swap3A_940 = vector.shape_cast %swap3A_939 : vector<1x1x16xf32> to vector<16xf32>
          %swap3A_941 = vector.shape_cast %mul3A_934 : vector<16xf32> to vector<1x1x16xf32>
          tpu.vector_store %arg12[%swap3A_936, %swap3A_937, %swap3A_938], %swap3A_941 {strides = array<i32>} : memref<4x128x32xf32, #tpu.memory_space<vmem>>, vector<1x1x16xf32>,
          %mul3A_942 = arith.constant 16 : i32
          %mul3A_943 = arith.muli %scan3A_480, %mul3A_942 : i32
          %add3A_944 = arith.constant 13 : i32
          %add3A_945 = arith.addi %mul3A_943, %add3A_944 : i32
          %slice3A_946 = vector.extract_strided_slice %get3A_488 {offsets = [13], sizes = [1], strides = [1]} : vector<16xf32> to vector<1xf32>
          %broadcast_in_dim3A_947 = vector.shape_cast %slice3A_946 : vector<1xf32> to vector<1xf32>
          %broadcast_in_dim3A_948 = vector.broadcast %broadcast_in_dim3A_947 : vector<1xf32> to vector<16xf32>
          %get3A_949 = arith.constant 1 : i32
          %get3A_950 = arith.index_cast %get3A_949 : i32 to index
          %get3A_951 = arith.index_cast %add3A_945 : i32 to index
          %get3A_952 = arith.constant 0 : index
          %get3A_953 = tpu.vector_load %arg12[%get3A_950, %get3A_951, %get3A_952] {strides = array<i32>} : memref<4x128x32xf32, #tpu.memory_space<vmem>>, vector<1x1x16xf32>,
          %get3A_954 = vector.shape_cast %get3A_953 : vector<1x1x16xf32> to vector<16xf32>
          %mul3A_955 = arith.mulf %get3A_954, %broadcast_in_dim3A_948 : vector<16xf32>
          %swap3A_956 = arith.constant 1 : i32
          %swap3A_957 = arith.index_cast %swap3A_956 : i32 to index
          %swap3A_958 = arith.index_cast %add3A_945 : i32 to index
          %swap3A_959 = arith.constant 0 : index
          %swap3A_960 = tpu.vector_load %arg12[%swap3A_957, %swap3A_958, %swap3A_959] {strides = array<i32>} : memref<4x128x32xf32, #tpu.memory_space<vmem>>, vector<1x1x16xf32>,
          %swap3A_961 = vector.shape_cast %swap3A_960 : vector<1x1x16xf32> to vector<16xf32>
          %swap3A_962 = vector.shape_cast %mul3A_955 : vector<16xf32> to vector<1x1x16xf32>
          tpu.vector_store %arg12[%swap3A_957, %swap3A_958, %swap3A_959], %swap3A_962 {strides = array<i32>} : memref<4x128x32xf32, #tpu.memory_space<vmem>>, vector<1x1x16xf32>,
          %get3A_963 = arith.constant 1 : i32
          %get3A_964 = arith.index_cast %get3A_963 : i32 to index
          %get3A_965 = arith.index_cast %add3A_945 : i32 to index
          %get3A_966 = arith.constant 16 : index
          %get3A_967 = tpu.vector_load %arg12[%get3A_964, %get3A_965, %get3A_966] {strides = array<i32>} : memref<4x128x32xf32, #tpu.memory_space<vmem>>, vector<1x1x16xf32>,
          %get3A_968 = vector.shape_cast %get3A_967 : vector<1x1x16xf32> to vector<16xf32>
          %mul3A_969 = arith.mulf %get3A_968, %broadcast_in_dim3A_948 : vector<16xf32>
          %swap3A_970 = arith.constant 1 : i32
          %swap3A_971 = arith.index_cast %swap3A_970 : i32 to index
          %swap3A_972 = arith.index_cast %add3A_945 : i32 to index
          %swap3A_973 = arith.constant 16 : index
          %swap3A_974 = tpu.vector_load %arg12[%swap3A_971, %swap3A_972, %swap3A_973] {strides = array<i32>} : memref<4x128x32xf32, #tpu.memory_space<vmem>>, vector<1x1x16xf32>,
          %swap3A_975 = vector.shape_cast %swap3A_974 : vector<1x1x16xf32> to vector<16xf32>
          %swap3A_976 = vector.shape_cast %mul3A_969 : vector<16xf32> to vector<1x1x16xf32>
          tpu.vector_store %arg12[%swap3A_971, %swap3A_972, %swap3A_973], %swap3A_976 {strides = array<i32>} : memref<4x128x32xf32, #tpu.memory_space<vmem>>, vector<1x1x16xf32>,
          %mul3A_977 = arith.constant 16 : i32
          %mul3A_978 = arith.muli %scan3A_480, %mul3A_977 : i32
          %add3A_979 = arith.constant 14 : i32
          %add3A_980 = arith.addi %mul3A_978, %add3A_979 : i32
          %slice3A_981 = vector.extract_strided_slice %get3A_488 {offsets = [14], sizes = [1], strides = [1]} : vector<16xf32> to vector<1xf32>
          %broadcast_in_dim3A_982 = vector.shape_cast %slice3A_981 : vector<1xf32> to vector<1xf32>
          %broadcast_in_dim3A_983 = vector.broadcast %broadcast_in_dim3A_982 : vector<1xf32> to vector<16xf32>
          %get3A_984 = arith.constant 1 : i32
          %get3A_985 = arith.index_cast %get3A_984 : i32 to index
          %get3A_986 = arith.index_cast %add3A_980 : i32 to index
          %get3A_987 = arith.constant 0 : index
          %get3A_988 = tpu.vector_load %arg12[%get3A_985, %get3A_986, %get3A_987] {strides = array<i32>} : memref<4x128x32xf32, #tpu.memory_space<vmem>>, vector<1x1x16xf32>,
          %get3A_989 = vector.shape_cast %get3A_988 : vector<1x1x16xf32> to vector<16xf32>
          %mul3A_990 = arith.mulf %get3A_989, %broadcast_in_dim3A_983 : vector<16xf32>
          %swap3A_991 = arith.constant 1 : i32
          %swap3A_992 = arith.index_cast %swap3A_991 : i32 to index
          %swap3A_993 = arith.index_cast %add3A_980 : i32 to index
          %swap3A_994 = arith.constant 0 : index
          %swap3A_995 = tpu.vector_load %arg12[%swap3A_992, %swap3A_993, %swap3A_994] {strides = array<i32>} : memref<4x128x32xf32, #tpu.memory_space<vmem>>, vector<1x1x16xf32>,
          %swap3A_996 = vector.shape_cast %swap3A_995 : vector<1x1x16xf32> to vector<16xf32>
          %swap3A_997 = vector.shape_cast %mul3A_990 : vector<16xf32> to vector<1x1x16xf32>
          tpu.vector_store %arg12[%swap3A_992, %swap3A_993, %swap3A_994], %swap3A_997 {strides = array<i32>} : memref<4x128x32xf32, #tpu.memory_space<vmem>>, vector<1x1x16xf32>,
          %get3A_998 = arith.constant 1 : i32
          %get3A_999 = arith.index_cast %get3A_998 : i32 to index
          %get3A_1000 = arith.index_cast %add3A_980 : i32 to index
          %get3A_1001 = arith.constant 16 : index
          %get3A_1002 = tpu.vector_load %arg12[%get3A_999, %get3A_1000, %get3A_1001] {strides = array<i32>} : memref<4x128x32xf32, #tpu.memory_space<vmem>>, vector<1x1x16xf32>,
          %get3A_1003 = vector.shape_cast %get3A_1002 : vector<1x1x16xf32> to vector<16xf32>
          %mul3A_1004 = arith.mulf %get3A_1003, %broadcast_in_dim3A_983 : vector<16xf32>
          %swap3A_1005 = arith.constant 1 : i32
          %swap3A_1006 = arith.index_cast %swap3A_1005 : i32 to index
          %swap3A_1007 = arith.index_cast %add3A_980 : i32 to index
          %swap3A_1008 = arith.constant 16 : index
          %swap3A_1009 = tpu.vector_load %arg12[%swap3A_1006, %swap3A_1007, %swap3A_1008] {strides = array<i32>} : memref<4x128x32xf32, #tpu.memory_space<vmem>>, vector<1x1x16xf32>,
          %swap3A_1010 = vector.shape_cast %swap3A_1009 : vector<1x1x16xf32> to vector<16xf32>
          %swap3A_1011 = vector.shape_cast %mul3A_1004 : vector<16xf32> to vector<1x1x16xf32>
          tpu.vector_store %arg12[%swap3A_1006, %swap3A_1007, %swap3A_1008], %swap3A_1011 {strides = array<i32>} : memref<4x128x32xf32, #tpu.memory_space<vmem>>, vector<1x1x16xf32>,
          %mul3A_1012 = arith.constant 16 : i32
          %mul3A_1013 = arith.muli %scan3A_480, %mul3A_1012 : i32
          %add3A_1014 = arith.constant 15 : i32
          %add3A_1015 = arith.addi %mul3A_1013, %add3A_1014 : i32
          %slice3A_1016 = vector.extract_strided_slice %get3A_488 {offsets = [15], sizes = [1], strides = [1]} : vector<16xf32> to vector<1xf32>
          %broadcast_in_dim3A_1017 = vector.shape_cast %slice3A_1016 : vector<1xf32> to vector<1xf32>
          %broadcast_in_dim3A_1018 = vector.broadcast %broadcast_in_dim3A_1017 : vector<1xf32> to vector<16xf32>
          %get3A_1019 = arith.constant 1 : i32
          %get3A_1020 = arith.index_cast %get3A_1019 : i32 to index
          %get3A_1021 = arith.index_cast %add3A_1015 : i32 to index
          %get3A_1022 = arith.constant 0 : index
          %get3A_1023 = tpu.vector_load %arg12[%get3A_1020, %get3A_1021, %get3A_1022] {strides = array<i32>} : memref<4x128x32xf32, #tpu.memory_space<vmem>>, vector<1x1x16xf32>,
          %get3A_1024 = vector.shape_cast %get3A_1023 : vector<1x1x16xf32> to vector<16xf32>
          %mul3A_1025 = arith.mulf %get3A_1024, %broadcast_in_dim3A_1018 : vector<16xf32>
          %swap3A_1026 = arith.constant 1 : i32
          %swap3A_1027 = arith.index_cast %swap3A_1026 : i32 to index
          %swap3A_1028 = arith.index_cast %add3A_1015 : i32 to index
          %swap3A_1029 = arith.constant 0 : index
          %swap3A_1030 = tpu.vector_load %arg12[%swap3A_1027, %swap3A_1028, %swap3A_1029] {strides = array<i32>} : memref<4x128x32xf32, #tpu.memory_space<vmem>>, vector<1x1x16xf32>,
          %swap3A_1031 = vector.shape_cast %swap3A_1030 : vector<1x1x16xf32> to vector<16xf32>
          %swap3A_1032 = vector.shape_cast %mul3A_1025 : vector<16xf32> to vector<1x1x16xf32>
          tpu.vector_store %arg12[%swap3A_1027, %swap3A_1028, %swap3A_1029], %swap3A_1032 {strides = array<i32>} : memref<4x128x32xf32, #tpu.memory_space<vmem>>, vector<1x1x16xf32>,
          %get3A_1033 = arith.constant 1 : i32
          %get3A_1034 = arith.index_cast %get3A_1033 : i32 to index
          %get3A_1035 = arith.index_cast %add3A_1015 : i32 to index
          %get3A_1036 = arith.constant 16 : index
          %get3A_1037 = tpu.vector_load %arg12[%get3A_1034, %get3A_1035, %get3A_1036] {strides = array<i32>} : memref<4x128x32xf32, #tpu.memory_space<vmem>>, vector<1x1x16xf32>,
          %get3A_1038 = vector.shape_cast %get3A_1037 : vector<1x1x16xf32> to vector<16xf32>
          %mul3A_1039 = arith.mulf %get3A_1038, %broadcast_in_dim3A_1018 : vector<16xf32>
          %swap3A_1040 = arith.constant 1 : i32
          %swap3A_1041 = arith.index_cast %swap3A_1040 : i32 to index
          %swap3A_1042 = arith.index_cast %add3A_1015 : i32 to index
          %swap3A_1043 = arith.constant 16 : index
          %swap3A_1044 = tpu.vector_load %arg12[%swap3A_1041, %swap3A_1042, %swap3A_1043] {strides = array<i32>} : memref<4x128x32xf32, #tpu.memory_space<vmem>>, vector<1x1x16xf32>,
          %swap3A_1045 = vector.shape_cast %swap3A_1044 : vector<1x1x16xf32> to vector<16xf32>
          %swap3A_1046 = vector.shape_cast %mul3A_1039 : vector<16xf32> to vector<1x1x16xf32>
          tpu.vector_store %arg12[%swap3A_1041, %swap3A_1042, %swap3A_1043], %swap3A_1046 {strides = array<i32>} : memref<4x128x32xf32, #tpu.memory_space<vmem>>, vector<1x1x16xf32>,
        }
        %scan3A_331 = arith.constant 8 : i32
        %dma_start3A_332 = arith.constant 1 : i32
        %dma_start3A_333 = arith.constant 1 : i32
        %dma_start3A_334 = arith.constant 1 : i32
        %dma_start3A_335 = arith.constant 1 : i32
        %dma_start3A_336 = arith.constant 0 : i32
        %dma_start3A_337 = arith.constant 0 : i32
        %dma_start3A_338 = tpu.memref_slice %arg12[%dma_start3A_332, %dma_start3A_336, %dma_start3A_337] : memref<4x128x32xf32, #tpu.memory_space<vmem>> -> memref<1x128x32xf32, #tpu.memory_space<vmem>>
        %dma_start3A_339 = tpu.memref_squeeze %dma_start3A_338 : memref<1x128x32xf32, #tpu.memory_space<vmem>> -> memref<128x32xf32, #tpu.memory_space<vmem>>
        %dma_start3A_340 = arith.constant 0 : i32
        %dma_start3A_341 = tpu.memref_slice %arg10[%scan3A_206, %dma_start3A_333, %dma_start3A_334, %dma_start3A_340] : memref<2x2x4x128xi32, #tpu.memory_space<vmem>> -> memref<1x1x1x128xi32, #tpu.memory_space<vmem>>
        %dma_start3A_342 = tpu.memref_squeeze %dma_start3A_341 : memref<1x1x1x128xi32, #tpu.memory_space<vmem>> -> memref<128xi32, #tpu.memory_space<vmem>>
        %dma_start3A_343 = arith.constant 0 : i32
        %dma_start3A_344 = arith.constant 0 : i32
        %dma_start3A_345 = tpu.memref_slice %arg9[%dma_start3A_343, %dma_start3A_344] : memref<50176x32xf32, #tpu.memory_space<vmem_shared>> -> memref<50176x32xf32, #tpu.memory_space<vmem_shared>>
        %dma_start3A_346 = tpu.memref_slice %arg21[%dma_start3A_335] : memref<4x!tpu.dma_semaphore, #tpu.memory_space<semaphore_mem>> -> memref<1x!tpu.dma_semaphore, #tpu.memory_space<semaphore_mem>>
        %dma_start3A_347 = tpu.memref_squeeze %dma_start3A_346 : memref<1x!tpu.dma_semaphore, #tpu.memory_space<semaphore_mem>> -> memref<!tpu.dma_semaphore, #tpu.memory_space<semaphore_mem>>
        tpu.enqueue_indirect_dma source(%dma_start3A_339 : memref<128x32xf32, #tpu.memory_space<vmem>>) target(%dma_start3A_345 : memref<50176x32xf32, #tpu.memory_space<vmem_shared>>) offsets(%dma_start3A_342 : memref<128xi32, #tpu.memory_space<vmem>>) semaphore(%dma_start3A_347 : memref<!tpu.dma_semaphore, #tpu.memory_space<semaphore_mem>>) {add = true}
        %dma_wait3A_348 = arith.constant 1 : i32
        %dma_wait3A_349 = arith.constant 1 : i32
        %dma_wait3A_350 = arith.constant 2 : i32
        %dma_wait3A_351 = arith.constant 1 : i32
        %dma_wait3A_352 = arith.constant 0 : i32
        %dma_wait3A_353 = arith.constant 0 : i32
        %dma_wait3A_354 = tpu.memref_slice %arg12[%dma_wait3A_348, %dma_wait3A_352, %dma_wait3A_353] : memref<4x128x32xf32, #tpu.memory_space<vmem>> -> memref<1x128x32xf32, #tpu.memory_space<vmem>>
        %dma_wait3A_355 = tpu.memref_squeeze %dma_wait3A_354 : memref<1x128x32xf32, #tpu.memory_space<vmem>> -> memref<128x32xf32, #tpu.memory_space<vmem>>
        %dma_wait3A_356 = arith.constant 0 : i32
        %dma_wait3A_357 = tpu.memref_slice %arg10[%scan3A_206, %dma_wait3A_349, %dma_wait3A_350, %dma_wait3A_356] : memref<2x2x4x128xi32, #tpu.memory_space<vmem>> -> memref<1x1x1x128xi32, #tpu.memory_space<vmem>>
        %dma_wait3A_358 = tpu.memref_squeeze %dma_wait3A_357 : memref<1x1x1x128xi32, #tpu.memory_space<vmem>> -> memref<128xi32, #tpu.memory_space<vmem>>
        %dma_wait3A_359 = arith.constant 0 : i32
        %dma_wait3A_360 = arith.constant 0 : i32
        %dma_wait3A_361 = tpu.memref_slice %arg9[%dma_wait3A_359, %dma_wait3A_360] : memref<50176x32xf32, #tpu.memory_space<vmem_shared>> -> memref<50176x32xf32, #tpu.memory_space<vmem_shared>>
        %dma_wait3A_362 = tpu.memref_slice %arg21[%dma_wait3A_351] : memref<4x!tpu.dma_semaphore, #tpu.memory_space<semaphore_mem>> -> memref<1x!tpu.dma_semaphore, #tpu.memory_space<semaphore_mem>>
        %dma_wait3A_363 = tpu.memref_squeeze %dma_wait3A_362 : memref<1x!tpu.dma_semaphore, #tpu.memory_space<semaphore_mem>> -> memref<!tpu.dma_semaphore, #tpu.memory_space<semaphore_mem>>
        tpu.wait_indirect_dma semaphore(%dma_wait3A_363 : memref<!tpu.dma_semaphore, #tpu.memory_space<semaphore_mem>>) src(%dma_wait3A_355 : memref<128x32xf32, #tpu.memory_space<vmem>>) dst(%dma_wait3A_361 : memref<50176x32xf32, #tpu.memory_space<vmem_shared>>)
        %add3A_364 = arith.constant 1 : i32
        %add3A_365 = arith.addi %scan3A_205, %add3A_364 : i32
        %lt3A_366 = arith.constant 98 : i32
        %lt3A_367 = arith.cmpi slt, %add3A_365, %lt3A_366 : i32
        %convert_element_type3A_368 = arith.extui %lt3A_367 : i1 to i32
        %cond3A_369 = arith.constant 0 : i32
        %cond3A_370 = arith.cmpi ne, %convert_element_type3A_368, %cond3A_369 : i32
        scf.if %cond3A_370 {
          %sub3A_480 = arith.constant 1 : i32
          %sub3A_481 = arith.subi %sub3A_480, %scan3A_206 : i32
          %dma_start3A_482 = arith.constant 0 : i32
          %dma_start3A_483 = arith.constant 1 : i32
          %dma_start3A_484 = arith.constant 1 : i32
          %dma_start3A_485 = arith.constant 1 : i32
          %dma_start3A_486 = arith.constant 0 : i32
          %dma_start3A_487 = arith.constant 0 : i32
          %dma_start3A_488 = tpu.memref_slice %arg12[%dma_start3A_484, %dma_start3A_486, %dma_start3A_487] : memref<4x128x32xf32, #tpu.memory_space<vmem>> -> memref<1x128x32xf32, #tpu.memory_space<vmem>>
          %dma_start3A_489 = tpu.memref_squeeze %dma_start3A_488 : memref<1x128x32xf32, #tpu.memory_space<vmem>> -> memref<128x32xf32, #tpu.memory_space<vmem>>
          %dma_start3A_490 = arith.constant 0 : i32
          %dma_start3A_491 = tpu.memref_slice %arg10[%sub3A_481, %dma_start3A_482, %dma_start3A_483, %dma_start3A_490] : memref<2x2x4x128xi32, #tpu.memory_space<vmem>> -> memref<1x1x1x128xi32, #tpu.memory_space<vmem>>
          %dma_start3A_492 = tpu.memref_squeeze %dma_start3A_491 : memref<1x1x1x128xi32, #tpu.memory_space<vmem>> -> memref<128xi32, #tpu.memory_space<vmem>>
          %dma_start3A_493 = arith.constant 0 : i32
          %dma_start3A_494 = arith.constant 0 : i32
          %dma_start3A_495 = tpu.memref_slice %arg8[%sub3A_62, %arg0, %dma_start3A_493, %dma_start3A_494] : memref<12x2x50176x32xf32, #tpu.memory_space<hbm>> -> memref<1x1x50176x32xf32, #tpu.memory_space<hbm>>
          %dma_start3A_496 = tpu.memref_squeeze %dma_start3A_495 : memref<1x1x50176x32xf32, #tpu.memory_space<hbm>> -> memref<50176x32xf32, #tpu.memory_space<hbm>>
          %dma_start3A_497 = arith.constant 0 : i32
          %dma_start3A_498 = arith.constant 0 : i32
          %dma_start3A_499 = tpu.memref_slice %dma_start3A_496[%dma_start3A_497, %dma_start3A_498] : memref<50176x32xf32, #tpu.memory_space<hbm>> -> memref<50176x32xf32, #tpu.memory_space<hbm>>
          %dma_start3A_500 = tpu.memref_slice %arg20[%dma_start3A_485] : memref<4x!tpu.dma_semaphore, #tpu.memory_space<semaphore_mem>> -> memref<1x!tpu.dma_semaphore, #tpu.memory_space<semaphore_mem>>
          %dma_start3A_501 = tpu.memref_squeeze %dma_start3A_500 : memref<1x!tpu.dma_semaphore, #tpu.memory_space<semaphore_mem>> -> memref<!tpu.dma_semaphore, #tpu.memory_space<semaphore_mem>>
          tpu.enqueue_indirect_dma source(%dma_start3A_499 : memref<50176x32xf32, #tpu.memory_space<hbm>>) target(%dma_start3A_489 : memref<128x32xf32, #tpu.memory_space<vmem>>) offsets(%dma_start3A_492 : memref<128xi32, #tpu.memory_space<vmem>>) semaphore(%dma_start3A_501 : memref<!tpu.dma_semaphore, #tpu.memory_space<semaphore_mem>>)
        } else {
        }
        %dma_wait3A_371 = arith.constant 0 : i32
        %dma_wait3A_372 = arith.constant 2 : i32
        %dma_wait3A_373 = arith.constant 2 : i32
        %dma_wait3A_374 = arith.constant 2 : i32
        %dma_wait3A_375 = arith.constant 0 : i32
        %dma_wait3A_376 = arith.constant 0 : i32
        %dma_wait3A_377 = tpu.memref_slice %arg12[%dma_wait3A_373, %dma_wait3A_375, %dma_wait3A_376] : memref<4x128x32xf32, #tpu.memory_space<vmem>> -> memref<1x128x32xf32, #tpu.memory_space<vmem>>
        %dma_wait3A_378 = tpu.memref_squeeze %dma_wait3A_377 : memref<1x128x32xf32, #tpu.memory_space<vmem>> -> memref<128x32xf32, #tpu.memory_space<vmem>>
        %dma_wait3A_379 = arith.constant 0 : i32
        %dma_wait3A_380 = tpu.memref_slice %arg10[%scan3A_206, %dma_wait3A_371, %dma_wait3A_372, %dma_wait3A_379] : memref<2x2x4x128xi32, #tpu.memory_space<vmem>> -> memref<1x1x1x128xi32, #tpu.memory_space<vmem>>
        %dma_wait3A_381 = tpu.memref_squeeze %dma_wait3A_380 : memref<1x1x1x128xi32, #tpu.memory_space<vmem>> -> memref<128xi32, #tpu.memory_space<vmem>>
        %dma_wait3A_382 = arith.constant 0 : i32
        %dma_wait3A_383 = arith.constant 0 : i32
        %dma_wait3A_384 = tpu.memref_slice %arg8[%sub3A_62, %arg0, %dma_wait3A_382, %dma_wait3A_383] : memref<12x2x50176x32xf32, #tpu.memory_space<hbm>> -> memref<1x1x50176x32xf32, #tpu.memory_space<hbm>>
        %dma_wait3A_385 = tpu.memref_squeeze %dma_wait3A_384 : memref<1x1x50176x32xf32, #tpu.memory_space<hbm>> -> memref<50176x32xf32, #tpu.memory_space<hbm>>
        %dma_wait3A_386 = arith.constant 0 : i32
        %dma_wait3A_387 = arith.constant 0 : i32
        %dma_wait3A_388 = tpu.memref_slice %dma_wait3A_385[%dma_wait3A_386, %dma_wait3A_387] : memref<50176x32xf32, #tpu.memory_space<hbm>> -> memref<50176x32xf32, #tpu.memory_space<hbm>>
        %dma_wait3A_389 = tpu.memref_slice %arg20[%dma_wait3A_374] : memref<4x!tpu.dma_semaphore, #tpu.memory_space<semaphore_mem>> -> memref<1x!tpu.dma_semaphore, #tpu.memory_space<semaphore_mem>>
        %dma_wait3A_390 = tpu.memref_squeeze %dma_wait3A_389 : memref<1x!tpu.dma_semaphore, #tpu.memory_space<semaphore_mem>> -> memref<!tpu.dma_semaphore, #tpu.memory_space<semaphore_mem>>
        tpu.wait_indirect_dma semaphore(%dma_wait3A_390 : memref<!tpu.dma_semaphore, #tpu.memory_space<semaphore_mem>>) src(%dma_wait3A_388 : memref<50176x32xf32, #tpu.memory_space<hbm>>) dst(%dma_wait3A_378 : memref<128x32xf32, #tpu.memory_space<vmem>>)
        %scan3A_391 = arith.constant 0 : i32
        %scan3A_392 = arith.constant 0 : i32
        %scan3A_393 = arith.constant 8 : i32
        %scan3A_394 = arith.addi %scan3A_392, %scan3A_393 : i32
        %scan3A_395 = arith.constant 1 : i32
        scf.for %scan3A_480 = %scan3A_392 to %scan3A_394 step %scan3A_395  : i32 {
          %mul3A_481 = arith.constant 16 : i32
          %mul3A_482 = arith.muli %scan3A_480, %mul3A_481 : i32
          %get3A_483 = arith.constant 2 : i32
          %get3A_484 = arith.index_cast %scan3A_206 : i32 to index
          %get3A_485 = arith.index_cast %get3A_483 : i32 to index
          %get3A_486 = arith.index_cast %mul3A_482 : i32 to index
          %get3A_487 = tpu.vector_load %arg11[%get3A_484, %get3A_485, %get3A_486] {strides = array<i32>} : memref<2x4x128xf32, #tpu.memory_space<vmem>>, vector<1x1x16xf32>,
          %get3A_488 = vector.shape_cast %get3A_487 : vector<1x1x16xf32> to vector<16xf32>
          %mul3A_489 = arith.constant 16 : i32
          %mul3A_490 = arith.muli %scan3A_480, %mul3A_489 : i32
          %add3A_491 = arith.constant 0 : i32
          %add3A_492 = arith.addi %mul3A_490, %add3A_491 : i32
          %slice3A = vector.extract_strided_slice %get3A_488 {offsets = [0], sizes = [1], strides = [1]} : vector<16xf32> to vector<1xf32>
          %broadcast_in_dim3A_493 = vector.shape_cast %slice3A : vector<1xf32> to vector<1xf32>
          %broadcast_in_dim3A_494 = vector.broadcast %broadcast_in_dim3A_493 : vector<1xf32> to vector<16xf32>
          %get3A_495 = arith.constant 2 : i32
          %get3A_496 = arith.index_cast %get3A_495 : i32 to index
          %get3A_497 = arith.index_cast %add3A_492 : i32 to index
          %get3A_498 = arith.constant 0 : index
          %get3A_499 = tpu.vector_load %arg12[%get3A_496, %get3A_497, %get3A_498] {strides = array<i32>} : memref<4x128x32xf32, #tpu.memory_space<vmem>>, vector<1x1x16xf32>,
          %get3A_500 = vector.shape_cast %get3A_499 : vector<1x1x16xf32> to vector<16xf32>
          %mul3A_501 = arith.mulf %get3A_500, %broadcast_in_dim3A_494 : vector<16xf32>
          %swap3A = arith.constant 2 : i32
          %swap3A_502 = arith.index_cast %swap3A : i32 to index
          %swap3A_503 = arith.index_cast %add3A_492 : i32 to index
          %swap3A_504 = arith.constant 0 : index
          %swap3A_505 = tpu.vector_load %arg12[%swap3A_502, %swap3A_503, %swap3A_504] {strides = array<i32>} : memref<4x128x32xf32, #tpu.memory_space<vmem>>, vector<1x1x16xf32>,
          %swap3A_506 = vector.shape_cast %swap3A_505 : vector<1x1x16xf32> to vector<16xf32>
          %swap3A_507 = vector.shape_cast %mul3A_501 : vector<16xf32> to vector<1x1x16xf32>
          tpu.vector_store %arg12[%swap3A_502, %swap3A_503, %swap3A_504], %swap3A_507 {strides = array<i32>} : memref<4x128x32xf32, #tpu.memory_space<vmem>>, vector<1x1x16xf32>,
          %get3A_508 = arith.constant 2 : i32
          %get3A_509 = arith.index_cast %get3A_508 : i32 to index
          %get3A_510 = arith.index_cast %add3A_492 : i32 to index
          %get3A_511 = arith.constant 16 : index
          %get3A_512 = tpu.vector_load %arg12[%get3A_509, %get3A_510, %get3A_511] {strides = array<i32>} : memref<4x128x32xf32, #tpu.memory_space<vmem>>, vector<1x1x16xf32>,
          %get3A_513 = vector.shape_cast %get3A_512 : vector<1x1x16xf32> to vector<16xf32>
          %mul3A_514 = arith.mulf %get3A_513, %broadcast_in_dim3A_494 : vector<16xf32>
          %swap3A_515 = arith.constant 2 : i32
          %swap3A_516 = arith.index_cast %swap3A_515 : i32 to index
          %swap3A_517 = arith.index_cast %add3A_492 : i32 to index
          %swap3A_518 = arith.constant 16 : index
          %swap3A_519 = tpu.vector_load %arg12[%swap3A_516, %swap3A_517, %swap3A_518] {strides = array<i32>} : memref<4x128x32xf32, #tpu.memory_space<vmem>>, vector<1x1x16xf32>,
          %swap3A_520 = vector.shape_cast %swap3A_519 : vector<1x1x16xf32> to vector<16xf32>
          %swap3A_521 = vector.shape_cast %mul3A_514 : vector<16xf32> to vector<1x1x16xf32>
          tpu.vector_store %arg12[%swap3A_516, %swap3A_517, %swap3A_518], %swap3A_521 {strides = array<i32>} : memref<4x128x32xf32, #tpu.memory_space<vmem>>, vector<1x1x16xf32>,
          %mul3A_522 = arith.constant 16 : i32
          %mul3A_523 = arith.muli %scan3A_480, %mul3A_522 : i32
          %add3A_524 = arith.constant 1 : i32
          %add3A_525 = arith.addi %mul3A_523, %add3A_524 : i32
          %slice3A_526 = vector.extract_strided_slice %get3A_488 {offsets = [1], sizes = [1], strides = [1]} : vector<16xf32> to vector<1xf32>
          %broadcast_in_dim3A_527 = vector.shape_cast %slice3A_526 : vector<1xf32> to vector<1xf32>
          %broadcast_in_dim3A_528 = vector.broadcast %broadcast_in_dim3A_527 : vector<1xf32> to vector<16xf32>
          %get3A_529 = arith.constant 2 : i32
          %get3A_530 = arith.index_cast %get3A_529 : i32 to index
          %get3A_531 = arith.index_cast %add3A_525 : i32 to index
          %get3A_532 = arith.constant 0 : index
          %get3A_533 = tpu.vector_load %arg12[%get3A_530, %get3A_531, %get3A_532] {strides = array<i32>} : memref<4x128x32xf32, #tpu.memory_space<vmem>>, vector<1x1x16xf32>,
          %get3A_534 = vector.shape_cast %get3A_533 : vector<1x1x16xf32> to vector<16xf32>
          %mul3A_535 = arith.mulf %get3A_534, %broadcast_in_dim3A_528 : vector<16xf32>
          %swap3A_536 = arith.constant 2 : i32
          %swap3A_537 = arith.index_cast %swap3A_536 : i32 to index
          %swap3A_538 = arith.index_cast %add3A_525 : i32 to index
          %swap3A_539 = arith.constant 0 : index
          %swap3A_540 = tpu.vector_load %arg12[%swap3A_537, %swap3A_538, %swap3A_539] {strides = array<i32>} : memref<4x128x32xf32, #tpu.memory_space<vmem>>, vector<1x1x16xf32>,
          %swap3A_541 = vector.shape_cast %swap3A_540 : vector<1x1x16xf32> to vector<16xf32>
          %swap3A_542 = vector.shape_cast %mul3A_535 : vector<16xf32> to vector<1x1x16xf32>
          tpu.vector_store %arg12[%swap3A_537, %swap3A_538, %swap3A_539], %swap3A_542 {strides = array<i32>} : memref<4x128x32xf32, #tpu.memory_space<vmem>>, vector<1x1x16xf32>,
          %get3A_543 = arith.constant 2 : i32
          %get3A_544 = arith.index_cast %get3A_543 : i32 to index
          %get3A_545 = arith.index_cast %add3A_525 : i32 to index
          %get3A_546 = arith.constant 16 : index
          %get3A_547 = tpu.vector_load %arg12[%get3A_544, %get3A_545, %get3A_546] {strides = array<i32>} : memref<4x128x32xf32, #tpu.memory_space<vmem>>, vector<1x1x16xf32>,
          %get3A_548 = vector.shape_cast %get3A_547 : vector<1x1x16xf32> to vector<16xf32>
          %mul3A_549 = arith.mulf %get3A_548, %broadcast_in_dim3A_528 : vector<16xf32>
          %swap3A_550 = arith.constant 2 : i32
          %swap3A_551 = arith.index_cast %swap3A_550 : i32 to index
          %swap3A_552 = arith.index_cast %add3A_525 : i32 to index
          %swap3A_553 = arith.constant 16 : index
          %swap3A_554 = tpu.vector_load %arg12[%swap3A_551, %swap3A_552, %swap3A_553] {strides = array<i32>} : memref<4x128x32xf32, #tpu.memory_space<vmem>>, vector<1x1x16xf32>,
          %swap3A_555 = vector.shape_cast %swap3A_554 : vector<1x1x16xf32> to vector<16xf32>
          %swap3A_556 = vector.shape_cast %mul3A_549 : vector<16xf32> to vector<1x1x16xf32>
          tpu.vector_store %arg12[%swap3A_551, %swap3A_552, %swap3A_553], %swap3A_556 {strides = array<i32>} : memref<4x128x32xf32, #tpu.memory_space<vmem>>, vector<1x1x16xf32>,
          %mul3A_557 = arith.constant 16 : i32
          %mul3A_558 = arith.muli %scan3A_480, %mul3A_557 : i32
          %add3A_559 = arith.constant 2 : i32
          %add3A_560 = arith.addi %mul3A_558, %add3A_559 : i32
          %slice3A_561 = vector.extract_strided_slice %get3A_488 {offsets = [2], sizes = [1], strides = [1]} : vector<16xf32> to vector<1xf32>
          %broadcast_in_dim3A_562 = vector.shape_cast %slice3A_561 : vector<1xf32> to vector<1xf32>
          %broadcast_in_dim3A_563 = vector.broadcast %broadcast_in_dim3A_562 : vector<1xf32> to vector<16xf32>
          %get3A_564 = arith.constant 2 : i32
          %get3A_565 = arith.index_cast %get3A_564 : i32 to index
          %get3A_566 = arith.index_cast %add3A_560 : i32 to index
          %get3A_567 = arith.constant 0 : index
          %get3A_568 = tpu.vector_load %arg12[%get3A_565, %get3A_566, %get3A_567] {strides = array<i32>} : memref<4x128x32xf32, #tpu.memory_space<vmem>>, vector<1x1x16xf32>,
          %get3A_569 = vector.shape_cast %get3A_568 : vector<1x1x16xf32> to vector<16xf32>
          %mul3A_570 = arith.mulf %get3A_569, %broadcast_in_dim3A_563 : vector<16xf32>
          %swap3A_571 = arith.constant 2 : i32
          %swap3A_572 = arith.index_cast %swap3A_571 : i32 to index
          %swap3A_573 = arith.index_cast %add3A_560 : i32 to index
          %swap3A_574 = arith.constant 0 : index
          %swap3A_575 = tpu.vector_load %arg12[%swap3A_572, %swap3A_573, %swap3A_574] {strides = array<i32>} : memref<4x128x32xf32, #tpu.memory_space<vmem>>, vector<1x1x16xf32>,
          %swap3A_576 = vector.shape_cast %swap3A_575 : vector<1x1x16xf32> to vector<16xf32>
          %swap3A_577 = vector.shape_cast %mul3A_570 : vector<16xf32> to vector<1x1x16xf32>
          tpu.vector_store %arg12[%swap3A_572, %swap3A_573, %swap3A_574], %swap3A_577 {strides = array<i32>} : memref<4x128x32xf32, #tpu.memory_space<vmem>>, vector<1x1x16xf32>,
          %get3A_578 = arith.constant 2 : i32
          %get3A_579 = arith.index_cast %get3A_578 : i32 to index
          %get3A_580 = arith.index_cast %add3A_560 : i32 to index
          %get3A_581 = arith.constant 16 : index
          %get3A_582 = tpu.vector_load %arg12[%get3A_579, %get3A_580, %get3A_581] {strides = array<i32>} : memref<4x128x32xf32, #tpu.memory_space<vmem>>, vector<1x1x16xf32>,
          %get3A_583 = vector.shape_cast %get3A_582 : vector<1x1x16xf32> to vector<16xf32>
          %mul3A_584 = arith.mulf %get3A_583, %broadcast_in_dim3A_563 : vector<16xf32>
          %swap3A_585 = arith.constant 2 : i32
          %swap3A_586 = arith.index_cast %swap3A_585 : i32 to index
          %swap3A_587 = arith.index_cast %add3A_560 : i32 to index
          %swap3A_588 = arith.constant 16 : index
          %swap3A_589 = tpu.vector_load %arg12[%swap3A_586, %swap3A_587, %swap3A_588] {strides = array<i32>} : memref<4x128x32xf32, #tpu.memory_space<vmem>>, vector<1x1x16xf32>,
          %swap3A_590 = vector.shape_cast %swap3A_589 : vector<1x1x16xf32> to vector<16xf32>
          %swap3A_591 = vector.shape_cast %mul3A_584 : vector<16xf32> to vector<1x1x16xf32>
          tpu.vector_store %arg12[%swap3A_586, %swap3A_587, %swap3A_588], %swap3A_591 {strides = array<i32>} : memref<4x128x32xf32, #tpu.memory_space<vmem>>, vector<1x1x16xf32>,
          %mul3A_592 = arith.constant 16 : i32
          %mul3A_593 = arith.muli %scan3A_480, %mul3A_592 : i32
          %add3A_594 = arith.constant 3 : i32
          %add3A_595 = arith.addi %mul3A_593, %add3A_594 : i32
          %slice3A_596 = vector.extract_strided_slice %get3A_488 {offsets = [3], sizes = [1], strides = [1]} : vector<16xf32> to vector<1xf32>
          %broadcast_in_dim3A_597 = vector.shape_cast %slice3A_596 : vector<1xf32> to vector<1xf32>
          %broadcast_in_dim3A_598 = vector.broadcast %broadcast_in_dim3A_597 : vector<1xf32> to vector<16xf32>
          %get3A_599 = arith.constant 2 : i32
          %get3A_600 = arith.index_cast %get3A_599 : i32 to index
          %get3A_601 = arith.index_cast %add3A_595 : i32 to index
          %get3A_602 = arith.constant 0 : index
          %get3A_603 = tpu.vector_load %arg12[%get3A_600, %get3A_601, %get3A_602] {strides = array<i32>} : memref<4x128x32xf32, #tpu.memory_space<vmem>>, vector<1x1x16xf32>,
          %get3A_604 = vector.shape_cast %get3A_603 : vector<1x1x16xf32> to vector<16xf32>
          %mul3A_605 = arith.mulf %get3A_604, %broadcast_in_dim3A_598 : vector<16xf32>
          %swap3A_606 = arith.constant 2 : i32
          %swap3A_607 = arith.index_cast %swap3A_606 : i32 to index
          %swap3A_608 = arith.index_cast %add3A_595 : i32 to index
          %swap3A_609 = arith.constant 0 : index
          %swap3A_610 = tpu.vector_load %arg12[%swap3A_607, %swap3A_608, %swap3A_609] {strides = array<i32>} : memref<4x128x32xf32, #tpu.memory_space<vmem>>, vector<1x1x16xf32>,
          %swap3A_611 = vector.shape_cast %swap3A_610 : vector<1x1x16xf32> to vector<16xf32>
          %swap3A_612 = vector.shape_cast %mul3A_605 : vector<16xf32> to vector<1x1x16xf32>
          tpu.vector_store %arg12[%swap3A_607, %swap3A_608, %swap3A_609], %swap3A_612 {strides = array<i32>} : memref<4x128x32xf32, #tpu.memory_space<vmem>>, vector<1x1x16xf32>,
          %get3A_613 = arith.constant 2 : i32
          %get3A_614 = arith.index_cast %get3A_613 : i32 to index
          %get3A_615 = arith.index_cast %add3A_595 : i32 to index
          %get3A_616 = arith.constant 16 : index
          %get3A_617 = tpu.vector_load %arg12[%get3A_614, %get3A_615, %get3A_616] {strides = array<i32>} : memref<4x128x32xf32, #tpu.memory_space<vmem>>, vector<1x1x16xf32>,
          %get3A_618 = vector.shape_cast %get3A_617 : vector<1x1x16xf32> to vector<16xf32>
          %mul3A_619 = arith.mulf %get3A_618, %broadcast_in_dim3A_598 : vector<16xf32>
          %swap3A_620 = arith.constant 2 : i32
          %swap3A_621 = arith.index_cast %swap3A_620 : i32 to index
          %swap3A_622 = arith.index_cast %add3A_595 : i32 to index
          %swap3A_623 = arith.constant 16 : index
          %swap3A_624 = tpu.vector_load %arg12[%swap3A_621, %swap3A_622, %swap3A_623] {strides = array<i32>} : memref<4x128x32xf32, #tpu.memory_space<vmem>>, vector<1x1x16xf32>,
          %swap3A_625 = vector.shape_cast %swap3A_624 : vector<1x1x16xf32> to vector<16xf32>
          %swap3A_626 = vector.shape_cast %mul3A_619 : vector<16xf32> to vector<1x1x16xf32>
          tpu.vector_store %arg12[%swap3A_621, %swap3A_622, %swap3A_623], %swap3A_626 {strides = array<i32>} : memref<4x128x32xf32, #tpu.memory_space<vmem>>, vector<1x1x16xf32>,
          %mul3A_627 = arith.constant 16 : i32
          %mul3A_628 = arith.muli %scan3A_480, %mul3A_627 : i32
          %add3A_629 = arith.constant 4 : i32
          %add3A_630 = arith.addi %mul3A_628, %add3A_629 : i32
          %slice3A_631 = vector.extract_strided_slice %get3A_488 {offsets = [4], sizes = [1], strides = [1]} : vector<16xf32> to vector<1xf32>
          %broadcast_in_dim3A_632 = vector.shape_cast %slice3A_631 : vector<1xf32> to vector<1xf32>
          %broadcast_in_dim3A_633 = vector.broadcast %broadcast_in_dim3A_632 : vector<1xf32> to vector<16xf32>
          %get3A_634 = arith.constant 2 : i32
          %get3A_635 = arith.index_cast %get3A_634 : i32 to index
          %get3A_636 = arith.index_cast %add3A_630 : i32 to index
          %get3A_637 = arith.constant 0 : index
          %get3A_638 = tpu.vector_load %arg12[%get3A_635, %get3A_636, %get3A_637] {strides = array<i32>} : memref<4x128x32xf32, #tpu.memory_space<vmem>>, vector<1x1x16xf32>,
          %get3A_639 = vector.shape_cast %get3A_638 : vector<1x1x16xf32> to vector<16xf32>
          %mul3A_640 = arith.mulf %get3A_639, %broadcast_in_dim3A_633 : vector<16xf32>
          %swap3A_641 = arith.constant 2 : i32
          %swap3A_642 = arith.index_cast %swap3A_641 : i32 to index
          %swap3A_643 = arith.index_cast %add3A_630 : i32 to index
          %swap3A_644 = arith.constant 0 : index
          %swap3A_645 = tpu.vector_load %arg12[%swap3A_642, %swap3A_643, %swap3A_644] {strides = array<i32>} : memref<4x128x32xf32, #tpu.memory_space<vmem>>, vector<1x1x16xf32>,
          %swap3A_646 = vector.shape_cast %swap3A_645 : vector<1x1x16xf32> to vector<16xf32>
          %swap3A_647 = vector.shape_cast %mul3A_640 : vector<16xf32> to vector<1x1x16xf32>
          tpu.vector_store %arg12[%swap3A_642, %swap3A_643, %swap3A_644], %swap3A_647 {strides = array<i32>} : memref<4x128x32xf32, #tpu.memory_space<vmem>>, vector<1x1x16xf32>,
          %get3A_648 = arith.constant 2 : i32
          %get3A_649 = arith.index_cast %get3A_648 : i32 to index
          %get3A_650 = arith.index_cast %add3A_630 : i32 to index
          %get3A_651 = arith.constant 16 : index
          %get3A_652 = tpu.vector_load %arg12[%get3A_649, %get3A_650, %get3A_651] {strides = array<i32>} : memref<4x128x32xf32, #tpu.memory_space<vmem>>, vector<1x1x16xf32>,
          %get3A_653 = vector.shape_cast %get3A_652 : vector<1x1x16xf32> to vector<16xf32>
          %mul3A_654 = arith.mulf %get3A_653, %broadcast_in_dim3A_633 : vector<16xf32>
          %swap3A_655 = arith.constant 2 : i32
          %swap3A_656 = arith.index_cast %swap3A_655 : i32 to index
          %swap3A_657 = arith.index_cast %add3A_630 : i32 to index
          %swap3A_658 = arith.constant 16 : index
          %swap3A_659 = tpu.vector_load %arg12[%swap3A_656, %swap3A_657, %swap3A_658] {strides = array<i32>} : memref<4x128x32xf32, #tpu.memory_space<vmem>>, vector<1x1x16xf32>,
          %swap3A_660 = vector.shape_cast %swap3A_659 : vector<1x1x16xf32> to vector<16xf32>
          %swap3A_661 = vector.shape_cast %mul3A_654 : vector<16xf32> to vector<1x1x16xf32>
          tpu.vector_store %arg12[%swap3A_656, %swap3A_657, %swap3A_658], %swap3A_661 {strides = array<i32>} : memref<4x128x32xf32, #tpu.memory_space<vmem>>, vector<1x1x16xf32>,
          %mul3A_662 = arith.constant 16 : i32
          %mul3A_663 = arith.muli %scan3A_480, %mul3A_662 : i32
          %add3A_664 = arith.constant 5 : i32
          %add3A_665 = arith.addi %mul3A_663, %add3A_664 : i32
          %slice3A_666 = vector.extract_strided_slice %get3A_488 {offsets = [5], sizes = [1], strides = [1]} : vector<16xf32> to vector<1xf32>
          %broadcast_in_dim3A_667 = vector.shape_cast %slice3A_666 : vector<1xf32> to vector<1xf32>
          %broadcast_in_dim3A_668 = vector.broadcast %broadcast_in_dim3A_667 : vector<1xf32> to vector<16xf32>
          %get3A_669 = arith.constant 2 : i32
          %get3A_670 = arith.index_cast %get3A_669 : i32 to index
          %get3A_671 = arith.index_cast %add3A_665 : i32 to index
          %get3A_672 = arith.constant 0 : index
          %get3A_673 = tpu.vector_load %arg12[%get3A_670, %get3A_671, %get3A_672] {strides = array<i32>} : memref<4x128x32xf32, #tpu.memory_space<vmem>>, vector<1x1x16xf32>,
          %get3A_674 = vector.shape_cast %get3A_673 : vector<1x1x16xf32> to vector<16xf32>
          %mul3A_675 = arith.mulf %get3A_674, %broadcast_in_dim3A_668 : vector<16xf32>
          %swap3A_676 = arith.constant 2 : i32
          %swap3A_677 = arith.index_cast %swap3A_676 : i32 to index
          %swap3A_678 = arith.index_cast %add3A_665 : i32 to index
          %swap3A_679 = arith.constant 0 : index
          %swap3A_680 = tpu.vector_load %arg12[%swap3A_677, %swap3A_678, %swap3A_679] {strides = array<i32>} : memref<4x128x32xf32, #tpu.memory_space<vmem>>, vector<1x1x16xf32>,
          %swap3A_681 = vector.shape_cast %swap3A_680 : vector<1x1x16xf32> to vector<16xf32>
          %swap3A_682 = vector.shape_cast %mul3A_675 : vector<16xf32> to vector<1x1x16xf32>
          tpu.vector_store %arg12[%swap3A_677, %swap3A_678, %swap3A_679], %swap3A_682 {strides = array<i32>} : memref<4x128x32xf32, #tpu.memory_space<vmem>>, vector<1x1x16xf32>,
          %get3A_683 = arith.constant 2 : i32
          %get3A_684 = arith.index_cast %get3A_683 : i32 to index
          %get3A_685 = arith.index_cast %add3A_665 : i32 to index
          %get3A_686 = arith.constant 16 : index
          %get3A_687 = tpu.vector_load %arg12[%get3A_684, %get3A_685, %get3A_686] {strides = array<i32>} : memref<4x128x32xf32, #tpu.memory_space<vmem>>, vector<1x1x16xf32>,
          %get3A_688 = vector.shape_cast %get3A_687 : vector<1x1x16xf32> to vector<16xf32>
          %mul3A_689 = arith.mulf %get3A_688, %broadcast_in_dim3A_668 : vector<16xf32>
          %swap3A_690 = arith.constant 2 : i32
          %swap3A_691 = arith.index_cast %swap3A_690 : i32 to index
          %swap3A_692 = arith.index_cast %add3A_665 : i32 to index
          %swap3A_693 = arith.constant 16 : index
          %swap3A_694 = tpu.vector_load %arg12[%swap3A_691, %swap3A_692, %swap3A_693] {strides = array<i32>} : memref<4x128x32xf32, #tpu.memory_space<vmem>>, vector<1x1x16xf32>,
          %swap3A_695 = vector.shape_cast %swap3A_694 : vector<1x1x16xf32> to vector<16xf32>
          %swap3A_696 = vector.shape_cast %mul3A_689 : vector<16xf32> to vector<1x1x16xf32>
          tpu.vector_store %arg12[%swap3A_691, %swap3A_692, %swap3A_693], %swap3A_696 {strides = array<i32>} : memref<4x128x32xf32, #tpu.memory_space<vmem>>, vector<1x1x16xf32>,
          %mul3A_697 = arith.constant 16 : i32
          %mul3A_698 = arith.muli %scan3A_480, %mul3A_697 : i32
          %add3A_699 = arith.constant 6 : i32
          %add3A_700 = arith.addi %mul3A_698, %add3A_699 : i32
          %slice3A_701 = vector.extract_strided_slice %get3A_488 {offsets = [6], sizes = [1], strides = [1]} : vector<16xf32> to vector<1xf32>
          %broadcast_in_dim3A_702 = vector.shape_cast %slice3A_701 : vector<1xf32> to vector<1xf32>
          %broadcast_in_dim3A_703 = vector.broadcast %broadcast_in_dim3A_702 : vector<1xf32> to vector<16xf32>
          %get3A_704 = arith.constant 2 : i32
          %get3A_705 = arith.index_cast %get3A_704 : i32 to index
          %get3A_706 = arith.index_cast %add3A_700 : i32 to index
          %get3A_707 = arith.constant 0 : index
          %get3A_708 = tpu.vector_load %arg12[%get3A_705, %get3A_706, %get3A_707] {strides = array<i32>} : memref<4x128x32xf32, #tpu.memory_space<vmem>>, vector<1x1x16xf32>,
          %get3A_709 = vector.shape_cast %get3A_708 : vector<1x1x16xf32> to vector<16xf32>
          %mul3A_710 = arith.mulf %get3A_709, %broadcast_in_dim3A_703 : vector<16xf32>
          %swap3A_711 = arith.constant 2 : i32
          %swap3A_712 = arith.index_cast %swap3A_711 : i32 to index
          %swap3A_713 = arith.index_cast %add3A_700 : i32 to index
          %swap3A_714 = arith.constant 0 : index
          %swap3A_715 = tpu.vector_load %arg12[%swap3A_712, %swap3A_713, %swap3A_714] {strides = array<i32>} : memref<4x128x32xf32, #tpu.memory_space<vmem>>, vector<1x1x16xf32>,
          %swap3A_716 = vector.shape_cast %swap3A_715 : vector<1x1x16xf32> to vector<16xf32>
          %swap3A_717 = vector.shape_cast %mul3A_710 : vector<16xf32> to vector<1x1x16xf32>
          tpu.vector_store %arg12[%swap3A_712, %swap3A_713, %swap3A_714], %swap3A_717 {strides = array<i32>} : memref<4x128x32xf32, #tpu.memory_space<vmem>>, vector<1x1x16xf32>,
          %get3A_718 = arith.constant 2 : i32
          %get3A_719 = arith.index_cast %get3A_718 : i32 to index
          %get3A_720 = arith.index_cast %add3A_700 : i32 to index
          %get3A_721 = arith.constant 16 : index
          %get3A_722 = tpu.vector_load %arg12[%get3A_719, %get3A_720, %get3A_721] {strides = array<i32>} : memref<4x128x32xf32, #tpu.memory_space<vmem>>, vector<1x1x16xf32>,
          %get3A_723 = vector.shape_cast %get3A_722 : vector<1x1x16xf32> to vector<16xf32>
          %mul3A_724 = arith.mulf %get3A_723, %broadcast_in_dim3A_703 : vector<16xf32>
          %swap3A_725 = arith.constant 2 : i32
          %swap3A_726 = arith.index_cast %swap3A_725 : i32 to index
          %swap3A_727 = arith.index_cast %add3A_700 : i32 to index
          %swap3A_728 = arith.constant 16 : index
          %swap3A_729 = tpu.vector_load %arg12[%swap3A_726, %swap3A_727, %swap3A_728] {strides = array<i32>} : memref<4x128x32xf32, #tpu.memory_space<vmem>>, vector<1x1x16xf32>,
          %swap3A_730 = vector.shape_cast %swap3A_729 : vector<1x1x16xf32> to vector<16xf32>
          %swap3A_731 = vector.shape_cast %mul3A_724 : vector<16xf32> to vector<1x1x16xf32>
          tpu.vector_store %arg12[%swap3A_726, %swap3A_727, %swap3A_728], %swap3A_731 {strides = array<i32>} : memref<4x128x32xf32, #tpu.memory_space<vmem>>, vector<1x1x16xf32>,
          %mul3A_732 = arith.constant 16 : i32
          %mul3A_733 = arith.muli %scan3A_480, %mul3A_732 : i32
          %add3A_734 = arith.constant 7 : i32
          %add3A_735 = arith.addi %mul3A_733, %add3A_734 : i32
          %slice3A_736 = vector.extract_strided_slice %get3A_488 {offsets = [7], sizes = [1], strides = [1]} : vector<16xf32> to vector<1xf32>
          %broadcast_in_dim3A_737 = vector.shape_cast %slice3A_736 : vector<1xf32> to vector<1xf32>
          %broadcast_in_dim3A_738 = vector.broadcast %broadcast_in_dim3A_737 : vector<1xf32> to vector<16xf32>
          %get3A_739 = arith.constant 2 : i32
          %get3A_740 = arith.index_cast %get3A_739 : i32 to index
          %get3A_741 = arith.index_cast %add3A_735 : i32 to index
          %get3A_742 = arith.constant 0 : index
          %get3A_743 = tpu.vector_load %arg12[%get3A_740, %get3A_741, %get3A_742] {strides = array<i32>} : memref<4x128x32xf32, #tpu.memory_space<vmem>>, vector<1x1x16xf32>,
          %get3A_744 = vector.shape_cast %get3A_743 : vector<1x1x16xf32> to vector<16xf32>
          %mul3A_745 = arith.mulf %get3A_744, %broadcast_in_dim3A_738 : vector<16xf32>
          %swap3A_746 = arith.constant 2 : i32
          %swap3A_747 = arith.index_cast %swap3A_746 : i32 to index
          %swap3A_748 = arith.index_cast %add3A_735 : i32 to index
          %swap3A_749 = arith.constant 0 : index
          %swap3A_750 = tpu.vector_load %arg12[%swap3A_747, %swap3A_748, %swap3A_749] {strides = array<i32>} : memref<4x128x32xf32, #tpu.memory_space<vmem>>, vector<1x1x16xf32>,
          %swap3A_751 = vector.shape_cast %swap3A_750 : vector<1x1x16xf32> to vector<16xf32>
          %swap3A_752 = vector.shape_cast %mul3A_745 : vector<16xf32> to vector<1x1x16xf32>
          tpu.vector_store %arg12[%swap3A_747, %swap3A_748, %swap3A_749], %swap3A_752 {strides = array<i32>} : memref<4x128x32xf32, #tpu.memory_space<vmem>>, vector<1x1x16xf32>,
          %get3A_753 = arith.constant 2 : i32
          %get3A_754 = arith.index_cast %get3A_753 : i32 to index
          %get3A_755 = arith.index_cast %add3A_735 : i32 to index
          %get3A_756 = arith.constant 16 : index
          %get3A_757 = tpu.vector_load %arg12[%get3A_754, %get3A_755, %get3A_756] {strides = array<i32>} : memref<4x128x32xf32, #tpu.memory_space<vmem>>, vector<1x1x16xf32>,
          %get3A_758 = vector.shape_cast %get3A_757 : vector<1x1x16xf32> to vector<16xf32>
          %mul3A_759 = arith.mulf %get3A_758, %broadcast_in_dim3A_738 : vector<16xf32>
          %swap3A_760 = arith.constant 2 : i32
          %swap3A_761 = arith.index_cast %swap3A_760 : i32 to index
          %swap3A_762 = arith.index_cast %add3A_735 : i32 to index
          %swap3A_763 = arith.constant 16 : index
          %swap3A_764 = tpu.vector_load %arg12[%swap3A_761, %swap3A_762, %swap3A_763] {strides = array<i32>} : memref<4x128x32xf32, #tpu.memory_space<vmem>>, vector<1x1x16xf32>,
          %swap3A_765 = vector.shape_cast %swap3A_764 : vector<1x1x16xf32> to vector<16xf32>
          %swap3A_766 = vector.shape_cast %mul3A_759 : vector<16xf32> to vector<1x1x16xf32>
          tpu.vector_store %arg12[%swap3A_761, %swap3A_762, %swap3A_763], %swap3A_766 {strides = array<i32>} : memref<4x128x32xf32, #tpu.memory_space<vmem>>, vector<1x1x16xf32>,
          %mul3A_767 = arith.constant 16 : i32
          %mul3A_768 = arith.muli %scan3A_480, %mul3A_767 : i32
          %add3A_769 = arith.constant 8 : i32
          %add3A_770 = arith.addi %mul3A_768, %add3A_769 : i32
          %slice3A_771 = vector.extract_strided_slice %get3A_488 {offsets = [8], sizes = [1], strides = [1]} : vector<16xf32> to vector<1xf32>
          %broadcast_in_dim3A_772 = vector.shape_cast %slice3A_771 : vector<1xf32> to vector<1xf32>
          %broadcast_in_dim3A_773 = vector.broadcast %broadcast_in_dim3A_772 : vector<1xf32> to vector<16xf32>
          %get3A_774 = arith.constant 2 : i32
          %get3A_775 = arith.index_cast %get3A_774 : i32 to index
          %get3A_776 = arith.index_cast %add3A_770 : i32 to index
          %get3A_777 = arith.constant 0 : index
          %get3A_778 = tpu.vector_load %arg12[%get3A_775, %get3A_776, %get3A_777] {strides = array<i32>} : memref<4x128x32xf32, #tpu.memory_space<vmem>>, vector<1x1x16xf32>,
          %get3A_779 = vector.shape_cast %get3A_778 : vector<1x1x16xf32> to vector<16xf32>
          %mul3A_780 = arith.mulf %get3A_779, %broadcast_in_dim3A_773 : vector<16xf32>
          %swap3A_781 = arith.constant 2 : i32
          %swap3A_782 = arith.index_cast %swap3A_781 : i32 to index
          %swap3A_783 = arith.index_cast %add3A_770 : i32 to index
          %swap3A_784 = arith.constant 0 : index
          %swap3A_785 = tpu.vector_load %arg12[%swap3A_782, %swap3A_783, %swap3A_784] {strides = array<i32>} : memref<4x128x32xf32, #tpu.memory_space<vmem>>, vector<1x1x16xf32>,
          %swap3A_786 = vector.shape_cast %swap3A_785 : vector<1x1x16xf32> to vector<16xf32>
          %swap3A_787 = vector.shape_cast %mul3A_780 : vector<16xf32> to vector<1x1x16xf32>
          tpu.vector_store %arg12[%swap3A_782, %swap3A_783, %swap3A_784], %swap3A_787 {strides = array<i32>} : memref<4x128x32xf32, #tpu.memory_space<vmem>>, vector<1x1x16xf32>,
          %get3A_788 = arith.constant 2 : i32
          %get3A_789 = arith.index_cast %get3A_788 : i32 to index
          %get3A_790 = arith.index_cast %add3A_770 : i32 to index
          %get3A_791 = arith.constant 16 : index
          %get3A_792 = tpu.vector_load %arg12[%get3A_789, %get3A_790, %get3A_791] {strides = array<i32>} : memref<4x128x32xf32, #tpu.memory_space<vmem>>, vector<1x1x16xf32>,
          %get3A_793 = vector.shape_cast %get3A_792 : vector<1x1x16xf32> to vector<16xf32>
          %mul3A_794 = arith.mulf %get3A_793, %broadcast_in_dim3A_773 : vector<16xf32>
          %swap3A_795 = arith.constant 2 : i32
          %swap3A_796 = arith.index_cast %swap3A_795 : i32 to index
          %swap3A_797 = arith.index_cast %add3A_770 : i32 to index
          %swap3A_798 = arith.constant 16 : index
          %swap3A_799 = tpu.vector_load %arg12[%swap3A_796, %swap3A_797, %swap3A_798] {strides = array<i32>} : memref<4x128x32xf32, #tpu.memory_space<vmem>>, vector<1x1x16xf32>,
          %swap3A_800 = vector.shape_cast %swap3A_799 : vector<1x1x16xf32> to vector<16xf32>
          %swap3A_801 = vector.shape_cast %mul3A_794 : vector<16xf32> to vector<1x1x16xf32>
          tpu.vector_store %arg12[%swap3A_796, %swap3A_797, %swap3A_798], %swap3A_801 {strides = array<i32>} : memref<4x128x32xf32, #tpu.memory_space<vmem>>, vector<1x1x16xf32>,
          %mul3A_802 = arith.constant 16 : i32
          %mul3A_803 = arith.muli %scan3A_480, %mul3A_802 : i32
          %add3A_804 = arith.constant 9 : i32
          %add3A_805 = arith.addi %mul3A_803, %add3A_804 : i32
          %slice3A_806 = vector.extract_strided_slice %get3A_488 {offsets = [9], sizes = [1], strides = [1]} : vector<16xf32> to vector<1xf32>
          %broadcast_in_dim3A_807 = vector.shape_cast %slice3A_806 : vector<1xf32> to vector<1xf32>
          %broadcast_in_dim3A_808 = vector.broadcast %broadcast_in_dim3A_807 : vector<1xf32> to vector<16xf32>
          %get3A_809 = arith.constant 2 : i32
          %get3A_810 = arith.index_cast %get3A_809 : i32 to index
          %get3A_811 = arith.index_cast %add3A_805 : i32 to index
          %get3A_812 = arith.constant 0 : index
          %get3A_813 = tpu.vector_load %arg12[%get3A_810, %get3A_811, %get3A_812] {strides = array<i32>} : memref<4x128x32xf32, #tpu.memory_space<vmem>>, vector<1x1x16xf32>,
          %get3A_814 = vector.shape_cast %get3A_813 : vector<1x1x16xf32> to vector<16xf32>
          %mul3A_815 = arith.mulf %get3A_814, %broadcast_in_dim3A_808 : vector<16xf32>
          %swap3A_816 = arith.constant 2 : i32
          %swap3A_817 = arith.index_cast %swap3A_816 : i32 to index
          %swap3A_818 = arith.index_cast %add3A_805 : i32 to index
          %swap3A_819 = arith.constant 0 : index
          %swap3A_820 = tpu.vector_load %arg12[%swap3A_817, %swap3A_818, %swap3A_819] {strides = array<i32>} : memref<4x128x32xf32, #tpu.memory_space<vmem>>, vector<1x1x16xf32>,
          %swap3A_821 = vector.shape_cast %swap3A_820 : vector<1x1x16xf32> to vector<16xf32>
          %swap3A_822 = vector.shape_cast %mul3A_815 : vector<16xf32> to vector<1x1x16xf32>
          tpu.vector_store %arg12[%swap3A_817, %swap3A_818, %swap3A_819], %swap3A_822 {strides = array<i32>} : memref<4x128x32xf32, #tpu.memory_space<vmem>>, vector<1x1x16xf32>,
          %get3A_823 = arith.constant 2 : i32
          %get3A_824 = arith.index_cast %get3A_823 : i32 to index
          %get3A_825 = arith.index_cast %add3A_805 : i32 to index
          %get3A_826 = arith.constant 16 : index
          %get3A_827 = tpu.vector_load %arg12[%get3A_824, %get3A_825, %get3A_826] {strides = array<i32>} : memref<4x128x32xf32, #tpu.memory_space<vmem>>, vector<1x1x16xf32>,
          %get3A_828 = vector.shape_cast %get3A_827 : vector<1x1x16xf32> to vector<16xf32>
          %mul3A_829 = arith.mulf %get3A_828, %broadcast_in_dim3A_808 : vector<16xf32>
          %swap3A_830 = arith.constant 2 : i32
          %swap3A_831 = arith.index_cast %swap3A_830 : i32 to index
          %swap3A_832 = arith.index_cast %add3A_805 : i32 to index
          %swap3A_833 = arith.constant 16 : index
          %swap3A_834 = tpu.vector_load %arg12[%swap3A_831, %swap3A_832, %swap3A_833] {strides = array<i32>} : memref<4x128x32xf32, #tpu.memory_space<vmem>>, vector<1x1x16xf32>,
          %swap3A_835 = vector.shape_cast %swap3A_834 : vector<1x1x16xf32> to vector<16xf32>
          %swap3A_836 = vector.shape_cast %mul3A_829 : vector<16xf32> to vector<1x1x16xf32>
          tpu.vector_store %arg12[%swap3A_831, %swap3A_832, %swap3A_833], %swap3A_836 {strides = array<i32>} : memref<4x128x32xf32, #tpu.memory_space<vmem>>, vector<1x1x16xf32>,
          %mul3A_837 = arith.constant 16 : i32
          %mul3A_838 = arith.muli %scan3A_480, %mul3A_837 : i32
          %add3A_839 = arith.constant 10 : i32
          %add3A_840 = arith.addi %mul3A_838, %add3A_839 : i32
          %slice3A_841 = vector.extract_strided_slice %get3A_488 {offsets = [10], sizes = [1], strides = [1]} : vector<16xf32> to vector<1xf32>
          %broadcast_in_dim3A_842 = vector.shape_cast %slice3A_841 : vector<1xf32> to vector<1xf32>
          %broadcast_in_dim3A_843 = vector.broadcast %broadcast_in_dim3A_842 : vector<1xf32> to vector<16xf32>
          %get3A_844 = arith.constant 2 : i32
          %get3A_845 = arith.index_cast %get3A_844 : i32 to index
          %get3A_846 = arith.index_cast %add3A_840 : i32 to index
          %get3A_847 = arith.constant 0 : index
          %get3A_848 = tpu.vector_load %arg12[%get3A_845, %get3A_846, %get3A_847] {strides = array<i32>} : memref<4x128x32xf32, #tpu.memory_space<vmem>>, vector<1x1x16xf32>,
          %get3A_849 = vector.shape_cast %get3A_848 : vector<1x1x16xf32> to vector<16xf32>
          %mul3A_850 = arith.mulf %get3A_849, %broadcast_in_dim3A_843 : vector<16xf32>
          %swap3A_851 = arith.constant 2 : i32
          %swap3A_852 = arith.index_cast %swap3A_851 : i32 to index
          %swap3A_853 = arith.index_cast %add3A_840 : i32 to index
          %swap3A_854 = arith.constant 0 : index
          %swap3A_855 = tpu.vector_load %arg12[%swap3A_852, %swap3A_853, %swap3A_854] {strides = array<i32>} : memref<4x128x32xf32, #tpu.memory_space<vmem>>, vector<1x1x16xf32>,
          %swap3A_856 = vector.shape_cast %swap3A_855 : vector<1x1x16xf32> to vector<16xf32>
          %swap3A_857 = vector.shape_cast %mul3A_850 : vector<16xf32> to vector<1x1x16xf32>
          tpu.vector_store %arg12[%swap3A_852, %swap3A_853, %swap3A_854], %swap3A_857 {strides = array<i32>} : memref<4x128x32xf32, #tpu.memory_space<vmem>>, vector<1x1x16xf32>,
          %get3A_858 = arith.constant 2 : i32
          %get3A_859 = arith.index_cast %get3A_858 : i32 to index
          %get3A_860 = arith.index_cast %add3A_840 : i32 to index
          %get3A_861 = arith.constant 16 : index
          %get3A_862 = tpu.vector_load %arg12[%get3A_859, %get3A_860, %get3A_861] {strides = array<i32>} : memref<4x128x32xf32, #tpu.memory_space<vmem>>, vector<1x1x16xf32>,
          %get3A_863 = vector.shape_cast %get3A_862 : vector<1x1x16xf32> to vector<16xf32>
          %mul3A_864 = arith.mulf %get3A_863, %broadcast_in_dim3A_843 : vector<16xf32>
          %swap3A_865 = arith.constant 2 : i32
          %swap3A_866 = arith.index_cast %swap3A_865 : i32 to index
          %swap3A_867 = arith.index_cast %add3A_840 : i32 to index
          %swap3A_868 = arith.constant 16 : index
          %swap3A_869 = tpu.vector_load %arg12[%swap3A_866, %swap3A_867, %swap3A_868] {strides = array<i32>} : memref<4x128x32xf32, #tpu.memory_space<vmem>>, vector<1x1x16xf32>,
          %swap3A_870 = vector.shape_cast %swap3A_869 : vector<1x1x16xf32> to vector<16xf32>
          %swap3A_871 = vector.shape_cast %mul3A_864 : vector<16xf32> to vector<1x1x16xf32>
          tpu.vector_store %arg12[%swap3A_866, %swap3A_867, %swap3A_868], %swap3A_871 {strides = array<i32>} : memref<4x128x32xf32, #tpu.memory_space<vmem>>, vector<1x1x16xf32>,
          %mul3A_872 = arith.constant 16 : i32
          %mul3A_873 = arith.muli %scan3A_480, %mul3A_872 : i32
          %add3A_874 = arith.constant 11 : i32
          %add3A_875 = arith.addi %mul3A_873, %add3A_874 : i32
          %slice3A_876 = vector.extract_strided_slice %get3A_488 {offsets = [11], sizes = [1], strides = [1]} : vector<16xf32> to vector<1xf32>
          %broadcast_in_dim3A_877 = vector.shape_cast %slice3A_876 : vector<1xf32> to vector<1xf32>
          %broadcast_in_dim3A_878 = vector.broadcast %broadcast_in_dim3A_877 : vector<1xf32> to vector<16xf32>
          %get3A_879 = arith.constant 2 : i32
          %get3A_880 = arith.index_cast %get3A_879 : i32 to index
          %get3A_881 = arith.index_cast %add3A_875 : i32 to index
          %get3A_882 = arith.constant 0 : index
          %get3A_883 = tpu.vector_load %arg12[%get3A_880, %get3A_881, %get3A_882] {strides = array<i32>} : memref<4x128x32xf32, #tpu.memory_space<vmem>>, vector<1x1x16xf32>,
          %get3A_884 = vector.shape_cast %get3A_883 : vector<1x1x16xf32> to vector<16xf32>
          %mul3A_885 = arith.mulf %get3A_884, %broadcast_in_dim3A_878 : vector<16xf32>
          %swap3A_886 = arith.constant 2 : i32
          %swap3A_887 = arith.index_cast %swap3A_886 : i32 to index
          %swap3A_888 = arith.index_cast %add3A_875 : i32 to index
          %swap3A_889 = arith.constant 0 : index
          %swap3A_890 = tpu.vector_load %arg12[%swap3A_887, %swap3A_888, %swap3A_889] {strides = array<i32>} : memref<4x128x32xf32, #tpu.memory_space<vmem>>, vector<1x1x16xf32>,
          %swap3A_891 = vector.shape_cast %swap3A_890 : vector<1x1x16xf32> to vector<16xf32>
          %swap3A_892 = vector.shape_cast %mul3A_885 : vector<16xf32> to vector<1x1x16xf32>
          tpu.vector_store %arg12[%swap3A_887, %swap3A_888, %swap3A_889], %swap3A_892 {strides = array<i32>} : memref<4x128x32xf32, #tpu.memory_space<vmem>>, vector<1x1x16xf32>,
          %get3A_893 = arith.constant 2 : i32
          %get3A_894 = arith.index_cast %get3A_893 : i32 to index
          %get3A_895 = arith.index_cast %add3A_875 : i32 to index
          %get3A_896 = arith.constant 16 : index
          %get3A_897 = tpu.vector_load %arg12[%get3A_894, %get3A_895, %get3A_896] {strides = array<i32>} : memref<4x128x32xf32, #tpu.memory_space<vmem>>, vector<1x1x16xf32>,
          %get3A_898 = vector.shape_cast %get3A_897 : vector<1x1x16xf32> to vector<16xf32>
          %mul3A_899 = arith.mulf %get3A_898, %broadcast_in_dim3A_878 : vector<16xf32>
          %swap3A_900 = arith.constant 2 : i32
          %swap3A_901 = arith.index_cast %swap3A_900 : i32 to index
          %swap3A_902 = arith.index_cast %add3A_875 : i32 to index
          %swap3A_903 = arith.constant 16 : index
          %swap3A_904 = tpu.vector_load %arg12[%swap3A_901, %swap3A_902, %swap3A_903] {strides = array<i32>} : memref<4x128x32xf32, #tpu.memory_space<vmem>>, vector<1x1x16xf32>,
          %swap3A_905 = vector.shape_cast %swap3A_904 : vector<1x1x16xf32> to vector<16xf32>
          %swap3A_906 = vector.shape_cast %mul3A_899 : vector<16xf32> to vector<1x1x16xf32>
          tpu.vector_store %arg12[%swap3A_901, %swap3A_902, %swap3A_903], %swap3A_906 {strides = array<i32>} : memref<4x128x32xf32, #tpu.memory_space<vmem>>, vector<1x1x16xf32>,
          %mul3A_907 = arith.constant 16 : i32
          %mul3A_908 = arith.muli %scan3A_480, %mul3A_907 : i32
          %add3A_909 = arith.constant 12 : i32
          %add3A_910 = arith.addi %mul3A_908, %add3A_909 : i32
          %slice3A_911 = vector.extract_strided_slice %get3A_488 {offsets = [12], sizes = [1], strides = [1]} : vector<16xf32> to vector<1xf32>
          %broadcast_in_dim3A_912 = vector.shape_cast %slice3A_911 : vector<1xf32> to vector<1xf32>
          %broadcast_in_dim3A_913 = vector.broadcast %broadcast_in_dim3A_912 : vector<1xf32> to vector<16xf32>
          %get3A_914 = arith.constant 2 : i32
          %get3A_915 = arith.index_cast %get3A_914 : i32 to index
          %get3A_916 = arith.index_cast %add3A_910 : i32 to index
          %get3A_917 = arith.constant 0 : index
          %get3A_918 = tpu.vector_load %arg12[%get3A_915, %get3A_916, %get3A_917] {strides = array<i32>} : memref<4x128x32xf32, #tpu.memory_space<vmem>>, vector<1x1x16xf32>,
          %get3A_919 = vector.shape_cast %get3A_918 : vector<1x1x16xf32> to vector<16xf32>
          %mul3A_920 = arith.mulf %get3A_919, %broadcast_in_dim3A_913 : vector<16xf32>
          %swap3A_921 = arith.constant 2 : i32
          %swap3A_922 = arith.index_cast %swap3A_921 : i32 to index
          %swap3A_923 = arith.index_cast %add3A_910 : i32 to index
          %swap3A_924 = arith.constant 0 : index
          %swap3A_925 = tpu.vector_load %arg12[%swap3A_922, %swap3A_923, %swap3A_924] {strides = array<i32>} : memref<4x128x32xf32, #tpu.memory_space<vmem>>, vector<1x1x16xf32>,
          %swap3A_926 = vector.shape_cast %swap3A_925 : vector<1x1x16xf32> to vector<16xf32>
          %swap3A_927 = vector.shape_cast %mul3A_920 : vector<16xf32> to vector<1x1x16xf32>
          tpu.vector_store %arg12[%swap3A_922, %swap3A_923, %swap3A_924], %swap3A_927 {strides = array<i32>} : memref<4x128x32xf32, #tpu.memory_space<vmem>>, vector<1x1x16xf32>,
          %get3A_928 = arith.constant 2 : i32
          %get3A_929 = arith.index_cast %get3A_928 : i32 to index
          %get3A_930 = arith.index_cast %add3A_910 : i32 to index
          %get3A_931 = arith.constant 16 : index
          %get3A_932 = tpu.vector_load %arg12[%get3A_929, %get3A_930, %get3A_931] {strides = array<i32>} : memref<4x128x32xf32, #tpu.memory_space<vmem>>, vector<1x1x16xf32>,
          %get3A_933 = vector.shape_cast %get3A_932 : vector<1x1x16xf32> to vector<16xf32>
          %mul3A_934 = arith.mulf %get3A_933, %broadcast_in_dim3A_913 : vector<16xf32>
          %swap3A_935 = arith.constant 2 : i32
          %swap3A_936 = arith.index_cast %swap3A_935 : i32 to index
          %swap3A_937 = arith.index_cast %add3A_910 : i32 to index
          %swap3A_938 = arith.constant 16 : index
          %swap3A_939 = tpu.vector_load %arg12[%swap3A_936, %swap3A_937, %swap3A_938] {strides = array<i32>} : memref<4x128x32xf32, #tpu.memory_space<vmem>>, vector<1x1x16xf32>,
          %swap3A_940 = vector.shape_cast %swap3A_939 : vector<1x1x16xf32> to vector<16xf32>
          %swap3A_941 = vector.shape_cast %mul3A_934 : vector<16xf32> to vector<1x1x16xf32>
          tpu.vector_store %arg12[%swap3A_936, %swap3A_937, %swap3A_938], %swap3A_941 {strides = array<i32>} : memref<4x128x32xf32, #tpu.memory_space<vmem>>, vector<1x1x16xf32>,
          %mul3A_942 = arith.constant 16 : i32
          %mul3A_943 = arith.muli %scan3A_480, %mul3A_942 : i32
          %add3A_944 = arith.constant 13 : i32
          %add3A_945 = arith.addi %mul3A_943, %add3A_944 : i32
          %slice3A_946 = vector.extract_strided_slice %get3A_488 {offsets = [13], sizes = [1], strides = [1]} : vector<16xf32> to vector<1xf32>
          %broadcast_in_dim3A_947 = vector.shape_cast %slice3A_946 : vector<1xf32> to vector<1xf32>
          %broadcast_in_dim3A_948 = vector.broadcast %broadcast_in_dim3A_947 : vector<1xf32> to vector<16xf32>
          %get3A_949 = arith.constant 2 : i32
          %get3A_950 = arith.index_cast %get3A_949 : i32 to index
          %get3A_951 = arith.index_cast %add3A_945 : i32 to index
          %get3A_952 = arith.constant 0 : index
          %get3A_953 = tpu.vector_load %arg12[%get3A_950, %get3A_951, %get3A_952] {strides = array<i32>} : memref<4x128x32xf32, #tpu.memory_space<vmem>>, vector<1x1x16xf32>,
          %get3A_954 = vector.shape_cast %get3A_953 : vector<1x1x16xf32> to vector<16xf32>
          %mul3A_955 = arith.mulf %get3A_954, %broadcast_in_dim3A_948 : vector<16xf32>
          %swap3A_956 = arith.constant 2 : i32
          %swap3A_957 = arith.index_cast %swap3A_956 : i32 to index
          %swap3A_958 = arith.index_cast %add3A_945 : i32 to index
          %swap3A_959 = arith.constant 0 : index
          %swap3A_960 = tpu.vector_load %arg12[%swap3A_957, %swap3A_958, %swap3A_959] {strides = array<i32>} : memref<4x128x32xf32, #tpu.memory_space<vmem>>, vector<1x1x16xf32>,
          %swap3A_961 = vector.shape_cast %swap3A_960 : vector<1x1x16xf32> to vector<16xf32>
          %swap3A_962 = vector.shape_cast %mul3A_955 : vector<16xf32> to vector<1x1x16xf32>
          tpu.vector_store %arg12[%swap3A_957, %swap3A_958, %swap3A_959], %swap3A_962 {strides = array<i32>} : memref<4x128x32xf32, #tpu.memory_space<vmem>>, vector<1x1x16xf32>,
          %get3A_963 = arith.constant 2 : i32
          %get3A_964 = arith.index_cast %get3A_963 : i32 to index
          %get3A_965 = arith.index_cast %add3A_945 : i32 to index
          %get3A_966 = arith.constant 16 : index
          %get3A_967 = tpu.vector_load %arg12[%get3A_964, %get3A_965, %get3A_966] {strides = array<i32>} : memref<4x128x32xf32, #tpu.memory_space<vmem>>, vector<1x1x16xf32>,
          %get3A_968 = vector.shape_cast %get3A_967 : vector<1x1x16xf32> to vector<16xf32>
          %mul3A_969 = arith.mulf %get3A_968, %broadcast_in_dim3A_948 : vector<16xf32>
          %swap3A_970 = arith.constant 2 : i32
          %swap3A_971 = arith.index_cast %swap3A_970 : i32 to index
          %swap3A_972 = arith.index_cast %add3A_945 : i32 to index
          %swap3A_973 = arith.constant 16 : index
          %swap3A_974 = tpu.vector_load %arg12[%swap3A_971, %swap3A_972, %swap3A_973] {strides = array<i32>} : memref<4x128x32xf32, #tpu.memory_space<vmem>>, vector<1x1x16xf32>,
          %swap3A_975 = vector.shape_cast %swap3A_974 : vector<1x1x16xf32> to vector<16xf32>
          %swap3A_976 = vector.shape_cast %mul3A_969 : vector<16xf32> to vector<1x1x16xf32>
          tpu.vector_store %arg12[%swap3A_971, %swap3A_972, %swap3A_973], %swap3A_976 {strides = array<i32>} : memref<4x128x32xf32, #tpu.memory_space<vmem>>, vector<1x1x16xf32>,
          %mul3A_977 = arith.constant 16 : i32
          %mul3A_978 = arith.muli %scan3A_480, %mul3A_977 : i32
          %add3A_979 = arith.constant 14 : i32
          %add3A_980 = arith.addi %mul3A_978, %add3A_979 : i32
          %slice3A_981 = vector.extract_strided_slice %get3A_488 {offsets = [14], sizes = [1], strides = [1]} : vector<16xf32> to vector<1xf32>
          %broadcast_in_dim3A_982 = vector.shape_cast %slice3A_981 : vector<1xf32> to vector<1xf32>
          %broadcast_in_dim3A_983 = vector.broadcast %broadcast_in_dim3A_982 : vector<1xf32> to vector<16xf32>
          %get3A_984 = arith.constant 2 : i32
          %get3A_985 = arith.index_cast %get3A_984 : i32 to index
          %get3A_986 = arith.index_cast %add3A_980 : i32 to index
          %get3A_987 = arith.constant 0 : index
          %get3A_988 = tpu.vector_load %arg12[%get3A_985, %get3A_986, %get3A_987] {strides = array<i32>} : memref<4x128x32xf32, #tpu.memory_space<vmem>>, vector<1x1x16xf32>,
          %get3A_989 = vector.shape_cast %get3A_988 : vector<1x1x16xf32> to vector<16xf32>
          %mul3A_990 = arith.mulf %get3A_989, %broadcast_in_dim3A_983 : vector<16xf32>
          %swap3A_991 = arith.constant 2 : i32
          %swap3A_992 = arith.index_cast %swap3A_991 : i32 to index
          %swap3A_993 = arith.index_cast %add3A_980 : i32 to index
          %swap3A_994 = arith.constant 0 : index
          %swap3A_995 = tpu.vector_load %arg12[%swap3A_992, %swap3A_993, %swap3A_994] {strides = array<i32>} : memref<4x128x32xf32, #tpu.memory_space<vmem>>, vector<1x1x16xf32>,
          %swap3A_996 = vector.shape_cast %swap3A_995 : vector<1x1x16xf32> to vector<16xf32>
          %swap3A_997 = vector.shape_cast %mul3A_990 : vector<16xf32> to vector<1x1x16xf32>
          tpu.vector_store %arg12[%swap3A_992, %swap3A_993, %swap3A_994], %swap3A_997 {strides = array<i32>} : memref<4x128x32xf32, #tpu.memory_space<vmem>>, vector<1x1x16xf32>,
          %get3A_998 = arith.constant 2 : i32
          %get3A_999 = arith.index_cast %get3A_998 : i32 to index
          %get3A_1000 = arith.index_cast %add3A_980 : i32 to index
          %get3A_1001 = arith.constant 16 : index
          %get3A_1002 = tpu.vector_load %arg12[%get3A_999, %get3A_1000, %get3A_1001] {strides = array<i32>} : memref<4x128x32xf32, #tpu.memory_space<vmem>>, vector<1x1x16xf32>,
          %get3A_1003 = vector.shape_cast %get3A_1002 : vector<1x1x16xf32> to vector<16xf32>
          %mul3A_1004 = arith.mulf %get3A_1003, %broadcast_in_dim3A_983 : vector<16xf32>
          %swap3A_1005 = arith.constant 2 : i32
          %swap3A_1006 = arith.index_cast %swap3A_1005 : i32 to index
          %swap3A_1007 = arith.index_cast %add3A_980 : i32 to index
          %swap3A_1008 = arith.constant 16 : index
          %swap3A_1009 = tpu.vector_load %arg12[%swap3A_1006, %swap3A_1007, %swap3A_1008] {strides = array<i32>} : memref<4x128x32xf32, #tpu.memory_space<vmem>>, vector<1x1x16xf32>,
          %swap3A_1010 = vector.shape_cast %swap3A_1009 : vector<1x1x16xf32> to vector<16xf32>
          %swap3A_1011 = vector.shape_cast %mul3A_1004 : vector<16xf32> to vector<1x1x16xf32>
          tpu.vector_store %arg12[%swap3A_1006, %swap3A_1007, %swap3A_1008], %swap3A_1011 {strides = array<i32>} : memref<4x128x32xf32, #tpu.memory_space<vmem>>, vector<1x1x16xf32>,
          %mul3A_1012 = arith.constant 16 : i32
          %mul3A_1013 = arith.muli %scan3A_480, %mul3A_1012 : i32
          %add3A_1014 = arith.constant 15 : i32
          %add3A_1015 = arith.addi %mul3A_1013, %add3A_1014 : i32
          %slice3A_1016 = vector.extract_strided_slice %get3A_488 {offsets = [15], sizes = [1], strides = [1]} : vector<16xf32> to vector<1xf32>
          %broadcast_in_dim3A_1017 = vector.shape_cast %slice3A_1016 : vector<1xf32> to vector<1xf32>
          %broadcast_in_dim3A_1018 = vector.broadcast %broadcast_in_dim3A_1017 : vector<1xf32> to vector<16xf32>
          %get3A_1019 = arith.constant 2 : i32
          %get3A_1020 = arith.index_cast %get3A_1019 : i32 to index
          %get3A_1021 = arith.index_cast %add3A_1015 : i32 to index
          %get3A_1022 = arith.constant 0 : index
          %get3A_1023 = tpu.vector_load %arg12[%get3A_1020, %get3A_1021, %get3A_1022] {strides = array<i32>} : memref<4x128x32xf32, #tpu.memory_space<vmem>>, vector<1x1x16xf32>,
          %get3A_1024 = vector.shape_cast %get3A_1023 : vector<1x1x16xf32> to vector<16xf32>
          %mul3A_1025 = arith.mulf %get3A_1024, %broadcast_in_dim3A_1018 : vector<16xf32>
          %swap3A_1026 = arith.constant 2 : i32
          %swap3A_1027 = arith.index_cast %swap3A_1026 : i32 to index
          %swap3A_1028 = arith.index_cast %add3A_1015 : i32 to index
          %swap3A_1029 = arith.constant 0 : index
          %swap3A_1030 = tpu.vector_load %arg12[%swap3A_1027, %swap3A_1028, %swap3A_1029] {strides = array<i32>} : memref<4x128x32xf32, #tpu.memory_space<vmem>>, vector<1x1x16xf32>,
          %swap3A_1031 = vector.shape_cast %swap3A_1030 : vector<1x1x16xf32> to vector<16xf32>
          %swap3A_1032 = vector.shape_cast %mul3A_1025 : vector<16xf32> to vector<1x1x16xf32>
          tpu.vector_store %arg12[%swap3A_1027, %swap3A_1028, %swap3A_1029], %swap3A_1032 {strides = array<i32>} : memref<4x128x32xf32, #tpu.memory_space<vmem>>, vector<1x1x16xf32>,
          %get3A_1033 = arith.constant 2 : i32
          %get3A_1034 = arith.index_cast %get3A_1033 : i32 to index
          %get3A_1035 = arith.index_cast %add3A_1015 : i32 to index
          %get3A_1036 = arith.constant 16 : index
          %get3A_1037 = tpu.vector_load %arg12[%get3A_1034, %get3A_1035, %get3A_1036] {strides = array<i32>} : memref<4x128x32xf32, #tpu.memory_space<vmem>>, vector<1x1x16xf32>,
          %get3A_1038 = vector.shape_cast %get3A_1037 : vector<1x1x16xf32> to vector<16xf32>
          %mul3A_1039 = arith.mulf %get3A_1038, %broadcast_in_dim3A_1018 : vector<16xf32>
          %swap3A_1040 = arith.constant 2 : i32
          %swap3A_1041 = arith.index_cast %swap3A_1040 : i32 to index
          %swap3A_1042 = arith.index_cast %add3A_1015 : i32 to index
          %swap3A_1043 = arith.constant 16 : index
          %swap3A_1044 = tpu.vector_load %arg12[%swap3A_1041, %swap3A_1042, %swap3A_1043] {strides = array<i32>} : memref<4x128x32xf32, #tpu.memory_space<vmem>>, vector<1x1x16xf32>,
          %swap3A_1045 = vector.shape_cast %swap3A_1044 : vector<1x1x16xf32> to vector<16xf32>
          %swap3A_1046 = vector.shape_cast %mul3A_1039 : vector<16xf32> to vector<1x1x16xf32>
          tpu.vector_store %arg12[%swap3A_1041, %swap3A_1042, %swap3A_1043], %swap3A_1046 {strides = array<i32>} : memref<4x128x32xf32, #tpu.memory_space<vmem>>, vector<1x1x16xf32>,
        }
        %scan3A_396 = arith.constant 8 : i32
        %dma_start3A_397 = arith.constant 2 : i32
        %dma_start3A_398 = arith.constant 1 : i32
        %dma_start3A_399 = arith.constant 2 : i32
        %dma_start3A_400 = arith.constant 2 : i32
        %dma_start3A_401 = arith.constant 0 : i32
        %dma_start3A_402 = arith.constant 0 : i32
        %dma_start3A_403 = tpu.memref_slice %arg12[%dma_start3A_397, %dma_start3A_401, %dma_start3A_402] : memref<4x128x32xf32, #tpu.memory_space<vmem>> -> memref<1x128x32xf32, #tpu.memory_space<vmem>>
        %dma_start3A_404 = tpu.memref_squeeze %dma_start3A_403 : memref<1x128x32xf32, #tpu.memory_space<vmem>> -> memref<128x32xf32, #tpu.memory_space<vmem>>
        %dma_start3A_405 = arith.constant 0 : i32
        %dma_start3A_406 = tpu.memref_slice %arg10[%scan3A_206, %dma_start3A_398, %dma_start3A_399, %dma_start3A_405] : memref<2x2x4x128xi32, #tpu.memory_space<vmem>> -> memref<1x1x1x128xi32, #tpu.memory_space<vmem>>
        %dma_start3A_407 = tpu.memref_squeeze %dma_start3A_406 : memref<1x1x1x128xi32, #tpu.memory_space<vmem>> -> memref<128xi32, #tpu.memory_space<vmem>>
        %dma_start3A_408 = arith.constant 0 : i32
        %dma_start3A_409 = arith.constant 0 : i32
        %dma_start3A_410 = tpu.memref_slice %arg9[%dma_start3A_408, %dma_start3A_409] : memref<50176x32xf32, #tpu.memory_space<vmem_shared>> -> memref<50176x32xf32, #tpu.memory_space<vmem_shared>>
        %dma_start3A_411 = tpu.memref_slice %arg21[%dma_start3A_400] : memref<4x!tpu.dma_semaphore, #tpu.memory_space<semaphore_mem>> -> memref<1x!tpu.dma_semaphore, #tpu.memory_space<semaphore_mem>>
        %dma_start3A_412 = tpu.memref_squeeze %dma_start3A_411 : memref<1x!tpu.dma_semaphore, #tpu.memory_space<semaphore_mem>> -> memref<!tpu.dma_semaphore, #tpu.memory_space<semaphore_mem>>
        tpu.enqueue_indirect_dma source(%dma_start3A_404 : memref<128x32xf32, #tpu.memory_space<vmem>>) target(%dma_start3A_410 : memref<50176x32xf32, #tpu.memory_space<vmem_shared>>) offsets(%dma_start3A_407 : memref<128xi32, #tpu.memory_space<vmem>>) semaphore(%dma_start3A_412 : memref<!tpu.dma_semaphore, #tpu.memory_space<semaphore_mem>>) {add = true}
        %dma_wait3A_413 = arith.constant 2 : i32
        %dma_wait3A_414 = arith.constant 1 : i32
        %dma_wait3A_415 = arith.constant 3 : i32
        %dma_wait3A_416 = arith.constant 2 : i32
        %dma_wait3A_417 = arith.constant 0 : i32
        %dma_wait3A_418 = arith.constant 0 : i32
        %dma_wait3A_419 = tpu.memref_slice %arg12[%dma_wait3A_413, %dma_wait3A_417, %dma_wait3A_418] : memref<4x128x32xf32, #tpu.memory_space<vmem>> -> memref<1x128x32xf32, #tpu.memory_space<vmem>>
        %dma_wait3A_420 = tpu.memref_squeeze %dma_wait3A_419 : memref<1x128x32xf32, #tpu.memory_space<vmem>> -> memref<128x32xf32, #tpu.memory_space<vmem>>
        %dma_wait3A_421 = arith.constant 0 : i32
        %dma_wait3A_422 = tpu.memref_slice %arg10[%scan3A_206, %dma_wait3A_414, %dma_wait3A_415, %dma_wait3A_421] : memref<2x2x4x128xi32, #tpu.memory_space<vmem>> -> memref<1x1x1x128xi32, #tpu.memory_space<vmem>>
        %dma_wait3A_423 = tpu.memref_squeeze %dma_wait3A_422 : memref<1x1x1x128xi32, #tpu.memory_space<vmem>> -> memref<128xi32, #tpu.memory_space<vmem>>
        %dma_wait3A_424 = arith.constant 0 : i32
        %dma_wait3A_425 = arith.constant 0 : i32
        %dma_wait3A_426 = tpu.memref_slice %arg9[%dma_wait3A_424, %dma_wait3A_425] : memref<50176x32xf32, #tpu.memory_space<vmem_shared>> -> memref<50176x32xf32, #tpu.memory_space<vmem_shared>>
        %dma_wait3A_427 = tpu.memref_slice %arg21[%dma_wait3A_416] : memref<4x!tpu.dma_semaphore, #tpu.memory_space<semaphore_mem>> -> memref<1x!tpu.dma_semaphore, #tpu.memory_space<semaphore_mem>>
        %dma_wait3A_428 = tpu.memref_squeeze %dma_wait3A_427 : memref<1x!tpu.dma_semaphore, #tpu.memory_space<semaphore_mem>> -> memref<!tpu.dma_semaphore, #tpu.memory_space<semaphore_mem>>
        tpu.wait_indirect_dma semaphore(%dma_wait3A_428 : memref<!tpu.dma_semaphore, #tpu.memory_space<semaphore_mem>>) src(%dma_wait3A_420 : memref<128x32xf32, #tpu.memory_space<vmem>>) dst(%dma_wait3A_426 : memref<50176x32xf32, #tpu.memory_space<vmem_shared>>)
        %add3A_429 = arith.constant 1 : i32
        %add3A_430 = arith.addi %scan3A_205, %add3A_429 : i32
        %lt3A_431 = arith.constant 98 : i32
        %lt3A_432 = arith.cmpi slt, %add3A_430, %lt3A_431 : i32
        %convert_element_type3A_433 = arith.extui %lt3A_432 : i1 to i32
        %cond3A_434 = arith.constant 0 : i32
        %cond3A_435 = arith.cmpi ne, %convert_element_type3A_433, %cond3A_434 : i32
        scf.if %cond3A_435 {
          %sub3A_480 = arith.constant 1 : i32
          %sub3A_481 = arith.subi %sub3A_480, %scan3A_206 : i32
          %dma_start3A_482 = arith.constant 0 : i32
          %dma_start3A_483 = arith.constant 2 : i32
          %dma_start3A_484 = arith.constant 2 : i32
          %dma_start3A_485 = arith.constant 2 : i32
          %dma_start3A_486 = arith.constant 0 : i32
          %dma_start3A_487 = arith.constant 0 : i32
          %dma_start3A_488 = tpu.memref_slice %arg12[%dma_start3A_484, %dma_start3A_486, %dma_start3A_487] : memref<4x128x32xf32, #tpu.memory_space<vmem>> -> memref<1x128x32xf32, #tpu.memory_space<vmem>>
          %dma_start3A_489 = tpu.memref_squeeze %dma_start3A_488 : memref<1x128x32xf32, #tpu.memory_space<vmem>> -> memref<128x32xf32, #tpu.memory_space<vmem>>
          %dma_start3A_490 = arith.constant 0 : i32
          %dma_start3A_491 = tpu.memref_slice %arg10[%sub3A_481, %dma_start3A_482, %dma_start3A_483, %dma_start3A_490] : memref<2x2x4x128xi32, #tpu.memory_space<vmem>> -> memref<1x1x1x128xi32, #tpu.memory_space<vmem>>
          %dma_start3A_492 = tpu.memref_squeeze %dma_start3A_491 : memref<1x1x1x128xi32, #tpu.memory_space<vmem>> -> memref<128xi32, #tpu.memory_space<vmem>>
          %dma_start3A_493 = arith.constant 0 : i32
          %dma_start3A_494 = arith.constant 0 : i32
          %dma_start3A_495 = tpu.memref_slice %arg8[%sub3A_62, %arg0, %dma_start3A_493, %dma_start3A_494] : memref<12x2x50176x32xf32, #tpu.memory_space<hbm>> -> memref<1x1x50176x32xf32, #tpu.memory_space<hbm>>
          %dma_start3A_496 = tpu.memref_squeeze %dma_start3A_495 : memref<1x1x50176x32xf32, #tpu.memory_space<hbm>> -> memref<50176x32xf32, #tpu.memory_space<hbm>>
          %dma_start3A_497 = arith.constant 0 : i32
          %dma_start3A_498 = arith.constant 0 : i32
          %dma_start3A_499 = tpu.memref_slice %dma_start3A_496[%dma_start3A_497, %dma_start3A_498] : memref<50176x32xf32, #tpu.memory_space<hbm>> -> memref<50176x32xf32, #tpu.memory_space<hbm>>
          %dma_start3A_500 = tpu.memref_slice %arg20[%dma_start3A_485] : memref<4x!tpu.dma_semaphore, #tpu.memory_space<semaphore_mem>> -> memref<1x!tpu.dma_semaphore, #tpu.memory_space<semaphore_mem>>
          %dma_start3A_501 = tpu.memref_squeeze %dma_start3A_500 : memref<1x!tpu.dma_semaphore, #tpu.memory_space<semaphore_mem>> -> memref<!tpu.dma_semaphore, #tpu.memory_space<semaphore_mem>>
          tpu.enqueue_indirect_dma source(%dma_start3A_499 : memref<50176x32xf32, #tpu.memory_space<hbm>>) target(%dma_start3A_489 : memref<128x32xf32, #tpu.memory_space<vmem>>) offsets(%dma_start3A_492 : memref<128xi32, #tpu.memory_space<vmem>>) semaphore(%dma_start3A_501 : memref<!tpu.dma_semaphore, #tpu.memory_space<semaphore_mem>>)
        } else {
        }
        %dma_wait3A_436 = arith.constant 0 : i32
        %dma_wait3A_437 = arith.constant 3 : i32
        %dma_wait3A_438 = arith.constant 3 : i32
        %dma_wait3A_439 = arith.constant 3 : i32
        %dma_wait3A_440 = arith.constant 0 : i32
        %dma_wait3A_441 = arith.constant 0 : i32
        %dma_wait3A_442 = tpu.memref_slice %arg12[%dma_wait3A_438, %dma_wait3A_440, %dma_wait3A_441] : memref<4x128x32xf32, #tpu.memory_space<vmem>> -> memref<1x128x32xf32, #tpu.memory_space<vmem>>
        %dma_wait3A_443 = tpu.memref_squeeze %dma_wait3A_442 : memref<1x128x32xf32, #tpu.memory_space<vmem>> -> memref<128x32xf32, #tpu.memory_space<vmem>>
        %dma_wait3A_444 = arith.constant 0 : i32
        %dma_wait3A_445 = tpu.memref_slice %arg10[%scan3A_206, %dma_wait3A_436, %dma_wait3A_437, %dma_wait3A_444] : memref<2x2x4x128xi32, #tpu.memory_space<vmem>> -> memref<1x1x1x128xi32, #tpu.memory_space<vmem>>
        %dma_wait3A_446 = tpu.memref_squeeze %dma_wait3A_445 : memref<1x1x1x128xi32, #tpu.memory_space<vmem>> -> memref<128xi32, #tpu.memory_space<vmem>>
        %dma_wait3A_447 = arith.constant 0 : i32
        %dma_wait3A_448 = arith.constant 0 : i32
        %dma_wait3A_449 = tpu.memref_slice %arg8[%sub3A_62, %arg0, %dma_wait3A_447, %dma_wait3A_448] : memref<12x2x50176x32xf32, #tpu.memory_space<hbm>> -> memref<1x1x50176x32xf32, #tpu.memory_space<hbm>>
        %dma_wait3A_450 = tpu.memref_squeeze %dma_wait3A_449 : memref<1x1x50176x32xf32, #tpu.memory_space<hbm>> -> memref<50176x32xf32, #tpu.memory_space<hbm>>
        %dma_wait3A_451 = arith.constant 0 : i32
        %dma_wait3A_452 = arith.constant 0 : i32
        %dma_wait3A_453 = tpu.memref_slice %dma_wait3A_450[%dma_wait3A_451, %dma_wait3A_452] : memref<50176x32xf32, #tpu.memory_space<hbm>> -> memref<50176x32xf32, #tpu.memory_space<hbm>>
        %dma_wait3A_454 = tpu.memref_slice %arg20[%dma_wait3A_439] : memref<4x!tpu.dma_semaphore, #tpu.memory_space<semaphore_mem>> -> memref<1x!tpu.dma_semaphore, #tpu.memory_space<semaphore_mem>>
        %dma_wait3A_455 = tpu.memref_squeeze %dma_wait3A_454 : memref<1x!tpu.dma_semaphore, #tpu.memory_space<semaphore_mem>> -> memref<!tpu.dma_semaphore, #tpu.memory_space<semaphore_mem>>
        tpu.wait_indirect_dma semaphore(%dma_wait3A_455 : memref<!tpu.dma_semaphore, #tpu.memory_space<semaphore_mem>>) src(%dma_wait3A_453 : memref<50176x32xf32, #tpu.memory_space<hbm>>) dst(%dma_wait3A_443 : memref<128x32xf32, #tpu.memory_space<vmem>>)
        %scan3A_456 = arith.constant 0 : i32
        %scan3A_457 = arith.constant 0 : i32
        %scan3A_458 = arith.constant 8 : i32
        %scan3A_459 = arith.addi %scan3A_457, %scan3A_458 : i32
        %scan3A_460 = arith.constant 1 : i32
        scf.for %scan3A_480 = %scan3A_457 to %scan3A_459 step %scan3A_460  : i32 {
          %mul3A_481 = arith.constant 16 : i32
          %mul3A_482 = arith.muli %scan3A_480, %mul3A_481 : i32
          %get3A_483 = arith.constant 3 : i32
          %get3A_484 = arith.index_cast %scan3A_206 : i32 to index
          %get3A_485 = arith.index_cast %get3A_483 : i32 to index
          %get3A_486 = arith.index_cast %mul3A_482 : i32 to index
          %get3A_487 = tpu.vector_load %arg11[%get3A_484, %get3A_485, %get3A_486] {strides = array<i32>} : memref<2x4x128xf32, #tpu.memory_space<vmem>>, vector<1x1x16xf32>,
          %get3A_488 = vector.shape_cast %get3A_487 : vector<1x1x16xf32> to vector<16xf32>
          %mul3A_489 = arith.constant 16 : i32
          %mul3A_490 = arith.muli %scan3A_480, %mul3A_489 : i32
          %add3A_491 = arith.constant 0 : i32
          %add3A_492 = arith.addi %mul3A_490, %add3A_491 : i32
          %slice3A = vector.extract_strided_slice %get3A_488 {offsets = [0], sizes = [1], strides = [1]} : vector<16xf32> to vector<1xf32>
          %broadcast_in_dim3A_493 = vector.shape_cast %slice3A : vector<1xf32> to vector<1xf32>
          %broadcast_in_dim3A_494 = vector.broadcast %broadcast_in_dim3A_493 : vector<1xf32> to vector<16xf32>
          %get3A_495 = arith.constant 3 : i32
          %get3A_496 = arith.index_cast %get3A_495 : i32 to index
          %get3A_497 = arith.index_cast %add3A_492 : i32 to index
          %get3A_498 = arith.constant 0 : index
          %get3A_499 = tpu.vector_load %arg12[%get3A_496, %get3A_497, %get3A_498] {strides = array<i32>} : memref<4x128x32xf32, #tpu.memory_space<vmem>>, vector<1x1x16xf32>,
          %get3A_500 = vector.shape_cast %get3A_499 : vector<1x1x16xf32> to vector<16xf32>
          %mul3A_501 = arith.mulf %get3A_500, %broadcast_in_dim3A_494 : vector<16xf32>
          %swap3A = arith.constant 3 : i32
          %swap3A_502 = arith.index_cast %swap3A : i32 to index
          %swap3A_503 = arith.index_cast %add3A_492 : i32 to index
          %swap3A_504 = arith.constant 0 : index
          %swap3A_505 = tpu.vector_load %arg12[%swap3A_502, %swap3A_503, %swap3A_504] {strides = array<i32>} : memref<4x128x32xf32, #tpu.memory_space<vmem>>, vector<1x1x16xf32>,
          %swap3A_506 = vector.shape_cast %swap3A_505 : vector<1x1x16xf32> to vector<16xf32>
          %swap3A_507 = vector.shape_cast %mul3A_501 : vector<16xf32> to vector<1x1x16xf32>
          tpu.vector_store %arg12[%swap3A_502, %swap3A_503, %swap3A_504], %swap3A_507 {strides = array<i32>} : memref<4x128x32xf32, #tpu.memory_space<vmem>>, vector<1x1x16xf32>,
          %get3A_508 = arith.constant 3 : i32
          %get3A_509 = arith.index_cast %get3A_508 : i32 to index
          %get3A_510 = arith.index_cast %add3A_492 : i32 to index
          %get3A_511 = arith.constant 16 : index
          %get3A_512 = tpu.vector_load %arg12[%get3A_509, %get3A_510, %get3A_511] {strides = array<i32>} : memref<4x128x32xf32, #tpu.memory_space<vmem>>, vector<1x1x16xf32>,
          %get3A_513 = vector.shape_cast %get3A_512 : vector<1x1x16xf32> to vector<16xf32>
          %mul3A_514 = arith.mulf %get3A_513, %broadcast_in_dim3A_494 : vector<16xf32>
          %swap3A_515 = arith.constant 3 : i32
          %swap3A_516 = arith.index_cast %swap3A_515 : i32 to index
          %swap3A_517 = arith.index_cast %add3A_492 : i32 to index
          %swap3A_518 = arith.constant 16 : index
          %swap3A_519 = tpu.vector_load %arg12[%swap3A_516, %swap3A_517, %swap3A_518] {strides = array<i32>} : memref<4x128x32xf32, #tpu.memory_space<vmem>>, vector<1x1x16xf32>,
          %swap3A_520 = vector.shape_cast %swap3A_519 : vector<1x1x16xf32> to vector<16xf32>
          %swap3A_521 = vector.shape_cast %mul3A_514 : vector<16xf32> to vector<1x1x16xf32>
          tpu.vector_store %arg12[%swap3A_516, %swap3A_517, %swap3A_518], %swap3A_521 {strides = array<i32>} : memref<4x128x32xf32, #tpu.memory_space<vmem>>, vector<1x1x16xf32>,
          %mul3A_522 = arith.constant 16 : i32
          %mul3A_523 = arith.muli %scan3A_480, %mul3A_522 : i32
          %add3A_524 = arith.constant 1 : i32
          %add3A_525 = arith.addi %mul3A_523, %add3A_524 : i32
          %slice3A_526 = vector.extract_strided_slice %get3A_488 {offsets = [1], sizes = [1], strides = [1]} : vector<16xf32> to vector<1xf32>
          %broadcast_in_dim3A_527 = vector.shape_cast %slice3A_526 : vector<1xf32> to vector<1xf32>
          %broadcast_in_dim3A_528 = vector.broadcast %broadcast_in_dim3A_527 : vector<1xf32> to vector<16xf32>
          %get3A_529 = arith.constant 3 : i32
          %get3A_530 = arith.index_cast %get3A_529 : i32 to index
          %get3A_531 = arith.index_cast %add3A_525 : i32 to index
          %get3A_532 = arith.constant 0 : index
          %get3A_533 = tpu.vector_load %arg12[%get3A_530, %get3A_531, %get3A_532] {strides = array<i32>} : memref<4x128x32xf32, #tpu.memory_space<vmem>>, vector<1x1x16xf32>,
          %get3A_534 = vector.shape_cast %get3A_533 : vector<1x1x16xf32> to vector<16xf32>
          %mul3A_535 = arith.mulf %get3A_534, %broadcast_in_dim3A_528 : vector<16xf32>
          %swap3A_536 = arith.constant 3 : i32
          %swap3A_537 = arith.index_cast %swap3A_536 : i32 to index
          %swap3A_538 = arith.index_cast %add3A_525 : i32 to index
          %swap3A_539 = arith.constant 0 : index
          %swap3A_540 = tpu.vector_load %arg12[%swap3A_537, %swap3A_538, %swap3A_539] {strides = array<i32>} : memref<4x128x32xf32, #tpu.memory_space<vmem>>, vector<1x1x16xf32>,
          %swap3A_541 = vector.shape_cast %swap3A_540 : vector<1x1x16xf32> to vector<16xf32>
          %swap3A_542 = vector.shape_cast %mul3A_535 : vector<16xf32> to vector<1x1x16xf32>
          tpu.vector_store %arg12[%swap3A_537, %swap3A_538, %swap3A_539], %swap3A_542 {strides = array<i32>} : memref<4x128x32xf32, #tpu.memory_space<vmem>>, vector<1x1x16xf32>,
          %get3A_543 = arith.constant 3 : i32
          %get3A_544 = arith.index_cast %get3A_543 : i32 to index
          %get3A_545 = arith.index_cast %add3A_525 : i32 to index
          %get3A_546 = arith.constant 16 : index
          %get3A_547 = tpu.vector_load %arg12[%get3A_544, %get3A_545, %get3A_546] {strides = array<i32>} : memref<4x128x32xf32, #tpu.memory_space<vmem>>, vector<1x1x16xf32>,
          %get3A_548 = vector.shape_cast %get3A_547 : vector<1x1x16xf32> to vector<16xf32>
          %mul3A_549 = arith.mulf %get3A_548, %broadcast_in_dim3A_528 : vector<16xf32>
          %swap3A_550 = arith.constant 3 : i32
          %swap3A_551 = arith.index_cast %swap3A_550 : i32 to index
          %swap3A_552 = arith.index_cast %add3A_525 : i32 to index
          %swap3A_553 = arith.constant 16 : index
          %swap3A_554 = tpu.vector_load %arg12[%swap3A_551, %swap3A_552, %swap3A_553] {strides = array<i32>} : memref<4x128x32xf32, #tpu.memory_space<vmem>>, vector<1x1x16xf32>,
          %swap3A_555 = vector.shape_cast %swap3A_554 : vector<1x1x16xf32> to vector<16xf32>
          %swap3A_556 = vector.shape_cast %mul3A_549 : vector<16xf32> to vector<1x1x16xf32>
          tpu.vector_store %arg12[%swap3A_551, %swap3A_552, %swap3A_553], %swap3A_556 {strides = array<i32>} : memref<4x128x32xf32, #tpu.memory_space<vmem>>, vector<1x1x16xf32>,
          %mul3A_557 = arith.constant 16 : i32
          %mul3A_558 = arith.muli %scan3A_480, %mul3A_557 : i32
          %add3A_559 = arith.constant 2 : i32
          %add3A_560 = arith.addi %mul3A_558, %add3A_559 : i32
          %slice3A_561 = vector.extract_strided_slice %get3A_488 {offsets = [2], sizes = [1], strides = [1]} : vector<16xf32> to vector<1xf32>
          %broadcast_in_dim3A_562 = vector.shape_cast %slice3A_561 : vector<1xf32> to vector<1xf32>
          %broadcast_in_dim3A_563 = vector.broadcast %broadcast_in_dim3A_562 : vector<1xf32> to vector<16xf32>
          %get3A_564 = arith.constant 3 : i32
          %get3A_565 = arith.index_cast %get3A_564 : i32 to index
          %get3A_566 = arith.index_cast %add3A_560 : i32 to index
          %get3A_567 = arith.constant 0 : index
          %get3A_568 = tpu.vector_load %arg12[%get3A_565, %get3A_566, %get3A_567] {strides = array<i32>} : memref<4x128x32xf32, #tpu.memory_space<vmem>>, vector<1x1x16xf32>,
          %get3A_569 = vector.shape_cast %get3A_568 : vector<1x1x16xf32> to vector<16xf32>
          %mul3A_570 = arith.mulf %get3A_569, %broadcast_in_dim3A_563 : vector<16xf32>
          %swap3A_571 = arith.constant 3 : i32
          %swap3A_572 = arith.index_cast %swap3A_571 : i32 to index
          %swap3A_573 = arith.index_cast %add3A_560 : i32 to index
          %swap3A_574 = arith.constant 0 : index
          %swap3A_575 = tpu.vector_load %arg12[%swap3A_572, %swap3A_573, %swap3A_574] {strides = array<i32>} : memref<4x128x32xf32, #tpu.memory_space<vmem>>, vector<1x1x16xf32>,
          %swap3A_576 = vector.shape_cast %swap3A_575 : vector<1x1x16xf32> to vector<16xf32>
          %swap3A_577 = vector.shape_cast %mul3A_570 : vector<16xf32> to vector<1x1x16xf32>
          tpu.vector_store %arg12[%swap3A_572, %swap3A_573, %swap3A_574], %swap3A_577 {strides = array<i32>} : memref<4x128x32xf32, #tpu.memory_space<vmem>>, vector<1x1x16xf32>,
          %get3A_578 = arith.constant 3 : i32
          %get3A_579 = arith.index_cast %get3A_578 : i32 to index
          %get3A_580 = arith.index_cast %add3A_560 : i32 to index
          %get3A_581 = arith.constant 16 : index
          %get3A_582 = tpu.vector_load %arg12[%get3A_579, %get3A_580, %get3A_581] {strides = array<i32>} : memref<4x128x32xf32, #tpu.memory_space<vmem>>, vector<1x1x16xf32>,
          %get3A_583 = vector.shape_cast %get3A_582 : vector<1x1x16xf32> to vector<16xf32>
          %mul3A_584 = arith.mulf %get3A_583, %broadcast_in_dim3A_563 : vector<16xf32>
          %swap3A_585 = arith.constant 3 : i32
          %swap3A_586 = arith.index_cast %swap3A_585 : i32 to index
          %swap3A_587 = arith.index_cast %add3A_560 : i32 to index
          %swap3A_588 = arith.constant 16 : index
          %swap3A_589 = tpu.vector_load %arg12[%swap3A_586, %swap3A_587, %swap3A_588] {strides = array<i32>} : memref<4x128x32xf32, #tpu.memory_space<vmem>>, vector<1x1x16xf32>,
          %swap3A_590 = vector.shape_cast %swap3A_589 : vector<1x1x16xf32> to vector<16xf32>
          %swap3A_591 = vector.shape_cast %mul3A_584 : vector<16xf32> to vector<1x1x16xf32>
          tpu.vector_store %arg12[%swap3A_586, %swap3A_587, %swap3A_588], %swap3A_591 {strides = array<i32>} : memref<4x128x32xf32, #tpu.memory_space<vmem>>, vector<1x1x16xf32>,
          %mul3A_592 = arith.constant 16 : i32
          %mul3A_593 = arith.muli %scan3A_480, %mul3A_592 : i32
          %add3A_594 = arith.constant 3 : i32
          %add3A_595 = arith.addi %mul3A_593, %add3A_594 : i32
          %slice3A_596 = vector.extract_strided_slice %get3A_488 {offsets = [3], sizes = [1], strides = [1]} : vector<16xf32> to vector<1xf32>
          %broadcast_in_dim3A_597 = vector.shape_cast %slice3A_596 : vector<1xf32> to vector<1xf32>
          %broadcast_in_dim3A_598 = vector.broadcast %broadcast_in_dim3A_597 : vector<1xf32> to vector<16xf32>
          %get3A_599 = arith.constant 3 : i32
          %get3A_600 = arith.index_cast %get3A_599 : i32 to index
          %get3A_601 = arith.index_cast %add3A_595 : i32 to index
          %get3A_602 = arith.constant 0 : index
          %get3A_603 = tpu.vector_load %arg12[%get3A_600, %get3A_601, %get3A_602] {strides = array<i32>} : memref<4x128x32xf32, #tpu.memory_space<vmem>>, vector<1x1x16xf32>,
          %get3A_604 = vector.shape_cast %get3A_603 : vector<1x1x16xf32> to vector<16xf32>
          %mul3A_605 = arith.mulf %get3A_604, %broadcast_in_dim3A_598 : vector<16xf32>
          %swap3A_606 = arith.constant 3 : i32
          %swap3A_607 = arith.index_cast %swap3A_606 : i32 to index
          %swap3A_608 = arith.index_cast %add3A_595 : i32 to index
          %swap3A_609 = arith.constant 0 : index
          %swap3A_610 = tpu.vector_load %arg12[%swap3A_607, %swap3A_608, %swap3A_609] {strides = array<i32>} : memref<4x128x32xf32, #tpu.memory_space<vmem>>, vector<1x1x16xf32>,
          %swap3A_611 = vector.shape_cast %swap3A_610 : vector<1x1x16xf32> to vector<16xf32>
          %swap3A_612 = vector.shape_cast %mul3A_605 : vector<16xf32> to vector<1x1x16xf32>
          tpu.vector_store %arg12[%swap3A_607, %swap3A_608, %swap3A_609], %swap3A_612 {strides = array<i32>} : memref<4x128x32xf32, #tpu.memory_space<vmem>>, vector<1x1x16xf32>,
          %get3A_613 = arith.constant 3 : i32
          %get3A_614 = arith.index_cast %get3A_613 : i32 to index
          %get3A_615 = arith.index_cast %add3A_595 : i32 to index
          %get3A_616 = arith.constant 16 : index
          %get3A_617 = tpu.vector_load %arg12[%get3A_614, %get3A_615, %get3A_616] {strides = array<i32>} : memref<4x128x32xf32, #tpu.memory_space<vmem>>, vector<1x1x16xf32>,
          %get3A_618 = vector.shape_cast %get3A_617 : vector<1x1x16xf32> to vector<16xf32>
          %mul3A_619 = arith.mulf %get3A_618, %broadcast_in_dim3A_598 : vector<16xf32>
          %swap3A_620 = arith.constant 3 : i32
          %swap3A_621 = arith.index_cast %swap3A_620 : i32 to index
          %swap3A_622 = arith.index_cast %add3A_595 : i32 to index
          %swap3A_623 = arith.constant 16 : index
          %swap3A_624 = tpu.vector_load %arg12[%swap3A_621, %swap3A_622, %swap3A_623] {strides = array<i32>} : memref<4x128x32xf32, #tpu.memory_space<vmem>>, vector<1x1x16xf32>,
          %swap3A_625 = vector.shape_cast %swap3A_624 : vector<1x1x16xf32> to vector<16xf32>
          %swap3A_626 = vector.shape_cast %mul3A_619 : vector<16xf32> to vector<1x1x16xf32>
          tpu.vector_store %arg12[%swap3A_621, %swap3A_622, %swap3A_623], %swap3A_626 {strides = array<i32>} : memref<4x128x32xf32, #tpu.memory_space<vmem>>, vector<1x1x16xf32>,
          %mul3A_627 = arith.constant 16 : i32
          %mul3A_628 = arith.muli %scan3A_480, %mul3A_627 : i32
          %add3A_629 = arith.constant 4 : i32
          %add3A_630 = arith.addi %mul3A_628, %add3A_629 : i32
          %slice3A_631 = vector.extract_strided_slice %get3A_488 {offsets = [4], sizes = [1], strides = [1]} : vector<16xf32> to vector<1xf32>
          %broadcast_in_dim3A_632 = vector.shape_cast %slice3A_631 : vector<1xf32> to vector<1xf32>
          %broadcast_in_dim3A_633 = vector.broadcast %broadcast_in_dim3A_632 : vector<1xf32> to vector<16xf32>
          %get3A_634 = arith.constant 3 : i32
          %get3A_635 = arith.index_cast %get3A_634 : i32 to index
          %get3A_636 = arith.index_cast %add3A_630 : i32 to index
          %get3A_637 = arith.constant 0 : index
          %get3A_638 = tpu.vector_load %arg12[%get3A_635, %get3A_636, %get3A_637] {strides = array<i32>} : memref<4x128x32xf32, #tpu.memory_space<vmem>>, vector<1x1x16xf32>,
          %get3A_639 = vector.shape_cast %get3A_638 : vector<1x1x16xf32> to vector<16xf32>
          %mul3A_640 = arith.mulf %get3A_639, %broadcast_in_dim3A_633 : vector<16xf32>
          %swap3A_641 = arith.constant 3 : i32
          %swap3A_642 = arith.index_cast %swap3A_641 : i32 to index
          %swap3A_643 = arith.index_cast %add3A_630 : i32 to index
          %swap3A_644 = arith.constant 0 : index
          %swap3A_645 = tpu.vector_load %arg12[%swap3A_642, %swap3A_643, %swap3A_644] {strides = array<i32>} : memref<4x128x32xf32, #tpu.memory_space<vmem>>, vector<1x1x16xf32>,
          %swap3A_646 = vector.shape_cast %swap3A_645 : vector<1x1x16xf32> to vector<16xf32>
          %swap3A_647 = vector.shape_cast %mul3A_640 : vector<16xf32> to vector<1x1x16xf32>
          tpu.vector_store %arg12[%swap3A_642, %swap3A_643, %swap3A_644], %swap3A_647 {strides = array<i32>} : memref<4x128x32xf32, #tpu.memory_space<vmem>>, vector<1x1x16xf32>,
          %get3A_648 = arith.constant 3 : i32
          %get3A_649 = arith.index_cast %get3A_648 : i32 to index
          %get3A_650 = arith.index_cast %add3A_630 : i32 to index
          %get3A_651 = arith.constant 16 : index
          %get3A_652 = tpu.vector_load %arg12[%get3A_649, %get3A_650, %get3A_651] {strides = array<i32>} : memref<4x128x32xf32, #tpu.memory_space<vmem>>, vector<1x1x16xf32>,
          %get3A_653 = vector.shape_cast %get3A_652 : vector<1x1x16xf32> to vector<16xf32>
          %mul3A_654 = arith.mulf %get3A_653, %broadcast_in_dim3A_633 : vector<16xf32>
          %swap3A_655 = arith.constant 3 : i32
          %swap3A_656 = arith.index_cast %swap3A_655 : i32 to index
          %swap3A_657 = arith.index_cast %add3A_630 : i32 to index
          %swap3A_658 = arith.constant 16 : index
          %swap3A_659 = tpu.vector_load %arg12[%swap3A_656, %swap3A_657, %swap3A_658] {strides = array<i32>} : memref<4x128x32xf32, #tpu.memory_space<vmem>>, vector<1x1x16xf32>,
          %swap3A_660 = vector.shape_cast %swap3A_659 : vector<1x1x16xf32> to vector<16xf32>
          %swap3A_661 = vector.shape_cast %mul3A_654 : vector<16xf32> to vector<1x1x16xf32>
          tpu.vector_store %arg12[%swap3A_656, %swap3A_657, %swap3A_658], %swap3A_661 {strides = array<i32>} : memref<4x128x32xf32, #tpu.memory_space<vmem>>, vector<1x1x16xf32>,
          %mul3A_662 = arith.constant 16 : i32
          %mul3A_663 = arith.muli %scan3A_480, %mul3A_662 : i32
          %add3A_664 = arith.constant 5 : i32
          %add3A_665 = arith.addi %mul3A_663, %add3A_664 : i32
          %slice3A_666 = vector.extract_strided_slice %get3A_488 {offsets = [5], sizes = [1], strides = [1]} : vector<16xf32> to vector<1xf32>
          %broadcast_in_dim3A_667 = vector.shape_cast %slice3A_666 : vector<1xf32> to vector<1xf32>
          %broadcast_in_dim3A_668 = vector.broadcast %broadcast_in_dim3A_667 : vector<1xf32> to vector<16xf32>
          %get3A_669 = arith.constant 3 : i32
          %get3A_670 = arith.index_cast %get3A_669 : i32 to index
          %get3A_671 = arith.index_cast %add3A_665 : i32 to index
          %get3A_672 = arith.constant 0 : index
          %get3A_673 = tpu.vector_load %arg12[%get3A_670, %get3A_671, %get3A_672] {strides = array<i32>} : memref<4x128x32xf32, #tpu.memory_space<vmem>>, vector<1x1x16xf32>,
          %get3A_674 = vector.shape_cast %get3A_673 : vector<1x1x16xf32> to vector<16xf32>
          %mul3A_675 = arith.mulf %get3A_674, %broadcast_in_dim3A_668 : vector<16xf32>
          %swap3A_676 = arith.constant 3 : i32
          %swap3A_677 = arith.index_cast %swap3A_676 : i32 to index
          %swap3A_678 = arith.index_cast %add3A_665 : i32 to index
          %swap3A_679 = arith.constant 0 : index
          %swap3A_680 = tpu.vector_load %arg12[%swap3A_677, %swap3A_678, %swap3A_679] {strides = array<i32>} : memref<4x128x32xf32, #tpu.memory_space<vmem>>, vector<1x1x16xf32>,
          %swap3A_681 = vector.shape_cast %swap3A_680 : vector<1x1x16xf32> to vector<16xf32>
          %swap3A_682 = vector.shape_cast %mul3A_675 : vector<16xf32> to vector<1x1x16xf32>
          tpu.vector_store %arg12[%swap3A_677, %swap3A_678, %swap3A_679], %swap3A_682 {strides = array<i32>} : memref<4x128x32xf32, #tpu.memory_space<vmem>>, vector<1x1x16xf32>,
          %get3A_683 = arith.constant 3 : i32
          %get3A_684 = arith.index_cast %get3A_683 : i32 to index
          %get3A_685 = arith.index_cast %add3A_665 : i32 to index
          %get3A_686 = arith.constant 16 : index
          %get3A_687 = tpu.vector_load %arg12[%get3A_684, %get3A_685, %get3A_686] {strides = array<i32>} : memref<4x128x32xf32, #tpu.memory_space<vmem>>, vector<1x1x16xf32>,
          %get3A_688 = vector.shape_cast %get3A_687 : vector<1x1x16xf32> to vector<16xf32>
          %mul3A_689 = arith.mulf %get3A_688, %broadcast_in_dim3A_668 : vector<16xf32>
          %swap3A_690 = arith.constant 3 : i32
          %swap3A_691 = arith.index_cast %swap3A_690 : i32 to index
          %swap3A_692 = arith.index_cast %add3A_665 : i32 to index
          %swap3A_693 = arith.constant 16 : index
          %swap3A_694 = tpu.vector_load %arg12[%swap3A_691, %swap3A_692, %swap3A_693] {strides = array<i32>} : memref<4x128x32xf32, #tpu.memory_space<vmem>>, vector<1x1x16xf32>,
          %swap3A_695 = vector.shape_cast %swap3A_694 : vector<1x1x16xf32> to vector<16xf32>
          %swap3A_696 = vector.shape_cast %mul3A_689 : vector<16xf32> to vector<1x1x16xf32>
          tpu.vector_store %arg12[%swap3A_691, %swap3A_692, %swap3A_693], %swap3A_696 {strides = array<i32>} : memref<4x128x32xf32, #tpu.memory_space<vmem>>, vector<1x1x16xf32>,
          %mul3A_697 = arith.constant 16 : i32
          %mul3A_698 = arith.muli %scan3A_480, %mul3A_697 : i32
          %add3A_699 = arith.constant 6 : i32
          %add3A_700 = arith.addi %mul3A_698, %add3A_699 : i32
          %slice3A_701 = vector.extract_strided_slice %get3A_488 {offsets = [6], sizes = [1], strides = [1]} : vector<16xf32> to vector<1xf32>
          %broadcast_in_dim3A_702 = vector.shape_cast %slice3A_701 : vector<1xf32> to vector<1xf32>
          %broadcast_in_dim3A_703 = vector.broadcast %broadcast_in_dim3A_702 : vector<1xf32> to vector<16xf32>
          %get3A_704 = arith.constant 3 : i32
          %get3A_705 = arith.index_cast %get3A_704 : i32 to index
          %get3A_706 = arith.index_cast %add3A_700 : i32 to index
          %get3A_707 = arith.constant 0 : index
          %get3A_708 = tpu.vector_load %arg12[%get3A_705, %get3A_706, %get3A_707] {strides = array<i32>} : memref<4x128x32xf32, #tpu.memory_space<vmem>>, vector<1x1x16xf32>,
          %get3A_709 = vector.shape_cast %get3A_708 : vector<1x1x16xf32> to vector<16xf32>
          %mul3A_710 = arith.mulf %get3A_709, %broadcast_in_dim3A_703 : vector<16xf32>
          %swap3A_711 = arith.constant 3 : i32
          %swap3A_712 = arith.index_cast %swap3A_711 : i32 to index
          %swap3A_713 = arith.index_cast %add3A_700 : i32 to index
          %swap3A_714 = arith.constant 0 : index
          %swap3A_715 = tpu.vector_load %arg12[%swap3A_712, %swap3A_713, %swap3A_714] {strides = array<i32>} : memref<4x128x32xf32, #tpu.memory_space<vmem>>, vector<1x1x16xf32>,
          %swap3A_716 = vector.shape_cast %swap3A_715 : vector<1x1x16xf32> to vector<16xf32>
          %swap3A_717 = vector.shape_cast %mul3A_710 : vector<16xf32> to vector<1x1x16xf32>
          tpu.vector_store %arg12[%swap3A_712, %swap3A_713, %swap3A_714], %swap3A_717 {strides = array<i32>} : memref<4x128x32xf32, #tpu.memory_space<vmem>>, vector<1x1x16xf32>,
          %get3A_718 = arith.constant 3 : i32
          %get3A_719 = arith.index_cast %get3A_718 : i32 to index
          %get3A_720 = arith.index_cast %add3A_700 : i32 to index
          %get3A_721 = arith.constant 16 : index
          %get3A_722 = tpu.vector_load %arg12[%get3A_719, %get3A_720, %get3A_721] {strides = array<i32>} : memref<4x128x32xf32, #tpu.memory_space<vmem>>, vector<1x1x16xf32>,
          %get3A_723 = vector.shape_cast %get3A_722 : vector<1x1x16xf32> to vector<16xf32>
          %mul3A_724 = arith.mulf %get3A_723, %broadcast_in_dim3A_703 : vector<16xf32>
          %swap3A_725 = arith.constant 3 : i32
          %swap3A_726 = arith.index_cast %swap3A_725 : i32 to index
          %swap3A_727 = arith.index_cast %add3A_700 : i32 to index
          %swap3A_728 = arith.constant 16 : index
          %swap3A_729 = tpu.vector_load %arg12[%swap3A_726, %swap3A_727, %swap3A_728] {strides = array<i32>} : memref<4x128x32xf32, #tpu.memory_space<vmem>>, vector<1x1x16xf32>,
          %swap3A_730 = vector.shape_cast %swap3A_729 : vector<1x1x16xf32> to vector<16xf32>
          %swap3A_731 = vector.shape_cast %mul3A_724 : vector<16xf32> to vector<1x1x16xf32>
          tpu.vector_store %arg12[%swap3A_726, %swap3A_727, %swap3A_728], %swap3A_731 {strides = array<i32>} : memref<4x128x32xf32, #tpu.memory_space<vmem>>, vector<1x1x16xf32>,
          %mul3A_732 = arith.constant 16 : i32
          %mul3A_733 = arith.muli %scan3A_480, %mul3A_732 : i32
          %add3A_734 = arith.constant 7 : i32
          %add3A_735 = arith.addi %mul3A_733, %add3A_734 : i32
          %slice3A_736 = vector.extract_strided_slice %get3A_488 {offsets = [7], sizes = [1], strides = [1]} : vector<16xf32> to vector<1xf32>
          %broadcast_in_dim3A_737 = vector.shape_cast %slice3A_736 : vector<1xf32> to vector<1xf32>
          %broadcast_in_dim3A_738 = vector.broadcast %broadcast_in_dim3A_737 : vector<1xf32> to vector<16xf32>
          %get3A_739 = arith.constant 3 : i32
          %get3A_740 = arith.index_cast %get3A_739 : i32 to index
          %get3A_741 = arith.index_cast %add3A_735 : i32 to index
          %get3A_742 = arith.constant 0 : index
          %get3A_743 = tpu.vector_load %arg12[%get3A_740, %get3A_741, %get3A_742] {strides = array<i32>} : memref<4x128x32xf32, #tpu.memory_space<vmem>>, vector<1x1x16xf32>,
          %get3A_744 = vector.shape_cast %get3A_743 : vector<1x1x16xf32> to vector<16xf32>
          %mul3A_745 = arith.mulf %get3A_744, %broadcast_in_dim3A_738 : vector<16xf32>
          %swap3A_746 = arith.constant 3 : i32
          %swap3A_747 = arith.index_cast %swap3A_746 : i32 to index
          %swap3A_748 = arith.index_cast %add3A_735 : i32 to index
          %swap3A_749 = arith.constant 0 : index
          %swap3A_750 = tpu.vector_load %arg12[%swap3A_747, %swap3A_748, %swap3A_749] {strides = array<i32>} : memref<4x128x32xf32, #tpu.memory_space<vmem>>, vector<1x1x16xf32>,
          %swap3A_751 = vector.shape_cast %swap3A_750 : vector<1x1x16xf32> to vector<16xf32>
          %swap3A_752 = vector.shape_cast %mul3A_745 : vector<16xf32> to vector<1x1x16xf32>
          tpu.vector_store %arg12[%swap3A_747, %swap3A_748, %swap3A_749], %swap3A_752 {strides = array<i32>} : memref<4x128x32xf32, #tpu.memory_space<vmem>>, vector<1x1x16xf32>,
          %get3A_753 = arith.constant 3 : i32
          %get3A_754 = arith.index_cast %get3A_753 : i32 to index
          %get3A_755 = arith.index_cast %add3A_735 : i32 to index
          %get3A_756 = arith.constant 16 : index
          %get3A_757 = tpu.vector_load %arg12[%get3A_754, %get3A_755, %get3A_756] {strides = array<i32>} : memref<4x128x32xf32, #tpu.memory_space<vmem>>, vector<1x1x16xf32>,
          %get3A_758 = vector.shape_cast %get3A_757 : vector<1x1x16xf32> to vector<16xf32>
          %mul3A_759 = arith.mulf %get3A_758, %broadcast_in_dim3A_738 : vector<16xf32>
          %swap3A_760 = arith.constant 3 : i32
          %swap3A_761 = arith.index_cast %swap3A_760 : i32 to index
          %swap3A_762 = arith.index_cast %add3A_735 : i32 to index
          %swap3A_763 = arith.constant 16 : index
          %swap3A_764 = tpu.vector_load %arg12[%swap3A_761, %swap3A_762, %swap3A_763] {strides = array<i32>} : memref<4x128x32xf32, #tpu.memory_space<vmem>>, vector<1x1x16xf32>,
          %swap3A_765 = vector.shape_cast %swap3A_764 : vector<1x1x16xf32> to vector<16xf32>
          %swap3A_766 = vector.shape_cast %mul3A_759 : vector<16xf32> to vector<1x1x16xf32>
          tpu.vector_store %arg12[%swap3A_761, %swap3A_762, %swap3A_763], %swap3A_766 {strides = array<i32>} : memref<4x128x32xf32, #tpu.memory_space<vmem>>, vector<1x1x16xf32>,
          %mul3A_767 = arith.constant 16 : i32
          %mul3A_768 = arith.muli %scan3A_480, %mul3A_767 : i32
          %add3A_769 = arith.constant 8 : i32
          %add3A_770 = arith.addi %mul3A_768, %add3A_769 : i32
          %slice3A_771 = vector.extract_strided_slice %get3A_488 {offsets = [8], sizes = [1], strides = [1]} : vector<16xf32> to vector<1xf32>
          %broadcast_in_dim3A_772 = vector.shape_cast %slice3A_771 : vector<1xf32> to vector<1xf32>
          %broadcast_in_dim3A_773 = vector.broadcast %broadcast_in_dim3A_772 : vector<1xf32> to vector<16xf32>
          %get3A_774 = arith.constant 3 : i32
          %get3A_775 = arith.index_cast %get3A_774 : i32 to index
          %get3A_776 = arith.index_cast %add3A_770 : i32 to index
          %get3A_777 = arith.constant 0 : index
          %get3A_778 = tpu.vector_load %arg12[%get3A_775, %get3A_776, %get3A_777] {strides = array<i32>} : memref<4x128x32xf32, #tpu.memory_space<vmem>>, vector<1x1x16xf32>,
          %get3A_779 = vector.shape_cast %get3A_778 : vector<1x1x16xf32> to vector<16xf32>
          %mul3A_780 = arith.mulf %get3A_779, %broadcast_in_dim3A_773 : vector<16xf32>
          %swap3A_781 = arith.constant 3 : i32
          %swap3A_782 = arith.index_cast %swap3A_781 : i32 to index
          %swap3A_783 = arith.index_cast %add3A_770 : i32 to index
          %swap3A_784 = arith.constant 0 : index
          %swap3A_785 = tpu.vector_load %arg12[%swap3A_782, %swap3A_783, %swap3A_784] {strides = array<i32>} : memref<4x128x32xf32, #tpu.memory_space<vmem>>, vector<1x1x16xf32>,
          %swap3A_786 = vector.shape_cast %swap3A_785 : vector<1x1x16xf32> to vector<16xf32>
          %swap3A_787 = vector.shape_cast %mul3A_780 : vector<16xf32> to vector<1x1x16xf32>
          tpu.vector_store %arg12[%swap3A_782, %swap3A_783, %swap3A_784], %swap3A_787 {strides = array<i32>} : memref<4x128x32xf32, #tpu.memory_space<vmem>>, vector<1x1x16xf32>,
          %get3A_788 = arith.constant 3 : i32
          %get3A_789 = arith.index_cast %get3A_788 : i32 to index
          %get3A_790 = arith.index_cast %add3A_770 : i32 to index
          %get3A_791 = arith.constant 16 : index
          %get3A_792 = tpu.vector_load %arg12[%get3A_789, %get3A_790, %get3A_791] {strides = array<i32>} : memref<4x128x32xf32, #tpu.memory_space<vmem>>, vector<1x1x16xf32>,
          %get3A_793 = vector.shape_cast %get3A_792 : vector<1x1x16xf32> to vector<16xf32>
          %mul3A_794 = arith.mulf %get3A_793, %broadcast_in_dim3A_773 : vector<16xf32>
          %swap3A_795 = arith.constant 3 : i32
          %swap3A_796 = arith.index_cast %swap3A_795 : i32 to index
          %swap3A_797 = arith.index_cast %add3A_770 : i32 to index
          %swap3A_798 = arith.constant 16 : index
          %swap3A_799 = tpu.vector_load %arg12[%swap3A_796, %swap3A_797, %swap3A_798] {strides = array<i32>} : memref<4x128x32xf32, #tpu.memory_space<vmem>>, vector<1x1x16xf32>,
          %swap3A_800 = vector.shape_cast %swap3A_799 : vector<1x1x16xf32> to vector<16xf32>
          %swap3A_801 = vector.shape_cast %mul3A_794 : vector<16xf32> to vector<1x1x16xf32>
          tpu.vector_store %arg12[%swap3A_796, %swap3A_797, %swap3A_798], %swap3A_801 {strides = array<i32>} : memref<4x128x32xf32, #tpu.memory_space<vmem>>, vector<1x1x16xf32>,
          %mul3A_802 = arith.constant 16 : i32
          %mul3A_803 = arith.muli %scan3A_480, %mul3A_802 : i32
          %add3A_804 = arith.constant 9 : i32
          %add3A_805 = arith.addi %mul3A_803, %add3A_804 : i32
          %slice3A_806 = vector.extract_strided_slice %get3A_488 {offsets = [9], sizes = [1], strides = [1]} : vector<16xf32> to vector<1xf32>
          %broadcast_in_dim3A_807 = vector.shape_cast %slice3A_806 : vector<1xf32> to vector<1xf32>
          %broadcast_in_dim3A_808 = vector.broadcast %broadcast_in_dim3A_807 : vector<1xf32> to vector<16xf32>
          %get3A_809 = arith.constant 3 : i32
          %get3A_810 = arith.index_cast %get3A_809 : i32 to index
          %get3A_811 = arith.index_cast %add3A_805 : i32 to index
          %get3A_812 = arith.constant 0 : index
          %get3A_813 = tpu.vector_load %arg12[%get3A_810, %get3A_811, %get3A_812] {strides = array<i32>} : memref<4x128x32xf32, #tpu.memory_space<vmem>>, vector<1x1x16xf32>,
          %get3A_814 = vector.shape_cast %get3A_813 : vector<1x1x16xf32> to vector<16xf32>
          %mul3A_815 = arith.mulf %get3A_814, %broadcast_in_dim3A_808 : vector<16xf32>
          %swap3A_816 = arith.constant 3 : i32
          %swap3A_817 = arith.index_cast %swap3A_816 : i32 to index
          %swap3A_818 = arith.index_cast %add3A_805 : i32 to index
          %swap3A_819 = arith.constant 0 : index
          %swap3A_820 = tpu.vector_load %arg12[%swap3A_817, %swap3A_818, %swap3A_819] {strides = array<i32>} : memref<4x128x32xf32, #tpu.memory_space<vmem>>, vector<1x1x16xf32>,
          %swap3A_821 = vector.shape_cast %swap3A_820 : vector<1x1x16xf32> to vector<16xf32>
          %swap3A_822 = vector.shape_cast %mul3A_815 : vector<16xf32> to vector<1x1x16xf32>
          tpu.vector_store %arg12[%swap3A_817, %swap3A_818, %swap3A_819], %swap3A_822 {strides = array<i32>} : memref<4x128x32xf32, #tpu.memory_space<vmem>>, vector<1x1x16xf32>,
          %get3A_823 = arith.constant 3 : i32
          %get3A_824 = arith.index_cast %get3A_823 : i32 to index
          %get3A_825 = arith.index_cast %add3A_805 : i32 to index
          %get3A_826 = arith.constant 16 : index
          %get3A_827 = tpu.vector_load %arg12[%get3A_824, %get3A_825, %get3A_826] {strides = array<i32>} : memref<4x128x32xf32, #tpu.memory_space<vmem>>, vector<1x1x16xf32>,
          %get3A_828 = vector.shape_cast %get3A_827 : vector<1x1x16xf32> to vector<16xf32>
          %mul3A_829 = arith.mulf %get3A_828, %broadcast_in_dim3A_808 : vector<16xf32>
          %swap3A_830 = arith.constant 3 : i32
          %swap3A_831 = arith.index_cast %swap3A_830 : i32 to index
          %swap3A_832 = arith.index_cast %add3A_805 : i32 to index
          %swap3A_833 = arith.constant 16 : index
          %swap3A_834 = tpu.vector_load %arg12[%swap3A_831, %swap3A_832, %swap3A_833] {strides = array<i32>} : memref<4x128x32xf32, #tpu.memory_space<vmem>>, vector<1x1x16xf32>,
          %swap3A_835 = vector.shape_cast %swap3A_834 : vector<1x1x16xf32> to vector<16xf32>
          %swap3A_836 = vector.shape_cast %mul3A_829 : vector<16xf32> to vector<1x1x16xf32>
          tpu.vector_store %arg12[%swap3A_831, %swap3A_832, %swap3A_833], %swap3A_836 {strides = array<i32>} : memref<4x128x32xf32, #tpu.memory_space<vmem>>, vector<1x1x16xf32>,
          %mul3A_837 = arith.constant 16 : i32
          %mul3A_838 = arith.muli %scan3A_480, %mul3A_837 : i32
          %add3A_839 = arith.constant 10 : i32
          %add3A_840 = arith.addi %mul3A_838, %add3A_839 : i32
          %slice3A_841 = vector.extract_strided_slice %get3A_488 {offsets = [10], sizes = [1], strides = [1]} : vector<16xf32> to vector<1xf32>
          %broadcast_in_dim3A_842 = vector.shape_cast %slice3A_841 : vector<1xf32> to vector<1xf32>
          %broadcast_in_dim3A_843 = vector.broadcast %broadcast_in_dim3A_842 : vector<1xf32> to vector<16xf32>
          %get3A_844 = arith.constant 3 : i32
          %get3A_845 = arith.index_cast %get3A_844 : i32 to index
          %get3A_846 = arith.index_cast %add3A_840 : i32 to index
          %get3A_847 = arith.constant 0 : index
          %get3A_848 = tpu.vector_load %arg12[%get3A_845, %get3A_846, %get3A_847] {strides = array<i32>} : memref<4x128x32xf32, #tpu.memory_space<vmem>>, vector<1x1x16xf32>,
          %get3A_849 = vector.shape_cast %get3A_848 : vector<1x1x16xf32> to vector<16xf32>
          %mul3A_850 = arith.mulf %get3A_849, %broadcast_in_dim3A_843 : vector<16xf32>
          %swap3A_851 = arith.constant 3 : i32
          %swap3A_852 = arith.index_cast %swap3A_851 : i32 to index
          %swap3A_853 = arith.index_cast %add3A_840 : i32 to index
          %swap3A_854 = arith.constant 0 : index
          %swap3A_855 = tpu.vector_load %arg12[%swap3A_852, %swap3A_853, %swap3A_854] {strides = array<i32>} : memref<4x128x32xf32, #tpu.memory_space<vmem>>, vector<1x1x16xf32>,
          %swap3A_856 = vector.shape_cast %swap3A_855 : vector<1x1x16xf32> to vector<16xf32>
          %swap3A_857 = vector.shape_cast %mul3A_850 : vector<16xf32> to vector<1x1x16xf32>
          tpu.vector_store %arg12[%swap3A_852, %swap3A_853, %swap3A_854], %swap3A_857 {strides = array<i32>} : memref<4x128x32xf32, #tpu.memory_space<vmem>>, vector<1x1x16xf32>,
          %get3A_858 = arith.constant 3 : i32
          %get3A_859 = arith.index_cast %get3A_858 : i32 to index
          %get3A_860 = arith.index_cast %add3A_840 : i32 to index
          %get3A_861 = arith.constant 16 : index
          %get3A_862 = tpu.vector_load %arg12[%get3A_859, %get3A_860, %get3A_861] {strides = array<i32>} : memref<4x128x32xf32, #tpu.memory_space<vmem>>, vector<1x1x16xf32>,
          %get3A_863 = vector.shape_cast %get3A_862 : vector<1x1x16xf32> to vector<16xf32>
          %mul3A_864 = arith.mulf %get3A_863, %broadcast_in_dim3A_843 : vector<16xf32>
          %swap3A_865 = arith.constant 3 : i32
          %swap3A_866 = arith.index_cast %swap3A_865 : i32 to index
          %swap3A_867 = arith.index_cast %add3A_840 : i32 to index
          %swap3A_868 = arith.constant 16 : index
          %swap3A_869 = tpu.vector_load %arg12[%swap3A_866, %swap3A_867, %swap3A_868] {strides = array<i32>} : memref<4x128x32xf32, #tpu.memory_space<vmem>>, vector<1x1x16xf32>,
          %swap3A_870 = vector.shape_cast %swap3A_869 : vector<1x1x16xf32> to vector<16xf32>
          %swap3A_871 = vector.shape_cast %mul3A_864 : vector<16xf32> to vector<1x1x16xf32>
          tpu.vector_store %arg12[%swap3A_866, %swap3A_867, %swap3A_868], %swap3A_871 {strides = array<i32>} : memref<4x128x32xf32, #tpu.memory_space<vmem>>, vector<1x1x16xf32>,
          %mul3A_872 = arith.constant 16 : i32
          %mul3A_873 = arith.muli %scan3A_480, %mul3A_872 : i32
          %add3A_874 = arith.constant 11 : i32
          %add3A_875 = arith.addi %mul3A_873, %add3A_874 : i32
          %slice3A_876 = vector.extract_strided_slice %get3A_488 {offsets = [11], sizes = [1], strides = [1]} : vector<16xf32> to vector<1xf32>
          %broadcast_in_dim3A_877 = vector.shape_cast %slice3A_876 : vector<1xf32> to vector<1xf32>
          %broadcast_in_dim3A_878 = vector.broadcast %broadcast_in_dim3A_877 : vector<1xf32> to vector<16xf32>
          %get3A_879 = arith.constant 3 : i32
          %get3A_880 = arith.index_cast %get3A_879 : i32 to index
          %get3A_881 = arith.index_cast %add3A_875 : i32 to index
          %get3A_882 = arith.constant 0 : index
          %get3A_883 = tpu.vector_load %arg12[%get3A_880, %get3A_881, %get3A_882] {strides = array<i32>} : memref<4x128x32xf32, #tpu.memory_space<vmem>>, vector<1x1x16xf32>,
          %get3A_884 = vector.shape_cast %get3A_883 : vector<1x1x16xf32> to vector<16xf32>
          %mul3A_885 = arith.mulf %get3A_884, %broadcast_in_dim3A_878 : vector<16xf32>
          %swap3A_886 = arith.constant 3 : i32
          %swap3A_887 = arith.index_cast %swap3A_886 : i32 to index
          %swap3A_888 = arith.index_cast %add3A_875 : i32 to index
          %swap3A_889 = arith.constant 0 : index
          %swap3A_890 = tpu.vector_load %arg12[%swap3A_887, %swap3A_888, %swap3A_889] {strides = array<i32>} : memref<4x128x32xf32, #tpu.memory_space<vmem>>, vector<1x1x16xf32>,
          %swap3A_891 = vector.shape_cast %swap3A_890 : vector<1x1x16xf32> to vector<16xf32>
          %swap3A_892 = vector.shape_cast %mul3A_885 : vector<16xf32> to vector<1x1x16xf32>
          tpu.vector_store %arg12[%swap3A_887, %swap3A_888, %swap3A_889], %swap3A_892 {strides = array<i32>} : memref<4x128x32xf32, #tpu.memory_space<vmem>>, vector<1x1x16xf32>,
          %get3A_893 = arith.constant 3 : i32
          %get3A_894 = arith.index_cast %get3A_893 : i32 to index
          %get3A_895 = arith.index_cast %add3A_875 : i32 to index
          %get3A_896 = arith.constant 16 : index
          %get3A_897 = tpu.vector_load %arg12[%get3A_894, %get3A_895, %get3A_896] {strides = array<i32>} : memref<4x128x32xf32, #tpu.memory_space<vmem>>, vector<1x1x16xf32>,
          %get3A_898 = vector.shape_cast %get3A_897 : vector<1x1x16xf32> to vector<16xf32>
          %mul3A_899 = arith.mulf %get3A_898, %broadcast_in_dim3A_878 : vector<16xf32>
          %swap3A_900 = arith.constant 3 : i32
          %swap3A_901 = arith.index_cast %swap3A_900 : i32 to index
          %swap3A_902 = arith.index_cast %add3A_875 : i32 to index
          %swap3A_903 = arith.constant 16 : index
          %swap3A_904 = tpu.vector_load %arg12[%swap3A_901, %swap3A_902, %swap3A_903] {strides = array<i32>} : memref<4x128x32xf32, #tpu.memory_space<vmem>>, vector<1x1x16xf32>,
          %swap3A_905 = vector.shape_cast %swap3A_904 : vector<1x1x16xf32> to vector<16xf32>
          %swap3A_906 = vector.shape_cast %mul3A_899 : vector<16xf32> to vector<1x1x16xf32>
          tpu.vector_store %arg12[%swap3A_901, %swap3A_902, %swap3A_903], %swap3A_906 {strides = array<i32>} : memref<4x128x32xf32, #tpu.memory_space<vmem>>, vector<1x1x16xf32>,
          %mul3A_907 = arith.constant 16 : i32
          %mul3A_908 = arith.muli %scan3A_480, %mul3A_907 : i32
          %add3A_909 = arith.constant 12 : i32
          %add3A_910 = arith.addi %mul3A_908, %add3A_909 : i32
          %slice3A_911 = vector.extract_strided_slice %get3A_488 {offsets = [12], sizes = [1], strides = [1]} : vector<16xf32> to vector<1xf32>
          %broadcast_in_dim3A_912 = vector.shape_cast %slice3A_911 : vector<1xf32> to vector<1xf32>
          %broadcast_in_dim3A_913 = vector.broadcast %broadcast_in_dim3A_912 : vector<1xf32> to vector<16xf32>
          %get3A_914 = arith.constant 3 : i32
          %get3A_915 = arith.index_cast %get3A_914 : i32 to index
          %get3A_916 = arith.index_cast %add3A_910 : i32 to index
          %get3A_917 = arith.constant 0 : index
          %get3A_918 = tpu.vector_load %arg12[%get3A_915, %get3A_916, %get3A_917] {strides = array<i32>} : memref<4x128x32xf32, #tpu.memory_space<vmem>>, vector<1x1x16xf32>,
          %get3A_919 = vector.shape_cast %get3A_918 : vector<1x1x16xf32> to vector<16xf32>
          %mul3A_920 = arith.mulf %get3A_919, %broadcast_in_dim3A_913 : vector<16xf32>
          %swap3A_921 = arith.constant 3 : i32
          %swap3A_922 = arith.index_cast %swap3A_921 : i32 to index
          %swap3A_923 = arith.index_cast %add3A_910 : i32 to index
          %swap3A_924 = arith.constant 0 : index
          %swap3A_925 = tpu.vector_load %arg12[%swap3A_922, %swap3A_923, %swap3A_924] {strides = array<i32>} : memref<4x128x32xf32, #tpu.memory_space<vmem>>, vector<1x1x16xf32>,
          %swap3A_926 = vector.shape_cast %swap3A_925 : vector<1x1x16xf32> to vector<16xf32>
          %swap3A_927 = vector.shape_cast %mul3A_920 : vector<16xf32> to vector<1x1x16xf32>
          tpu.vector_store %arg12[%swap3A_922, %swap3A_923, %swap3A_924], %swap3A_927 {strides = array<i32>} : memref<4x128x32xf32, #tpu.memory_space<vmem>>, vector<1x1x16xf32>,
          %get3A_928 = arith.constant 3 : i32
          %get3A_929 = arith.index_cast %get3A_928 : i32 to index
          %get3A_930 = arith.index_cast %add3A_910 : i32 to index
          %get3A_931 = arith.constant 16 : index
          %get3A_932 = tpu.vector_load %arg12[%get3A_929, %get3A_930, %get3A_931] {strides = array<i32>} : memref<4x128x32xf32, #tpu.memory_space<vmem>>, vector<1x1x16xf32>,
          %get3A_933 = vector.shape_cast %get3A_932 : vector<1x1x16xf32> to vector<16xf32>
          %mul3A_934 = arith.mulf %get3A_933, %broadcast_in_dim3A_913 : vector<16xf32>
          %swap3A_935 = arith.constant 3 : i32
          %swap3A_936 = arith.index_cast %swap3A_935 : i32 to index
          %swap3A_937 = arith.index_cast %add3A_910 : i32 to index
          %swap3A_938 = arith.constant 16 : index
          %swap3A_939 = tpu.vector_load %arg12[%swap3A_936, %swap3A_937, %swap3A_938] {strides = array<i32>} : memref<4x128x32xf32, #tpu.memory_space<vmem>>, vector<1x1x16xf32>,
          %swap3A_940 = vector.shape_cast %swap3A_939 : vector<1x1x16xf32> to vector<16xf32>
          %swap3A_941 = vector.shape_cast %mul3A_934 : vector<16xf32> to vector<1x1x16xf32>
          tpu.vector_store %arg12[%swap3A_936, %swap3A_937, %swap3A_938], %swap3A_941 {strides = array<i32>} : memref<4x128x32xf32, #tpu.memory_space<vmem>>, vector<1x1x16xf32>,
          %mul3A_942 = arith.constant 16 : i32
          %mul3A_943 = arith.muli %scan3A_480, %mul3A_942 : i32
          %add3A_944 = arith.constant 13 : i32
          %add3A_945 = arith.addi %mul3A_943, %add3A_944 : i32
          %slice3A_946 = vector.extract_strided_slice %get3A_488 {offsets = [13], sizes = [1], strides = [1]} : vector<16xf32> to vector<1xf32>
          %broadcast_in_dim3A_947 = vector.shape_cast %slice3A_946 : vector<1xf32> to vector<1xf32>
          %broadcast_in_dim3A_948 = vector.broadcast %broadcast_in_dim3A_947 : vector<1xf32> to vector<16xf32>
          %get3A_949 = arith.constant 3 : i32
          %get3A_950 = arith.index_cast %get3A_949 : i32 to index
          %get3A_951 = arith.index_cast %add3A_945 : i32 to index
          %get3A_952 = arith.constant 0 : index
          %get3A_953 = tpu.vector_load %arg12[%get3A_950, %get3A_951, %get3A_952] {strides = array<i32>} : memref<4x128x32xf32, #tpu.memory_space<vmem>>, vector<1x1x16xf32>,
          %get3A_954 = vector.shape_cast %get3A_953 : vector<1x1x16xf32> to vector<16xf32>
          %mul3A_955 = arith.mulf %get3A_954, %broadcast_in_dim3A_948 : vector<16xf32>
          %swap3A_956 = arith.constant 3 : i32
          %swap3A_957 = arith.index_cast %swap3A_956 : i32 to index
          %swap3A_958 = arith.index_cast %add3A_945 : i32 to index
          %swap3A_959 = arith.constant 0 : index
          %swap3A_960 = tpu.vector_load %arg12[%swap3A_957, %swap3A_958, %swap3A_959] {strides = array<i32>} : memref<4x128x32xf32, #tpu.memory_space<vmem>>, vector<1x1x16xf32>,
          %swap3A_961 = vector.shape_cast %swap3A_960 : vector<1x1x16xf32> to vector<16xf32>
          %swap3A_962 = vector.shape_cast %mul3A_955 : vector<16xf32> to vector<1x1x16xf32>
          tpu.vector_store %arg12[%swap3A_957, %swap3A_958, %swap3A_959], %swap3A_962 {strides = array<i32>} : memref<4x128x32xf32, #tpu.memory_space<vmem>>, vector<1x1x16xf32>,
          %get3A_963 = arith.constant 3 : i32
          %get3A_964 = arith.index_cast %get3A_963 : i32 to index
          %get3A_965 = arith.index_cast %add3A_945 : i32 to index
          %get3A_966 = arith.constant 16 : index
          %get3A_967 = tpu.vector_load %arg12[%get3A_964, %get3A_965, %get3A_966] {strides = array<i32>} : memref<4x128x32xf32, #tpu.memory_space<vmem>>, vector<1x1x16xf32>,
          %get3A_968 = vector.shape_cast %get3A_967 : vector<1x1x16xf32> to vector<16xf32>
          %mul3A_969 = arith.mulf %get3A_968, %broadcast_in_dim3A_948 : vector<16xf32>
          %swap3A_970 = arith.constant 3 : i32
          %swap3A_971 = arith.index_cast %swap3A_970 : i32 to index
          %swap3A_972 = arith.index_cast %add3A_945 : i32 to index
          %swap3A_973 = arith.constant 16 : index
          %swap3A_974 = tpu.vector_load %arg12[%swap3A_971, %swap3A_972, %swap3A_973] {strides = array<i32>} : memref<4x128x32xf32, #tpu.memory_space<vmem>>, vector<1x1x16xf32>,
          %swap3A_975 = vector.shape_cast %swap3A_974 : vector<1x1x16xf32> to vector<16xf32>
          %swap3A_976 = vector.shape_cast %mul3A_969 : vector<16xf32> to vector<1x1x16xf32>
          tpu.vector_store %arg12[%swap3A_971, %swap3A_972, %swap3A_973], %swap3A_976 {strides = array<i32>} : memref<4x128x32xf32, #tpu.memory_space<vmem>>, vector<1x1x16xf32>,
          %mul3A_977 = arith.constant 16 : i32
          %mul3A_978 = arith.muli %scan3A_480, %mul3A_977 : i32
          %add3A_979 = arith.constant 14 : i32
          %add3A_980 = arith.addi %mul3A_978, %add3A_979 : i32
          %slice3A_981 = vector.extract_strided_slice %get3A_488 {offsets = [14], sizes = [1], strides = [1]} : vector<16xf32> to vector<1xf32>
          %broadcast_in_dim3A_982 = vector.shape_cast %slice3A_981 : vector<1xf32> to vector<1xf32>
          %broadcast_in_dim3A_983 = vector.broadcast %broadcast_in_dim3A_982 : vector<1xf32> to vector<16xf32>
          %get3A_984 = arith.constant 3 : i32
          %get3A_985 = arith.index_cast %get3A_984 : i32 to index
          %get3A_986 = arith.index_cast %add3A_980 : i32 to index
          %get3A_987 = arith.constant 0 : index
          %get3A_988 = tpu.vector_load %arg12[%get3A_985, %get3A_986, %get3A_987] {strides = array<i32>} : memref<4x128x32xf32, #tpu.memory_space<vmem>>, vector<1x1x16xf32>,
          %get3A_989 = vector.shape_cast %get3A_988 : vector<1x1x16xf32> to vector<16xf32>
          %mul3A_990 = arith.mulf %get3A_989, %broadcast_in_dim3A_983 : vector<16xf32>
          %swap3A_991 = arith.constant 3 : i32
          %swap3A_992 = arith.index_cast %swap3A_991 : i32 to index
          %swap3A_993 = arith.index_cast %add3A_980 : i32 to index
          %swap3A_994 = arith.constant 0 : index
          %swap3A_995 = tpu.vector_load %arg12[%swap3A_992, %swap3A_993, %swap3A_994] {strides = array<i32>} : memref<4x128x32xf32, #tpu.memory_space<vmem>>, vector<1x1x16xf32>,
          %swap3A_996 = vector.shape_cast %swap3A_995 : vector<1x1x16xf32> to vector<16xf32>
          %swap3A_997 = vector.shape_cast %mul3A_990 : vector<16xf32> to vector<1x1x16xf32>
          tpu.vector_store %arg12[%swap3A_992, %swap3A_993, %swap3A_994], %swap3A_997 {strides = array<i32>} : memref<4x128x32xf32, #tpu.memory_space<vmem>>, vector<1x1x16xf32>,
          %get3A_998 = arith.constant 3 : i32
          %get3A_999 = arith.index_cast %get3A_998 : i32 to index
          %get3A_1000 = arith.index_cast %add3A_980 : i32 to index
          %get3A_1001 = arith.constant 16 : index
          %get3A_1002 = tpu.vector_load %arg12[%get3A_999, %get3A_1000, %get3A_1001] {strides = array<i32>} : memref<4x128x32xf32, #tpu.memory_space<vmem>>, vector<1x1x16xf32>,
          %get3A_1003 = vector.shape_cast %get3A_1002 : vector<1x1x16xf32> to vector<16xf32>
          %mul3A_1004 = arith.mulf %get3A_1003, %broadcast_in_dim3A_983 : vector<16xf32>
          %swap3A_1005 = arith.constant 3 : i32
          %swap3A_1006 = arith.index_cast %swap3A_1005 : i32 to index
          %swap3A_1007 = arith.index_cast %add3A_980 : i32 to index
          %swap3A_1008 = arith.constant 16 : index
          %swap3A_1009 = tpu.vector_load %arg12[%swap3A_1006, %swap3A_1007, %swap3A_1008] {strides = array<i32>} : memref<4x128x32xf32, #tpu.memory_space<vmem>>, vector<1x1x16xf32>,
          %swap3A_1010 = vector.shape_cast %swap3A_1009 : vector<1x1x16xf32> to vector<16xf32>
          %swap3A_1011 = vector.shape_cast %mul3A_1004 : vector<16xf32> to vector<1x1x16xf32>
          tpu.vector_store %arg12[%swap3A_1006, %swap3A_1007, %swap3A_1008], %swap3A_1011 {strides = array<i32>} : memref<4x128x32xf32, #tpu.memory_space<vmem>>, vector<1x1x16xf32>,
          %mul3A_1012 = arith.constant 16 : i32
          %mul3A_1013 = arith.muli %scan3A_480, %mul3A_1012 : i32
          %add3A_1014 = arith.constant 15 : i32
          %add3A_1015 = arith.addi %mul3A_1013, %add3A_1014 : i32
          %slice3A_1016 = vector.extract_strided_slice %get3A_488 {offsets = [15], sizes = [1], strides = [1]} : vector<16xf32> to vector<1xf32>
          %broadcast_in_dim3A_1017 = vector.shape_cast %slice3A_1016 : vector<1xf32> to vector<1xf32>
          %broadcast_in_dim3A_1018 = vector.broadcast %broadcast_in_dim3A_1017 : vector<1xf32> to vector<16xf32>
          %get3A_1019 = arith.constant 3 : i32
          %get3A_1020 = arith.index_cast %get3A_1019 : i32 to index
          %get3A_1021 = arith.index_cast %add3A_1015 : i32 to index
          %get3A_1022 = arith.constant 0 : index
          %get3A_1023 = tpu.vector_load %arg12[%get3A_1020, %get3A_1021, %get3A_1022] {strides = array<i32>} : memref<4x128x32xf32, #tpu.memory_space<vmem>>, vector<1x1x16xf32>,
          %get3A_1024 = vector.shape_cast %get3A_1023 : vector<1x1x16xf32> to vector<16xf32>
          %mul3A_1025 = arith.mulf %get3A_1024, %broadcast_in_dim3A_1018 : vector<16xf32>
          %swap3A_1026 = arith.constant 3 : i32
          %swap3A_1027 = arith.index_cast %swap3A_1026 : i32 to index
          %swap3A_1028 = arith.index_cast %add3A_1015 : i32 to index
          %swap3A_1029 = arith.constant 0 : index
          %swap3A_1030 = tpu.vector_load %arg12[%swap3A_1027, %swap3A_1028, %swap3A_1029] {strides = array<i32>} : memref<4x128x32xf32, #tpu.memory_space<vmem>>, vector<1x1x16xf32>,
          %swap3A_1031 = vector.shape_cast %swap3A_1030 : vector<1x1x16xf32> to vector<16xf32>
          %swap3A_1032 = vector.shape_cast %mul3A_1025 : vector<16xf32> to vector<1x1x16xf32>
          tpu.vector_store %arg12[%swap3A_1027, %swap3A_1028, %swap3A_1029], %swap3A_1032 {strides = array<i32>} : memref<4x128x32xf32, #tpu.memory_space<vmem>>, vector<1x1x16xf32>,
          %get3A_1033 = arith.constant 3 : i32
          %get3A_1034 = arith.index_cast %get3A_1033 : i32 to index
          %get3A_1035 = arith.index_cast %add3A_1015 : i32 to index
          %get3A_1036 = arith.constant 16 : index
          %get3A_1037 = tpu.vector_load %arg12[%get3A_1034, %get3A_1035, %get3A_1036] {strides = array<i32>} : memref<4x128x32xf32, #tpu.memory_space<vmem>>, vector<1x1x16xf32>,
          %get3A_1038 = vector.shape_cast %get3A_1037 : vector<1x1x16xf32> to vector<16xf32>
          %mul3A_1039 = arith.mulf %get3A_1038, %broadcast_in_dim3A_1018 : vector<16xf32>
          %swap3A_1040 = arith.constant 3 : i32
          %swap3A_1041 = arith.index_cast %swap3A_1040 : i32 to index
          %swap3A_1042 = arith.index_cast %add3A_1015 : i32 to index
          %swap3A_1043 = arith.constant 16 : index
          %swap3A_1044 = tpu.vector_load %arg12[%swap3A_1041, %swap3A_1042, %swap3A_1043] {strides = array<i32>} : memref<4x128x32xf32, #tpu.memory_space<vmem>>, vector<1x1x16xf32>,
          %swap3A_1045 = vector.shape_cast %swap3A_1044 : vector<1x1x16xf32> to vector<16xf32>
          %swap3A_1046 = vector.shape_cast %mul3A_1039 : vector<16xf32> to vector<1x1x16xf32>
          tpu.vector_store %arg12[%swap3A_1041, %swap3A_1042, %swap3A_1043], %swap3A_1046 {strides = array<i32>} : memref<4x128x32xf32, #tpu.memory_space<vmem>>, vector<1x1x16xf32>,
        }
        %scan3A_461 = arith.constant 8 : i32
        %dma_start3A_462 = arith.constant 3 : i32
        %dma_start3A_463 = arith.constant 1 : i32
        %dma_start3A_464 = arith.constant 3 : i32
        %dma_start3A_465 = arith.constant 3 : i32
        %dma_start3A_466 = arith.constant 0 : i32
        %dma_start3A_467 = arith.constant 0 : i32
        %dma_start3A_468 = tpu.memref_slice %arg12[%dma_start3A_462, %dma_start3A_466, %dma_start3A_467] : memref<4x128x32xf32, #tpu.memory_space<vmem>> -> memref<1x128x32xf32, #tpu.memory_space<vmem>>
        %dma_start3A_469 = tpu.memref_squeeze %dma_start3A_468 : memref<1x128x32xf32, #tpu.memory_space<vmem>> -> memref<128x32xf32, #tpu.memory_space<vmem>>
        %dma_start3A_470 = arith.constant 0 : i32
        %dma_start3A_471 = tpu.memref_slice %arg10[%scan3A_206, %dma_start3A_463, %dma_start3A_464, %dma_start3A_470] : memref<2x2x4x128xi32, #tpu.memory_space<vmem>> -> memref<1x1x1x128xi32, #tpu.memory_space<vmem>>
        %dma_start3A_472 = tpu.memref_squeeze %dma_start3A_471 : memref<1x1x1x128xi32, #tpu.memory_space<vmem>> -> memref<128xi32, #tpu.memory_space<vmem>>
        %dma_start3A_473 = arith.constant 0 : i32
        %dma_start3A_474 = arith.constant 0 : i32
        %dma_start3A_475 = tpu.memref_slice %arg9[%dma_start3A_473, %dma_start3A_474] : memref<50176x32xf32, #tpu.memory_space<vmem_shared>> -> memref<50176x32xf32, #tpu.memory_space<vmem_shared>>
        %dma_start3A_476 = tpu.memref_slice %arg21[%dma_start3A_465] : memref<4x!tpu.dma_semaphore, #tpu.memory_space<semaphore_mem>> -> memref<1x!tpu.dma_semaphore, #tpu.memory_space<semaphore_mem>>
        %dma_start3A_477 = tpu.memref_squeeze %dma_start3A_476 : memref<1x!tpu.dma_semaphore, #tpu.memory_space<semaphore_mem>> -> memref<!tpu.dma_semaphore, #tpu.memory_space<semaphore_mem>>
        tpu.enqueue_indirect_dma source(%dma_start3A_469 : memref<128x32xf32, #tpu.memory_space<vmem>>) target(%dma_start3A_475 : memref<50176x32xf32, #tpu.memory_space<vmem_shared>>) offsets(%dma_start3A_472 : memref<128xi32, #tpu.memory_space<vmem>>) semaphore(%dma_start3A_477 : memref<!tpu.dma_semaphore, #tpu.memory_space<semaphore_mem>>) {add = true}
        %sub3A_478 = arith.constant 1 : i32
        %sub3A_479 = arith.subi %sub3A_478, %scan3A_206 : i32
        scf.yield %sub3A_479 : i32
      }
      %scan3A_138 = arith.constant 98 : i32
      %dma_wait3A_139 = arith.constant 3 : i32
      %dma_wait3A_140 = arith.constant 0 : i32
      %dma_wait3A_141 = arith.constant 1 : i32
      %dma_wait3A_142 = arith.constant 0 : i32
      %dma_wait3A_143 = arith.constant 3 : i32
      %dma_wait3A_144 = arith.constant 0 : i32
      %dma_wait3A_145 = arith.constant 0 : i32
      %dma_wait3A_146 = tpu.memref_slice %arg12[%dma_wait3A_139, %dma_wait3A_144, %dma_wait3A_145] : memref<4x128x32xf32, #tpu.memory_space<vmem>> -> memref<1x128x32xf32, #tpu.memory_space<vmem>>
      %dma_wait3A_147 = tpu.memref_squeeze %dma_wait3A_146 : memref<1x128x32xf32, #tpu.memory_space<vmem>> -> memref<128x32xf32, #tpu.memory_space<vmem>>
      %dma_wait3A_148 = arith.constant 0 : i32
      %dma_wait3A_149 = tpu.memref_slice %arg10[%dma_wait3A_140, %dma_wait3A_141, %dma_wait3A_142, %dma_wait3A_148] : memref<2x2x4x128xi32, #tpu.memory_space<vmem>> -> memref<1x1x1x128xi32, #tpu.memory_space<vmem>>
      %dma_wait3A_150 = tpu.memref_squeeze %dma_wait3A_149 : memref<1x1x1x128xi32, #tpu.memory_space<vmem>> -> memref<128xi32, #tpu.memory_space<vmem>>
      %dma_wait3A_151 = arith.constant 0 : i32
      %dma_wait3A_152 = arith.constant 0 : i32
      %dma_wait3A_153 = tpu.memref_slice %arg9[%dma_wait3A_151, %dma_wait3A_152] : memref<50176x32xf32, #tpu.memory_space<vmem_shared>> -> memref<50176x32xf32, #tpu.memory_space<vmem_shared>>
      %dma_wait3A_154 = tpu.memref_slice %arg21[%dma_wait3A_143] : memref<4x!tpu.dma_semaphore, #tpu.memory_space<semaphore_mem>> -> memref<1x!tpu.dma_semaphore, #tpu.memory_space<semaphore_mem>>
      %dma_wait3A_155 = tpu.memref_squeeze %dma_wait3A_154 : memref<1x!tpu.dma_semaphore, #tpu.memory_space<semaphore_mem>> -> memref<!tpu.dma_semaphore, #tpu.memory_space<semaphore_mem>>
      tpu.wait_indirect_dma semaphore(%dma_wait3A_155 : memref<!tpu.dma_semaphore, #tpu.memory_space<semaphore_mem>>) src(%dma_wait3A_147 : memref<128x32xf32, #tpu.memory_space<vmem>>) dst(%dma_wait3A_153 : memref<50176x32xf32, #tpu.memory_space<vmem_shared>>)
      %barrier3A_156 = arith.constant 0 : index
      tpu.barrier barrier_id(%barrier3A_156)
      %get3A = arith.constant 0 : i32
      %get3A_157 = arith.index_cast %get3A : i32 to index
      %get3A_158 = arith.constant 0 : index
      %get3A_159 = tpu.vector_load %arg18[%get3A_157, %get3A_158] {strides = array<i32>} : memref<4x32xf32, #tpu.memory_space<vmem>>, vector<1x16xf32>,
      %get3A_160 = vector.shape_cast %get3A_159 : vector<1x16xf32> to vector<16xf32>
      %get3A_161 = arith.constant 0 : i32
      %get3A_162 = arith.index_cast %get3A_161 : i32 to index
      %get3A_163 = arith.constant 16 : index
      %get3A_164 = tpu.vector_load %arg18[%get3A_162, %get3A_163] {strides = array<i32>} : memref<4x32xf32, #tpu.memory_space<vmem>>, vector<1x16xf32>,
      %get3A_165 = vector.shape_cast %get3A_164 : vector<1x16xf32> to vector<16xf32>
      %get3A_166 = arith.constant 1 : i32
      %get3A_167 = arith.index_cast %get3A_166 : i32 to index
      %get3A_168 = arith.constant 0 : index
      %get3A_169 = tpu.vector_load %arg18[%get3A_167, %get3A_168] {strides = array<i32>} : memref<4x32xf32, #tpu.memory_space<vmem>>, vector<1x16xf32>,
      %get3A_170 = vector.shape_cast %get3A_169 : vector<1x16xf32> to vector<16xf32>
      %get3A_171 = arith.constant 1 : i32
      %get3A_172 = arith.index_cast %get3A_171 : i32 to index
      %get3A_173 = arith.constant 16 : index
      %get3A_174 = tpu.vector_load %arg18[%get3A_172, %get3A_173] {strides = array<i32>} : memref<4x32xf32, #tpu.memory_space<vmem>>, vector<1x16xf32>,
      %get3A_175 = vector.shape_cast %get3A_174 : vector<1x16xf32> to vector<16xf32>
      %get3A_176 = arith.constant 2 : i32
      %get3A_177 = arith.index_cast %get3A_176 : i32 to index
      %get3A_178 = arith.constant 0 : index
      %get3A_179 = tpu.vector_load %arg18[%get3A_177, %get3A_178] {strides = array<i32>} : memref<4x32xf32, #tpu.memory_space<vmem>>, vector<1x16xf32>,
      %get3A_180 = vector.shape_cast %get3A_179 : vector<1x16xf32> to vector<16xf32>
      %get3A_181 = arith.constant 2 : i32
      %get3A_182 = arith.index_cast %get3A_181 : i32 to index
      %get3A_183 = arith.constant 16 : index
      %get3A_184 = tpu.vector_load %arg18[%get3A_182, %get3A_183] {strides = array<i32>} : memref<4x32xf32, #tpu.memory_space<vmem>>, vector<1x16xf32>,
      %get3A_185 = vector.shape_cast %get3A_184 : vector<1x16xf32> to vector<16xf32>
      %scan3A_186 = arith.constant 0 : i32
      %scan3A_187 = arith.constant 0 : i32
      %scan3A_188 = arith.constant 49 : i32
      %scan3A_189 = arith.addi %scan3A_187, %scan3A_188 : i32
      %scan3A_190 = arith.constant 1 : i32
      scf.for %scan3A_205 = %scan3A_187 to %scan3A_189 step %scan3A_190  : i32 {
        %mul3A_206 = arith.constant 64 : i32
        %mul3A_207 = arith.muli %scan3A_205, %mul3A_206 : i32
        %add3A = arith.addi %mul3A_0, %mul3A_207 : i32
        %dma_start3A_208 = arith.constant 0 : i32
        %dma_start3A_209 = arith.constant 0 : i32
        %dma_start3A_210 = tpu.memref_slice %arg9[%add3A, %dma_start3A_209] : memref<50176x32xf32, #tpu.memory_space<vmem_shared>> -> memref<64x32xf32, #tpu.memory_space<vmem_shared>>
        %dma_start3A_211 = tpu.memref_slice %arg23[%dma_start3A_208] : memref<3x!tpu.dma_semaphore, #tpu.memory_space<semaphore_mem>> -> memref<1x!tpu.dma_semaphore, #tpu.memory_space<semaphore_mem>>
        %dma_start3A_212 = tpu.memref_squeeze %dma_start3A_211 : memref<1x!tpu.dma_semaphore, #tpu.memory_space<semaphore_mem>> -> memref<!tpu.dma_semaphore, #tpu.memory_space<semaphore_mem>>
        %dma_start3A_213 = arith.constant 0 : i32
        %dma_start3A_214 = tpu.memref_slice %arg9[%add3A, %dma_start3A_213] : memref<50176x32xf32, #tpu.memory_space<vmem_shared>> -> memref<64x32xf32, #tpu.memory_space<vmem_shared>>
        tpu.enqueue_dma source(%dma_start3A_214 : memref<64x32xf32, #tpu.memory_space<vmem_shared>>) target(%arg13 : memref<64x32xf32, #tpu.memory_space<vmem>>) target_semaphore(%dma_start3A_212 : memref<!tpu.dma_semaphore, #tpu.memory_space<semaphore_mem>>)
        %dma_start3A_215 = arith.constant 1 : i32
        %dma_start3A_216 = arith.constant 0 : i32
        %dma_start3A_217 = tpu.memref_slice %arg8[%sub3A_62, %arg0, %add3A, %dma_start3A_216] : memref<12x2x50176x32xf32, #tpu.memory_space<hbm>> -> memref<1x1x64x32xf32, #tpu.memory_space<hbm>>
        %dma_start3A_218 = tpu.memref_squeeze %dma_start3A_217 : memref<1x1x64x32xf32, #tpu.memory_space<hbm>> -> memref<64x32xf32, #tpu.memory_space<hbm>>
        %dma_start3A_219 = tpu.memref_slice %arg23[%dma_start3A_215] : memref<3x!tpu.dma_semaphore, #tpu.memory_space<semaphore_mem>> -> memref<1x!tpu.dma_semaphore, #tpu.memory_space<semaphore_mem>>
        %dma_start3A_220 = tpu.memref_squeeze %dma_start3A_219 : memref<1x!tpu.dma_semaphore, #tpu.memory_space<semaphore_mem>> -> memref<!tpu.dma_semaphore, #tpu.memory_space<semaphore_mem>>
        %dma_start3A_221 = arith.constant 0 : i32
        %dma_start3A_222 = tpu.memref_slice %arg8[%sub3A_62, %arg0, %add3A, %dma_start3A_221] : memref<12x2x50176x32xf32, #tpu.memory_space<hbm>> -> memref<1x1x64x32xf32, #tpu.memory_space<hbm>>
        %dma_start3A_223 = tpu.memref_squeeze %dma_start3A_222 : memref<1x1x64x32xf32, #tpu.memory_space<hbm>> -> memref<64x32xf32, #tpu.memory_space<hbm>>
        tpu.enqueue_dma source(%dma_start3A_223 : memref<64x32xf32, #tpu.memory_space<hbm>>) target(%arg14 : memref<64x32xf32, #tpu.memory_space<vmem>>) target_semaphore(%dma_start3A_220 : memref<!tpu.dma_semaphore, #tpu.memory_space<semaphore_mem>>)
        %dma_start3A_224 = arith.constant 2 : i32
        %dma_start3A_225 = arith.constant 0 : i32
        %dma_start3A_226 = tpu.memref_slice %arg8[%select_n3A, %arg0, %add3A, %dma_start3A_225] : memref<12x2x50176x32xf32, #tpu.memory_space<hbm>> -> memref<1x1x64x32xf32, #tpu.memory_space<hbm>>
        %dma_start3A_227 = tpu.memref_squeeze %dma_start3A_226 : memref<1x1x64x32xf32, #tpu.memory_space<hbm>> -> memref<64x32xf32, #tpu.memory_space<hbm>>
        %dma_start3A_228 = tpu.memref_slice %arg23[%dma_start3A_224] : memref<3x!tpu.dma_semaphore, #tpu.memory_space<semaphore_mem>> -> memref<1x!tpu.dma_semaphore, #tpu.memory_space<semaphore_mem>>
        %dma_start3A_229 = tpu.memref_squeeze %dma_start3A_228 : memref<1x!tpu.dma_semaphore, #tpu.memory_space<semaphore_mem>> -> memref<!tpu.dma_semaphore, #tpu.memory_space<semaphore_mem>>
        %dma_start3A_230 = arith.constant 0 : i32
        %dma_start3A_231 = tpu.memref_slice %arg8[%select_n3A, %arg0, %add3A, %dma_start3A_230] : memref<12x2x50176x32xf32, #tpu.memory_space<hbm>> -> memref<1x1x64x32xf32, #tpu.memory_space<hbm>>
        %dma_start3A_232 = tpu.memref_squeeze %dma_start3A_231 : memref<1x1x64x32xf32, #tpu.memory_space<hbm>> -> memref<64x32xf32, #tpu.memory_space<hbm>>
        tpu.enqueue_dma source(%dma_start3A_232 : memref<64x32xf32, #tpu.memory_space<hbm>>) target(%arg15 : memref<64x32xf32, #tpu.memory_space<vmem>>) target_semaphore(%dma_start3A_229 : memref<!tpu.dma_semaphore, #tpu.memory_space<semaphore_mem>>)
        %dma_wait3A_233 = arith.constant 0 : i32
        %dma_wait3A_234 = arith.constant 0 : i32
        %dma_wait3A_235 = tpu.memref_slice %arg9[%add3A, %dma_wait3A_234] : memref<50176x32xf32, #tpu.memory_space<vmem_shared>> -> memref<64x32xf32, #tpu.memory_space<vmem_shared>>
        %dma_wait3A_236 = tpu.memref_slice %arg23[%dma_wait3A_233] : memref<3x!tpu.dma_semaphore, #tpu.memory_space<semaphore_mem>> -> memref<1x!tpu.dma_semaphore, #tpu.memory_space<semaphore_mem>>
        %dma_wait3A_237 = tpu.memref_squeeze %dma_wait3A_236 : memref<1x!tpu.dma_semaphore, #tpu.memory_space<semaphore_mem>> -> memref<!tpu.dma_semaphore, #tpu.memory_space<semaphore_mem>>
        %dma_wait3A_238 = arith.constant 0 : i32
        %dma_wait3A_239 = tpu.memref_slice %arg9[%add3A, %dma_wait3A_238] : memref<50176x32xf32, #tpu.memory_space<vmem_shared>> -> memref<64x32xf32, #tpu.memory_space<vmem_shared>>
        tpu.wait_dma2 semaphore(%dma_wait3A_237 : memref<!tpu.dma_semaphore, #tpu.memory_space<semaphore_mem>>) src(%dma_wait3A_239 : memref<64x32xf32, #tpu.memory_space<vmem_shared>>) dst(%arg13 : memref<64x32xf32, #tpu.memory_space<vmem>>)
        %dma_wait3A_240 = arith.constant 1 : i32
        %dma_wait3A_241 = arith.constant 0 : i32
        %dma_wait3A_242 = tpu.memref_slice %arg8[%sub3A_62, %arg0, %add3A, %dma_wait3A_241] : memref<12x2x50176x32xf32, #tpu.memory_space<hbm>> -> memref<1x1x64x32xf32, #tpu.memory_space<hbm>>
        %dma_wait3A_243 = tpu.memref_squeeze %dma_wait3A_242 : memref<1x1x64x32xf32, #tpu.memory_space<hbm>> -> memref<64x32xf32, #tpu.memory_space<hbm>>
        %dma_wait3A_244 = tpu.memref_slice %arg23[%dma_wait3A_240] : memref<3x!tpu.dma_semaphore, #tpu.memory_space<semaphore_mem>> -> memref<1x!tpu.dma_semaphore, #tpu.memory_space<semaphore_mem>>
        %dma_wait3A_245 = tpu.memref_squeeze %dma_wait3A_244 : memref<1x!tpu.dma_semaphore, #tpu.memory_space<semaphore_mem>> -> memref<!tpu.dma_semaphore, #tpu.memory_space<semaphore_mem>>
        %dma_wait3A_246 = arith.constant 0 : i32
        %dma_wait3A_247 = tpu.memref_slice %arg8[%sub3A_62, %arg0, %add3A, %dma_wait3A_246] : memref<12x2x50176x32xf32, #tpu.memory_space<hbm>> -> memref<1x1x64x32xf32, #tpu.memory_space<hbm>>
        %dma_wait3A_248 = tpu.memref_squeeze %dma_wait3A_247 : memref<1x1x64x32xf32, #tpu.memory_space<hbm>> -> memref<64x32xf32, #tpu.memory_space<hbm>>
        tpu.wait_dma2 semaphore(%dma_wait3A_245 : memref<!tpu.dma_semaphore, #tpu.memory_space<semaphore_mem>>) src(%dma_wait3A_248 : memref<64x32xf32, #tpu.memory_space<hbm>>) dst(%arg14 : memref<64x32xf32, #tpu.memory_space<vmem>>)
        %dma_wait3A_249 = arith.constant 2 : i32
        %dma_wait3A_250 = arith.constant 0 : i32
        %dma_wait3A_251 = tpu.memref_slice %arg8[%select_n3A, %arg0, %add3A, %dma_wait3A_250] : memref<12x2x50176x32xf32, #tpu.memory_space<hbm>> -> memref<1x1x64x32xf32, #tpu.memory_space<hbm>>
        %dma_wait3A_252 = tpu.memref_squeeze %dma_wait3A_251 : memref<1x1x64x32xf32, #tpu.memory_space<hbm>> -> memref<64x32xf32, #tpu.memory_space<hbm>>
        %dma_wait3A_253 = tpu.memref_slice %arg23[%dma_wait3A_249] : memref<3x!tpu.dma_semaphore, #tpu.memory_space<semaphore_mem>> -> memref<1x!tpu.dma_semaphore, #tpu.memory_space<semaphore_mem>>
        %dma_wait3A_254 = tpu.memref_squeeze %dma_wait3A_253 : memref<1x!tpu.dma_semaphore, #tpu.memory_space<semaphore_mem>> -> memref<!tpu.dma_semaphore, #tpu.memory_space<semaphore_mem>>
        %dma_wait3A_255 = arith.constant 0 : i32
        %dma_wait3A_256 = tpu.memref_slice %arg8[%select_n3A, %arg0, %add3A, %dma_wait3A_255] : memref<12x2x50176x32xf32, #tpu.memory_space<hbm>> -> memref<1x1x64x32xf32, #tpu.memory_space<hbm>>
        %dma_wait3A_257 = tpu.memref_squeeze %dma_wait3A_256 : memref<1x1x64x32xf32, #tpu.memory_space<hbm>> -> memref<64x32xf32, #tpu.memory_space<hbm>>
        tpu.wait_dma2 semaphore(%dma_wait3A_254 : memref<!tpu.dma_semaphore, #tpu.memory_space<semaphore_mem>>) src(%dma_wait3A_257 : memref<64x32xf32, #tpu.memory_space<hbm>>) dst(%arg15 : memref<64x32xf32, #tpu.memory_space<vmem>>)
        %scan3A_258 = arith.constant 0 : i32
        %scan3A_259 = arith.constant 0 : i32
        %scan3A_260 = arith.constant 64 : i32
        %scan3A_261 = arith.addi %scan3A_259, %scan3A_260 : i32
        %scan3A_262 = arith.constant 1 : i32
        scf.for %scan3A_276 = %scan3A_259 to %scan3A_261 step %scan3A_262  : i32 {
          %get3A_277 = arith.index_cast %scan3A_276 : i32 to index
          %get3A_278 = arith.constant 0 : index
          %get3A_279 = tpu.vector_load %arg13[%get3A_277, %get3A_278] {strides = array<i32>} : memref<64x32xf32, #tpu.memory_space<vmem>>, vector<1x16xf32>,
          %get3A_280 = vector.shape_cast %get3A_279 : vector<1x16xf32> to vector<16xf32>
          %get3A_281 = arith.index_cast %scan3A_276 : i32 to index
          %get3A_282 = arith.constant 0 : index
          %get3A_283 = tpu.vector_load %arg14[%get3A_281, %get3A_282] {strides = array<i32>} : memref<64x32xf32, #tpu.memory_space<vmem>>, vector<1x16xf32>,
          %get3A_284 = vector.shape_cast %get3A_283 : vector<1x16xf32> to vector<16xf32>
          %mul3A_285 = arith.mulf %get3A_160, %get3A_284 : vector<16xf32>
          %sub3A_286 = arith.subf %get3A_280, %mul3A_285 : vector<16xf32>
          %get3A_287 = arith.index_cast %scan3A_276 : i32 to index
          %get3A_288 = arith.constant 0 : index
          %get3A_289 = tpu.vector_load %arg15[%get3A_287, %get3A_288] {strides = array<i32>} : memref<64x32xf32, #tpu.memory_space<vmem>>, vector<1x16xf32>,
          %get3A_290 = vector.shape_cast %get3A_289 : vector<1x16xf32> to vector<16xf32>
          %mul3A_291 = arith.mulf %get3A_170, %get3A_290 : vector<16xf32>
          %sub3A_292 = arith.subf %sub3A_286, %mul3A_291 : vector<16xf32>
          %mul3A_293 = arith.mulf %sub3A_292, %get3A_180 : vector<16xf32>
          %get3A_294 = arith.index_cast %scan3A_276 : i32 to index
          %get3A_295 = arith.constant 16 : index
          %get3A_296 = tpu.vector_load %arg13[%get3A_294, %get3A_295] {strides = array<i32>} : memref<64x32xf32, #tpu.memory_space<vmem>>, vector<1x16xf32>,
          %get3A_297 = vector.shape_cast %get3A_296 : vector<1x16xf32> to vector<16xf32>
          %get3A_298 = arith.index_cast %scan3A_276 : i32 to index
          %get3A_299 = arith.constant 16 : index
          %get3A_300 = tpu.vector_load %arg14[%get3A_298, %get3A_299] {strides = array<i32>} : memref<64x32xf32, #tpu.memory_space<vmem>>, vector<1x16xf32>,
          %get3A_301 = vector.shape_cast %get3A_300 : vector<1x16xf32> to vector<16xf32>
          %mul3A_302 = arith.mulf %get3A_165, %get3A_301 : vector<16xf32>
          %sub3A_303 = arith.subf %get3A_297, %mul3A_302 : vector<16xf32>
          %get3A_304 = arith.index_cast %scan3A_276 : i32 to index
          %get3A_305 = arith.constant 16 : index
          %get3A_306 = tpu.vector_load %arg15[%get3A_304, %get3A_305] {strides = array<i32>} : memref<64x32xf32, #tpu.memory_space<vmem>>, vector<1x16xf32>,
          %get3A_307 = vector.shape_cast %get3A_306 : vector<1x16xf32> to vector<16xf32>
          %mul3A_308 = arith.mulf %get3A_175, %get3A_307 : vector<16xf32>
          %sub3A_309 = arith.subf %sub3A_303, %mul3A_308 : vector<16xf32>
          %mul3A_310 = arith.mulf %sub3A_309, %get3A_185 : vector<16xf32>
          %swap3A = arith.index_cast %scan3A_276 : i32 to index
          %swap3A_311 = arith.constant 0 : index
          %swap3A_312 = tpu.vector_load %arg16[%swap3A, %swap3A_311] {strides = array<i32>} : memref<64x32xf32, #tpu.memory_space<vmem>>, vector<1x16xf32>,
          %swap3A_313 = vector.shape_cast %swap3A_312 : vector<1x16xf32> to vector<16xf32>
          %swap3A_314 = vector.shape_cast %mul3A_293 : vector<16xf32> to vector<1x16xf32>
          tpu.vector_store %arg16[%swap3A, %swap3A_311], %swap3A_314 {strides = array<i32>} : memref<64x32xf32, #tpu.memory_space<vmem>>, vector<1x16xf32>,
          %swap3A_315 = arith.index_cast %scan3A_276 : i32 to index
          %swap3A_316 = arith.constant 16 : index
          %swap3A_317 = tpu.vector_load %arg16[%swap3A_315, %swap3A_316] {strides = array<i32>} : memref<64x32xf32, #tpu.memory_space<vmem>>, vector<1x16xf32>,
          %swap3A_318 = vector.shape_cast %swap3A_317 : vector<1x16xf32> to vector<16xf32>
          %swap3A_319 = vector.shape_cast %mul3A_310 : vector<16xf32> to vector<1x16xf32>
          tpu.vector_store %arg16[%swap3A_315, %swap3A_316], %swap3A_319 {strides = array<i32>} : memref<64x32xf32, #tpu.memory_space<vmem>>, vector<1x16xf32>,
        }
        %scan3A_263 = arith.constant 64 : i32
        %ge3A = arith.constant 1 : i32
        %ge3A_264 = arith.cmpi sge, %scan3A_205, %ge3A : i32
        %convert_element_type3A = arith.extui %ge3A_264 : i1 to i32
        %cond3A = arith.constant 0 : i32
        %cond3A_265 = arith.cmpi ne, %convert_element_type3A, %cond3A : i32
        scf.if %cond3A_265 {
          %dma_wait3A_276 = arith.constant 0 : i32
          %dma_wait3A_277 = tpu.memref_slice %arg8[%scan3A_61, %arg0, %add3A, %dma_wait3A_276] : memref<12x2x50176x32xf32, #tpu.memory_space<hbm>> -> memref<1x1x64x32xf32, #tpu.memory_space<hbm>>
          %dma_wait3A_278 = tpu.memref_squeeze %dma_wait3A_277 : memref<1x1x64x32xf32, #tpu.memory_space<hbm>> -> memref<64x32xf32, #tpu.memory_space<hbm>>
          %dma_wait3A_279 = arith.constant 0 : i32
          %dma_wait3A_280 = tpu.memref_slice %arg8[%scan3A_61, %arg0, %add3A, %dma_wait3A_279] : memref<12x2x50176x32xf32, #tpu.memory_space<hbm>> -> memref<1x1x64x32xf32, #tpu.memory_space<hbm>>
          %dma_wait3A_281 = tpu.memref_squeeze %dma_wait3A_280 : memref<1x1x64x32xf32, #tpu.memory_space<hbm>> -> memref<64x32xf32, #tpu.memory_space<hbm>>
          tpu.wait_dma2 semaphore(%arg24 : memref<!tpu.dma_semaphore, #tpu.memory_space<semaphore_mem>>) src(%arg16 : memref<64x32xf32, #tpu.memory_space<vmem>>) dst(%dma_wait3A_281 : memref<64x32xf32, #tpu.memory_space<hbm>>)
        } else {
        }
        %dma_start3A_266 = arith.constant 0 : i32
        %dma_start3A_267 = tpu.memref_slice %arg8[%scan3A_61, %arg0, %add3A, %dma_start3A_266] : memref<12x2x50176x32xf32, #tpu.memory_space<hbm>> -> memref<1x1x64x32xf32, #tpu.memory_space<hbm>>
        %dma_start3A_268 = tpu.memref_squeeze %dma_start3A_267 : memref<1x1x64x32xf32, #tpu.memory_space<hbm>> -> memref<64x32xf32, #tpu.memory_space<hbm>>
        %dma_start3A_269 = arith.constant 0 : i32
        %dma_start3A_270 = tpu.memref_slice %arg8[%scan3A_61, %arg0, %add3A, %dma_start3A_269] : memref<12x2x50176x32xf32, #tpu.memory_space<hbm>> -> memref<1x1x64x32xf32, #tpu.memory_space<hbm>>
        %dma_start3A_271 = tpu.memref_squeeze %dma_start3A_270 : memref<1x1x64x32xf32, #tpu.memory_space<hbm>> -> memref<64x32xf32, #tpu.memory_space<hbm>>
        tpu.enqueue_dma source(%arg16 : memref<64x32xf32, #tpu.memory_space<vmem>>) target(%dma_start3A_271 : memref<64x32xf32, #tpu.memory_space<hbm>>) target_semaphore(%arg24 : memref<!tpu.dma_semaphore, #tpu.memory_space<semaphore_mem>>)
        %dma_start3A_272 = arith.constant 0 : i32
        %dma_start3A_273 = tpu.memref_slice %arg9[%add3A, %dma_start3A_272] : memref<50176x32xf32, #tpu.memory_space<vmem_shared>> -> memref<64x32xf32, #tpu.memory_space<vmem_shared>>
        %dma_start3A_274 = arith.constant 0 : i32
        %dma_start3A_275 = tpu.memref_slice %arg9[%add3A, %dma_start3A_274] : memref<50176x32xf32, #tpu.memory_space<vmem_shared>> -> memref<64x32xf32, #tpu.memory_space<vmem_shared>>
        tpu.enqueue_dma source(%arg17 : memref<64x32xf32, #tpu.memory_space<vmem>>) target(%dma_start3A_275 : memref<64x32xf32, #tpu.memory_space<vmem_shared>>) target_semaphore(%arg25 : memref<!tpu.dma_semaphore, #tpu.memory_space<semaphore_mem>>)
      }
      %scan3A_191 = arith.constant 49 : i32
      %dma_wait3A_192 = arith.constant 0 : i32
      %dma_wait3A_193 = tpu.memref_slice %arg8[%scan3A_61, %arg0, %mul3A_0, %dma_wait3A_192] : memref<12x2x50176x32xf32, #tpu.memory_space<hbm>> -> memref<1x1x64x32xf32, #tpu.memory_space<hbm>>
      %dma_wait3A_194 = tpu.memref_squeeze %dma_wait3A_193 : memref<1x1x64x32xf32, #tpu.memory_space<hbm>> -> memref<64x32xf32, #tpu.memory_space<hbm>>
      %dma_wait3A_195 = arith.constant 0 : i32
      %dma_wait3A_196 = tpu.memref_slice %arg8[%scan3A_61, %arg0, %mul3A_0, %dma_wait3A_195] : memref<12x2x50176x32xf32, #tpu.memory_space<hbm>> -> memref<1x1x64x32xf32, #tpu.memory_space<hbm>>
      %dma_wait3A_197 = tpu.memref_squeeze %dma_wait3A_196 : memref<1x1x64x32xf32, #tpu.memory_space<hbm>> -> memref<64x32xf32, #tpu.memory_space<hbm>>
      tpu.wait_dma2 semaphore(%arg24 : memref<!tpu.dma_semaphore, #tpu.memory_space<semaphore_mem>>) src(%arg16 : memref<64x32xf32, #tpu.memory_space<vmem>>) dst(%dma_wait3A_197 : memref<64x32xf32, #tpu.memory_space<hbm>>)
      %scan3A_198 = arith.constant 0 : i32
      %scan3A_199 = arith.constant 0 : i32
      %scan3A_200 = arith.constant 49 : i32
      %scan3A_201 = arith.addi %scan3A_199, %scan3A_200 : i32
      %scan3A_202 = arith.constant 1 : i32
      scf.for %scan3A_205 = %scan3A_199 to %scan3A_201 step %scan3A_202  : i32 {
        %dma_wait3A_206 = arith.constant 0 : i32
        %dma_wait3A_207 = tpu.memref_slice %arg9[%mul3A_0, %dma_wait3A_206] : memref<50176x32xf32, #tpu.memory_space<vmem_shared>> -> memref<64x32xf32, #tpu.memory_space<vmem_shared>>
        %dma_wait3A_208 = arith.constant 0 : i32
        %dma_wait3A_209 = tpu.memref_slice %arg9[%mul3A_0, %dma_wait3A_208] : memref<50176x32xf32, #tpu.memory_space<vmem_shared>> -> memref<64x32xf32, #tpu.memory_space<vmem_shared>>
        tpu.wait_dma2 semaphore(%arg25 : memref<!tpu.dma_semaphore, #tpu.memory_space<semaphore_mem>>) src(%arg17 : memref<64x32xf32, #tpu.memory_space<vmem>>) dst(%dma_wait3A_209 : memref<64x32xf32, #tpu.memory_space<vmem_shared>>)
      }
      %scan3A_203 = arith.constant 49 : i32
      %barrier3A_204 = arith.constant 0 : index
      tpu.barrier barrier_id(%barrier3A_204)
    }
    %scan3A_54 = arith.constant 10 : i32
    %scan3A_55 = arith.constant 0 : i32
    %scan3A_56 = arith.constant 0 : i32
    %scan3A_57 = arith.constant 49 : i32
    %scan3A_58 = arith.addi %scan3A_56, %scan3A_57 : i32
    %scan3A_59 = arith.constant 1 : i32
    scf.for %scan3A_61 = %scan3A_56 to %scan3A_58 step %scan3A_59  : i32 {
      %mul3A_62 = arith.constant 64 : i32
      %mul3A_63 = arith.muli %scan3A_61, %mul3A_62 : i32
      %add3A = arith.addi %mul3A_0, %mul3A_63 : i32
      %scan3A_64 = arith.constant 0 : i32
      %scan3A_65 = arith.constant 0 : i32
      %scan3A_66 = arith.constant 64 : i32
      %scan3A_67 = arith.addi %scan3A_65, %scan3A_66 : i32
      %scan3A_68 = arith.constant 1 : i32
      scf.for %scan3A_95 = %scan3A_65 to %scan3A_67 step %scan3A_68  : i32 {
        %swap3A = arith.index_cast %scan3A_95 : i32 to index
        %swap3A_96 = arith.constant 0 : index
        %swap3A_97 = tpu.vector_load %arg16[%swap3A, %swap3A_96] {strides = array<i32>} : memref<64x32xf32, #tpu.memory_space<vmem>>, vector<1x16xf32>,
        %swap3A_98 = vector.shape_cast %swap3A_97 : vector<1x16xf32> to vector<16xf32>
        %swap3A_99 = vector.shape_cast %broadcast_in_dim3A_1 : vector<16xf32> to vector<1x16xf32>
        tpu.vector_store %arg16[%swap3A, %swap3A_96], %swap3A_99 {strides = array<i32>} : memref<64x32xf32, #tpu.memory_space<vmem>>, vector<1x16xf32>,
        %swap3A_100 = arith.index_cast %scan3A_95 : i32 to index
        %swap3A_101 = arith.constant 16 : index
        %swap3A_102 = tpu.vector_load %arg16[%swap3A_100, %swap3A_101] {strides = array<i32>} : memref<64x32xf32, #tpu.memory_space<vmem>>, vector<1x16xf32>,
        %swap3A_103 = vector.shape_cast %swap3A_102 : vector<1x16xf32> to vector<16xf32>
        %swap3A_104 = vector.shape_cast %broadcast_in_dim3A_1 : vector<16xf32> to vector<1x16xf32>
        tpu.vector_store %arg16[%swap3A_100, %swap3A_101], %swap3A_104 {strides = array<i32>} : memref<64x32xf32, #tpu.memory_space<vmem>>, vector<1x16xf32>,
      }
      %scan3A_69 = arith.constant 64 : i32
      %dma_start3A_70 = arith.constant 0 : i32
      %dma_start3A_71 = arith.constant 0 : i32
      %dma_start3A_72 = arith.constant 0 : i32
      %dma_start3A_73 = arith.constant 0 : i32
      %dma_start3A_74 = arith.constant 0 : i32
      %dma_start3A_75 = tpu.memref_slice %arg12[%dma_start3A_71, %dma_start3A_73, %dma_start3A_74] : memref<4x128x32xf32, #tpu.memory_space<vmem>> -> memref<1x64x32xf32, #tpu.memory_space<vmem>>
      %dma_start3A_76 = tpu.memref_squeeze %dma_start3A_75 : memref<1x64x32xf32, #tpu.memory_space<vmem>> -> memref<64x32xf32, #tpu.memory_space<vmem>>
      %dma_start3A_77 = arith.constant 0 : i32
      %dma_start3A_78 = tpu.memref_slice %arg8[%dma_start3A_70, %arg0, %add3A, %dma_start3A_77] : memref<12x2x50176x32xf32, #tpu.memory_space<hbm>> -> memref<1x1x64x32xf32, #tpu.memory_space<hbm>>
      %dma_start3A_79 = tpu.memref_squeeze %dma_start3A_78 : memref<1x1x64x32xf32, #tpu.memory_space<hbm>> -> memref<64x32xf32, #tpu.memory_space<hbm>>
      %dma_start3A_80 = tpu.memref_slice %arg23[%dma_start3A_72] : memref<3x!tpu.dma_semaphore, #tpu.memory_space<semaphore_mem>> -> memref<1x!tpu.dma_semaphore, #tpu.memory_space<semaphore_mem>>
      %dma_start3A_81 = tpu.memref_squeeze %dma_start3A_80 : memref<1x!tpu.dma_semaphore, #tpu.memory_space<semaphore_mem>> -> memref<!tpu.dma_semaphore, #tpu.memory_space<semaphore_mem>>
      %dma_start3A_82 = arith.constant 0 : i32
      %dma_start3A_83 = arith.constant 0 : i32
      %dma_start3A_84 = tpu.memref_slice %arg12[%dma_start3A_71, %dma_start3A_82, %dma_start3A_83] : memref<4x128x32xf32, #tpu.memory_space<vmem>> -> memref<1x64x32xf32, #tpu.memory_space<vmem>>
      %dma_start3A_85 = tpu.memref_squeeze %dma_start3A_84 : memref<1x64x32xf32, #tpu.memory_space<vmem>> -> memref<64x32xf32, #tpu.memory_space<vmem>>
      %dma_start3A_86 = arith.constant 0 : i32
      %dma_start3A_87 = tpu.memref_slice %arg8[%dma_start3A_70, %arg0, %add3A, %dma_start3A_86] : memref<12x2x50176x32xf32, #tpu.memory_space<hbm>> -> memref<1x1x64x32xf32, #tpu.memory_space<hbm>>
      %dma_start3A_88 = tpu.memref_squeeze %dma_start3A_87 : memref<1x1x64x32xf32, #tpu.memory_space<hbm>> -> memref<64x32xf32, #tpu.memory_space<hbm>>
      tpu.enqueue_dma source(%dma_start3A_88 : memref<64x32xf32, #tpu.memory_space<hbm>>) target(%dma_start3A_85 : memref<64x32xf32, #tpu.memory_space<vmem>>) target_semaphore(%dma_start3A_81 : memref<!tpu.dma_semaphore, #tpu.memory_space<semaphore_mem>>)
      %scan3A_89 = arith.constant 0 : i32
      %scan3A_90 = arith.constant 0 : i32
      %scan3A_91 = arith.constant 11 : i32
      %scan3A_92 = arith.addi %scan3A_90, %scan3A_91 : i32
      %scan3A_93 = arith.constant 1 : i32
      scf.for %scan3A_95 = %scan3A_90 to %scan3A_92 step %scan3A_93  : i32 {
        %rem3A = arith.constant 2 : i32
        %rem3A_96 = arith.remsi %scan3A_95, %rem3A : i32
        %dma_wait3A_97 = arith.constant 0 : i32
        %dma_wait3A_98 = arith.constant 0 : i32
        %dma_wait3A_99 = tpu.memref_slice %arg12[%rem3A_96, %dma_wait3A_97, %dma_wait3A_98] : memref<4x128x32xf32, #tpu.memory_space<vmem>> -> memref<1x64x32xf32, #tpu.memory_space<vmem>>
        %dma_wait3A_100 = tpu.memref_squeeze %dma_wait3A_99 : memref<1x64x32xf32, #tpu.memory_space<vmem>> -> memref<64x32xf32, #tpu.memory_space<vmem>>
        %dma_wait3A_101 = arith.constant 0 : i32
        %dma_wait3A_102 = tpu.memref_slice %arg8[%scan3A_95, %arg0, %add3A, %dma_wait3A_101] : memref<12x2x50176x32xf32, #tpu.memory_space<hbm>> -> memref<1x1x64x32xf32, #tpu.memory_space<hbm>>
        %dma_wait3A_103 = tpu.memref_squeeze %dma_wait3A_102 : memref<1x1x64x32xf32, #tpu.memory_space<hbm>> -> memref<64x32xf32, #tpu.memory_space<hbm>>
        %dma_wait3A_104 = tpu.memref_slice %arg23[%rem3A_96] : memref<3x!tpu.dma_semaphore, #tpu.memory_space<semaphore_mem>> -> memref<1x!tpu.dma_semaphore, #tpu.memory_space<semaphore_mem>>
        %dma_wait3A_105 = tpu.memref_squeeze %dma_wait3A_104 : memref<1x!tpu.dma_semaphore, #tpu.memory_space<semaphore_mem>> -> memref<!tpu.dma_semaphore, #tpu.memory_space<semaphore_mem>>
        %dma_wait3A_106 = arith.constant 0 : i32
        %dma_wait3A_107 = arith.constant 0 : i32
        %dma_wait3A_108 = tpu.memref_slice %arg12[%rem3A_96, %dma_wait3A_106, %dma_wait3A_107] : memref<4x128x32xf32, #tpu.memory_space<vmem>> -> memref<1x64x32xf32, #tpu.memory_space<vmem>>
        %dma_wait3A_109 = tpu.memref_squeeze %dma_wait3A_108 : memref<1x64x32xf32, #tpu.memory_space<vmem>> -> memref<64x32xf32, #tpu.memory_space<vmem>>
        %dma_wait3A_110 = arith.constant 0 : i32
        %dma_wait3A_111 = tpu.memref_slice %arg8[%scan3A_95, %arg0, %add3A, %dma_wait3A_110] : memref<12x2x50176x32xf32, #tpu.memory_space<hbm>> -> memref<1x1x64x32xf32, #tpu.memory_space<hbm>>
        %dma_wait3A_112 = tpu.memref_squeeze %dma_wait3A_111 : memref<1x1x64x32xf32, #tpu.memory_space<hbm>> -> memref<64x32xf32, #tpu.memory_space<hbm>>
        tpu.wait_dma2 semaphore(%dma_wait3A_105 : memref<!tpu.dma_semaphore, #tpu.memory_space<semaphore_mem>>) src(%dma_wait3A_112 : memref<64x32xf32, #tpu.memory_space<hbm>>) dst(%dma_wait3A_109 : memref<64x32xf32, #tpu.memory_space<vmem>>)
        %lt3A = arith.constant 10 : i32
        %lt3A_113 = arith.cmpi slt, %scan3A_95, %lt3A : i32
        %convert_element_type3A = arith.extui %lt3A_113 : i1 to i32
        %cond3A = arith.constant 0 : i32
        %cond3A_114 = arith.cmpi ne, %convert_element_type3A, %cond3A : i32
        scf.if %cond3A_114 {
          %add3A_128 = arith.constant 1 : i32
          %add3A_129 = arith.addi %scan3A_95, %add3A_128 : i32
          %sub3A = arith.constant 1 : i32
          %sub3A_130 = arith.subi %sub3A, %rem3A_96 : i32
          %sub3A_131 = arith.constant 1 : i32
          %sub3A_132 = arith.subi %sub3A_131, %rem3A_96 : i32
          %dma_start3A_133 = arith.constant 0 : i32
          %dma_start3A_134 = arith.constant 0 : i32
          %dma_start3A_135 = tpu.memref_slice %arg12[%sub3A_130, %dma_start3A_133, %dma_start3A_134] : memref<4x128x32xf32, #tpu.memory_space<vmem>> -> memref<1x64x32xf32, #tpu.memory_space<vmem>>
          %dma_start3A_136 = tpu.memref_squeeze %dma_start3A_135 : memref<1x64x32xf32, #tpu.memory_space<vmem>> -> memref<64x32xf32, #tpu.memory_space<vmem>>
          %dma_start3A_137 = arith.constant 0 : i32
          %dma_start3A_138 = tpu.memref_slice %arg8[%add3A_129, %arg0, %add3A, %dma_start3A_137] : memref<12x2x50176x32xf32, #tpu.memory_space<hbm>> -> memref<1x1x64x32xf32, #tpu.memory_space<hbm>>
          %dma_start3A_139 = tpu.memref_squeeze %dma_start3A_138 : memref<1x1x64x32xf32, #tpu.memory_space<hbm>> -> memref<64x32xf32, #tpu.memory_space<hbm>>
          %dma_start3A_140 = tpu.memref_slice %arg23[%sub3A_132] : memref<3x!tpu.dma_semaphore, #tpu.memory_space<semaphore_mem>> -> memref<1x!tpu.dma_semaphore, #tpu.memory_space<semaphore_mem>>
          %dma_start3A_141 = tpu.memref_squeeze %dma_start3A_140 : memref<1x!tpu.dma_semaphore, #tpu.memory_space<semaphore_mem>> -> memref<!tpu.dma_semaphore, #tpu.memory_space<semaphore_mem>>
          %dma_start3A_142 = arith.constant 0 : i32
          %dma_start3A_143 = arith.constant 0 : i32
          %dma_start3A_144 = tpu.memref_slice %arg12[%sub3A_130, %dma_start3A_142, %dma_start3A_143] : memref<4x128x32xf32, #tpu.memory_space<vmem>> -> memref<1x64x32xf32, #tpu.memory_space<vmem>>
          %dma_start3A_145 = tpu.memref_squeeze %dma_start3A_144 : memref<1x64x32xf32, #tpu.memory_space<vmem>> -> memref<64x32xf32, #tpu.memory_space<vmem>>
          %dma_start3A_146 = arith.constant 0 : i32
          %dma_start3A_147 = tpu.memref_slice %arg8[%add3A_129, %arg0, %add3A, %dma_start3A_146] : memref<12x2x50176x32xf32, #tpu.memory_space<hbm>> -> memref<1x1x64x32xf32, #tpu.memory_space<hbm>>
          %dma_start3A_148 = tpu.memref_squeeze %dma_start3A_147 : memref<1x1x64x32xf32, #tpu.memory_space<hbm>> -> memref<64x32xf32, #tpu.memory_space<hbm>>
          tpu.enqueue_dma source(%dma_start3A_148 : memref<64x32xf32, #tpu.memory_space<hbm>>) target(%dma_start3A_145 : memref<64x32xf32, #tpu.memory_space<vmem>>) target_semaphore(%dma_start3A_141 : memref<!tpu.dma_semaphore, #tpu.memory_space<semaphore_mem>>)
        } else {
        }
        %get3A = arith.index_cast %scan3A_95 : i32 to index
        %get3A_115 = arith.constant 0 : index
        %get3A_116 = tpu.vector_load %arg19[%get3A, %get3A_115] {strides = array<i32>} : memref<11x32xf32, #tpu.memory_space<vmem>>, vector<1x16xf32>,
        %get3A_117 = vector.shape_cast %get3A_116 : vector<1x16xf32> to vector<16xf32>
        %get3A_118 = arith.index_cast %scan3A_95 : i32 to index
        %get3A_119 = arith.constant 16 : index
        %get3A_120 = tpu.vector_load %arg19[%get3A_118, %get3A_119] {strides = array<i32>} : memref<11x32xf32, #tpu.memory_space<vmem>>, vector<1x16xf32>,
        %get3A_121 = vector.shape_cast %get3A_120 : vector<1x16xf32> to vector<16xf32>
        %scan3A_122 = arith.constant 0 : i32
        %scan3A_123 = arith.constant 0 : i32
        %scan3A_124 = arith.constant 64 : i32
        %scan3A_125 = arith.addi %scan3A_123, %scan3A_124 : i32
        %scan3A_126 = arith.constant 1 : i32
        scf.for %scan3A_128 = %scan3A_123 to %scan3A_125 step %scan3A_126  : i32 {
          %get3A_129 = arith.index_cast %scan3A_128 : i32 to index
          %get3A_130 = arith.constant 0 : index
          %get3A_131 = tpu.vector_load %arg16[%get3A_129, %get3A_130] {strides = array<i32>} : memref<64x32xf32, #tpu.memory_space<vmem>>, vector<1x16xf32>,
          %get3A_132 = vector.shape_cast %get3A_131 : vector<1x16xf32> to vector<16xf32>
          %get3A_133 = arith.index_cast %rem3A_96 : i32 to index
          %get3A_134 = arith.index_cast %scan3A_128 : i32 to index
          %get3A_135 = arith.constant 0 : index
          %get3A_136 = tpu.vector_load %arg12[%get3A_133, %get3A_134, %get3A_135] {strides = array<i32>} : memref<4x128x32xf32, #tpu.memory_space<vmem>>, vector<1x1x16xf32>,
          %get3A_137 = vector.shape_cast %get3A_136 : vector<1x1x16xf32> to vector<16xf32>
          %mul3A_138 = arith.mulf %get3A_117, %get3A_137 : vector<16xf32>
          %add3A_139 = arith.addf %get3A_132, %mul3A_138 : vector<16xf32>
          %swap3A = arith.index_cast %scan3A_128 : i32 to index
          %swap3A_140 = arith.constant 0 : index
          %swap3A_141 = tpu.vector_load %arg16[%swap3A, %swap3A_140] {strides = array<i32>} : memref<64x32xf32, #tpu.memory_space<vmem>>, vector<1x16xf32>,
          %swap3A_142 = vector.shape_cast %swap3A_141 : vector<1x16xf32> to vector<16xf32>
          %swap3A_143 = vector.shape_cast %add3A_139 : vector<16xf32> to vector<1x16xf32>
          tpu.vector_store %arg16[%swap3A, %swap3A_140], %swap3A_143 {strides = array<i32>} : memref<64x32xf32, #tpu.memory_space<vmem>>, vector<1x16xf32>,
          %get3A_144 = arith.index_cast %scan3A_128 : i32 to index
          %get3A_145 = arith.constant 16 : index
          %get3A_146 = tpu.vector_load %arg16[%get3A_144, %get3A_145] {strides = array<i32>} : memref<64x32xf32, #tpu.memory_space<vmem>>, vector<1x16xf32>,
          %get3A_147 = vector.shape_cast %get3A_146 : vector<1x16xf32> to vector<16xf32>
          %get3A_148 = arith.index_cast %rem3A_96 : i32 to index
          %get3A_149 = arith.index_cast %scan3A_128 : i32 to index
          %get3A_150 = arith.constant 16 : index
          %get3A_151 = tpu.vector_load %arg12[%get3A_148, %get3A_149, %get3A_150] {strides = array<i32>} : memref<4x128x32xf32, #tpu.memory_space<vmem>>, vector<1x1x16xf32>,
          %get3A_152 = vector.shape_cast %get3A_151 : vector<1x1x16xf32> to vector<16xf32>
          %mul3A_153 = arith.mulf %get3A_121, %get3A_152 : vector<16xf32>
          %add3A_154 = arith.addf %get3A_147, %mul3A_153 : vector<16xf32>
          %swap3A_155 = arith.index_cast %scan3A_128 : i32 to index
          %swap3A_156 = arith.constant 16 : index
          %swap3A_157 = tpu.vector_load %arg16[%swap3A_155, %swap3A_156] {strides = array<i32>} : memref<64x32xf32, #tpu.memory_space<vmem>>, vector<1x16xf32>,
          %swap3A_158 = vector.shape_cast %swap3A_157 : vector<1x16xf32> to vector<16xf32>
          %swap3A_159 = vector.shape_cast %add3A_154 : vector<16xf32> to vector<1x16xf32>
          tpu.vector_store %arg16[%swap3A_155, %swap3A_156], %swap3A_159 {strides = array<i32>} : memref<64x32xf32, #tpu.memory_space<vmem>>, vector<1x16xf32>,
        }
        %scan3A_127 = arith.constant 64 : i32
      }
      %scan3A_94 = arith.constant 11 : i32
      "tpu.region"() ({
        %run_scoped3A = tpu.sem_alloc : memref<!tpu.dma_semaphore, #tpu.memory_space<semaphore_mem>>
        %dma_start3A_95 = arith.constant 0 : i32
        %dma_start3A_96 = tpu.memref_slice %arg7[%arg0, %add3A, %dma_start3A_95] : memref<2x50176x32xf32, #tpu.memory_space<hbm>> -> memref<1x64x32xf32, #tpu.memory_space<hbm>>
        %dma_start3A_97 = tpu.memref_squeeze %dma_start3A_96 : memref<1x64x32xf32, #tpu.memory_space<hbm>> -> memref<64x32xf32, #tpu.memory_space<hbm>>
        %dma_start3A_98 = arith.constant 0 : i32
        %dma_start3A_99 = tpu.memref_slice %arg7[%arg0, %add3A, %dma_start3A_98] : memref<2x50176x32xf32, #tpu.memory_space<hbm>> -> memref<1x64x32xf32, #tpu.memory_space<hbm>>
        %dma_start3A_100 = tpu.memref_squeeze %dma_start3A_99 : memref<1x64x32xf32, #tpu.memory_space<hbm>> -> memref<64x32xf32, #tpu.memory_space<hbm>>
        tpu.enqueue_dma source(%arg16 : memref<64x32xf32, #tpu.memory_space<vmem>>) target(%dma_start3A_100 : memref<64x32xf32, #tpu.memory_space<hbm>>) target_semaphore(%run_scoped3A : memref<!tpu.dma_semaphore, #tpu.memory_space<semaphore_mem>>)
        %dma_wait3A_101 = arith.constant 0 : i32
        %dma_wait3A_102 = tpu.memref_slice %arg7[%arg0, %add3A, %dma_wait3A_101] : memref<2x50176x32xf32, #tpu.memory_space<hbm>> -> memref<1x64x32xf32, #tpu.memory_space<hbm>>
        %dma_wait3A_103 = tpu.memref_squeeze %dma_wait3A_102 : memref<1x64x32xf32, #tpu.memory_space<hbm>> -> memref<64x32xf32, #tpu.memory_space<hbm>>
        %dma_wait3A_104 = arith.constant 0 : i32
        %dma_wait3A_105 = tpu.memref_slice %arg7[%arg0, %add3A, %dma_wait3A_104] : memref<2x50176x32xf32, #tpu.memory_space<hbm>> -> memref<1x64x32xf32, #tpu.memory_space<hbm>>
        %dma_wait3A_106 = tpu.memref_squeeze %dma_wait3A_105 : memref<1x64x32xf32, #tpu.memory_space<hbm>> -> memref<64x32xf32, #tpu.memory_space<hbm>>
        tpu.wait_dma2 semaphore(%run_scoped3A : memref<!tpu.dma_semaphore, #tpu.memory_space<semaphore_mem>>) src(%arg16 : memref<64x32xf32, #tpu.memory_space<vmem>>) dst(%dma_wait3A_106 : memref<64x32xf32, #tpu.memory_space<hbm>>)
        tpu.yield
      }) : () -> ()
    }
    %scan3A_60 = arith.constant 49 : i32
    return
  }
}

module attributes {stable_mosaic.version = 14 : i64} {
  func.func @_mm1_body(%arg0: i32, %arg1: memref<512x128xf32, #tpu.memory_space<vmem>>, %arg2: memref<128x64xf32, #tpu.memory_space<vmem>>, %arg3: memref<1x64xf32, #tpu.memory_space<vmem>>, %arg4: memref<1x64xf32, #tpu.memory_space<vmem>>, %arg5: memref<2x512x32xf32, #tpu.memory_space<vmem>>) attributes {dimension_semantics = [#tpu.dimension_semantics<arbitrary>], iteration_bounds = array<i64: 98>, scalar_prefetch = 0 : i64, scratch_operands = 0 : i64, tpu.core_type = #tpu.core_type<tc>, window_params = [{transform_indices = @transform_0, window_bounds = array<i64: 512, 128>}, {pipeline_mode = #tpu.pipeline_mode<synchronous>, transform_indices = @transform_1, window_bounds = array<i64: 128, 64>}, {pipeline_mode = #tpu.pipeline_mode<synchronous>, transform_indices = @transform_2, window_bounds = array<i64: 1, 64>}, {pipeline_mode = #tpu.pipeline_mode<synchronous>, transform_indices = @transform_3, window_bounds = array<i64: 1, 64>}, {transform_indices = @transform_4, window_bounds = array<i64: 2, 512, 32>}]} {
    %get3A = arith.constant 0 : index
    %get3A_0 = arith.constant 0 : index
    %get3A_1 = vector.load %arg1[%get3A, %get3A_0] : memref<512x128xf32, #tpu.memory_space<vmem>>, vector<512x128xf32>
    %get3A_2 = arith.constant 0 : index
    %get3A_3 = arith.constant 0 : index
    %get3A_4 = vector.load %arg2[%get3A_2, %get3A_3] : memref<128x64xf32, #tpu.memory_space<vmem>>, vector<128x64xf32>
    %dot_general3A = arith.constant dense<0.000000e+00> : vector<512x64xf32>
    %dot_general3A_5 = tpu.matmul %get3A_1, %get3A_4, %dot_general3A {dimension_numbers = #tpu.dot_dimension_numbers<[1], [0], [0], [1], [0, 0, 1, 1], [], []>, transpose_lhs_hint = false} : vector<512x128xf32>, vector<128x64xf32>, vector<512x64xf32> -> vector<512x64xf32>
    %get3A_6 = arith.constant 0 : index
    %get3A_7 = arith.constant 0 : index
    %get3A_8 = vector.load %arg3[%get3A_6, %get3A_7] : memref<1x64xf32, #tpu.memory_space<vmem>>, vector<1x64xf32>
    %add3A = vector.broadcast %get3A_8 : vector<1x64xf32> to vector<512x64xf32>
    %add3A_9 = arith.addf %dot_general3A_5, %add3A : vector<512x64xf32>
    %max3A = arith.constant 0.000000e+00 : f32
    %max3A_10 = vector.broadcast %max3A : f32 to vector<512x64xf32>
    %max3A_11 = arith.maximumf %add3A_9, %max3A_10 : vector<512x64xf32>
    %get3A_12 = arith.constant 0 : index
    %get3A_13 = arith.constant 0 : index
    %get3A_14 = vector.load %arg4[%get3A_12, %get3A_13] : memref<1x64xf32, #tpu.memory_space<vmem>>, vector<1x64xf32>
    %mul3A = vector.broadcast %get3A_14 : vector<1x64xf32> to vector<512x64xf32>
    %mul3A_15 = arith.mulf %max3A_11, %mul3A : vector<512x64xf32>
    %slice3A = vector.extract_strided_slice %mul3A_15 {offsets = [0, 0], sizes = [512, 32], strides = [1, 1]} : vector<512x64xf32> to vector<512x32xf32>
    %swap3A = arith.constant 0 : index
    %swap3A_16 = arith.constant 0 : index
    %swap3A_17 = arith.constant 0 : index
    %swap3A_18 = vector.load %arg5[%swap3A, %swap3A_16, %swap3A_17] : memref<2x512x32xf32, #tpu.memory_space<vmem>>, vector<1x512x32xf32>
    %swap3A_19 = vector.shape_cast %swap3A_18 : vector<1x512x32xf32> to vector<512x32xf32>
    %swap3A_20 = vector.shape_cast %slice3A : vector<512x32xf32> to vector<1x512x32xf32>
    tpu.vector_store %arg5[%swap3A, %swap3A_16, %swap3A_17], %swap3A_20 {strides = array<i32>} : memref<2x512x32xf32, #tpu.memory_space<vmem>>, vector<1x512x32xf32>,
    %slice3A_21 = vector.extract_strided_slice %mul3A_15 {offsets = [0, 32], sizes = [512, 32], strides = [1, 1]} : vector<512x64xf32> to vector<512x32xf32>
    %swap3A_22 = arith.constant 1 : index
    %swap3A_23 = arith.constant 0 : index
    %swap3A_24 = arith.constant 0 : index
    %swap3A_25 = vector.load %arg5[%swap3A_22, %swap3A_23, %swap3A_24] : memref<2x512x32xf32, #tpu.memory_space<vmem>>, vector<1x512x32xf32>
    %swap3A_26 = vector.shape_cast %swap3A_25 : vector<1x512x32xf32> to vector<512x32xf32>
    %swap3A_27 = vector.shape_cast %slice3A_21 : vector<512x32xf32> to vector<1x512x32xf32>
    tpu.vector_store %arg5[%swap3A_22, %swap3A_23, %swap3A_24], %swap3A_27 {strides = array<i32>} : memref<2x512x32xf32, #tpu.memory_space<vmem>>, vector<1x512x32xf32>,
    return
  }
  func.func @transform_0(%arg0: i32) -> (i32, i32) {
    %c0_i32 = arith.constant 0 : i32
    %c0_i32_0 = arith.constant 0 : i32
    return %arg0, %c0_i32 : i32, i32
  }
  func.func @transform_1(%arg0: i32) -> (i32, i32) {
    %c0_i32 = arith.constant 0 : i32
    %c0_i32_0 = arith.constant 0 : i32
    %c0_i32_1 = arith.constant 0 : i32
    return %c0_i32, %c0_i32_0 : i32, i32
  }
  func.func @transform_2(%arg0: i32) -> (i32, i32) {
    %c0_i32 = arith.constant 0 : i32
    %c0_i32_0 = arith.constant 0 : i32
    %c0_i32_1 = arith.constant 0 : i32
    return %c0_i32, %c0_i32_0 : i32, i32
  }
  func.func @transform_3(%arg0: i32) -> (i32, i32) {
    %c0_i32 = arith.constant 0 : i32
    %c0_i32_0 = arith.constant 0 : i32
    %c0_i32_1 = arith.constant 0 : i32
    return %c0_i32, %c0_i32_0 : i32, i32
  }
  func.func @transform_4(%arg0: i32) -> (i32, i32, i32) {
    %c0_i32 = arith.constant 0 : i32
    %c0_i32_0 = arith.constant 0 : i32
    %c0_i32_1 = arith.constant 0 : i32
    return %c0_i32, %arg0, %c0_i32_0 : i32, i32, i32
  }
}

module attributes {stable_mosaic.version = 14 : i64} {
  func.func @_mm2_body(%arg0: i32, %arg1: memref<2x512x32xf32, #tpu.memory_space<vmem>>, %arg2: memref<64x40xf32, #tpu.memory_space<vmem>>, %arg3: memref<1x40xf32, #tpu.memory_space<vmem>>, %arg4: memref<512x40xf32, #tpu.memory_space<vmem>>) attributes {dimension_semantics = [#tpu.dimension_semantics<arbitrary>], iteration_bounds = array<i64: 98>, scalar_prefetch = 0 : i64, scratch_operands = 0 : i64, tpu.core_type = #tpu.core_type<tc>, window_params = [{transform_indices = @transform_0, window_bounds = array<i64: 2, 512, 32>}, {pipeline_mode = #tpu.pipeline_mode<synchronous>, transform_indices = @transform_1, window_bounds = array<i64: 64, 40>}, {pipeline_mode = #tpu.pipeline_mode<synchronous>, transform_indices = @transform_2, window_bounds = array<i64: 1, 40>}, {transform_indices = @transform_3, window_bounds = array<i64: 512, 40>}]} {
    %get3A = arith.constant 0 : index
    %get3A_0 = arith.constant 0 : index
    %get3A_1 = vector.load %arg2[%get3A, %get3A_0] : memref<64x40xf32, #tpu.memory_space<vmem>>, vector<64x40xf32>
    %get3A_2 = arith.constant 0 : index
    %get3A_3 = arith.constant 0 : index
    %get3A_4 = arith.constant 0 : index
    %get3A_5 = vector.load %arg1[%get3A_2, %get3A_3, %get3A_4] : memref<2x512x32xf32, #tpu.memory_space<vmem>>, vector<1x512x32xf32>
    %get3A_6 = vector.shape_cast %get3A_5 : vector<1x512x32xf32> to vector<512x32xf32>
    %slice3A = vector.extract_strided_slice %get3A_1 {offsets = [0, 0], sizes = [32, 40], strides = [1, 1]} : vector<64x40xf32> to vector<32x40xf32>
    %dot_general3A = arith.constant dense<0.000000e+00> : vector<512x40xf32>
    %dot_general3A_7 = tpu.matmul %get3A_6, %slice3A, %dot_general3A {dimension_numbers = #tpu.dot_dimension_numbers<[1], [0], [0], [1], [0, 0, 1, 1], [], []>, transpose_lhs_hint = false} : vector<512x32xf32>, vector<32x40xf32>, vector<512x40xf32> -> vector<512x40xf32>
    %get3A_8 = arith.constant 1 : index
    %get3A_9 = arith.constant 0 : index
    %get3A_10 = arith.constant 0 : index
    %get3A_11 = vector.load %arg1[%get3A_8, %get3A_9, %get3A_10] : memref<2x512x32xf32, #tpu.memory_space<vmem>>, vector<1x512x32xf32>
    %get3A_12 = vector.shape_cast %get3A_11 : vector<1x512x32xf32> to vector<512x32xf32>
    %slice3A_13 = vector.extract_strided_slice %get3A_1 {offsets = [32, 0], sizes = [32, 40], strides = [1, 1]} : vector<64x40xf32> to vector<32x40xf32>
    %dot_general3A_14 = arith.constant dense<0.000000e+00> : vector<512x40xf32>
    %dot_general3A_15 = tpu.matmul %get3A_12, %slice3A_13, %dot_general3A_14 {dimension_numbers = #tpu.dot_dimension_numbers<[1], [0], [0], [1], [0, 0, 1, 1], [], []>, transpose_lhs_hint = false} : vector<512x32xf32>, vector<32x40xf32>, vector<512x40xf32> -> vector<512x40xf32>
    %add3A = arith.addf %dot_general3A_7, %dot_general3A_15 : vector<512x40xf32>
    %get3A_16 = arith.constant 0 : index
    %get3A_17 = arith.constant 0 : index
    %get3A_18 = vector.load %arg3[%get3A_16, %get3A_17] : memref<1x40xf32, #tpu.memory_space<vmem>>, vector<1x40xf32>
    %add3A_19 = vector.broadcast %get3A_18 : vector<1x40xf32> to vector<512x40xf32>
    %add3A_20 = arith.addf %add3A, %add3A_19 : vector<512x40xf32>
    %swap3A = arith.constant 0 : index
    %swap3A_21 = arith.constant 0 : index
    %swap3A_22 = vector.load %arg4[%swap3A, %swap3A_21] : memref<512x40xf32, #tpu.memory_space<vmem>>, vector<512x40xf32>
    tpu.vector_store %arg4[%swap3A, %swap3A_21], %add3A_20 {strides = array<i32>} : memref<512x40xf32, #tpu.memory_space<vmem>>, vector<512x40xf32>,
    return
  }
  func.func @transform_0(%arg0: i32) -> (i32, i32, i32) {
    %c0_i32 = arith.constant 0 : i32
    %c0_i32_0 = arith.constant 0 : i32
    %c0_i32_1 = arith.constant 0 : i32
    return %c0_i32, %arg0, %c0_i32_0 : i32, i32, i32
  }
  func.func @transform_1(%arg0: i32) -> (i32, i32) {
    %c0_i32 = arith.constant 0 : i32
    %c0_i32_0 = arith.constant 0 : i32
    %c0_i32_1 = arith.constant 0 : i32
    return %c0_i32, %c0_i32_0 : i32, i32
  }
  func.func @transform_2(%arg0: i32) -> (i32, i32) {
    %c0_i32 = arith.constant 0 : i32
    %c0_i32_0 = arith.constant 0 : i32
    %c0_i32_1 = arith.constant 0 : i32
    return %c0_i32, %c0_i32_0 : i32, i32
  }
  func.func @transform_3(%arg0: i32) -> (i32, i32) {
    %c0_i32 = arith.constant 0 : i32
    %c0_i32_0 = arith.constant 0 : i32
    return %arg0, %c0_i32 : i32, i32
  }
}

</mosaic_0001>

<sc_bundles>
// kernel: favard_sc_loop.3.cloned.1.call-start
scs
__scs_entry_jumppad:
0x0: {  	(pc) =	sbr.rel $0x88, $3  }
0x1: {  	(tag) =	ssettag $0x0;
	lr =	simm.s32 $0x1  }
0x2: {  	[smem:$0x3F97] =	sst lr;
	_ =	strace $0xD0000000  }
0x3: {  	_ = 	snop  }
0x4: {  	_ = 	snop  }
0x5: {  	_ = 	snop  }
0x6: {  	_ = 	snop  }
0x7: {  	_ = 	snop  }
__scs_overlays_trampoline_lowered:
0x8: {  	[smem:$0x3FA6] =	sst s0  }
0x9: {  	[smem:$0x3FA7] =	sst s1  }
0xa: {  	[smem:$0x3FA8] =	sst s2  }
0xb: {  	[smem:$0x3FA9] =	sst s3  }
0xc: {  	[smem:$0x3FAA] =	sst s4  }
0xd: {  	[smem:$0x3FAB] =	sst s5  }
0xe: {  	[smem:$0x3FAC] =	sst s6  }
0xf: {  	[smem:$0x3FAD] =	sst s7  }
0x10: {  	[smem:$0x3FAE] =	sst s8  }
0x11: {  	[smem:$0x3FAF] =	sst s9;
	s0 =	simm.s32 @!p0 $0x0  }
0x12: {  	s1 =	sld [smem:$0x3F95];
	s0 =	simm.s32 @p0 $0x1  }
0x13: {  	[smem:$0x3FB0] =	sst s0;
	s0 =	simm.s32 @!p1 $0x0  }
0x14: {  	s2 =	sld [smem:$0x3F94];
	s0 =	simm.s32 @p1 $0x1  }
0x15: {  	[smem:$0x3FB1] =	sst s0;
	s0 =	simm.s32 @!p2 $0x0  }
0x16: {  	s3 =	sld [smem:$0x3FDB];
	s0 =	simm.s32 @p2 $0x1  }
0x17: {  	s4 =	simm.s32 $0x1BF5;
	[smem:$0x3FB3] =	sst s0  }
0x18: {  	s0 =	sld [smem:$0x3F96];
	_ =	swait.ge [sflag:s4], $0x0  }
0x19: {  	s7 =	sld [smem:$0x3F97]  }
0x1a: {  	s8 =	sadd.s32 $0xFFFFE003, lr  }
0x1b: {  	s9 =	sadd.s32 $0xFFFFFEF7, lr;
	s5 =	simm.s32 $0xFFFFFFFF;
	p2 =	slt.u32 s8, $0xFFFFF086  }
0x1c: {  	p1 =	slt.u32 s9, $0xF7A;
	s5 =	simm.s32 @!p2 $0x0  }
0x1d: {  	s5 =	simm.s32 @p1 $0x1;
	p0 =	seq.s32 s7, s2  }
0x1e: {  	s7 =	smul.u32 @!p0 $0xF7A, s2;
	p2 =	seq.s32 @!p0 s5, $0x0  }
0x1f: {  	s9 =	smul.u32 $0xF7A, s1;
	s8 =	simm.s32 @!p0 $0x1BF5;
	p2 =	por !p2, p0  }
0x20: {  	[sflag:s8] =	ssyncset.s32 @!p0 $0xFFFFF086;
	s6 =	sadd.s32 @!p0 s3, s7;
	s7 =	simm.s32 @!p0 $0x108  }
0x21: {  	s3 =	sadd.s32 s3, s9;
	s6 =	sadd.s32 @!p0 $0x88, s6;
	s7 =	simm.s32 @p2 $0x1082  }
0x22: {  	[simem:s7], [sflag:s8] =	dma.local @!p0 [hbm:s6], $0xF7A  }
0x23: {  	s9 =	sor.u32 $0xD0000000, s2;
	s6 =	simm.s32 $0x108;
	_ =	swait.ge @!p0 [sflag:s8], $0x0  }
0x24: {  	s3 =	sadd.s32 $0x88, s3;
	s6 =	simm.s32 @!p1 $0x1082;
	[sflag:s4] =	ssyncset.s32 $0xFFFFF086  }
0x25: {  	[simem:s6], [sflag:s4] =	dma.local [hbm:s3], $0xF7A  }
0x26: {  	[smem:$0x3F97] =	sst s1;
	(tag) =	ssettag s2;
	_ =	strace s9  }
0x27: {  	s1 =	sld [smem:$0x3FA7]  }
0x28: {  	s2 =	sld [smem:$0x3FA8]  }
0x29: {  	s4 =	sld [smem:$0x3FAA]  }
0x2a: {  	p0 =	seq.s32 s5, $0x0;
	s5 =	sld [smem:$0x3FAB]  }
0x2b: {  	s6 =	sld [smem:$0x3FAC]  }
0x2c: {  	s7 =	sld [smem:$0x3FAD]  }
0x2d: {  	s3 =	simm.s32 $0x108;
	s8 =	sld [smem:$0x3FAE]  }
0x2e: {  	s3 =	simm.s32 @!p0 $0x1082;
	s9 =	sld [smem:$0x3FAF]  }
0x2f: {  	lr =	sadd.s32 s0, s3;
	s0 =	sld [smem:$0x3FA6]  }
0x30: {  	s3 =	sld [smem:$0x3FA9]  }
0x31: {  	[smem:$0x3FB2] =	sst s10  }
0x32: {  	s10 =	sld [smem:$0x3FB0];
	_ =	sdelay $0x3  }
0x33: {  	p0 =	seq.s32 s10, $0x1;
	s10 =	sld [smem:$0x3FB2];
	_ =	sdelay $0x3  }
0x34: {  	[smem:$0x3FB2] =	sst s10  }
0x35: {  	s10 =	sld [smem:$0x3FB1];
	_ =	sdelay $0x3  }
0x36: {  	p1 =	seq.s32 s10, $0x1;
	s10 =	sld [smem:$0x3FB2];
	_ =	sdelay $0x3  }
0x37: {  	[smem:$0x3FB2] =	sst s10  }
0x38: {  	s10 =	sld [smem:$0x3FB3]  }
0x39: {  	_ = 	snop;
	(pc) =	sbr.ind lr, $3  }
0x3a: {  	_ = 	snop  }
0x3b: {  	_ = 	snop  }
0x3c: {  	p2 =	seq.s32 s10, $0x1;
	s10 =	sld [smem:$0x3FB2]  }
0x3d: {  	_ =	shalt  }
0x3e: {  	_ =	shalt  }
0x3f: {  	_ =	shalt  }
0x40: {  	_ =	shalt  }
0x41: {  	_ =	shalt  }
0x42: {  	_ =	shalt  }
0x43: {  	_ =	shalt  }
0x44: {  	_ =	shalt  }
0x45: {  	_ =	shalt  }
0x46: {  	_ =	shalt  }
0x47: {  	_ =	shalt  }
0x48: {  	_ =	shalt  }
0x49: {  	_ =	shalt  }
0x4a: {  	_ =	shalt  }
0x4b: {  	_ =	shalt  }
0x4c: {  	_ =	shalt  }
0x4d: {  	_ =	shalt  }
0x4e: {  	_ =	shalt  }
0x4f: {  	_ =	shalt  }
0x50: {  	_ =	shalt  }
0x51: {  	_ =	shalt  }
0x52: {  	_ =	shalt  }
0x53: {  	_ =	shalt  }
0x54: {  	_ =	shalt  }
0x55: {  	_ =	shalt  }
0x56: {  	_ =	shalt  }
0x57: {  	_ =	shalt  }
0x58: {  	_ =	shalt  }
0x59: {  	_ =	shalt  }
0x5a: {  	_ =	shalt  }
0x5b: {  	_ =	shalt  }
0x5c: {  	_ =	shalt  }
0x5d: {  	_ =	shalt  }
0x5e: {  	_ =	shalt  }
0x5f: {  	_ =	shalt  }
0x60: {  	_ =	shalt  }
0x61: {  	_ =	shalt  }
0x62: {  	_ =	shalt  }
0x63: {  	_ =	shalt  }
0x64: {  	_ =	shalt  }
0x65: {  	_ =	shalt  }
0x66: {  	_ =	shalt  }
0x67: {  	_ =	shalt  }
0x68: {  	_ =	shalt  }
0x69: {  	_ =	shalt  }
0x6a: {  	_ =	shalt  }
0x6b: {  	_ =	shalt  }
0x6c: {  	_ =	shalt  }
0x6d: {  	_ =	shalt  }
0x6e: {  	_ =	shalt  }
0x6f: {  	_ =	shalt  }
0x70: {  	_ =	shalt  }
0x71: {  	_ =	shalt  }
0x72: {  	_ =	shalt  }
0x73: {  	_ =	shalt  }
0x74: {  	_ =	shalt  }
0x75: {  	_ =	shalt  }
0x76: {  	_ =	shalt  }
0x77: {  	_ =	shalt  }
0x78: {  	_ =	shalt  }
0x79: {  	_ =	shalt  }
0x7a: {  	_ =	shalt  }
0x7b: {  	_ =	shalt  }
0x7c: {  	_ =	shalt  }
0x7d: {  	_ =	shalt  }
0x7e: {  	_ =	shalt  }
0x7f: {  	_ =	shalt  }
0x80: {  	_ =	shalt  }
0x81: {  	_ =	shalt  }
0x82: {  	_ =	shalt  }
0x83: {  	_ =	shalt  }
0x84: {  	_ =	shalt  }
0x85: {  	_ =	shalt  }
0x86: {  	_ =	shalt  }
0x87: {  	_ =	shalt  }
.Lfunc_end0:
.L_simem_size_0:
called_computation_lowered:
.L_overlay_start_0:
0x88: {  	s2 =	sld [smem:$0x3FD9]  }
0x89: {  	s3 =	sld [smem:$0x3FFE];
	_ =	sdelay $0x1  }
0x8a: {  	s1 =	srdreg.scid  }
0x8b: {  	s0 =	sand.u32 $0x1, s1  }
0x8c: {  	s17 =	sshll.u32 s0, $0xA;
	s2 =	sadd.s32 s3, s2  }
0x8d: {  	s2 =	sadd.s32 s2, s17  }
0x8e: {  	[smem:$0x3FBE] =	sst s2  }
0x8f: {  	_ = 	snop  }
0x90: {  	s2 =	sld [smem:$0x3FD0];
	(tm) =	ssettm $0x1  }
0x91: {  	s18 =	sld [smem:$0x3FFB];
	_ =	sdelay $0x3  }
0x92: {  	_ =	strace s18  }
0x93: {  	s3 =	sld [smem:$0x3FFC];
	_ =	sdelay $0x3  }
0x94: {  	_ =	strace s3  }
0x95: {  	s3 =	sld [smem:$0x3FFD];
	_ =	sdelay $0x3  }
0x96: {  	_ =	strace s3  }
0x97: {  	_ =	strace $0x8FFFFFFF  }
0x98: {  	s19 =	sld [smem:$0x3FDB];
	_ =	sdelay $0x1  }
0x99: {  	s4 =	simm.s32 $_scs_section_size  }
0x9a: {  	s5 =	simm.s32 $_size__tile_overlayer_lowered;
	s6 =	simm.s32 $_tile_overlayer_lowered  }
0x9b: {  	s22 =	simm.s32 $0x1BFF;
	s21 =	sshll.u32 s6, $0x1;
	s3 =	sadd.s32 s4, s19  }
0x9c: {  	s7 =	simm.s32 $0x0;
	s20 =	sshll.u32 s5, $0x1;
	s5 =	sadd.s32 s21, s3  }
0x9d: {  	[timem:s7], [sflag:s22] =	dma.local [hbm:s5], s20  }
0x9e: {  	_ =	swait.ge [sflag:s22], s20  }
0x9f: {  	s4 =	ssub.s32 $0x0, s20;
	[sflag:s22] =	ssyncset.done $0x0  }
0xa0: {  	[sflag:s22] =	ssyncadd.s32 s4;
	_ =	sdelay $0x1  }
0xa1: {  	s23 =	simm.s32 $0x1B8B  }
0xa2: {  	_ =	swait.ge [sflag:s23], $0x1  }
0xa3: {  	[sflag:s23] =	ssyncset.done $0x0  }
0xa4: {  	s25 =	simm.s32 $0x1B8E;
	s24 =	sld [smem:$0x3FFE];
	[sflag:s23] =	ssyncadd.s32 $0xFFFFFFFF  }
0xa5: {  	s26 =	simm.s32 $execute0_lowered;
	[smem:$0x3FD2] =	sst s25  }
0xa6: {  	s5 =	sshll.u32 s26, $0x1;
	_ =	strace $0x80000046;
	[dreg:$0x1] =	wrdreg $0xFFFFFFFF  }
0xa7: {  	s28 =	simm.s32 $_size_execute0_lowered;
	s3 =	sadd.s32 s3, s5;
	[dreg:$0x0] =	wrdreg $0x0  }
0xa8: {  	s5 =	sshll.u32 s28, $0x1;
	[dreg:$0x2] =	wrdreg s3  }
0xa9: {  	[dreg:$0x3] =	wrdreg s5  }
0xaa: {  	[dreg:$0x4] =	wrdreg $0xC0  }
0xab: {  	_ =	task [dreg:s7], $0x5FFFF  }
0xac: {  	[dreg:$0x1] =	wrdreg $0xFFFFFFFF  }
0xad: {  	[dreg:$0x0] =	wrdreg $0x60  }
0xae: {  	[dreg:$0x2] =	wrdreg s24  }
0xaf: {  	[dreg:$0x3] =	wrdreg s2  }
0xb0: {  	[dreg:$0x4] =	wrdreg $0x0  }
0xb1: {  	[dreg:$0x5] =	wrdreg $0x9  }
0xb2: {  	_ =	task.clear_ibuf [dreg:s7], $0x6FFFF;
	_ =	strace $0x90000046  }
0xb3: {  	s29 =	simm.s32 $0x9;
	_ =	strace $0x80000048  }
0xb4: {  	_ =	swait.ge [sflag:s29], $0x1  }
0xb5: {  	[sflag:s29] =	ssyncadd.s32 $0xFFFFFFFF  }
0xb6: {  	_ =	strace $0x90000048  }
0xb7: {  	_ =	sfence  }
0xb8: {  	s30 =	sld [smem:$0x0];
	_ =	sdelay $0x2  }
0xb9: {  	s31 =	sshll.u32 s1, $0xD;
	s1 =	sshrl.u32 s1, $0x2  }
0xba: {  	s3 =	sand.u32 $0x4000, s31;
	s1 =	sadd.s32 s1, s30  }
0xbb: {  	s0 =	sor.u32 s3, s0;
	s1 =	sshll.u32 s1, $0x11  }
0xbc: {  	s0 =	sor.u32 s1, s0  }
0xbd: {  	s0 =	sadd.s32 $0x8F2B, s0  }
0xbe: {  	[sflag:s0] =	ssyncadd.remote.s32 $0x1  }
0xbf: {  	_ =	sfence.sel $0xFFFF  }
0xc0: {  	[dreg:$0x0] =	wrdreg $0xFFFFFFFF;
	(pc) =	sbr.abs _section_cstart, $3  }
0xc1: {  	[dreg:$0x1] =	wrdreg $0xFFFFFFFF  }
0xc2: {  	_ =	task.clear_ibuf [dreg:s7], $0x2FFFF;
	_ =	strace $0x9FFFFFFF  }
0xc3: {  	(tm) =	ssettm $0x7FFFFFFF  }
tec
execute0_lowered:
.L_overlay_start_1:
0x0: {  	(tag) =	ssettag $0x1  }
0x1: {  	s0 =	rddreg [dreg:$0x0]  }
0x2: {  	s25 =	rddreg [dreg:$0x1]  }
0x3: {  	s2 =	rddreg [dreg:$0x2];
	s3 =	simm.s32 $0x0;
	s1 =	srdreg.scid  }
0x4: {  	s8 =	stileid.u32;
	s29 =	simm.s32 $0xF;
	s30 =	simm.s32 $0xE  }
0x5: {  	[smem:$0x7FF] =	sst s3;
	s1 =	sand.u32 $0x1, s1;
	s9 =	smul.u32 $0x18800, s8  }
0x6: {  	s18 =	sadd.s32 $0x1A00, s0;
	s7 =	sadd.s32 $0x63A00, s0;
	s12 =	smul.u32 $0xC400, s8  }
0x7: {  	s5 =	sadd.s32 $0x1600, s0;
	s14 =	sadd.s32 $0x514200, s0;
	s24 =	smul.u32 $0xC40, s8  }
0x8: {  	s11 =	sadd.s32 $0x7C200, s0;
	s8 =	simm.s32 $0x4;
	s4 =	smul.u32 $0x2C, s1  }
0x9: {  	_ =	strace $0x80000047;
	s10 =	smul.u32 $0x188000, s1;
	[dreg:$0x6] =	wrdreg s5  }
0xa: {  	[dreg:$0x7] =	wrdreg s14;
	s15 =	ssub.s32 $0x2, s1;
	s1 =	smul.u32 $0x580, s1  }
0xb: {  	s14 =	simm.s32 $0x2;
	s5 =	simm.s32 $0x3;
	[dreg:$0x4] =	wrdreg s18  }
0xc: {  	s16 =	sshrl.u32 s15, $0x1;
	s20 =	sshrl.u32 s9, $0x3;
	s21 =	sshrl.u32 s12, $0x3  }
0xd: {  	[dreg:$0x8] =	wrdreg s24;
	s4 =	sadd.s32 s4, s0;
	s6 =	sadd.s32 s9, s10  }
0xe: {  	s0 =	ssub.s32 s15, s16;
	s28 =	sor.u32 $0x800, s10;
	[dreg:$0xc] =	wrdreg s1  }
0xf: {  	s22 =	sadd.s32 s25, s20;
	s23 =	sadd.s32 s7, s21;
	[dreg:$0x5] =	wrdreg s10  }
0x10: {  	s26 =	sadd.s32 $0xFFCF0000, s10;
	s31 =	sadd.s32 $0x310000, s10;
	[dreg:$0xd] =	wrdreg s22  }
0x11: {  	s16 =	simm.s32 $0x7;
	s10 =	simm.s32 $0x8;
	[dreg:$0xe] =	wrdreg s23  }
0x12: {  	v0 =	vimm.f32 $0.0e+00;
	v1 =	vimm.s32 $0x0;
	s20 =	simm.s32 $0xB;
	s21 =	simm.s32 $0xC;
	[dreg:$0xf] =	wrdreg s26  }
0x13: {  	v2 =	vimm.s32 $0x1;
	v3 =	vimm.s32 $0x2;
	v4 =	vimm.s32 $0x3;
	s1 =	simm.s32 $0x0;
	s17 =	sshrl.u32 s6, $0x3;
	[dreg:$0x10] =	wrdreg s31  }
0x14: {  	v5 =	vimm.s32 $0x4;
	v6 =	vimm.s32 $0x5;
	v7 =	vimm.s32 $0x6;
	s4 =	sadd.s32 $0x1800, s4;
	s0 =	smax.u32 s0, $0x1;
	[dreg:$0xb] =	wrdreg s28  }
0x15: {  	v8 =	vimm.s32 $0x7;
	v9 =	vimm.s32 $0x8;
	v10 =	vimm.s32 $0x9;
	s26 =	simm.s32 $0x1;
	s23 =	simm.s32 $0x80;
	[dreg:$0x9] =	wrdreg s4  }
0x16: {  	v11 =	vimm.s32 $0xA;
	v12 =	vimm.s32 $0xB;
	v13 =	vimm.s32 $0xC;
	s22 =	simm.s32 $0x6;
	s19 =	sadd.s32 s18, s17;
	[dreg:$0x11] =	wrdreg s0  }
0x17: {  	v14 =	vimm.s32 $0xD;
	v15 =	vimm.s32 $0xE;
	v16 =	vimm.s32 $0xF;
	s4 =	simm.s32 $0x1C400;
	[dreg:$0xa] =	wrdreg s19;
	s19 =	simm.s32 $0xA  }
.LBB2_1:
0x18: {  	[dreg:$0x12] =	wrdreg s1;
	s0 =	simm.s32 $0x80;
	s1 =	simm.s32 $0x0  }
.LBB2_2:
0x19: {  	p0 =	sne.s32 s0, $0x1F80;
	[tilespmem:s1+$0x1F400] =	vst v0;
	s6 =	smov.u32 s0;
	s0 =	sadd.s32 $0x80, s0  }
.Ltmp0:
0x1a: {  	[tilespmem:s1+$0x1F410] =	vst v0;
	(pc) =	sbr.rel @p0 .LBB2_2-.Ltmp0, $2  }
0x1b: {  	_ =	sdelay $0x2  }
0x1c: {  	s1 =	sshra.s32 s6, $0x2  }
0x1d: {  	[tilespmem:s1+$0x1F400] =	vst v0  }
0x1e: {  	[tilespmem:s1+$0x1F410] =	vst v0;
	s0 =	simm.s32 $0x0;
	s15 =	rddreg [dreg:$0x9];
	s6 =	simm.s32 $0x1FC80  }
0x1f: {  	[tilespmem:s6], [sflag:$0xF] =	stream.linear.gather [hbm4b:s15+s0], $0x160, $0x38;
	[tilespmem:$0x1FDE0] =	vst v63  }
.Ltmp1:
0x20: {  	_ = 	snop;
	(pc) =	sbr.rel .LBB2_4-.Ltmp1, $4  }
0x21: {  	_ =	swait.ge [sflag:s29], $0x160  }
0x22: {  	[sflag:s29] =	ssyncset.done $0x0  }
0x23: {  	s31 =	simm.s32 $0x19400;
	s17 =	rddreg [dreg:$0xa];
	[sflag:s29] =	ssyncadd.s32 $0xFFFFFEA0  }
0x24: {  	[tilespmem:s31], [sflag:$0xA] =	stream.linear.gather [hbm4b:s17+s0], $0x800, $0x38;
	[tilespmem:$0x1FDE0] =	vst v63  }
.LBB2_6:
0x25: {  	s13 =	sadd.s32 s6, s28  }
0x26: {  	s15 =	sxor.u32 $0x1, s1;
	s3 =	simm.s32 $0x0;
	s0 =	sadd.s32 @!p0 $0x1, s0  }
0x27: {  	s17 =	sshll.u32 s15, $0xC;
	s13 =	sshrl.u32 s13, $0x3;
	s15 =	sor.u32 $0xA, s15  }
0x28: {  	s0 =	simm.s32 @p0 $0x1;
	s17 =	sadd.s32 $0x19400, s17;
	s13 =	sadd.s32 s18, s13  }
0x29: {  	[tilespmem:s17], [sflag:s15] =	stream.linear.gather [hbm4b:s13+s3], $0x800, $0x38;
	[tilespmem:$0x1FDE0] =	vst v63  }
.LBB2_7:
0x2a: {  	s13 =	rddreg [dreg:$0x5]  }
0x2b: {  	s13 =	sadd.s32 s13, s6  }
0x2c: {  	s1 =	sshll.u32 s1, $0xC;
	s13 =	sshrl.u32 s13, $0x3  }
0x2d: {  	p0 =	slt.u32 s0, $0x31;
	s1 =	sadd.s32 $0x19400, s1;
	s13 =	sadd.s32 s11, s13  }
0x2e: {  	[hbm4b:s13+s3] =	stream.linear.scatter [tilespmem:s1], [sflag:$0xD], $0x800, $0x38;
	[tilespmem:$0x1FDE0] =	vst v63  }
.Ltmp2:
0x2f: {  	_ = 	snop;
	(pc) =	sbr.rel @!p0 .LBB2_8-.Ltmp2, $4  }
0x30: {  	s17 =	simm.s32 $0x1F400;
	s15 =	sadd.s32 $0x436000, s13  }
0x31: {  	[hbm4b:s15+s3] =	stream.linear.scatter [tilespmem:s17], [sflag:$0xD], $0x800, $0x38;
	[tilespmem:$0x1FDE0] =	vst v63  }
0x32: {  	s31 =	sadd.s32 s6, s2;
	s3 =	simm.s32 $0x1F400  }
0x33: {  	[spmem:s31] =	stream.linear.scatter [tilespmem:s17], [sflag:$0xE], $0x800, $0x38;
	[tilespmem:$0x1FDE0] =	vst v63  }
.LBB2_4:
0x34: {  	s1 =	sand.u32 $0x1, s0  }
0x35: {  	s6 =	sor.u32 $0xA, s1  }
0x36: {  	_ =	swait.ge [sflag:s6], $0x800  }
0x37: {  	p0 =	seq.s32 s0, $0x0;
	[sflag:s6] =	ssyncset.done $0x0  }
0x38: {  	p1 =	sne.s32 @!p0 s0, $0x30;
	[sflag:s6] =	ssyncadd.s32 $0xFFFFF800;
	s6 =	simm.s32 @!p0 $0xD  }
0x39: {  	p1 =	por p0, p1;
	_ =	swait.ge @!p0 [sflag:s6], $0x800  }
.Ltmp3:
0x3a: {  	[sflag:s6] =	ssyncset.done @!p0 $0x0;
	(pc) =	sbr.rel @p1 .LBB2_6-.Ltmp3, $4  }
0x3b: {  	[sflag:s6] =	ssyncadd.s32 @!p0 $0xFFFFF800  }
0x3c: {  	s13 =	sshll.u32 s0, $0x6;
	_ =	swait.ge @!p0 [sflag:s6], $0x800  }
0x3d: {  	s13 =	sadd.s32 s24, s13;
	[sflag:s6] =	ssyncset.done @!p0 $0x0  }
0x3e: {  	[sflag:s6] =	ssyncadd.s32 @!p0 $0xFFFFF800;
	s6 =	sshll.u32 s13, $0x5  }
.Ltmp4:
0x3f: {  	(pc) =	sbr.rel .LBB2_7-.Ltmp4, $2  }
0x40: {  	_ =	sdelay $0x2  }
0x41: {  	s0 =	simm.s32 $0x31;
	s3 =	simm.s32 $0x0  }
.LBB2_8:
0x42: {  	s0 =	simm.s32 $0xD  }
0x43: {  	_ =	swait.ge [sflag:s0], $0x800  }
0x44: {  	[sflag:s0] =	ssyncset.done $0x0  }
0x45: {  	[sflag:s0] =	ssyncadd.s32 $0xFFFFF800  }
0x46: {  	_ =	swait.ge [sflag:s0], $0x800  }
0x47: {  	[sflag:s0] =	ssyncset.done $0x0  }
0x48: {  	[sflag:s0] =	ssyncadd.s32 $0xFFFFF800  }
0x49: {  	_ =	swait.ge [sflag:s30], $0x800  }
0x4a: {  	s0 =	simm.s32 $0x30;
	[sflag:s30] =	ssyncset.done $0x0  }
.LBB2_9:
0x4b: {  	p0 =	sne.s32 s0, $0x1;
	s0 =	sadd.s32 $0xFFFFFFFF, s0;
	[sflag:s30] =	ssyncadd.s32 $0xFFFFF800  }
.Ltmp5:
0x4c: {  	(pc) =	sbr.rel @p0 .LBB2_9-.Ltmp5, $3  }
0x4d: {  	_ =	sdelay $0x1  }
0x4e: {  	_ =	swait.ge [sflag:s30], $0x800  }
0x4f: {  	[sflag:s30] =	ssyncset.done $0x0  }
0x50: {  	[sflag:s30] =	ssyncadd.s32 $0xFFFFF800  }
0x51: {  	s6 =	simm.s32 $0x1;
	[bflag:$0x0] =	sbarrier.arrive $0xFFFF  }
.LBB2_11:
0x52: {  	s0 =	sshll.u32 s6, $0x7;
	s1 =	rddreg [dreg:$0xc]  }
0x53: {  	s0 =	sadd.s32 s1, s0  }
0x54: {  	s31 =	rddreg [dreg:$0x6];
	s0 =	sshrl.u32 s0, $0x3  }
0x55: {  	s24 =	simm.s32 $0x0;
	s13 =	simm.s32 $0x1FC00;
	s0 =	sadd.s32 s31, s0  }
0x56: {  	[tilespmem:s13], [sflag:$0xF] =	stream.linear.gather [hbm4b:s0+s24], $0x80, $0x38;
	[tilespmem:$0x1FDE0] =	vst v63  }
0x57: {  	_ =	swait.ge [sflag:s29], $0x80  }
0x58: {  	[sflag:s29] =	ssyncset.done $0x0  }
0x59: {  	s17 =	simm.s32 $0x18800;
	s15 =	rddreg [dreg:$0xd];
	[sflag:s29] =	ssyncadd.s32 $0xFFFFFF80  }
0x5a: {  	[tilespmem:s17], [sflag:$0xF] =	stream.linear.gather [hbm4b:s15+s24], $0x400, $0x38;
	[tilespmem:$0x1FDE0] =	vst v63  }
0x5b: {  	_ =	swait.ge [sflag:s29], $0x400  }
0x5c: {  	[dreg:$0x13] =	wrdreg s6;
	[sflag:s29] =	ssyncset.done $0x0  }
0x5d: {  	s31 =	simm.s32 $0x19000;
	s18 =	rddreg [dreg:$0xe];
	[sflag:s29] =	ssyncadd.s32 $0xFFFFFC00  }
0x5e: {  	[tilespmem:s31], [sflag:$0xF] =	stream.linear.gather [hbm4b:s18+s24], $0x200, $0x38;
	[tilespmem:$0x1FDE0] =	vst v63  }
0x5f: {  	s13 =	smul.u32 $0x310000, s6;
	_ =	swait.ge [sflag:s29], $0x200  }
0x60: {  	s6 =	rddreg [dreg:$0xf]  }
0x61: {  	s6 =	sadd.s32 s13, s6  }
0x62: {  	[sflag:s29] =	ssyncset.done $0x0;
	s0 =	sshrl.u32 s6, $0x3  }
0x63: {  	s28 =	simm.s32 $0x19400;
	[sflag:s29] =	ssyncadd.s32 $0xFFFFFE00;
	s29 =	sadd.s32 s11, s0  }
0x64: {  	[tilespmem:s28], [sflag:$0x1] =	stream.indirect.gather [hbm4b:s29+s23], $0x20, s17, s23, $0xb8;
	[tilespmem:$0x1FDE0] =	vst v63  }
0x65: {  	s1 =	simm.s32 $0x0;
	s15 =	simm.s32 $0x18880;
	s17 =	simm.s32 $0x1A400  }
0x66: {  	[tilespmem:s17], [sflag:$0x2] =	stream.indirect.gather [hbm4b:s29+s23], $0x20, s15, s23, $0xb8;
	[tilespmem:$0x1FDE0] =	vst v63  }
0x67: {  	s18 =	simm.s32 $0x18900;
	s31 =	simm.s32 $0x1B400;
	[dreg:$0x14] =	wrdreg s13  }
0x68: {  	[tilespmem:s31], [sflag:$0x3] =	stream.indirect.gather [hbm4b:s29+s23], $0x20, s18, s23, $0xb8;
	[tilespmem:$0x1FDE0] =	vst v63  }
.LBB2_12:
0x69: {  	s0 =	smov.u32 s24  }
0x6a: {  	s24 =	sadd.s32 $0x1, s24;
	p0 =	seq.s32 s0, $0x61  }
0x6b: {  	s13 =	sshll.u32 @!p0 s24, $0xA;
	s15 =	sxor.u32 @!p0 $0x1, s1  }
0x6c: {  	s13 =	sadd.s32 @!p0 s9, s13;
	s17 =	sshll.u32 @!p0 s15, $0xA  }
0x6d: {  	s17 =	sand.u32 @!p0 $0x3FFFFC00, s17;
	s13 =	sshrl.u32 @!p0 s13, $0x3  }
0x6e: {  	s18 =	simm.s32 @!p0 $0x0;
	s17 =	sadd.s32 @!p0 $0x18800, s17;
	s13 =	sadd.s32 @!p0 s25, s13  }
0x6f: {  	[tilespmem:s17], [sflag:$0x9] =	stream.linear.gather @!p0 [hbm4b:s13+s18], $0x400, $0x38;
	[tilespmem:$0x1FDE0] =	vst v63  }
0x70: {  	s13 =	sshll.u32 @!p0 s24, $0x9  }
0x71: {  	s15 =	sshll.u32 @!p0 s15, $0x9;
	s13 =	sadd.s32 @!p0 s12, s13  }
0x72: {  	p1 =	seq.s32 @!p0 s0, $0x0;
	s15 =	sand.u32 @!p0 $0x3FFFFE00, s15;
	s13 =	sshrl.u32 @!p0 s13, $0x3  }
0x73: {  	p1 =	por p0, !p1;
	s15 =	sadd.s32 @!p0 $0x19000, s15;
	s13 =	sadd.s32 @!p0 s7, s13  }
0x74: {  	[tilespmem:s15], [sflag:$0x9] =	stream.linear.gather @!p0 [hbm4b:s13+s18], $0x200, $0x38;
	[tilespmem:$0x1FDE0] =	vst v63  }
0x75: {  	_ =	swait.ge @p1 [sflag:s10], $0x1000  }
0x76: {  	s13 =	sshll.u32 s1, $0xA;
	[sflag:s10] =	ssyncset.done @p1 $0x0  }
0x77: {  	s15 =	sadd.s32 $0x18980, s13;
	[sflag:s10] =	ssyncadd.s32 @p1 $0xFFFFF000  }
0x78: {  	[tilespmem:s4], [sflag:$0x4] =	stream.indirect.gather [hbm4b:s29+s23], $0x20, s15, s23, $0xb8;
	[tilespmem:$0x1FDE0] =	vst v63  }
0x79: {  	_ =	swait.ge [sflag:s26], $0x1000  }
0x7a: {  	[sflag:s26] =	ssyncset.done $0x0  }
0x7b: {  	s18 =	simm.s32 $0x19500;
	[sflag:s26] =	ssyncadd.s32 $0xFFFFF000  }
0x7c: {  	s17 =	sshll.u32 s1, $0x9;
	v23 =	vld [tilespmem:s18+$0xFFFFFFA0]  }
0x7d: {  	s17 =	sand.u32 $0x3FFFFE00, s17;
	v20 =	vld [tilespmem:s18+$0xFFFFFFF0]  }
0x7e: {  	s0 =	sadd.s32 $0x19000, s17;
	v17 =	vld [tilespmem:s18+$0xFFFFFF60]  }
0x7f: {  	v21 =	vmov s0;
	v24 =	vld [tilespmem:s18+$0xFFFFFFD0]  }
0x80: {  	v25 =	vld [tilespmem:s18+$0x80]  }
0x81: {  	v28 =	vld [tilespmem:s18+$0xFFFFFF10]  }
0x82: {  	v32 =	vld [tilespmem:s18+$0xE0]  }
0x83: {  	s15 =	simm.s32 $0x0;
	v27 =	vld [tilespmem:s18+$0xFFFFFF40]  }
0x84: {  	v18 =	vld.idx.msk [tilespmem:v21+s15+$0x0 ss:$0x1], $0xffff  }
0x85: {  	v19 =	vld [tilespmem:s18+$0xFFFFFF90]  }
0x86: {  	v26 =	vld [tilespmem:s18+$0xFFFFFFC0]  }
0x87: {  	v29 =	vld [tilespmem:s18+$0xFFFFFF00]  }
0x88: {  	v30 =	vld [tilespmem:s18+$0xD0]  }
0x89: {  	v39 =	vld [tilespmem:s18+$0xC0]  }
0x8a: {  	v37 =	vld [tilespmem:s18+$0x90];
	v35 =	vperm.xlane v18, v1;
	v22 =	vperm.xlane v18, v16  }
0x8b: {  	v38 =	vld [tilespmem:s18+$0xFFFFFF50];
	v36 =	vperm.xlane v18, v3;
	v34 =	vperm.xlane v18, v15  }
0x8c: {  	v33 =	vld [tilespmem:s18+$0xB0];
	v31 =	vperm.xlane v18, v13;
	v41 =	vmul.f32 v35, v29  }
0x8d: {  	s31 =	simm.s32 $0x19500;
	s15 =	simm.s32 $0x40;
	v29 =	vperm.xlane v18, v14;
	v40 =	vmul.f32 v36, v27;
	v27 =	vld [tilespmem:s18+$0x60]  }
.LBB2_13:
0x8e: {  	p1 =	sne.s32 s15, $0x1C0  }
0x8f: {  	[tilespmem:s18+$0xFFFFFF00] =	vst v41;
	v41 =	vld [tilespmem:s18+$0xFFFFFFB0];
	v39 =	vmul.f32 v34, v39;
	v32 =	vmul.f32 v22, v32;
	s31 =	sadd.s32 $0x200, s31;
	s0 =	smov.u32 s15;
	s15 =	sadd.s32 $0x40, s15  }
0x90: {  	[tilespmem:s18+$0xFFFFFF40] =	vst v40;
	v40 =	vperm.xlane v18, v11;
	v37 =	vmul.f32 v31, v37;
	v42 =	vld [tilespmem:s18+$0xA0]  }
0x91: {  	v28 =	vmul.f32 v35, v28;
	v35 =	vmul.f32 v36, v38;
	v36 =	vld [tilespmem:s18+$0x70];
	[tilespmem:s18+$0xE0] =	vst v32  }
0x92: {  	v32 =	vperm.xlane v18, v6;
	v38 =	vld [tilespmem:s18+$0xFFFFFFE0];
	v33 =	vmul.f32 v29, v33;
	[tilespmem:s18+$0xC0] =	vst v39  }
0x93: {  	v30 =	vmul.f32 v34, v30;
	[tilespmem:s18+$0xFFFFFF10] =	vst v28;
	v28 =	vperm.xlane v18, v7;
	v39 =	vld [tilespmem:s18+$0x40]  }
0x94: {  	v43 =	vperm.xlane v18, v12;
	v23 =	vmul.f32 v32, v23;
	v34 =	vld [tilespmem:s18+$0xFFFFFF20];
	[tilespmem:s18+$0x90] =	vst v37  }
0x95: {  	[tilespmem:s18+$0xFFFFFF50] =	vst v35;
	v35 =	vperm.xlane v18, v10;
	v37 =	vld [tilespmem:s18+$0x20];
	v29 =	vmul.f32 v29, v42  }
0x96: {  	v32 =	vmul.f32 v32, v41;
	v41 =	vld [tilespmem:s18+$0x50];
	v36 =	vmul.f32 v43, v36;
	[tilespmem:s18+$0xD0] =	vst v30  }
0x97: {  	v25 =	vmul.f32 v31, v25;
	v30 =	vperm.xlane v18, v8;
	v42 =	vld [tilespmem:s18+$0x30];
	[tilespmem:s18+$0xA0] =	vst v29  }
0x98: {  	v26 =	vmul.f32 v28, v26;
	v29 =	vperm.xlane v18, v4;
	v31 =	vld [tilespmem:s18+$0x0];
	[tilespmem:s18+$0x70] =	vst v36  }
0x99: {  	v27 =	vmul.f32 v43, v27;
	v24 =	vmul.f32 v28, v24;
	v28 =	vld [tilespmem:s18+$0x10];
	[tilespmem:s18+$0x80] =	vst v25  }
0x9a: {  	v36 =	vperm.xlane v18, v9;
	v39 =	vmul.f32 v40, v39;
	v25 =	vld [tilespmem:s18+$0xFFFFFF30];
	[tilespmem:s18+$0xB0] =	vst v33  }
0x9b: {  	v33 =	vperm.xlane v18, v2;
	v43 =	vld [tilespmem:s18+$0xFFFFFF70];
	[tilespmem:s18+$0xFFFFFFD0] =	vst v24;
	v40 =	vmul.f32 v40, v41  }
0x9c: {  	v20 =	vmul.f32 v30, v20;
	v24 =	vmul.f32 v30, v38;
	[tilespmem:s18+$0xFFFFFFC0] =	vst v26;
	v26 =	vld [tilespmem:s18+$0xF0]  }
0x9d: {  	v38 =	vmul.f32 v35, v42;
	v30 =	vld [tilespmem:s18+$0xFFFFFF80];
	[tilespmem:s18+$0xFFFFFFA0] =	vst v23;
	v31 =	vmul.f32 v36, v31  }
0x9e: {  	v23 =	vld [tilespmem:s31+$0xFFFFFFA0];
	[tilespmem:s18+$0xFFFFFFF0] =	vst v20;
	v36 =	vmul.f32 v36, v28;
	v28 =	vmul.f32 v35, v37  }
0x9f: {  	v20 =	vmul.f32 v33, v34;
	v33 =	vmul.f32 v33, v25;
	[tilespmem:s18+$0x60] =	vst v27  }
0xa0: {  	v17 =	vmul.f32 v29, v17;
	v25 =	vmul.f32 v29, v43;
	[tilespmem:s18+$0xFFFFFFB0] =	vst v32  }
0xa1: {  	v18 =	vperm.xlane v18, v5;
	[tilespmem:s18+$0xFFFFFF20] =	vst v20;
	v20 =	vmul.f32 v22, v26  }
0xa2: {  	[tilespmem:s18+$0xFFFFFF60] =	vst v17  }
0xa3: {  	v22 =	vmul.f32 v18, v30;
	v17 =	vmul.f32 v18, v19;
	[tilespmem:s18+$0x40] =	vst v39  }
0xa4: {  	[tilespmem:s18+$0xFFFFFFE0] =	vst v24  }
0xa5: {  	[tilespmem:s18+$0xF0] =	vst v20  }
0xa6: {  	[tilespmem:s18+$0xFFFFFF90] =	vst v17  }
0xa7: {  	[tilespmem:s18+$0xFFFFFF70] =	vst v25  }
0xa8: {  	v20 =	vld [tilespmem:s31+$0xFFFFFFF0];
	[tilespmem:s18+$0x20] =	vst v28  }
0xa9: {  	v17 =	vld [tilespmem:s31+$0xFFFFFF60];
	[tilespmem:s18+$0x30] =	vst v38  }
0xaa: {  	v24 =	vld [tilespmem:s31+$0xFFFFFFD0];
	[tilespmem:s18+$0xFFFFFF80] =	vst v22  }
0xab: {  	v25 =	vld [tilespmem:s31+$0x80];
	[tilespmem:s18+$0x50] =	vst v40  }
0xac: {  	v28 =	vld [tilespmem:s31+$0xFFFFFF10];
	[tilespmem:s18+$0x0] =	vst v31  }
0xad: {  	v32 =	vld [tilespmem:s31+$0xE0];
	[tilespmem:s18+$0xFFFFFF30] =	vst v33  }
0xae: {  	s0 =	sshra.s32 s0, $0x2;
	v27 =	vld [tilespmem:s31+$0xFFFFFF40];
	[tilespmem:s18+$0x10] =	vst v36;
	s18 =	smov.u32 s31  }
0xaf: {  	v18 =	vld.idx.msk [tilespmem:v21+s0+$0x0 ss:$0x1], $0xffff  }
0xb0: {  	v19 =	vld [tilespmem:s31+$0xFFFFFF90]  }
0xb1: {  	v26 =	vld [tilespmem:s31+$0xFFFFFFC0]  }
0xb2: {  	v29 =	vld [tilespmem:s31+$0xFFFFFF00]  }
0xb3: {  	v30 =	vld [tilespmem:s31+$0xD0]  }
.Ltmp6:
0xb4: {  	v39 =	vld [tilespmem:s31+$0xC0];
	(pc) =	sbr.rel @p1 .LBB2_13-.Ltmp6, $4  }
0xb5: {  	v35 =	vperm.xlane v18, v1;
	v22 =	vperm.xlane v18, v16;
	v37 =	vld [tilespmem:s31+$0x90]  }
0xb6: {  	v36 =	vperm.xlane v18, v3;
	v34 =	vperm.xlane v18, v15;
	v38 =	vld [tilespmem:s31+$0xFFFFFF50]  }
0xb7: {  	v41 =	vmul.f32 v35, v29;
	v29 =	vperm.xlane v18, v14;
	v33 =	vld [tilespmem:s31+$0xB0]  }
0xb8: {  	v31 =	vperm.xlane v18, v13;
	v40 =	vmul.f32 v36, v27;
	v27 =	vld [tilespmem:s31+$0x60]  }
0xb9: {  	[tilespmem:s18+$0xFFFFFF00] =	vst v41;
	v21 =	vmul.f32 v22, v32  }
0xba: {  	v51 =	vmul.f32 v34, v39;
	[tilespmem:s18+$0xFFFFFF40] =	vst v40  }
0xbb: {  	v28 =	vmul.f32 v35, v28;
	[tilespmem:s18+$0xE0] =	vst v21  }
0xbc: {  	v25 =	vmul.f32 v31, v25;
	[tilespmem:s18+$0xC0] =	vst v51  }
0xbd: {  	v21 =	vmul.f32 v31, v37;
	[tilespmem:s18+$0xFFFFFF10] =	vst v28  }
0xbe: {  	v52 =	vld [tilespmem:s18+$0xA0];
	v59 =	vperm.xlane v18, v6;
	v36 =	vmul.f32 v36, v38;
	[tilespmem:s18+$0x80] =	vst v25  }
0xbf: {  	v53 =	vld [tilespmem:s18+$0x70];
	v62 =	vperm.xlane v18, v4;
	v28 =	vmul.f32 v34, v30;
	[tilespmem:s18+$0x90] =	vst v21  }
0xc0: {  	v55 =	vperm.xlane v18, v12;
	v23 =	vmul.f32 v59, v23;
	[tilespmem:s18+$0xFFFFFF50] =	vst v36  }
0xc1: {  	v17 =	vmul.f32 v62, v17;
	[tilespmem:s18+$0xD0] =	vst v28  }
0xc2: {  	v54 =	vld [tilespmem:s18+$0xFFFFFFB0];
	v27 =	vmul.f32 v55, v27;
	[tilespmem:s18+$0xFFFFFFA0] =	vst v23  }
0xc3: {  	v63 =	vld [tilespmem:s18+$0xF0];
	[tilespmem:s18+$0xFFFFFF60] =	vst v17;
	v56 =	vmul.f32 v29, v52  }
0xc4: {  	v25 =	vperm.xlane v18, v8;
	v35 =	vmul.f32 v55, v53;
	[tilespmem:s18+$0x60] =	vst v27  }
0xc5: {  	v29 =	vmul.f32 v29, v33;
	[tilespmem:s18+$0xA0] =	vst v56  }
0xc6: {  	v30 =	vld [tilespmem:s18+$0xFFFFFF20];
	v20 =	vmul.f32 v25, v20;
	[tilespmem:s18+$0x70] =	vst v35  }
0xc7: {  	v31 =	vld [tilespmem:s18+$0x20];
	v28 =	vperm.xlane v18, v7;
	v23 =	vmul.f32 v59, v54;
	[tilespmem:s18+$0xB0] =	vst v29  }
0xc8: {  	v57 =	vld [tilespmem:s18+$0x40];
	v17 =	vmul.f32 v22, v63;
	[tilespmem:s18+$0xFFFFFFF0] =	vst v20  }
0xc9: {  	v61 =	vperm.xlane v18, v2;
	v21 =	vld [tilespmem:s18+$0xFFFFFFE0];
	v24 =	vmul.f32 v28, v24;
	[tilespmem:s18+$0xFFFFFFB0] =	vst v23  }
0xca: {  	v58 =	vld [tilespmem:s18+$0x50];
	v22 =	vperm.xlane v18, v10;
	v26 =	vmul.f32 v28, v26;
	[tilespmem:s18+$0xF0] =	vst v17  }
0xcb: {  	v20 =	vperm.xlane v18, v11;
	v30 =	vmul.f32 v61, v30;
	[tilespmem:s18+$0xFFFFFFD0] =	vst v24  }
0xcc: {  	v27 =	vld [tilespmem:s18+$0xFFFFFF30];
	v17 =	vmul.f32 v22, v31;
	[tilespmem:s18+$0xFFFFFFC0] =	vst v26  }
0xcd: {  	v29 =	vld [tilespmem:s18+$0xFFFFFF70];
	v23 =	vmul.f32 v20, v57;
	[tilespmem:s18+$0xFFFFFF20] =	vst v30  }
0xce: {  	v60 =	vld [tilespmem:s18+$0x30];
	v21 =	vmul.f32 v25, v21;
	v25 =	vperm.xlane v18, v5;
	[tilespmem:s18+$0x20] =	vst v17  }
0xcf: {  	v26 =	vld [tilespmem:s18+$0x10];
	v17 =	vmul.f32 v20, v58;
	[tilespmem:s18+$0x40] =	vst v23  }
0xd0: {  	v24 =	vld [tilespmem:s18+$0xFFFFFF80];
	v19 =	vmul.f32 v25, v19;
	[tilespmem:s18+$0xFFFFFFE0] =	vst v21  }
0xd1: {  	v28 =	vld [tilespmem:s18+$0x0];
	v20 =	vmul.f32 v61, v27;
	[tilespmem:s18+$0x50] =	vst v17  }
0xd2: {  	v18 =	vperm.xlane v18, v9;
	v21 =	vmul.f32 v62, v29;
	[tilespmem:s18+$0xFFFFFF90] =	vst v19  }
0xd3: {  	v19 =	vmul.f32 v22, v60;
	[tilespmem:s18+$0xFFFFFF30] =	vst v20  }
0xd4: {  	v17 =	vmul.f32 v18, v26;
	[tilespmem:s18+$0xFFFFFF70] =	vst v21  }
0xd5: {  	v21 =	vmul.f32 v25, v24;
	[tilespmem:s18+$0x30] =	vst v19  }
0xd6: {  	v19 =	vmul.f32 v18, v28;
	[tilespmem:s18+$0x10] =	vst v17  }
0xd7: {  	[tilespmem:s18+$0xFFFFFF80] =	vst v21  }
0xd8: {  	s0 =	sadd.s32 $0x18A00, s13;
	[tilespmem:s18+$0x0] =	vst v19  }
0xd9: {  	[spmem:s2] =	stream.indirect.scatter.add.f32 [tilespmem:s28], [sflag:$0x5], $0x20, s0, s23, $0xb8;
	[tilespmem:$0x1FDE0] =	vst v63  }
0xda: {  	s0 =	simm.s32 @p0 $0x5  }
0xdb: {  	_ =	swait.ge @p0 [sflag:s0], $0x1000  }
0xdc: {  	[sflag:s0] =	ssyncset.done @p0 $0x0  }
0xdd: {  	[sflag:s0] =	ssyncadd.s32 @p0 $0xFFFFF000;
	s0 =	simm.s32 @!p0 $0x9  }
0xde: {  	_ =	swait.ge @!p0 [sflag:s0], $0x400  }
0xdf: {  	[sflag:s0] =	ssyncset.done @!p0 $0x0  }
0xe0: {  	[sflag:s0] =	ssyncadd.s32 @!p0 $0xFFFFFC00  }
0xe1: {  	_ =	swait.ge @!p0 [sflag:s0], $0x200  }
0xe2: {  	[sflag:s0] =	ssyncset.done @!p0 $0x0  }
0xe3: {  	[sflag:s0] =	ssyncadd.s32 @!p0 $0xFFFFFE00;
	s0 =	simm.s32 @!p0 $0x5  }
0xe4: {  	_ =	swait.ge @!p0 [sflag:s0], $0x1000  }
0xe5: {  	s15 =	simm.s32 @!p0 $0x80;
	[sflag:s0] =	ssyncset.done @!p0 $0x0  }
0xe6: {  	s18 =	simm.s32 @!p0 $0x19400;
	[sflag:s0] =	ssyncadd.s32 @!p0 $0xFFFFF000;
	s0 =	ssub.s32 @!p0 $0x18C00, s13  }
0xe7: {  	[tilespmem:s18], [sflag:$0x1] =	stream.indirect.gather @!p0 [hbm4b:s29+s15], $0x20, s0, s15, $0xb8;
	[tilespmem:$0x1FDE0] =	vst v63  }
0xe8: {  	_ =	swait.ge [sflag:s14], $0x1000  }
0xe9: {  	[sflag:s14] =	ssyncset.done $0x0  }
0xea: {  	s18 =	simm.s32 $0x1A5F0;
	[sflag:s14] =	ssyncadd.s32 $0xFFFFF000  }
0xeb: {  	v23 =	vld [tilespmem:s18+$0xFFFFFEB0]  }
0xec: {  	v28 =	vld [tilespmem:s18+$0xFFFFFFF0]  }
0xed: {  	v17 =	vld [tilespmem:s18+$0xFFFFFE70]  }
0xee: {  	s15 =	sadd.s32 $0x19080, s17;
	v21 =	vld [tilespmem:s18+$0xFFFFFF00]  }
0xef: {  	v20 =	vmov s15;
	v24 =	vld [tilespmem:s18+$0xFFFFFEE0]  }
0xf0: {  	v25 =	vld [tilespmem:s18+$0xFFFFFF90]  }
0xf1: {  	v29 =	vld [tilespmem:s18+$0xFFFFFE20]  }
0xf2: {  	v27 =	vld [tilespmem:s18+$0xFFFFFE50]  }
0xf3: {  	s15 =	simm.s32 $0x0;
	v19 =	vld [tilespmem:s18+$0xFFFFFEA0]  }
0xf4: {  	v18 =	vld.idx.msk [tilespmem:v20+s15+$0x0 ss:$0x1], $0xffff  }
0xf5: {  	v26 =	vld [tilespmem:s18+$0xFFFFFED0]  }
0xf6: {  	v30 =	vld [tilespmem:s18+$0xFFFFFE10]  }
0xf7: {  	v31 =	vld [tilespmem:s18+$0xFFFFFFE0]  }
0xf8: {  	v39 =	vld [tilespmem:s18+$0xFFFFFFD0]  }
0xf9: {  	v37 =	vld [tilespmem:s18+$0xFFFFFFA0];
	v35 =	vperm.xlane v18, v1;
	v22 =	vperm.xlane v18, v16  }
0xfa: {  	v38 =	vld [tilespmem:s18+$0xFFFFFE60];
	v36 =	vperm.xlane v18, v3;
	v34 =	vperm.xlane v18, v15  }
0xfb: {  	v33 =	vld [tilespmem:s18+$0xFFFFFFC0];
	v32 =	vperm.xlane v18, v13;
	v41 =	vmul.f32 v35, v30  }
0xfc: {  	s31 =	simm.s32 $0x1A5F0;
	s15 =	simm.s32 $0x40;
	v30 =	vperm.xlane v18, v14;
	v40 =	vmul.f32 v36, v27;
	v27 =	vld [tilespmem:s18+$0xFFFFFF70]  }
.LBB2_15:
0xfd: {  	p1 =	sne.s32 s15, $0x1C0  }
0xfe: {  	[tilespmem:s18+$0xFFFFFE10] =	vst v41;
	v41 =	vld [tilespmem:s18+$0xFFFFFEC0];
	v39 =	vmul.f32 v34, v39;
	v28 =	vmul.f32 v22, v28;
	s31 =	sadd.s32 $0x200, s31;
	s0 =	smov.u32 s15;
	s15 =	sadd.s32 $0x40, s15  }
0xff: {  	[tilespmem:s18+$0xFFFFFE50] =	vst v40;
	v40 =	vperm.xlane v18, v11;
	v37 =	vmul.f32 v32, v37;
	v42 =	vld [tilespmem:s18+$0xFFFFFFB0]  }
0x100: {  	v29 =	vmul.f32 v35, v29;
	v35 =	vmul.f32 v36, v38;
	v36 =	vld [tilespmem:s18+$0xFFFFFF80];
	[tilespmem:s18+$0xFFFFFFF0] =	vst v28  }
0x101: {  	v28 =	vperm.xlane v18, v6;
	v38 =	vld [tilespmem:s18+$0xFFFFFEF0];
	v33 =	vmul.f32 v30, v33;
	[tilespmem:s18+$0xFFFFFFD0] =	vst v39  }
0x102: {  	v31 =	vmul.f32 v34, v31;
	[tilespmem:s18+$0xFFFFFE20] =	vst v29;
	v29 =	vperm.xlane v18, v7;
	v39 =	vld [tilespmem:s18+$0xFFFFFF50]  }
0x103: {  	v43 =	vperm.xlane v18, v12;
	v23 =	vmul.f32 v28, v23;
	v34 =	vld [tilespmem:s18+$0xFFFFFE30];
	[tilespmem:s18+$0xFFFFFFA0] =	vst v37  }
0x104: {  	[tilespmem:s18+$0xFFFFFE60] =	vst v35;
	v35 =	vperm.xlane v18, v10;
	v37 =	vld [tilespmem:s18+$0xFFFFFF30];
	v30 =	vmul.f32 v30, v42  }
0x105: {  	v28 =	vmul.f32 v28, v41;
	v41 =	vld [tilespmem:s18+$0xFFFFFF60];
	v36 =	vmul.f32 v43, v36;
	[tilespmem:s18+$0xFFFFFFE0] =	vst v31  }
0x106: {  	v25 =	vmul.f32 v32, v25;
	v31 =	vperm.xlane v18, v8;
	v42 =	vld [tilespmem:s18+$0xFFFFFF40];
	[tilespmem:s18+$0xFFFFFFB0] =	vst v30  }
0x107: {  	v26 =	vmul.f32 v29, v26;
	v30 =	vperm.xlane v18, v4;
	v32 =	vld [tilespmem:s18+$0xFFFFFF10];
	[tilespmem:s18+$0xFFFFFF80] =	vst v36  }
0x108: {  	v27 =	vmul.f32 v43, v27;
	v24 =	vmul.f32 v29, v24;
	v29 =	vld [tilespmem:s18+$0xFFFFFF20];
	[tilespmem:s18+$0xFFFFFF90] =	vst v25  }
0x109: {  	v36 =	vperm.xlane v18, v9;
	v39 =	vmul.f32 v40, v39;
	v25 =	vld [tilespmem:s18+$0xFFFFFE40];
	[tilespmem:s18+$0xFFFFFFC0] =	vst v33  }
0x10a: {  	v33 =	vperm.xlane v18, v2;
	v43 =	vld [tilespmem:s18+$0xFFFFFE80];
	[tilespmem:s18+$0xFFFFFEE0] =	vst v24;
	v40 =	vmul.f32 v40, v41  }
0x10b: {  	v21 =	vmul.f32 v31, v21;
	v24 =	vmul.f32 v31, v38;
	[tilespmem:s18+$0xFFFFFED0] =	vst v26;
	v26 =	vld [tilespmem:s18+$0x0]  }
0x10c: {  	v38 =	vmul.f32 v35, v42;
	v31 =	vld [tilespmem:s18+$0xFFFFFE90];
	[tilespmem:s18+$0xFFFFFEB0] =	vst v23;
	v32 =	vmul.f32 v36, v32  }
0x10d: {  	v23 =	vld [tilespmem:s31+$0xFFFFFEB0];
	[tilespmem:s18+$0xFFFFFF00] =	vst v21;
	v36 =	vmul.f32 v36, v29;
	v21 =	vmul.f32 v35, v37  }
0x10e: {  	v29 =	vmul.f32 v33, v34;
	v33 =	vmul.f32 v33, v25;
	[tilespmem:s18+$0xFFFFFF70] =	vst v27  }
0x10f: {  	v17 =	vmul.f32 v30, v17;
	v25 =	vmul.f32 v30, v43;
	[tilespmem:s18+$0xFFFFFEC0] =	vst v28  }
0x110: {  	v18 =	vperm.xlane v18, v5;
	[tilespmem:s18+$0xFFFFFE30] =	vst v29;
	v22 =	vmul.f32 v22, v26  }
0x111: {  	[tilespmem:s18+$0xFFFFFE70] =	vst v17  }
0x112: {  	v26 =	vmul.f32 v18, v31;
	v17 =	vmul.f32 v18, v19;
	[tilespmem:s18+$0xFFFFFF50] =	vst v39  }
0x113: {  	[tilespmem:s18+$0xFFFFFEF0] =	vst v24  }
0x114: {  	[tilespmem:s18+$0x0] =	vst v22  }
0x115: {  	[tilespmem:s18+$0xFFFFFEA0] =	vst v17  }
0x116: {  	[tilespmem:s18+$0xFFFFFE80] =	vst v25  }
0x117: {  	v28 =	vld [tilespmem:s31+$0xFFFFFFF0];
	[tilespmem:s18+$0xFFFFFF30] =	vst v21  }
0x118: {  	v17 =	vld [tilespmem:s31+$0xFFFFFE70];
	[tilespmem:s18+$0xFFFFFF40] =	vst v38  }
0x119: {  	v21 =	vld [tilespmem:s31+$0xFFFFFF00];
	[tilespmem:s18+$0xFFFFFE90] =	vst v26  }
0x11a: {  	v24 =	vld [tilespmem:s31+$0xFFFFFEE0];
	[tilespmem:s18+$0xFFFFFF60] =	vst v40  }
0x11b: {  	v25 =	vld [tilespmem:s31+$0xFFFFFF90];
	[tilespmem:s18+$0xFFFFFF10] =	vst v32  }
0x11c: {  	v29 =	vld [tilespmem:s31+$0xFFFFFE20];
	[tilespmem:s18+$0xFFFFFE40] =	vst v33  }
0x11d: {  	s0 =	sshra.s32 s0, $0x2;
	v27 =	vld [tilespmem:s31+$0xFFFFFE50];
	[tilespmem:s18+$0xFFFFFF20] =	vst v36;
	s18 =	smov.u32 s31  }
0x11e: {  	v18 =	vld.idx.msk [tilespmem:v20+s0+$0x0 ss:$0x1], $0xffff  }
0x11f: {  	v19 =	vld [tilespmem:s31+$0xFFFFFEA0]  }
0x120: {  	v26 =	vld [tilespmem:s31+$0xFFFFFED0]  }
0x121: {  	v30 =	vld [tilespmem:s31+$0xFFFFFE10]  }
0x122: {  	v31 =	vld [tilespmem:s31+$0xFFFFFFE0]  }
.Ltmp7:
0x123: {  	v39 =	vld [tilespmem:s31+$0xFFFFFFD0];
	(pc) =	sbr.rel @p1 .LBB2_15-.Ltmp7, $4  }
0x124: {  	v35 =	vperm.xlane v18, v1;
	v22 =	vperm.xlane v18, v16;
	v37 =	vld [tilespmem:s31+$0xFFFFFFA0]  }
0x125: {  	v36 =	vperm.xlane v18, v3;
	v34 =	vperm.xlane v18, v15;
	v38 =	vld [tilespmem:s31+$0xFFFFFE60]  }
0x126: {  	v41 =	vmul.f32 v35, v30;
	v30 =	vperm.xlane v18, v14;
	v33 =	vld [tilespmem:s31+$0xFFFFFFC0]  }
0x127: {  	v32 =	vperm.xlane v18, v13;
	v40 =	vmul.f32 v36, v27;
	v27 =	vld [tilespmem:s31+$0xFFFFFF70]  }
0x128: {  	[tilespmem:s18+$0xFFFFFE10] =	vst v41;
	v20 =	vmul.f32 v22, v28  }
0x129: {  	v28 =	vmul.f32 v34, v39;
	[tilespmem:s18+$0xFFFFFE50] =	vst v40  }
0x12a: {  	v29 =	vmul.f32 v35, v29;
	[tilespmem:s18+$0xFFFFFFF0] =	vst v20  }
0x12b: {  	v25 =	vmul.f32 v32, v25;
	[tilespmem:s18+$0xFFFFFFD0] =	vst v28  }
0x12c: {  	v53 =	vld [tilespmem:s18+$0xFFFFFFB0];
	v20 =	vmul.f32 v32, v37;
	[tilespmem:s18+$0xFFFFFE20] =	vst v29  }
0x12d: {  	v54 =	vld [tilespmem:s18+$0xFFFFFF80];
	v60 =	vperm.xlane v18, v6;
	v36 =	vmul.f32 v36, v38;
	[tilespmem:s18+$0xFFFFFF90] =	vst v25  }
0x12e: {  	v55 =	vperm.xlane v18, v12;
	v29 =	vmul.f32 v34, v31;
	[tilespmem:s18+$0xFFFFFFA0] =	vst v20  }
0x12f: {  	v23 =	vmul.f32 v60, v23;
	[tilespmem:s18+$0xFFFFFE60] =	vst v36  }
0x130: {  	[tilespmem:s18+$0xFFFFFFE0] =	vst v29;
	v27 =	vmul.f32 v55, v27  }
0x131: {  	[tilespmem:s18+$0xFFFFFEB0] =	vst v23;
	v56 =	vmul.f32 v30, v53  }
0x132: {  	v28 =	vld [tilespmem:s18+$0xFFFFFEC0];
	v25 =	vperm.xlane v18, v8;
	v35 =	vmul.f32 v55, v54;
	[tilespmem:s18+$0xFFFFFF70] =	vst v27  }
0x133: {  	v31 =	vld [tilespmem:s18+$0xFFFFFE30];
	v29 =	vperm.xlane v18, v7;
	v30 =	vmul.f32 v30, v33;
	[tilespmem:s18+$0xFFFFFFB0] =	vst v56  }
0x134: {  	v21 =	vmul.f32 v25, v21;
	[tilespmem:s18+$0xFFFFFF80] =	vst v35  }
0x135: {  	v57 =	vld [tilespmem:s18+$0xFFFFFF50];
	v24 =	vmul.f32 v29, v24;
	[tilespmem:s18+$0xFFFFFFC0] =	vst v30  }
0x136: {  	v62 =	vperm.xlane v18, v2;
	v20 =	vld [tilespmem:s18+$0xFFFFFEF0];
	v26 =	vmul.f32 v29, v26;
	[tilespmem:s18+$0xFFFFFF00] =	vst v21  }
0x137: {  	v63 =	vld [tilespmem:s18+$0x0];
	v23 =	vmul.f32 v60, v28;
	v28 =	vperm.xlane v18, v4;
	[tilespmem:s18+$0xFFFFFEE0] =	vst v24  }
0x138: {  	v21 =	vperm.xlane v18, v11;
	v31 =	vmul.f32 v62, v31;
	[tilespmem:s18+$0xFFFFFED0] =	vst v26  }
0x139: {  	v30 =	vld [tilespmem:s18+$0xFFFFFE80];
	v17 =	vmul.f32 v28, v17;
	[tilespmem:s18+$0xFFFFFEC0] =	vst v23  }
0x13a: {  	v59 =	vld [tilespmem:s18+$0xFFFFFF30];
	v23 =	vmul.f32 v21, v57;
	[tilespmem:s18+$0xFFFFFE30] =	vst v31  }
0x13b: {  	v61 =	vld [tilespmem:s18+$0xFFFFFF40];
	v20 =	vmul.f32 v25, v20;
	v25 =	vperm.xlane v18, v5;
	[tilespmem:s18+$0xFFFFFE70] =	vst v17  }
0x13c: {  	v24 =	vld [tilespmem:s18+$0xFFFFFE90];
	v17 =	vmul.f32 v22, v63;
	[tilespmem:s18+$0xFFFFFF50] =	vst v23  }
0x13d: {  	v58 =	vld [tilespmem:s18+$0xFFFFFF60];
	v22 =	vperm.xlane v18, v10;
	v19 =	vmul.f32 v25, v19;
	[tilespmem:s18+$0xFFFFFEF0] =	vst v20  }
0x13e: {  	v29 =	vld [tilespmem:s18+$0xFFFFFF10];
	v20 =	vmul.f32 v28, v30;
	[tilespmem:s18+$0x0] =	vst v17  }
0x13f: {  	v27 =	vld [tilespmem:s18+$0xFFFFFE40];
	v17 =	vmul.f32 v22, v59;
	[tilespmem:s18+$0xFFFFFEA0] =	vst v19  }
0x140: {  	v26 =	vld [tilespmem:s18+$0xFFFFFF20];
	v19 =	vmul.f32 v22, v61;
	[tilespmem:s18+$0xFFFFFE80] =	vst v20  }
0x141: {  	v18 =	vperm.xlane v18, v9;
	v20 =	vmul.f32 v25, v24;
	[tilespmem:s18+$0xFFFFFF30] =	vst v17  }
0x142: {  	v17 =	vmul.f32 v21, v58;
	[tilespmem:s18+$0xFFFFFF40] =	vst v19  }
0x143: {  	v19 =	vmul.f32 v18, v29;
	[tilespmem:s18+$0xFFFFFE90] =	vst v20  }
0x144: {  	v20 =	vmul.f32 v62, v27;
	[tilespmem:s18+$0xFFFFFF60] =	vst v17  }
0x145: {  	v17 =	vmul.f32 v18, v26;
	[tilespmem:s18+$0xFFFFFF10] =	vst v19  }
0x146: {  	[tilespmem:s18+$0xFFFFFE40] =	vst v20  }
0x147: {  	s0 =	sadd.s32 $0x18A80, s13;
	s15 =	simm.s32 $0x1A400;
	[tilespmem:s18+$0xFFFFFF20] =	vst v17  }
0x148: {  	[spmem:s2] =	stream.indirect.scatter.add.f32 [tilespmem:s15], [sflag:$0x6], $0x20, s0, s23, $0xb8;
	[tilespmem:$0x1FDE0] =	vst v63  }
0x149: {  	_ =	swait.ge [sflag:s22], $0x1000  }
0x14a: {  	s18 =	simm.s32 @!p0 $0x1A400;
	[sflag:s22] =	ssyncset.done $0x0  }
0x14b: {  	s0 =	ssub.s32 @!p0 $0x18C80, s13;
	s15 =	simm.s32 @!p0 $0x80;
	[sflag:s22] =	ssyncadd.s32 $0xFFFFF000  }
0x14c: {  	[tilespmem:s18], [sflag:$0x2] =	stream.indirect.gather @!p0 [hbm4b:s29+s15], $0x20, s0, s15, $0xb8;
	[tilespmem:$0x1FDE0] =	vst v63  }
0x14d: {  	_ =	swait.ge [sflag:s5], $0x1000  }
0x14e: {  	[sflag:s5] =	ssyncset.done $0x0  }
0x14f: {  	s18 =	simm.s32 $0x1B5F0;
	[sflag:s5] =	ssyncadd.s32 $0xFFFFF000  }
0x150: {  	v23 =	vld [tilespmem:s18+$0xFFFFFEB0]  }
0x151: {  	v28 =	vld [tilespmem:s18+$0xFFFFFFF0]  }
0x152: {  	v17 =	vld [tilespmem:s18+$0xFFFFFE70]  }
0x153: {  	s15 =	sadd.s32 $0x19100, s17;
	v21 =	vld [tilespmem:s18+$0xFFFFFF00]  }
0x154: {  	v20 =	vmov s15;
	v24 =	vld [tilespmem:s18+$0xFFFFFEE0]  }
0x155: {  	v25 =	vld [tilespmem:s18+$0xFFFFFF90]  }
0x156: {  	v29 =	vld [tilespmem:s18+$0xFFFFFE20]  }
0x157: {  	v27 =	vld [tilespmem:s18+$0xFFFFFE50]  }
0x158: {  	s15 =	simm.s32 $0x0;
	v19 =	vld [tilespmem:s18+$0xFFFFFEA0]  }
0x159: {  	v18 =	vld.idx.msk [tilespmem:v20+s15+$0x0 ss:$0x1], $0xffff  }
0x15a: {  	v26 =	vld [tilespmem:s18+$0xFFFFFED0]  }
0x15b: {  	v30 =	vld [tilespmem:s18+$0xFFFFFE10]  }
0x15c: {  	v31 =	vld [tilespmem:s18+$0xFFFFFFE0]  }
0x15d: {  	v39 =	vld [tilespmem:s18+$0xFFFFFFD0]  }
0x15e: {  	v37 =	vld [tilespmem:s18+$0xFFFFFFA0];
	v35 =	vperm.xlane v18, v1;
	v22 =	vperm.xlane v18, v16  }
0x15f: {  	v38 =	vld [tilespmem:s18+$0xFFFFFE60];
	v36 =	vperm.xlane v18, v3;
	v34 =	vperm.xlane v18, v15  }
0x160: {  	v33 =	vld [tilespmem:s18+$0xFFFFFFC0];
	v32 =	vperm.xlane v18, v13;
	v41 =	vmul.f32 v35, v30  }
0x161: {  	s31 =	simm.s32 $0x1B5F0;
	s15 =	simm.s32 $0x40;
	v30 =	vperm.xlane v18, v14;
	v40 =	vmul.f32 v36, v27;
	v27 =	vld [tilespmem:s18+$0xFFFFFF70]  }
.LBB2_17:
0x162: {  	p1 =	sne.s32 s15, $0x1C0  }
0x163: {  	[tilespmem:s18+$0xFFFFFE10] =	vst v41;
	v41 =	vld [tilespmem:s18+$0xFFFFFEC0];
	v39 =	vmul.f32 v34, v39;
	v28 =	vmul.f32 v22, v28;
	s31 =	sadd.s32 $0x200, s31;
	s0 =	smov.u32 s15;
	s15 =	sadd.s32 $0x40, s15  }
0x164: {  	[tilespmem:s18+$0xFFFFFE50] =	vst v40;
	v40 =	vperm.xlane v18, v11;
	v37 =	vmul.f32 v32, v37;
	v42 =	vld [tilespmem:s18+$0xFFFFFFB0]  }
0x165: {  	v29 =	vmul.f32 v35, v29;
	v35 =	vmul.f32 v36, v38;
	v36 =	vld [tilespmem:s18+$0xFFFFFF80];
	[tilespmem:s18+$0xFFFFFFF0] =	vst v28  }
0x166: {  	v28 =	vperm.xlane v18, v6;
	v38 =	vld [tilespmem:s18+$0xFFFFFEF0];
	v33 =	vmul.f32 v30, v33;
	[tilespmem:s18+$0xFFFFFFD0] =	vst v39  }
0x167: {  	v31 =	vmul.f32 v34, v31;
	[tilespmem:s18+$0xFFFFFE20] =	vst v29;
	v29 =	vperm.xlane v18, v7;
	v39 =	vld [tilespmem:s18+$0xFFFFFF50]  }
0x168: {  	v43 =	vperm.xlane v18, v12;
	v23 =	vmul.f32 v28, v23;
	v34 =	vld [tilespmem:s18+$0xFFFFFE30];
	[tilespmem:s18+$0xFFFFFFA0] =	vst v37  }
0x169: {  	[tilespmem:s18+$0xFFFFFE60] =	vst v35;
	v35 =	vperm.xlane v18, v10;
	v37 =	vld [tilespmem:s18+$0xFFFFFF30];
	v30 =	vmul.f32 v30, v42  }
0x16a: {  	v28 =	vmul.f32 v28, v41;
	v41 =	vld [tilespmem:s18+$0xFFFFFF60];
	v36 =	vmul.f32 v43, v36;
	[tilespmem:s18+$0xFFFFFFE0] =	vst v31  }
0x16b: {  	v25 =	vmul.f32 v32, v25;
	v31 =	vperm.xlane v18, v8;
	v42 =	vld [tilespmem:s18+$0xFFFFFF40];
	[tilespmem:s18+$0xFFFFFFB0] =	vst v30  }
0x16c: {  	v26 =	vmul.f32 v29, v26;
	v30 =	vperm.xlane v18, v4;
	v32 =	vld [tilespmem:s18+$0xFFFFFF10];
	[tilespmem:s18+$0xFFFFFF80] =	vst v36  }
0x16d: {  	v27 =	vmul.f32 v43, v27;
	v24 =	vmul.f32 v29, v24;
	v29 =	vld [tilespmem:s18+$0xFFFFFF20];
	[tilespmem:s18+$0xFFFFFF90] =	vst v25  }
0x16e: {  	v36 =	vperm.xlane v18, v9;
	v39 =	vmul.f32 v40, v39;
	v25 =	vld [tilespmem:s18+$0xFFFFFE40];
	[tilespmem:s18+$0xFFFFFFC0] =	vst v33  }
0x16f: {  	v33 =	vperm.xlane v18, v2;
	v43 =	vld [tilespmem:s18+$0xFFFFFE80];
	[tilespmem:s18+$0xFFFFFEE0] =	vst v24;
	v40 =	vmul.f32 v40, v41  }
0x170: {  	v21 =	vmul.f32 v31, v21;
	v24 =	vmul.f32 v31, v38;
	[tilespmem:s18+$0xFFFFFED0] =	vst v26;
	v26 =	vld [tilespmem:s18+$0x0]  }
0x171: {  	v38 =	vmul.f32 v35, v42;
	v31 =	vld [tilespmem:s18+$0xFFFFFE90];
	[tilespmem:s18+$0xFFFFFEB0] =	vst v23;
	v32 =	vmul.f32 v36, v32  }
0x172: {  	v23 =	vld [tilespmem:s31+$0xFFFFFEB0];
	[tilespmem:s18+$0xFFFFFF00] =	vst v21;
	v36 =	vmul.f32 v36, v29;
	v21 =	vmul.f32 v35, v37  }
0x173: {  	v29 =	vmul.f32 v33, v34;
	v33 =	vmul.f32 v33, v25;
	[tilespmem:s18+$0xFFFFFF70] =	vst v27  }
0x174: {  	v17 =	vmul.f32 v30, v17;
	v25 =	vmul.f32 v30, v43;
	[tilespmem:s18+$0xFFFFFEC0] =	vst v28  }
0x175: {  	v18 =	vperm.xlane v18, v5;
	[tilespmem:s18+$0xFFFFFE30] =	vst v29;
	v22 =	vmul.f32 v22, v26  }
0x176: {  	[tilespmem:s18+$0xFFFFFE70] =	vst v17  }
0x177: {  	v26 =	vmul.f32 v18, v31;
	v17 =	vmul.f32 v18, v19;
	[tilespmem:s18+$0xFFFFFF50] =	vst v39  }
0x178: {  	[tilespmem:s18+$0xFFFFFEF0] =	vst v24  }
0x179: {  	[tilespmem:s18+$0x0] =	vst v22  }
0x17a: {  	[tilespmem:s18+$0xFFFFFEA0] =	vst v17  }
0x17b: {  	[tilespmem:s18+$0xFFFFFE80] =	vst v25  }
0x17c: {  	v28 =	vld [tilespmem:s31+$0xFFFFFFF0];
	[tilespmem:s18+$0xFFFFFF30] =	vst v21  }
0x17d: {  	v17 =	vld [tilespmem:s31+$0xFFFFFE70];
	[tilespmem:s18+$0xFFFFFF40] =	vst v38  }
0x17e: {  	v21 =	vld [tilespmem:s31+$0xFFFFFF00];
	[tilespmem:s18+$0xFFFFFE90] =	vst v26  }
0x17f: {  	v24 =	vld [tilespmem:s31+$0xFFFFFEE0];
	[tilespmem:s18+$0xFFFFFF60] =	vst v40  }
0x180: {  	v25 =	vld [tilespmem:s31+$0xFFFFFF90];
	[tilespmem:s18+$0xFFFFFF10] =	vst v32  }
0x181: {  	v29 =	vld [tilespmem:s31+$0xFFFFFE20];
	[tilespmem:s18+$0xFFFFFE40] =	vst v33  }
0x182: {  	s0 =	sshra.s32 s0, $0x2;
	v27 =	vld [tilespmem:s31+$0xFFFFFE50];
	[tilespmem:s18+$0xFFFFFF20] =	vst v36;
	s18 =	smov.u32 s31  }
0x183: {  	v18 =	vld.idx.msk [tilespmem:v20+s0+$0x0 ss:$0x1], $0xffff  }
0x184: {  	v19 =	vld [tilespmem:s31+$0xFFFFFEA0]  }
0x185: {  	v26 =	vld [tilespmem:s31+$0xFFFFFED0]  }
0x186: {  	v30 =	vld [tilespmem:s31+$0xFFFFFE10]  }
0x187: {  	v31 =	vld [tilespmem:s31+$0xFFFFFFE0]  }
.Ltmp8:
0x188: {  	v39 =	vld [tilespmem:s31+$0xFFFFFFD0];
	(pc) =	sbr.rel @p1 .LBB2_17-.Ltmp8, $4  }
0x189: {  	v35 =	vperm.xlane v18, v1;
	v22 =	vperm.xlane v18, v16;
	v37 =	vld [tilespmem:s31+$0xFFFFFFA0]  }
0x18a: {  	v36 =	vperm.xlane v18, v3;
	v34 =	vperm.xlane v18, v15;
	v38 =	vld [tilespmem:s31+$0xFFFFFE60]  }
0x18b: {  	v41 =	vmul.f32 v35, v30;
	v30 =	vperm.xlane v18, v14;
	v33 =	vld [tilespmem:s31+$0xFFFFFFC0]  }
0x18c: {  	v32 =	vperm.xlane v18, v13;
	v40 =	vmul.f32 v36, v27;
	v27 =	vld [tilespmem:s31+$0xFFFFFF70]  }
0x18d: {  	[tilespmem:s18+$0xFFFFFE10] =	vst v41;
	v20 =	vmul.f32 v22, v28  }
0x18e: {  	v28 =	vmul.f32 v34, v39;
	[tilespmem:s18+$0xFFFFFE50] =	vst v40  }
0x18f: {  	v29 =	vmul.f32 v35, v29;
	[tilespmem:s18+$0xFFFFFFF0] =	vst v20  }
0x190: {  	v25 =	vmul.f32 v32, v25;
	[tilespmem:s18+$0xFFFFFFD0] =	vst v28  }
0x191: {  	v53 =	vld [tilespmem:s18+$0xFFFFFFB0];
	v20 =	vmul.f32 v32, v37;
	[tilespmem:s18+$0xFFFFFE20] =	vst v29  }
0x192: {  	v54 =	vld [tilespmem:s18+$0xFFFFFF80];
	v60 =	vperm.xlane v18, v6;
	v36 =	vmul.f32 v36, v38;
	[tilespmem:s18+$0xFFFFFF90] =	vst v25  }
0x193: {  	v55 =	vperm.xlane v18, v12;
	v29 =	vmul.f32 v34, v31;
	[tilespmem:s18+$0xFFFFFFA0] =	vst v20  }
0x194: {  	v23 =	vmul.f32 v60, v23;
	[tilespmem:s18+$0xFFFFFE60] =	vst v36  }
0x195: {  	[tilespmem:s18+$0xFFFFFFE0] =	vst v29;
	v27 =	vmul.f32 v55, v27  }
0x196: {  	[tilespmem:s18+$0xFFFFFEB0] =	vst v23;
	v56 =	vmul.f32 v30, v53  }
0x197: {  	v28 =	vld [tilespmem:s18+$0xFFFFFEC0];
	v25 =	vperm.xlane v18, v8;
	v35 =	vmul.f32 v55, v54;
	[tilespmem:s18+$0xFFFFFF70] =	vst v27  }
0x198: {  	v31 =	vld [tilespmem:s18+$0xFFFFFE30];
	v29 =	vperm.xlane v18, v7;
	v30 =	vmul.f32 v30, v33;
	[tilespmem:s18+$0xFFFFFFB0] =	vst v56  }
0x199: {  	v21 =	vmul.f32 v25, v21;
	[tilespmem:s18+$0xFFFFFF80] =	vst v35  }
0x19a: {  	v57 =	vld [tilespmem:s18+$0xFFFFFF50];
	v24 =	vmul.f32 v29, v24;
	[tilespmem:s18+$0xFFFFFFC0] =	vst v30  }
0x19b: {  	v62 =	vperm.xlane v18, v2;
	v20 =	vld [tilespmem:s18+$0xFFFFFEF0];
	v26 =	vmul.f32 v29, v26;
	[tilespmem:s18+$0xFFFFFF00] =	vst v21  }
0x19c: {  	v63 =	vld [tilespmem:s18+$0x0];
	v23 =	vmul.f32 v60, v28;
	v28 =	vperm.xlane v18, v4;
	[tilespmem:s18+$0xFFFFFEE0] =	vst v24  }
0x19d: {  	v21 =	vperm.xlane v18, v11;
	v31 =	vmul.f32 v62, v31;
	[tilespmem:s18+$0xFFFFFED0] =	vst v26  }
0x19e: {  	v30 =	vld [tilespmem:s18+$0xFFFFFE80];
	v17 =	vmul.f32 v28, v17;
	[tilespmem:s18+$0xFFFFFEC0] =	vst v23  }
0x19f: {  	v59 =	vld [tilespmem:s18+$0xFFFFFF30];
	v23 =	vmul.f32 v21, v57;
	[tilespmem:s18+$0xFFFFFE30] =	vst v31  }
0x1a0: {  	v61 =	vld [tilespmem:s18+$0xFFFFFF40];
	v20 =	vmul.f32 v25, v20;
	v25 =	vperm.xlane v18, v5;
	[tilespmem:s18+$0xFFFFFE70] =	vst v17  }
0x1a1: {  	v24 =	vld [tilespmem:s18+$0xFFFFFE90];
	v17 =	vmul.f32 v22, v63;
	[tilespmem:s18+$0xFFFFFF50] =	vst v23  }
0x1a2: {  	v58 =	vld [tilespmem:s18+$0xFFFFFF60];
	v22 =	vperm.xlane v18, v10;
	v19 =	vmul.f32 v25, v19;
	[tilespmem:s18+$0xFFFFFEF0] =	vst v20  }
0x1a3: {  	v29 =	vld [tilespmem:s18+$0xFFFFFF10];
	v20 =	vmul.f32 v28, v30;
	[tilespmem:s18+$0x0] =	vst v17  }
0x1a4: {  	v27 =	vld [tilespmem:s18+$0xFFFFFE40];
	v17 =	vmul.f32 v22, v59;
	[tilespmem:s18+$0xFFFFFEA0] =	vst v19  }
0x1a5: {  	v26 =	vld [tilespmem:s18+$0xFFFFFF20];
	v19 =	vmul.f32 v22, v61;
	[tilespmem:s18+$0xFFFFFE80] =	vst v20  }
0x1a6: {  	v18 =	vperm.xlane v18, v9;
	v20 =	vmul.f32 v25, v24;
	[tilespmem:s18+$0xFFFFFF30] =	vst v17  }
0x1a7: {  	v17 =	vmul.f32 v21, v58;
	[tilespmem:s18+$0xFFFFFF40] =	vst v19  }
0x1a8: {  	v19 =	vmul.f32 v18, v29;
	[tilespmem:s18+$0xFFFFFE90] =	vst v20  }
0x1a9: {  	v20 =	vmul.f32 v62, v27;
	[tilespmem:s18+$0xFFFFFF60] =	vst v17  }
0x1aa: {  	v17 =	vmul.f32 v18, v26;
	[tilespmem:s18+$0xFFFFFF10] =	vst v19  }
0x1ab: {  	[tilespmem:s18+$0xFFFFFE40] =	vst v20  }
0x1ac: {  	s0 =	sadd.s32 $0x18B00, s13;
	s15 =	simm.s32 $0x1B400;
	[tilespmem:s18+$0xFFFFFF20] =	vst v17  }
0x1ad: {  	[spmem:s2] =	stream.indirect.scatter.add.f32 [tilespmem:s15], [sflag:$0x7], $0x20, s0, s23, $0xb8;
	[tilespmem:$0x1FDE0] =	vst v63  }
0x1ae: {  	_ =	swait.ge [sflag:s16], $0x1000  }
0x1af: {  	s18 =	simm.s32 @!p0 $0x1B400;
	[sflag:s16] =	ssyncset.done $0x0  }
0x1b0: {  	s0 =	ssub.s32 @!p0 $0x18D00, s13;
	s15 =	simm.s32 @!p0 $0x80;
	[sflag:s16] =	ssyncadd.s32 $0xFFFFF000  }
0x1b1: {  	[tilespmem:s18], [sflag:$0x3] =	stream.indirect.gather @!p0 [hbm4b:s29+s15], $0x20, s0, s15, $0xb8;
	[tilespmem:$0x1FDE0] =	vst v63  }
0x1b2: {  	_ =	swait.ge [sflag:s8], $0x1000  }
0x1b3: {  	[sflag:s8] =	ssyncset.done $0x0  }
0x1b4: {  	s18 =	simm.s32 $0x1C5F0;
	[sflag:s8] =	ssyncadd.s32 $0xFFFFF000  }
0x1b5: {  	v23 =	vld [tilespmem:s18+$0xFFFFFEB0]  }
0x1b6: {  	v28 =	vld [tilespmem:s18+$0xFFFFFFF0]  }
0x1b7: {  	s17 =	sadd.s32 $0x19180, s17;
	v17 =	vld [tilespmem:s18+$0xFFFFFE70]  }
0x1b8: {  	v20 =	vmov s17;
	v21 =	vld [tilespmem:s18+$0xFFFFFF00]  }
0x1b9: {  	v24 =	vld [tilespmem:s18+$0xFFFFFEE0]  }
0x1ba: {  	v25 =	vld [tilespmem:s18+$0xFFFFFF90]  }
0x1bb: {  	v29 =	vld [tilespmem:s18+$0xFFFFFE20]  }
0x1bc: {  	s31 =	simm.s32 $0x0;
	v27 =	vld [tilespmem:s18+$0xFFFFFE50]  }
0x1bd: {  	v18 =	vld.idx.msk [tilespmem:v20+s31+$0x0 ss:$0x1], $0xffff  }
0x1be: {  	v19 =	vld [tilespmem:s18+$0xFFFFFEA0]  }
0x1bf: {  	v26 =	vld [tilespmem:s18+$0xFFFFFED0]  }
0x1c0: {  	v30 =	vld [tilespmem:s18+$0xFFFFFE10]  }
0x1c1: {  	v31 =	vld [tilespmem:s18+$0xFFFFFFE0]  }
0x1c2: {  	v39 =	vld [tilespmem:s18+$0xFFFFFFD0]  }
0x1c3: {  	v37 =	vld [tilespmem:s18+$0xFFFFFFA0];
	v35 =	vperm.xlane v18, v1;
	v22 =	vperm.xlane v18, v16  }
0x1c4: {  	v38 =	vld [tilespmem:s18+$0xFFFFFE60];
	v36 =	vperm.xlane v18, v3;
	v34 =	vperm.xlane v18, v15  }
0x1c5: {  	v33 =	vld [tilespmem:s18+$0xFFFFFFC0];
	v32 =	vperm.xlane v18, v13;
	v41 =	vmul.f32 v35, v30  }
0x1c6: {  	s17 =	simm.s32 $0x1C5F0;
	s15 =	simm.s32 $0x40;
	v30 =	vperm.xlane v18, v14;
	v40 =	vmul.f32 v36, v27;
	v27 =	vld [tilespmem:s18+$0xFFFFFF70]  }
.LBB2_19:
0x1c7: {  	p0 =	sne.s32 s15, $0x1C0  }
0x1c8: {  	[tilespmem:s18+$0xFFFFFE10] =	vst v41;
	v41 =	vld [tilespmem:s18+$0xFFFFFEC0];
	v39 =	vmul.f32 v34, v39;
	v28 =	vmul.f32 v22, v28;
	s17 =	sadd.s32 $0x200, s17;
	s0 =	smov.u32 s15;
	s15 =	sadd.s32 $0x40, s15  }
0x1c9: {  	[tilespmem:s18+$0xFFFFFE50] =	vst v40;
	v40 =	vperm.xlane v18, v11;
	v37 =	vmul.f32 v32, v37;
	v42 =	vld [tilespmem:s18+$0xFFFFFFB0]  }
0x1ca: {  	v29 =	vmul.f32 v35, v29;
	v35 =	vmul.f32 v36, v38;
	v36 =	vld [tilespmem:s18+$0xFFFFFF80];
	[tilespmem:s18+$0xFFFFFFF0] =	vst v28  }
0x1cb: {  	v28 =	vperm.xlane v18, v6;
	v38 =	vld [tilespmem:s18+$0xFFFFFEF0];
	v33 =	vmul.f32 v30, v33;
	[tilespmem:s18+$0xFFFFFFD0] =	vst v39  }
0x1cc: {  	v31 =	vmul.f32 v34, v31;
	[tilespmem:s18+$0xFFFFFE20] =	vst v29;
	v29 =	vperm.xlane v18, v7;
	v39 =	vld [tilespmem:s18+$0xFFFFFF50]  }
0x1cd: {  	v43 =	vperm.xlane v18, v12;
	v23 =	vmul.f32 v28, v23;
	v34 =	vld [tilespmem:s18+$0xFFFFFE30];
	[tilespmem:s18+$0xFFFFFFA0] =	vst v37  }
0x1ce: {  	[tilespmem:s18+$0xFFFFFE60] =	vst v35;
	v35 =	vperm.xlane v18, v10;
	v37 =	vld [tilespmem:s18+$0xFFFFFF30];
	v30 =	vmul.f32 v30, v42  }
0x1cf: {  	v28 =	vmul.f32 v28, v41;
	v41 =	vld [tilespmem:s18+$0xFFFFFF60];
	v36 =	vmul.f32 v43, v36;
	[tilespmem:s18+$0xFFFFFFE0] =	vst v31  }
0x1d0: {  	v25 =	vmul.f32 v32, v25;
	v31 =	vperm.xlane v18, v8;
	v42 =	vld [tilespmem:s18+$0xFFFFFF40];
	[tilespmem:s18+$0xFFFFFFB0] =	vst v30  }
0x1d1: {  	v26 =	vmul.f32 v29, v26;
	v30 =	vperm.xlane v18, v4;
	v32 =	vld [tilespmem:s18+$0xFFFFFF10];
	[tilespmem:s18+$0xFFFFFF80] =	vst v36  }
0x1d2: {  	v27 =	vmul.f32 v43, v27;
	v24 =	vmul.f32 v29, v24;
	v29 =	vld [tilespmem:s18+$0xFFFFFF20];
	[tilespmem:s18+$0xFFFFFF90] =	vst v25  }
0x1d3: {  	v36 =	vperm.xlane v18, v9;
	v39 =	vmul.f32 v40, v39;
	v25 =	vld [tilespmem:s18+$0xFFFFFE40];
	[tilespmem:s18+$0xFFFFFFC0] =	vst v33  }
0x1d4: {  	v33 =	vperm.xlane v18, v2;
	v43 =	vld [tilespmem:s18+$0xFFFFFE80];
	[tilespmem:s18+$0xFFFFFEE0] =	vst v24;
	v40 =	vmul.f32 v40, v41  }
0x1d5: {  	v21 =	vmul.f32 v31, v21;
	v24 =	vmul.f32 v31, v38;
	[tilespmem:s18+$0xFFFFFED0] =	vst v26;
	v26 =	vld [tilespmem:s18+$0x0]  }
0x1d6: {  	v38 =	vmul.f32 v35, v42;
	v31 =	vld [tilespmem:s18+$0xFFFFFE90];
	[tilespmem:s18+$0xFFFFFEB0] =	vst v23;
	v32 =	vmul.f32 v36, v32  }
0x1d7: {  	v23 =	vld [tilespmem:s17+$0xFFFFFEB0];
	[tilespmem:s18+$0xFFFFFF00] =	vst v21;
	v36 =	vmul.f32 v36, v29;
	v21 =	vmul.f32 v35, v37  }
0x1d8: {  	v29 =	vmul.f32 v33, v34;
	v33 =	vmul.f32 v33, v25;
	[tilespmem:s18+$0xFFFFFF70] =	vst v27  }
0x1d9: {  	v17 =	vmul.f32 v30, v17;
	v25 =	vmul.f32 v30, v43;
	[tilespmem:s18+$0xFFFFFEC0] =	vst v28  }
0x1da: {  	v18 =	vperm.xlane v18, v5;
	[tilespmem:s18+$0xFFFFFE30] =	vst v29;
	v22 =	vmul.f32 v22, v26  }
0x1db: {  	[tilespmem:s18+$0xFFFFFE70] =	vst v17  }
0x1dc: {  	v26 =	vmul.f32 v18, v31;
	v17 =	vmul.f32 v18, v19;
	[tilespmem:s18+$0xFFFFFF50] =	vst v39  }
0x1dd: {  	[tilespmem:s18+$0xFFFFFEF0] =	vst v24  }
0x1de: {  	[tilespmem:s18+$0x0] =	vst v22  }
0x1df: {  	[tilespmem:s18+$0xFFFFFEA0] =	vst v17  }
0x1e0: {  	[tilespmem:s18+$0xFFFFFE80] =	vst v25  }
0x1e1: {  	v28 =	vld [tilespmem:s17+$0xFFFFFFF0];
	[tilespmem:s18+$0xFFFFFF30] =	vst v21  }
0x1e2: {  	v17 =	vld [tilespmem:s17+$0xFFFFFE70];
	[tilespmem:s18+$0xFFFFFF40] =	vst v38  }
0x1e3: {  	v21 =	vld [tilespmem:s17+$0xFFFFFF00];
	[tilespmem:s18+$0xFFFFFE90] =	vst v26  }
0x1e4: {  	v24 =	vld [tilespmem:s17+$0xFFFFFEE0];
	[tilespmem:s18+$0xFFFFFF60] =	vst v40  }
0x1e5: {  	v25 =	vld [tilespmem:s17+$0xFFFFFF90];
	[tilespmem:s18+$0xFFFFFF10] =	vst v32  }
0x1e6: {  	v29 =	vld [tilespmem:s17+$0xFFFFFE20];
	[tilespmem:s18+$0xFFFFFE40] =	vst v33  }
0x1e7: {  	s0 =	sshra.s32 s0, $0x2;
	v27 =	vld [tilespmem:s17+$0xFFFFFE50];
	[tilespmem:s18+$0xFFFFFF20] =	vst v36;
	s18 =	smov.u32 s17  }
0x1e8: {  	v18 =	vld.idx.msk [tilespmem:v20+s0+$0x0 ss:$0x1], $0xffff  }
0x1e9: {  	v19 =	vld [tilespmem:s17+$0xFFFFFEA0]  }
0x1ea: {  	v26 =	vld [tilespmem:s17+$0xFFFFFED0]  }
0x1eb: {  	v30 =	vld [tilespmem:s17+$0xFFFFFE10]  }
0x1ec: {  	v31 =	vld [tilespmem:s17+$0xFFFFFFE0]  }
.Ltmp9:
0x1ed: {  	v39 =	vld [tilespmem:s17+$0xFFFFFFD0];
	(pc) =	sbr.rel @p0 .LBB2_19-.Ltmp9, $4  }
0x1ee: {  	v35 =	vperm.xlane v18, v1;
	v22 =	vperm.xlane v18, v16;
	v37 =	vld [tilespmem:s17+$0xFFFFFFA0]  }
0x1ef: {  	v36 =	vperm.xlane v18, v3;
	v34 =	vperm.xlane v18, v15;
	v38 =	vld [tilespmem:s17+$0xFFFFFE60]  }
0x1f0: {  	v41 =	vmul.f32 v35, v30;
	v30 =	vperm.xlane v18, v14;
	v33 =	vld [tilespmem:s17+$0xFFFFFFC0]  }
0x1f1: {  	v32 =	vperm.xlane v18, v13;
	v40 =	vmul.f32 v36, v27;
	v27 =	vld [tilespmem:s17+$0xFFFFFF70]  }
0x1f2: {  	[tilespmem:s18+$0xFFFFFE10] =	vst v41;
	v20 =	vmul.f32 v22, v28  }
0x1f3: {  	v54 =	vmul.f32 v34, v39;
	[tilespmem:s18+$0xFFFFFE50] =	vst v40  }
0x1f4: {  	v29 =	vmul.f32 v35, v29;
	[tilespmem:s18+$0xFFFFFFF0] =	vst v20  }
0x1f5: {  	v59 =	vmul.f32 v34, v31;
	[tilespmem:s18+$0xFFFFFFD0] =	vst v54  }
0x1f6: {  	v57 =	vmul.f32 v32, v37;
	[tilespmem:s18+$0xFFFFFE20] =	vst v29  }
0x1f7: {  	v41 =	vperm.xlane v18, v7;
	v25 =	vmul.f32 v32, v25;
	[tilespmem:s18+$0xFFFFFFE0] =	vst v59  }
0x1f8: {  	v36 =	vmul.f32 v36, v38;
	[tilespmem:s18+$0xFFFFFFA0] =	vst v57  }
0x1f9: {  	v45 =	vperm.xlane v18, v6;
	v24 =	vmul.f32 v41, v24;
	[tilespmem:s18+$0xFFFFFF90] =	vst v25  }
0x1fa: {  	v47 =	vperm.xlane v18, v8;
	v26 =	vmul.f32 v41, v26;
	[tilespmem:s18+$0xFFFFFE60] =	vst v36  }
0x1fb: {  	v23 =	vmul.f32 v45, v23;
	[tilespmem:s18+$0xFFFFFEE0] =	vst v24  }
0x1fc: {  	v55 =	vld [tilespmem:s18+$0xFFFFFFB0];
	v61 =	vperm.xlane v18, v12;
	v21 =	vmul.f32 v47, v21;
	[tilespmem:s18+$0xFFFFFED0] =	vst v26  }
0x1fd: {  	v56 =	vld [tilespmem:s18+$0xFFFFFF80];
	v54 =	vperm.xlane v18, v4;
	v43 =	vmul.f32 v30, v33;
	[tilespmem:s18+$0xFFFFFEB0] =	vst v23  }
0x1fe: {  	v58 =	vld [tilespmem:s18+$0xFFFFFEC0];
	v59 =	vperm.xlane v18, v5;
	v27 =	vmul.f32 v61, v27;
	[tilespmem:s18+$0xFFFFFF00] =	vst v21  }
0x1ff: {  	v60 =	vld [tilespmem:s18+$0xFFFFFE30];
	v17 =	vmul.f32 v54, v17;
	[tilespmem:s18+$0xFFFFFFC0] =	vst v43  }
0x200: {  	v62 =	vld [tilespmem:s18+$0xFFFFFEF0];
	v19 =	vmul.f32 v59, v19;
	[tilespmem:s18+$0xFFFFFF70] =	vst v27  }
0x201: {  	v49 =	vld [tilespmem:s18+$0xFFFFFE80];
	v63 =	vmul.f32 v30, v55;
	[tilespmem:s18+$0xFFFFFE70] =	vst v17  }
0x202: {  	v50 =	vld [tilespmem:s18+$0xFFFFFE90];
	v52 =	vperm.xlane v18, v2;
	v35 =	vmul.f32 v61, v56;
	[tilespmem:s18+$0xFFFFFEA0] =	vst v19  }
0x203: {  	v40 =	vld [tilespmem:s18+$0xFFFFFF50];
	v53 =	vmul.f32 v45, v58;
	[tilespmem:s18+$0xFFFFFFB0] =	vst v63  }
0x204: {  	v55 =	vld [tilespmem:s18+$0x0];
	v31 =	vmul.f32 v52, v60;
	[tilespmem:s18+$0xFFFFFF80] =	vst v35  }
0x205: {  	v46 =	vld [tilespmem:s18+$0xFFFFFF40];
	v20 =	vmul.f32 v47, v62;
	[tilespmem:s18+$0xFFFFFEC0] =	vst v53  }
0x206: {  	v44 =	vld [tilespmem:s18+$0xFFFFFF30];
	v56 =	vperm.xlane v18, v11;
	v61 =	vmul.f32 v54, v49;
	[tilespmem:s18+$0xFFFFFE30] =	vst v31  }
0x207: {  	v57 =	vld [tilespmem:s18+$0xFFFFFE40];
	v62 =	vmul.f32 v59, v50;
	[tilespmem:s18+$0xFFFFFEF0] =	vst v20  }
0x208: {  	v42 =	vld [tilespmem:s18+$0xFFFFFF60];
	v60 =	vperm.xlane v18, v10;
	v58 =	vmul.f32 v56, v40;
	[tilespmem:s18+$0xFFFFFE80] =	vst v61  }
0x209: {  	v48 =	vld [tilespmem:s18+$0xFFFFFF10];
	[tilespmem:s18+$0xFFFFFE90] =	vst v62;
	v17 =	vmul.f32 v22, v55  }
0x20a: {  	v51 =	vld [tilespmem:s18+$0xFFFFFF20];
	v19 =	vmul.f32 v60, v46;
	[tilespmem:s18+$0xFFFFFF50] =	vst v58  }
0x20b: {  	[tilespmem:s18+$0x0] =	vst v17;
	v17 =	vmul.f32 v60, v44  }
0x20c: {  	v18 =	vperm.xlane v18, v9;
	v63 =	vmul.f32 v52, v57;
	[tilespmem:s18+$0xFFFFFF40] =	vst v19  }
0x20d: {  	p0 =	sne.s32 s24, $0x62;
	[tilespmem:s18+$0xFFFFFF30] =	vst v17;
	v17 =	vmul.f32 v56, v42  }
.Ltmp10:
0x20e: {  	v19 =	vmul.f32 v18, v48;
	[tilespmem:s18+$0xFFFFFE40] =	vst v63;
	(pc) =	sbr.rel @p0 .LBB2_12-.Ltmp10, $4  }
0x20f: {  	[tilespmem:s18+$0xFFFFFF60] =	vst v17;
	v17 =	vmul.f32 v18, v51  }
0x210: {  	[tilespmem:s18+$0xFFFFFF10] =	vst v19  }
0x211: {  	s0 =	sadd.s32 $0x18B80, s13;
	s1 =	sxor.u32 $0x1, s1;
	[tilespmem:s18+$0xFFFFFF20] =	vst v17  }
0x212: {  	[spmem:s2] =	stream.indirect.scatter.add.f32 [tilespmem:s4], [sflag:$0x8], $0x20, s0, s23, $0xb8;
	[tilespmem:$0x1FDE0] =	vst v63  }
0x213: {  	_ =	swait.ge [sflag:s10], $0x1000  }
0x214: {  	[sflag:s10] =	ssyncset.done $0x0  }
0x215: {  	[sflag:s10] =	ssyncadd.s32 $0xFFFFF000  }
0x216: {  	[bflag:$0x0] =	sbarrier.arrive $0xFFFF  }
0x217: {  	v18 =	vld [tilespmem:$0x1FC10]  }
0x218: {  	s0 =	rddreg [dreg:$0x13];
	v22 =	vld [tilespmem:$0x1FC50]  }
0x219: {  	v17 =	vld [tilespmem:$0x1FC00];
	s13 =	rddreg [dreg:$0x14]  }
0x21a: {  	s28 =	smov.u32 s25;
	v20 =	vld [tilespmem:$0x1FC30];
	p0 =	seq.s32 s0, $0x1;
	s0 =	sadd.s32 $0xFF9E0000, s13  }
0x21b: {  	s15 =	simm.s32 $0x0;
	v21 =	vld [tilespmem:$0x1FC40];
	s1 =	rddreg [dreg:$0x5];
	s0 =	simm.s32 @p0 $0x21B0000  }
0x21c: {  	v19 =	vld [tilespmem:$0x1FC20];
	s0 =	sadd.s32 s0, s1;
	s1 =	sadd.s32 s1, s13;
	s13 =	simm.s32 $0x0  }
.LBB2_22:
0x21d: {  	s17 =	sshll.u32 s15, $0xB  }
0x21e: {  	s18 =	sadd.s32 s9, s17  }
0x21f: {  	s24 =	simm.s32 $0x1D400;
	s17 =	sadd.s32 s18, s2;
	s25 =	sadd.s32 s6, s18  }
0x220: {  	[tilespmem:s24], [sflag:$0xA] =	stream.linear.gather [spmem:s17], $0x800, $0x38;
	[tilespmem:$0x1FDE0] =	vst v63  }
0x221: {  	s24 =	sshrl.u32 s25, $0x3  }
0x222: {  	s25 =	simm.s32 $0x1DC00;
	s24 =	sadd.s32 s11, s24  }
0x223: {  	[tilespmem:s25], [sflag:$0xB] =	stream.linear.gather [hbm4b:s24+s13], $0x800, $0x38;
	[tilespmem:$0x1FDE0] =	vst v63  }
0x224: {  	s25 =	sadd.s32 s0, s18  }
0x225: {  	s24 =	sshrl.u32 s25, $0x3  }
0x226: {  	s25 =	simm.s32 $0x1E400;
	s24 =	sadd.s32 s11, s24  }
0x227: {  	[tilespmem:s25], [sflag:$0xC] =	stream.linear.gather [hbm4b:s24+s13], $0x800, $0x38;
	[tilespmem:$0x1FDE0] =	vst v63  }
0x228: {  	_ =	swait.ge [sflag:s19], $0x800  }
0x229: {  	[sflag:s19] =	ssyncset.done $0x0  }
0x22a: {  	[sflag:s19] =	ssyncadd.s32 $0xFFFFF800  }
0x22b: {  	_ =	swait.ge [sflag:s20], $0x800  }
0x22c: {  	[sflag:s20] =	ssyncset.done $0x0  }
0x22d: {  	[sflag:s20] =	ssyncadd.s32 $0xFFFFF800  }
0x22e: {  	_ =	swait.ge [sflag:s21], $0x800  }
0x22f: {  	[sflag:s21] =	ssyncset.done $0x0  }
0x230: {  	s24 =	simm.s32 $0x0;
	[sflag:s21] =	ssyncadd.s32 $0xFFFFF800  }
0x231: {  	v23 =	vld [tilespmem:s24+$0x1DC10]  }
0x232: {  	v25 =	vld [tilespmem:s24+$0x1D410]  }
0x233: {  	v26 =	vld [tilespmem:s24+$0x1E410]  }
0x234: {  	v27 =	vld [tilespmem:s24+$0x1DC00]  }
0x235: {  	v29 =	vld [tilespmem:s24+$0x1D400]  }
0x236: {  	s29 =	simm.s32 $0x20;
	v30 =	vld [tilespmem:s24+$0x1E400];
	v28 =	vmul.f32 v23, v18  }
0x237: {  	v24 =	vld [tilespmem:s29+$0x1DC10]  }
0x238: {  	v23 =	vld [tilespmem:s29+$0x1D410];
	v26 =	vmul.f32 v26, v20;
	v28 =	vsub.f32 v25, v28  }
0x239: {  	v31 =	vmul.f32 v27, v17;
	v25 =	vld [tilespmem:s29+$0x1E410]  }
0x23a: {  	v27 =	vld [tilespmem:s29+$0x1DC00];
	v28 =	vsub.f32 v28, v26  }
0x23b: {  	s31 =	simm.s32 $0x100;
	v30 =	vmul.f32 v30, v19;
	v29 =	vsub.f32 v29, v31;
	v26 =	vld [tilespmem:s29+$0x1D400]  }
.LBB2_23:
0x23c: {  	s25 =	sshra.s32 s31, $0x2;
	p0 =	sne.s32 s31, $0x1F80;
	s31 =	sadd.s32 $0x80, s31;
	v31 =	vld [tilespmem:s29+$0x1E400];
	v32 =	vmul.f32 v24, v18;
	v28 =	vmul.f32 v28, v22  }
.Ltmp11:
0x23d: {  	v24 =	vld [tilespmem:s25+$0x1DC10];
	v29 =	vsub.f32 v29, v30;
	(pc) =	sbr.rel @p0 .LBB2_23-.Ltmp11, $4  }
0x23e: {  	v30 =	vsub.f32 v23, v32;
	v23 =	vld [tilespmem:s25+$0x1D410];
	v32 =	vmul.f32 v25, v20;
	[tilespmem:s24+$0x1EC10] =	vst v28  }
0x23f: {  	v25 =	vld [tilespmem:s25+$0x1E410];
	v33 =	vmul.f32 v27, v17;
	v34 =	vmul.f32 v29, v21  }
0x240: {  	v27 =	vld [tilespmem:s25+$0x1DC00];
	v28 =	vsub.f32 v30, v32  }
0x241: {  	v29 =	vsub.f32 v26, v33;
	v26 =	vld [tilespmem:s25+$0x1D400];
	v30 =	vmul.f32 v31, v19;
	[tilespmem:s24+$0x1EC00] =	vst v34;
	s24 =	smov.u32 s29;
	s29 =	smov.u32 s25  }
0x242: {  	v31 =	vld [tilespmem:s29+$0x1E400];
	_ =	sdelay $0x1  }
0x243: {  	v24 =	vmul.f32 v24, v18  }
0x244: {  	v27 =	vmul.f32 v27, v17  }
0x245: {  	v23 =	vsub.f32 v23, v24;
	v58 =	vmul.f32 v25, v20  }
0x246: {  	v59 =	vsub.f32 v29, v30;
	v26 =	vsub.f32 v26, v27;
	v60 =	vmul.f32 v31, v19  }
0x247: {  	v28 =	vmul.f32 v28, v22;
	v23 =	vsub.f32 v23, v58  }
0x248: {  	v61 =	vmul.f32 v59, v21;
	v62 =	vsub.f32 v26, v60  }
0x249: {  	[tilespmem:s24+$0x1EC10] =	vst v28;
	v23 =	vmul.f32 v23, v22  }
0x24a: {  	[tilespmem:s24+$0x1EC00] =	vst v61;
	v63 =	vmul.f32 v62, v21  }
0x24b: {  	p0 =	seq.s32 s15, $0x0;
	[tilespmem:s29+$0x1EC10] =	vst v23  }
0x24c: {  	s24 =	simm.s32 @!p0 $0xD;
	[tilespmem:s29+$0x1EC00] =	vst v63  }
0x24d: {  	_ =	swait.ge @!p0 [sflag:s24], $0x800  }
0x24e: {  	s15 =	sadd.s32 $0x1, s15;
	[sflag:s24] =	ssyncset.done @!p0 $0x0  }
0x24f: {  	s18 =	sadd.s32 s18, s1;
	[sflag:s24] =	ssyncadd.s32 @!p0 $0xFFFFF800;
	p0 =	sne.s32 s15, $0x31  }
.Ltmp12:
0x250: {  	s18 =	sshrl.u32 s18, $0x3;
	(pc) =	sbr.rel @p0 .LBB2_22-.Ltmp12, $4  }
0x251: {  	s31 =	simm.s32 $0x0;
	s25 =	simm.s32 $0x1EC00;
	s18 =	sadd.s32 s11, s18  }
0x252: {  	[hbm4b:s18+s31] =	stream.linear.scatter [tilespmem:s25], [sflag:$0xD], $0x800, $0x38;
	[tilespmem:$0x1FDE0] =	vst v63  }
0x253: {  	_ = 	snop  }
0x254: {  	[spmem:s17] =	stream.linear.scatter [tilespmem:s3], [sflag:$0xE], $0x800, $0x38;
	[tilespmem:$0x1FDE0] =	vst v63  }
0x255: {  	s0 =	simm.s32 $0xD  }
0x256: {  	_ =	swait.ge [sflag:s0], $0x800  }
0x257: {  	[sflag:s0] =	ssyncset.done $0x0  }
0x258: {  	[sflag:s0] =	ssyncadd.s32 $0xFFFFF800  }
0x259: {  	_ =	swait.ge [sflag:s30], $0x800  }
0x25a: {  	s0 =	simm.s32 $0x30;
	[sflag:s30] =	ssyncset.done $0x0  }
.LBB2_26:
0x25b: {  	p0 =	sne.s32 s0, $0x1;
	s0 =	sadd.s32 $0xFFFFFFFF, s0;
	[sflag:s30] =	ssyncadd.s32 $0xFFFFF800  }
.Ltmp13:
0x25c: {  	(pc) =	sbr.rel @p0 .LBB2_26-.Ltmp13, $3  }
0x25d: {  	_ =	sdelay $0x1  }
0x25e: {  	_ =	swait.ge [sflag:s30], $0x800  }
0x25f: {  	[sflag:s30] =	ssyncset.done $0x0  }
0x260: {  	s6 =	rddreg [dreg:$0x13]  }
0x261: {  	s6 =	sadd.s32 $0x1, s6  }
0x262: {  	p0 =	sne.s32 s6, $0xB  }
.Ltmp14:
0x263: {  	_ = 	snop;
	(pc) =	sbr.rel @p0 .LBB2_11-.Ltmp14, $4  }
0x264: {  	_ = 	snop  }
0x265: {  	[sflag:s30] =	ssyncadd.s32 $0xFFFFF800  }
0x266: {  	[bflag:$0x0] =	sbarrier.arrive $0xFFFF  }
0x267: {  	s1 =	simm.s32 $0x0;
	s25 =	smov.u32 s28;
	s29 =	simm.s32 $0xF  }
.LBB2_28:
0x268: {  	s0 =	simm.s32 $0x80;
	s6 =	simm.s32 $0x0  }
.LBB2_29:
0x269: {  	p0 =	sne.s32 s0, $0x1F80;
	[tilespmem:s6+$0x1EC00] =	vst v0;
	s13 =	smov.u32 s0;
	s0 =	sadd.s32 $0x80, s0  }
.Ltmp15:
0x26a: {  	[tilespmem:s6+$0x1EC10] =	vst v0;
	(pc) =	sbr.rel @p0 .LBB2_29-.Ltmp15, $2  }
0x26b: {  	_ =	sdelay $0x2  }
0x26c: {  	s6 =	sshra.s32 s13, $0x2  }
0x26d: {  	s0 =	sshll.u32 s1, $0xB  }
0x26e: {  	s25 =	rddreg [dreg:$0x5];
	[tilespmem:s6+$0x1EC00] =	vst v0;
	s13 =	sadd.s32 s9, s0  }
0x26f: {  	[tilespmem:s6+$0x1EC10] =	vst v0;
	s6 =	simm.s32 $0x0;
	s17 =	simm.s32 $0x19400;
	s0 =	sadd.s32 s25, s13  }
0x270: {  	s31 =	rddreg [dreg:$0x10];
	p0 =	por $0x0, $0x0;
	s0 =	sshrl.u32 s0, $0x3  }
0x271: {  	s3 =	simm.s32 $0x0;
	s13 =	sadd.s32 s13, s31;
	s15 =	sadd.s32 s11, s0  }
0x272: {  	[tilespmem:s17], [sflag:$0xA] =	stream.linear.gather [hbm4b:s15+s6], $0x800, $0x38;
	[tilespmem:$0x1FDE0] =	vst v63  }
.LBB2_31:
0x273: {  	s15 =	sand.u32 $0x1, s6;
	p1 =	seq.s32 s6, $0xA;
	s24 =	simm.s32 $0x1  }
0x274: {  	s17 =	sor.u32 $0xA, s15;
	s18 =	smul.u32 @!p1 $0x310000, s6;
	s15 =	sxor.u32 @!p1 $0x1, s15  }
0x275: {  	s24 =	simm.s32 @!p0 $0x0;
	_ =	swait.ge [sflag:s17], $0x800;
	s25 =	sshll.u32 @!p1 s15, $0xC  }
0x276: {  	s15 =	sor.u32 @!p1 $0xA, s15;
	[sflag:s17] =	ssyncset.done $0x0;
	s18 =	sadd.s32 @!p1 s18, s13  }
0x277: {  	s31 =	sshll.u32 s24, $0xC;
	[sflag:s17] =	ssyncadd.s32 $0xFFFFF800;
	s18 =	sshrl.u32 @!p1 s18, $0x3  }
0x278: {  	s17 =	sadd.s32 @!p1 $0x19400, s25;
	s25 =	simm.s32 @!p1 $0x0;
	s18 =	sadd.s32 @!p1 s11, s18  }
0x279: {  	[tilespmem:s17], [sflag:s15] =	stream.linear.gather @!p1 [hbm4b:s18+s25], $0x800, $0x38;
	[tilespmem:$0x1FDE0] =	vst v63  }
0x27a: {  	s17 =	sadd.s32 $0x19400, s31  }
0x27b: {  	v18 =	vmov s17  }
0x27c: {  	s25 =	sshll.u32 s6, $0x5  }
0x27d: {  	s15 =	sand.u32 $0x3FFFFFE0, s25  }
0x27e: {  	v19 =	vld [tilespmem:s15+$0x1FC80]  }
0x27f: {  	s17 =	simm.s32 $0x80;
	v17 =	vld [tilespmem:s15+$0x1FC90];
	s15 =	simm.s32 $0x0  }
.LBB2_32:
0x280: {  	p1 =	sne.s32 s17, $0x1F80;
	v20 =	vld.idx.msk [tilespmem:v18+s15+$0x0 ss:$0x1], $0xffff;
	_ =	sdelay $0x2  }
0x281: {  	v21 =	vld [tilespmem:s15+$0x1EC00];
	_ =	sdelay $0x2  }
0x282: {  	v20 =	vmul.f32 v20, v19;
	_ =	sdelay $0x1  }
0x283: {  	v20 =	vadd.f32 v20, v21;
	_ =	sdelay $0x1  }
0x284: {  	[tilespmem:s15+$0x1EC00] =	vst v20  }
0x285: {  	v20 =	vld.idx.msk [tilespmem:v18+s15+$0x10 ss:$0x1], $0xffff;
	_ =	sdelay $0x2  }
0x286: {  	v21 =	vld [tilespmem:s15+$0x1EC10];
	_ =	sdelay $0x2  }
.Ltmp16:
0x287: {  	v20 =	vmul.f32 v20, v17;
	(pc) =	sbr.rel @p1 .LBB2_32-.Ltmp16, $3  }
0x288: {  	_ = 	snop  }
0x289: {  	v20 =	vadd.f32 v20, v21;
	_ =	sdelay $0x1  }
0x28a: {  	[tilespmem:s15+$0x1EC10] =	vst v20;
	s15 =	sshra.s32 s17, $0x2;
	s17 =	sadd.s32 $0x80, s17  }
0x28b: {  	_ =	sdelay $0x3  }
0x28c: {  	v20 =	vld.idx.msk [tilespmem:v18+s15+$0x0 ss:$0x1], $0xffff;
	_ =	sdelay $0x1  }
0x28d: {  	v21 =	vld [tilespmem:s15+$0x1EC00];
	_ =	sdelay $0x2  }
0x28e: {  	v19 =	vmul.f32 v20, v19;
	_ =	sdelay $0x1  }
0x28f: {  	v19 =	vadd.f32 v19, v21;
	_ =	sdelay $0x1  }
0x290: {  	[tilespmem:s15+$0x1EC00] =	vst v19  }
0x291: {  	v18 =	vld.idx.msk [tilespmem:v18+s15+$0x10 ss:$0x1], $0xffff;
	_ =	sdelay $0x1  }
0x292: {  	v19 =	vld [tilespmem:s15+$0x1EC10]  }
0x293: {  	s6 =	sadd.s32 $0x1, s6  }
0x294: {  	p1 =	sne.s32 s6, $0xB  }
.Ltmp17:
0x295: {  	v17 =	vmul.f32 v18, v17;
	(pc) =	sbr.rel @p1 .LBB2_31-.Ltmp17, $3  }
0x296: {  	_ = 	snop  }
0x297: {  	v17 =	vadd.f32 v17, v19;
	_ =	sdelay $0x1  }
0x298: {  	p0 =	por !p0, !p0;
	[tilespmem:s15+$0x1EC10] =	vst v17  }
0x299: {  	s1 =	sadd.s32 $0x1, s1  }
0x29a: {  	s6 =	rddreg [dreg:$0x7];
	p0 =	sne.s32 s1, $0x31  }
.Ltmp18:
0x29b: {  	s31 =	simm.s32 $0x1EC00;
	s0 =	sadd.s32 s6, s0;
	(pc) =	sbr.rel @p0 .LBB2_28-.Ltmp18, $4  }
0x29c: {  	[hbm4b:s0+s3] =	stream.linear.scatter [tilespmem:s31], [sflag:$0xF], $0x800, $0x38;
	[tilespmem:$0x1FDE0] =	vst v63  }
0x29d: {  	_ =	swait.ge [sflag:s29], $0x800  }
0x29e: {  	[sflag:s29] =	ssyncset.done $0x0  }
0x29f: {  	[sflag:s29] =	ssyncadd.s32 $0xFFFFF800  }
0x2a0: {  	s1 =	rddreg [dreg:$0x12]  }
0x2a1: {  	s0 =	rddreg [dreg:$0x11];
	s1 =	sadd.s32 $0x1, s1  }
0x2a2: {  	p0 =	sne.s32 s1, s0  }
.Ltmp19:
0x2a3: {  	_ = 	snop;
	(pc) =	sbr.rel @p0 .LBB2_1-.Ltmp19, $4  }
0x2a4: {  	_ = 	snop  }
0x2a5: {  	s18 =	rddreg [dreg:$0x4]  }
0x2a6: {  	s24 =	rddreg [dreg:$0x8]  }
0x2a7: {  	s25 =	smov.u32 s28;
	s28 =	rddreg [dreg:$0xb]  }
0x2a8: {  	_ =	sfence.sel $0x180000  }
0x2a9: {  	[bflag:$0x0] =	sbarrier.arrive $0xFFFF  }
0x2aa: {  	_ =	strace $0x90000047  }
0x2ab: {  	s0 =	stileid.u32;
	[bflag:$0x2] =	sbarrier.arrive $0xFFFF  }
0x2ac: {  	p0 =	sne.s32 s0, $0x0;
	s0 =	rddreg [dreg:$0x3]  }
0x2ad: {  	s0 =	sadd.s32 @!p0 $0x100000, s0  }
0x2ae: {  	[sflag:s0] =	ssyncadd.tile.s32 @!p0 $0x1;
	_ =	shalt  }
.Lfunc_end2:
_tile_overlayer_lowered:
.L_overlay_start_2:
0x2af: {  	(tag) =	ssettag $0x2  }
0x2b0: {  	s0 =	rddreg [dreg:$0x0];
	s2 =	stileid.u32  }
0x2b1: {  	s1 =	rddreg [dreg:$0x1];
	p0 =	sne.s32 s2, $0x0  }
0x2b2: {  	s3 =	rddreg [dreg:$0x2];
	[bflag:$0x3] =	sbarrier.arrive $0xFFFF;
	s2 =	simm.s32 @!p0 $0x1C0F  }
0x2b3: {  	[timem:s3], [sflag:s2] =	dma.local @!p0 [hbm:s0], s1  }
0x2b4: {  	s0 =	simm.s32 @!p0 $0xF  }
0x2b5: {  	_ =	swait.ge @!p0 [sflag:s0], s1  }
0x2b6: {  	s1 =	ssub.s32 @!p0 $0x0, s1;
	[sflag:s0] =	ssyncset.done @!p0 $0x0  }
0x2b7: {  	[sflag:s0] =	ssyncadd.s32 @!p0 s1  }
0x2b8: {  	[bflag:$0x3] =	sbarrier.arrive $0xFFFF  }
0x2b9: {  	_ =	shalt  }

</sc_bundles>
